<compile_context>
chip_gen: v7x
topology: tpu7x:2x2x1
jax: 0.10.2.dev20260603
libtpu: 0.0.44.dev20260713+nightly
codegen_flags: <defaults>
</compile_context>

<pallas_src>
import functools

import jax
import jax.numpy as jnp
from jax import lax
from jax.experimental import pallas as pl
from jax.experimental.pallas import tpu as pltpu
from jax.experimental.pallas import tpu_sc as plsc

N = 10000
E = 320000
E_LG = 640000
E4 = E // 4
ELG4 = E_LG // 4
NF = 128
EMB = 32
LGD = 32
NC = 40
H = 48
NCORES = 2
NSUB = 16
NW = NCORES * NSUB
CH = 128
GRP = 512
NSTR = GRP // CH
G4 = GRP // 4


def _f32(*shape):
    return jax.ShapeDtypeStruct(shape, jnp.float32)



def _feat_body(x_ref, wf_ref, w1_ref, w2_ref, ne_ref, a_ref, b_ref):
    ne = jnp.maximum(
        jnp.dot(x_ref[...], wf_ref[...], preferred_element_type=jnp.float32), 0.0)
    ne_ref[...] = ne
    a_ref[...] = jnp.dot(ne, w1_ref[...], preferred_element_type=jnp.float32)
    b_ref[...] = jnp.dot(ne, w2_ref[...], preferred_element_type=jnp.float32)


def _node_features(x, wf_t, w1_t, w2_t):
    br = 1000
    grid = N // br
    return pl.pallas_call(
        _feat_body,
        grid=(grid,),
        in_specs=[
            pl.BlockSpec((br, NF), lambda i: (i, 0)),
            pl.BlockSpec((NF, EMB), lambda i: (0, 0)),
            pl.BlockSpec((EMB, EMB), lambda i: (0, 0)),
            pl.BlockSpec((EMB, EMB), lambda i: (0, 0)),
        ],
        out_specs=[
            pl.BlockSpec((br, EMB), lambda i: (i, 0)),
            pl.BlockSpec((br, EMB), lambda i: (i, 0)),
            pl.BlockSpec((br, EMB), lambda i: (i, 0)),
        ],
        out_shape=[_f32(N, EMB), _f32(N, EMB), _f32(N, EMB)],
    )(x, wf_t, w1_t, w2_t)


def _rowmm_body(x_ref, w_ref, o_ref):
    o_ref[...] = jnp.dot(x_ref[...], w_ref[...],
                         preferred_element_type=jnp.float32)


def _rowmm(x, w_t, br=4000):
    rows, k = x.shape
    grid = rows // br
    return pl.pallas_call(
        _rowmm_body,
        grid=(grid,),
        in_specs=[
            pl.BlockSpec((br, k), lambda i: (i, 0)),
            pl.BlockSpec((k, w_t.shape[1]), lambda i: (0, 0)),
        ],
        out_specs=pl.BlockSpec((br, w_t.shape[1]), lambda i: (i, 0)),
        out_shape=_f32(rows, w_t.shape[1]),
    )(x, w_t)


def _rowmm4_body(x0_ref, x1_ref, x2_ref, x3_ref, w_ref, o_ref):
    xc = jnp.concatenate(
        [x0_ref[...], x1_ref[...], x2_ref[...], x3_ref[...]], axis=1)
    o_ref[...] = jnp.dot(xc, w_ref[...], preferred_element_type=jnp.float32)


def _rowmm4(x, w_big, br=4000):
    rows, k0 = x.shape
    r4 = rows // 4
    grid = r4 // br
    nb = r4 // br

    def blk(k):
        return pl.BlockSpec((br, k0), lambda i, k=k: (k * nb + i, 0))

    return pl.pallas_call(
        _rowmm4_body,
        grid=(grid,),
        in_specs=[
            blk(0), blk(1), blk(2), blk(3),
            pl.BlockSpec((4 * k0, 128), lambda i: (0, 0)),
        ],
        out_specs=pl.BlockSpec((br, 128), lambda i: (i, 0)),
        out_shape=_f32(r4, 128),
    )(x, x, x, x, w_big)


def _final_body(ne_ref, s1a_ref, s1b_ref, ina_ref, inb_ref, wlg_ref, blg_ref,
                wihf_ref, whhf_ref, bf_ref, wihb_ref, whhb_ref, bb_ref,
                waf_ref, wab_ref, batt_ref, wout_ref, o_ref):
    ne = ne_ref[...]
    s1 = s1a_ref[...] + s1b_ref[...]
    inc = ina_ref[...] + inb_ref[...]
    wlg = wlg_ref[...]
    blg = blg_ref[...]
    e1 = jnp.dot(s1, wlg, preferred_element_type=jnp.float32) + blg
    e2 = jnp.dot(inc, wlg, preferred_element_type=jnp.float32) + blg
    xs = (ne, e1, e2)
    br = ne.shape[0]

    def lstm(wih, whh, b, order):
        h = jnp.zeros((br, H), dtype=jnp.float32)
        c = jnp.zeros((br, H), dtype=jnp.float32)
        outs = {}
        for t in order:
            g = (jnp.dot(xs[t], wih, preferred_element_type=jnp.float32)
                 + jnp.dot(h, whh, preferred_element_type=jnp.float32) + b)
            i = jax.nn.sigmoid(g[:, :H])
            f = jax.nn.sigmoid(g[:, H:2 * H])
            gg = jnp.tanh(g[:, 2 * H:3 * H])
            o = jax.nn.sigmoid(g[:, 3 * H:])
            c = f * c + i * gg
            h = o * jnp.tanh(c)
            outs[t] = h
        return outs

    hf = lstm(wihf_ref[...], whhf_ref[...], bf_ref[...], (0, 1, 2))
    hb = lstm(wihb_ref[...], whhb_ref[...], bb_ref[...], (2, 1, 0))
    waf = waf_ref[...]
    wab = wab_ref[...]
    batt = batt_ref[0, 0]
    scores = [
        jnp.sum(hf[t] * waf, axis=1, keepdims=True)
        + jnp.sum(hb[t] * wab, axis=1, keepdims=True) + batt
        for t in range(3)
    ]
    sc = jnp.concatenate(scores, axis=1)
    mx = jnp.max(sc, axis=1, keepdims=True)
    ex = jnp.exp(sc - mx)
    al = ex / jnp.sum(ex, axis=1, keepdims=True)
    final = al[:, 0:1] * ne + al[:, 1:2] * e1 + al[:, 2:3] * e2
    out = jnp.dot(final, wout_ref[...], preferred_element_type=jnp.float32)
    mo = jnp.max(out, axis=1, keepdims=True)
    lse = jnp.log(jnp.sum(jnp.exp(out - mo), axis=1, keepdims=True)) + mo
    o_ref[...] = out - lse


def _final(ne, s1a, s1b, ina, inb, wlg_t, blg, wihf_t, whhf_t, bf, wihb_t,
           whhb_t, bb, waf, wab, batt, wout_t):
    br = 1000
    grid = N // br
    row = lambda shape: pl.BlockSpec((br, shape), lambda i: (i, 0))
    full = lambda a: pl.BlockSpec(a.shape, lambda i: (0, 0))
    return pl.pallas_call(
        _final_body,
        grid=(grid,),
        in_specs=[
            row(EMB), row(EMB), row(EMB), row(EMB), row(EMB),
            full(wlg_t), full(blg),
            full(wihf_t), full(whhf_t), full(bf),
            full(wihb_t), full(whhb_t), full(bb),
            full(waf), full(wab), full(batt), full(wout_t),
        ],
        out_specs=pl.BlockSpec((br, NC), lambda i: (i, 0)),
        out_shape=_f32(N, NC),
    )(ne, s1a, s1b, ina, inb, wlg_t, blg, wihf_t, whhf_t, bf, wihb_t, whhb_t,
      bb, waf, wab, batt, wout_t)



_MESH = plsc.VectorSubcoreMesh(core_axis_name="c", subcore_axis_name="s")
_SC_PARAMS = pltpu.CompilerParams(use_tc_tiling_on_sc=False)
N_PAD = 10240
_ROWS_PER_SUB = N_PAD // NSUB


def _relu_add_rows(dst_ref, srcs, nrows):
    @pl.loop(0, nrows)
    def _(i):
        for hh in range(EMB // 16):
            sl = (i, pl.ds(hh * 16, 16))
            acc = dst_ref.at[*sl][...]
            for s in srcs:
                acc = acc + s.at[*sl][...]
            dst_ref.at[*sl][...] = jnp.maximum(acc, 0.0)


def _sc_pass1(a_tab, b_tab, c_pack, src2, dst2, zeros_n):
    n_groups = E // GRP
    iters = (n_groups + NW - 1) // NW
    pairs = (iters + 1) // 2

    @functools.partial(
        pl.kernel,
        mesh=_MESH,
        out_type=(_f32(E4, 128), _f32(2 * N_PAD, EMB)),
        scratch_types=[
            pltpu.VMEM((NSTR, CH), jnp.int32),
            pltpu.VMEM((NSTR, CH), jnp.int32),
            pltpu.VMEM((GRP, EMB), jnp.float32),
            pltpu.VMEM((GRP, EMB), jnp.float32),
            pltpu.VMEM((GRP, EMB), jnp.float32),
            pltpu.VMEM((NSTR, CH), jnp.int32),
            pltpu.VMEM((NSTR, CH), jnp.int32),
            pltpu.VMEM((GRP, EMB), jnp.float32),
            pltpu.VMEM((GRP, EMB), jnp.float32),
            pltpu.VMEM((GRP, EMB), jnp.float32),
            pltpu.VMEM_SHARED((N_PAD, EMB), jnp.float32),
            pltpu.SemaphoreType.DMA,
            pltpu.SemaphoreType.DMA,
        ],
        compiler_params=_SC_PARAMS,
    )
    def k(a_hbm, b_hbm, c_hbm, src_hbm, dst_hbm, z_hbm, msg_hbm, s1_hbm,
          src0, dst0, av0, bv0, cv0, src1, dst1, av1, bv1, cv1, acc,
          sem0, sem1):
        cid = lax.axis_index("c")
        sid = lax.axis_index("s")
        wid = sid * NCORES + cid
        pltpu.sync_copy(z_hbm.at[pl.ds(sid * _ROWS_PER_SUB, _ROWS_PER_SUB)],
                        acc.at[pl.ds(sid * _ROWS_PER_SUB, _ROWS_PER_SUB)])
        plsc.subcore_barrier()

        bufs = ((src0, dst0, av0, bv0, cv0, sem0),
                (src1, dst1, av1, bv1, cv1, sem1))

        def copies(gi, buf):
            srcv, dstv, av, bv, cv, sem = buf
            row0 = gi * NSTR
            out = [pltpu.make_async_copy(src_hbm.at[pl.ds(row0, NSTR)], srcv, sem),
                   pltpu.make_async_copy(dst_hbm.at[pl.ds(row0, NSTR)], dstv, sem)]
            for s in range(NSTR):
                out.append(pltpu.make_async_copy(
                    a_hbm.at[srcv.at[s]], av.at[pl.ds(s * CH, CH)], sem))
                out.append(pltpu.make_async_copy(
                    b_hbm.at[dstv.at[s]], bv.at[pl.ds(s * CH, CH)], sem))
                out.append(pltpu.make_async_copy(
                    c_hbm.at[pl.ds(gi * G4, G4), pl.ds(s * EMB, EMB)],
                    cv.at[pl.ds(s * CH, CH)], sem))
            return out

        def fire(gi, buf):
            cps = copies(gi, buf)
            cps[0].start()
            cps[1].start()
            cps[0].wait()
            cps[1].wait()
            for c in cps[2:]:
                c.start()

        def finish(gi, buf):
            srcv, dstv, av, bv, cv, sem = buf
            for c in copies(gi, buf)[2:]:
                c.wait()

            _relu_add_rows(cv, (av, bv), GRP)
            for s in range(NSTR):
                pltpu.sync_copy(cv.at[pl.ds(s * CH, CH)],
                                msg_hbm.at[pl.ds(gi * G4, G4),
                                           pl.ds(s * EMB, EMB)])
                pltpu.sync_copy(cv.at[pl.ds(s * CH, CH)],
                                acc.at[dstv.at[s]], add=True)

        @pl.when(wid < n_groups)
        def _():
            fire(wid, bufs[0])

        @pl.loop(0, pairs)
        def _(j):
            g0 = (2 * j) * NW + wid
            g1 = g0 + NW
            g2 = g1 + NW

            @pl.when(g1 < n_groups)
            def _():
                fire(g1, bufs[1])

            @pl.when(g0 < n_groups)
            def _():
                finish(g0, bufs[0])

            @pl.when(g2 < n_groups)
            def _():
                fire(g2, bufs[0])

            @pl.when(g1 < n_groups)
            def _():
                finish(g1, bufs[1])

        plsc.subcore_barrier()
        out_base = cid * N_PAD + sid * _ROWS_PER_SUB
        pltpu.sync_copy(acc.at[pl.ds(sid * _ROWS_PER_SUB, _ROWS_PER_SUB)],
                        s1_hbm.at[pl.ds(out_base, _ROWS_PER_SUB)])

    return k(a_tab, b_tab, c_pack, src2, dst2, zeros_n)


def _sc_pass2(p_tab, q_pack, lgs2, lgd2, dst, zeros_n):
    n_groups = E_LG // GRP
    iters = (n_groups + NW - 1) // NW
    pairs = (iters + 1) // 2

    @functools.partial(
        pl.kernel,
        mesh=_MESH,
        out_type=_f32(2 * N_PAD, EMB),
        scratch_types=[
            pltpu.VMEM((NSTR, CH), jnp.int32),
            pltpu.VMEM((NSTR, CH), jnp.int32),
            pltpu.VMEM((NSTR, CH), jnp.int32),
            pltpu.VMEM((GRP, EMB), jnp.float32),
            pltpu.VMEM((GRP, EMB), jnp.float32),
            pltpu.VMEM((NSTR, CH), jnp.int32),
            pltpu.VMEM((NSTR, CH), jnp.int32),
            pltpu.VMEM((NSTR, CH), jnp.int32),
            pltpu.VMEM((GRP, EMB), jnp.float32),
            pltpu.VMEM((GRP, EMB), jnp.float32),
            pltpu.VMEM_SHARED((N_PAD, EMB), jnp.float32),
            pltpu.SemaphoreType.DMA,
            pltpu.SemaphoreType.DMA,
        ],
        compiler_params=_SC_PARAMS,
    )
    def k(p_hbm, q_hbm, lgs_hbm, lgd_hbm, dst_hbm, z_hbm, inc_hbm,
          lgs0, lgd0, cd0, pv0, qv0, lgs1, lgd1, cd1, pv1, qv1, acc,
          sem0, sem1):
        cid = lax.axis_index("c")
        sid = lax.axis_index("s")
        wid = sid * NCORES + cid
        pltpu.sync_copy(z_hbm.at[pl.ds(sid * _ROWS_PER_SUB, _ROWS_PER_SUB)],
                        acc.at[pl.ds(sid * _ROWS_PER_SUB, _ROWS_PER_SUB)])
        plsc.subcore_barrier()

        bufs = ((lgs0, lgd0, cd0, pv0, qv0, sem0),
                (lgs1, lgd1, cd1, pv1, qv1, sem1))

        def copies(gi, buf):
            lgsv, lgdv, cdv, pv, qv, sem = buf
            row0 = gi * NSTR
            out = [pltpu.make_async_copy(lgs_hbm.at[pl.ds(row0, NSTR)], lgsv, sem),
                   pltpu.make_async_copy(lgd_hbm.at[pl.ds(row0, NSTR)], lgdv, sem)]
            for s in range(NSTR):
                out.append(pltpu.make_async_copy(
                    p_hbm.at[lgsv.at[s]], pv.at[pl.ds(s * CH, CH)], sem))
                out.append(pltpu.make_async_copy(
                    dst_hbm.at[lgdv.at[s]], cdv.at[s], sem))
                out.append(pltpu.make_async_copy(
                    q_hbm.at[pl.ds(gi * G4, G4), pl.ds(s * EMB, EMB)],
                    qv.at[pl.ds(s * CH, CH)], sem))
            return out

        def fire(gi, buf):
            cps = copies(gi, buf)
            cps[0].start()
            cps[1].start()
            cps[0].wait()
            cps[1].wait()
            for c in cps[2:]:
                c.start()

        def finish(gi, buf):
            lgsv, lgdv, cdv, pv, qv, sem = buf
            for c in copies(gi, buf)[2:]:
                c.wait()

            _relu_add_rows(qv, (pv,), GRP)
            for s in range(NSTR):
                pltpu.sync_copy(qv.at[pl.ds(s * CH, CH)],
                                acc.at[cdv.at[s]], add=True)

        @pl.when(wid < n_groups)
        def _():
            fire(wid, bufs[0])

        @pl.loop(0, pairs)
        def _(j):
            g0 = (2 * j) * NW + wid
            g1 = g0 + NW
            g2 = g1 + NW

            @pl.when(g1 < n_groups)
            def _():
                fire(g1, bufs[1])

            @pl.when(g0 < n_groups)
            def _():
                finish(g0, bufs[0])

            @pl.when(g2 < n_groups)
            def _():
                fire(g2, bufs[0])

            @pl.when(g1 < n_groups)
            def _():
                finish(g1, bufs[1])

        plsc.subcore_barrier()
        out_base = cid * N_PAD + sid * _ROWS_PER_SUB
        pltpu.sync_copy(acc.at[pl.ds(sid * _ROWS_PER_SUB, _ROWS_PER_SUB)],
                        inc_hbm.at[pl.ds(out_base, _ROWS_PER_SUB)])

    return k(p_tab, q_pack, lgs2, lgd2, dst, zeros_n)



def _stream_order(idx, quarter, ch):
    return idx.reshape(4, quarter // ch, ch).transpose(1, 0, 2).reshape(-1, ch)


def kernel(x, edge_index, edge_attr, lg_edge_index, lg_edge_attr, W_feat,
           W_msg, W_lg2g, b_lg2g, W_ml, Wih_f, Whh_f, bih_f, bhh_f, Wih_b,
           Whh_b, bih_b, bhh_b, W_att, b_att, W_out):
    src2 = _stream_order(edge_index[0], E4, CH)
    dst2 = _stream_order(edge_index[1], E4, CH)
    dst = edge_index[1]
    lgs = lg_edge_index[0]
    lgs_t = 4 * (lgs % E4) + lgs // E4
    lgs2 = _stream_order(lgs_t, ELG4, CH)
    lgd2 = _stream_order(lg_edge_index[1], ELG4, CH)
    zeros_n = jnp.zeros((N_PAD, EMB), dtype=jnp.float32)

    eye4 = jnp.eye(4, dtype=jnp.float32)
    wf_t = W_feat.T
    w1_t = W_msg[:, :EMB].T
    w2_t = W_msg[:, EMB:2 * EMB].T
    w3_big = jnp.kron(eye4, W_msg[:, 2 * EMB:].T)
    wm_big = jnp.kron(eye4, W_ml[:, :LGD].T)
    wa_big = jnp.kron(eye4, W_ml[:, LGD:].T)

    ne, a_tab, b_tab = _node_features(x, wf_t, w1_t, w2_t)
    c_pack = _rowmm4(edge_attr, w3_big)
    q_pack = _rowmm4(lg_edge_attr, wa_big)

    msg_pack, s1p = _sc_pass1(a_tab, b_tab, c_pack, src2, dst2, zeros_n)
    p_pack = _rowmm(msg_pack, wm_big)
    incp = _sc_pass2(p_pack.reshape(E, EMB), q_pack, lgs2, lgd2, dst, zeros_n)

    out = _final(
        ne, s1p[:N], s1p[N_PAD:N_PAD + N], incp[:N], incp[N_PAD:N_PAD + N],
        W_lg2g.T, b_lg2g.reshape(1, EMB),
        Wih_f.T, Whh_f.T, (bih_f + bhh_f).reshape(1, 4 * H),
        Wih_b.T, Whh_b.T, (bih_b + bhh_b).reshape(1, 4 * H),
        W_att[:, :H], W_att[:, H:], b_att.reshape(1, 1), W_out.T)
    return out

# --- scband reference (transcript-rebuilt; emitter-appended) ---
"""Pipeline reference for scband-icgnn-42262478192808 (READ-ONLY COPY).

The authoritative reference and input builder live on the scoring server;
editing this copy changes nothing except your own understanding.
"""

import jax, jax.numpy as jnp
import numpy as np

N = 10000
E = 320000
E_LG = 640000
NF = 128
EMB = 32
LGD = 32
NDB = 16
NCB = 16
NC = 40
NUM_LAYERS = 3  # num_msg_layers + 2
H = (NUM_LAYERS * EMB) // 2  # JK lstm hidden size = 48


def _lstm_seq(xs, Wih, Whh, bih, bhh):
    n = xs[0].shape[0]
    h = jnp.zeros((n, Whh.shape[1]), dtype=xs[0].dtype)
    c = jnp.zeros((n, Whh.shape[1]), dtype=xs[0].dtype)
    outs = []
    for x_t in xs:
        gates = x_t @ Wih.T + h @ Whh.T + bih + bhh
        i, f, g, o = jnp.split(gates, 4, axis=-1)
        i = jax.nn.sigmoid(i)
        f = jax.nn.sigmoid(f)
        g = jnp.tanh(g)
        o = jax.nn.sigmoid(o)
        c = f * c + i * g
        h = o * jnp.tanh(c)
        outs.append(h)
    return outs


def setup_inputs(seed: int = 0):
    key = jax.random.key(seed)
    ks = jax.random.split(key, 16)
    return {
        "x": jax.random.normal(ks[0], (N, NF), dtype=jnp.float32),
        "edge_index": jax.random.randint(ks[1], (2, E), 0, N, dtype=jnp.int32),
        "edge_attr": jax.random.normal(ks[2], (E, NDB), dtype=jnp.float32) * 0.5,
        "lg_edge_index": jax.random.randint(ks[3], (2, E_LG), 0, E, dtype=jnp.int32),
        "lg_edge_attr": jax.random.normal(ks[4], (E_LG, NCB), dtype=jnp.float32) * 0.5,
        "W_feat": jax.random.normal(ks[5], (EMB, NF), dtype=jnp.float32) * 0.05,
        "W_msg": jax.random.normal(ks[6], (LGD, 2 * EMB + NDB), dtype=jnp.float32) * 0.05,
        "W_lg2g": jax.random.normal(ks[7], (EMB, LGD), dtype=jnp.float32) * 0.05,
        "b_lg2g": jnp.zeros((EMB,), dtype=jnp.float32),
        "W_ml": jax.random.normal(ks[8], (LGD, LGD + NCB), dtype=jnp.float32) * 0.05,
        "Wih_f": jax.random.normal(ks[9], (4 * H, EMB), dtype=jnp.float32) * 0.05,
        "Whh_f": jax.random.normal(ks[10], (4 * H, H), dtype=jnp.float32) * 0.05,
        "bih_f": jnp.zeros((4 * H,), dtype=jnp.float32),
        "bhh_f": jnp.zeros((4 * H,), dtype=jnp.float32),
        "Wih_b": jax.random.normal(ks[11], (4 * H, EMB), dtype=jnp.float32) * 0.05,
        "Whh_b": jax.random.normal(ks[12], (4 * H, H), dtype=jnp.float32) * 0.05,
        "bih_b": jnp.zeros((4 * H,), dtype=jnp.float32),
        "bhh_b": jnp.zeros((4 * H,), dtype=jnp.float32),
        "W_att": jax.random.normal(ks[13], (1, 2 * H), dtype=jnp.float32) * 0.05,
        "b_att": jnp.zeros((1,), dtype=jnp.float32),
        "W_out": jax.random.normal(ks[14], (NC, EMB), dtype=jnp.float32) * 0.05,
    }


def reference(x, edge_index, edge_attr, lg_edge_index, lg_edge_attr, W_feat, W_msg,
              W_lg2g, b_lg2g, W_ml, Wih_f, Whh_f, bih_f, bhh_f, Wih_b, Whh_b,
              bih_b, bhh_b, W_att, b_att, W_out):
    relu = jax.nn.relu
    node_emb = relu(x @ W_feat.T)  # dropout is identity at eval
    src = edge_index[0]
    dst = edge_index[1]
    msg_cat = jnp.concatenate([node_emb[src], node_emb[dst], edge_attr], axis=-1)
    msg_emb = relu(msg_cat @ W_msg.T)
    msg_reduced = msg_emb @ W_lg2g.T + b_lg2g
    node_embs = [node_emb, jax.ops.segment_sum(msg_reduced, dst, num_segments=N)]
    # single MessageLayer on the linegraph (aggr=add, no degree norm, no bias)
    lg_src = lg_edge_index[0]
    lg_dst = lg_edge_index[1]
    m = relu(jnp.concatenate([msg_emb[lg_src], lg_edge_attr], axis=-1) @ W_ml.T)
    msg_emb2 = jax.ops.segment_sum(m, lg_dst, num_segments=E)
    incoming = jax.ops.segment_sum(msg_emb2, dst, num_segments=N)
    node_embs.append(incoming @ W_lg2g.T + b_lg2g)
    # JumpingKnowledge('lstm'): BiLSTM over the layer axis + attention
    hs_f = _lstm_seq(node_embs, Wih_f, Whh_f, bih_f, bhh_f)
    hs_b = _lstm_seq(node_embs[::-1], Wih_b, Whh_b, bih_b, bhh_b)[::-1]
    scores = [jnp.concatenate([hf, hb], axis=-1) @ W_att.T + b_att
              for hf, hb in zip(hs_f, hs_b)]
    alpha = jax.nn.softmax(jnp.concatenate(scores, axis=-1), axis=-1)  # [N, 3]
    final = sum(alpha[:, t:t + 1] * node_embs[t] for t in range(NUM_LAYERS))
    out = final @ W_out.T
    return jax.nn.log_softmax(out, axis=-1)

if __name__ == "__main__":
    import jax
    _d = setup_inputs()
    print(jax.jit(kernel)(*tuple(_d.values())))

</pallas_src>

<mosaic_0001>
#map = affine_map<(d0, d1) -> (0, 0)>
#map1 = affine_map<(d0, d1) -> (0)>
module attributes {stable_mosaic.version = 14 : i64} {
  func.func @k(%arg0: i32, %arg1: i32, %arg2: memref<320000x32xf32, #tpu.memory_space<hbm>>, %arg3: memref<160000x128xf32, #tpu.memory_space<hbm>>, %arg4: memref<5000x128xi32, #tpu.memory_space<hbm>>, %arg5: memref<5000x128xi32, #tpu.memory_space<hbm>>, %arg6: memref<320000xi32, #tpu.memory_space<hbm>>, %arg7: memref<10240x32xf32, #tpu.memory_space<hbm>>, %arg8: memref<20480x32xf32, #tpu.memory_space<hbm>>, %arg9: memref<4x128xi32, #tpu.memory_space<vmem>>, %arg10: memref<4x128xi32, #tpu.memory_space<vmem>>, %arg11: memref<4x128xi32, #tpu.memory_space<vmem>>, %arg12: memref<512x32xf32, #tpu.memory_space<vmem>>, %arg13: memref<512x32xf32, #tpu.memory_space<vmem>>, %arg14: memref<4x128xi32, #tpu.memory_space<vmem>>, %arg15: memref<4x128xi32, #tpu.memory_space<vmem>>, %arg16: memref<4x128xi32, #tpu.memory_space<vmem>>, %arg17: memref<512x32xf32, #tpu.memory_space<vmem>>, %arg18: memref<512x32xf32, #tpu.memory_space<vmem>>, %arg19: memref<10240x32xf32, #tpu.memory_space<vmem_shared>>, %arg20: memref<!tpu.dma_semaphore, #tpu.memory_space<semaphore_mem>>, %arg21: memref<!tpu.dma_semaphore, #tpu.memory_space<semaphore_mem>>) attributes {dimension_semantics = [#tpu.dimension_semantics<core_parallel>, #tpu.dimension_semantics<subcore_parallel>], iteration_bounds = array<i64: 2, 16>, scalar_prefetch = 0 : i64, scratch_operands = 13 : i64, tpu.core_type = #tpu.core_type<sc_vector_subcore>, window_params = [{transform_indices = #map}, {transform_indices = #map}, {transform_indices = #map}, {transform_indices = #map}, {transform_indices = #map1}, {transform_indices = #map}, {transform_indices = #map}]} {
    %mul3A = arith.constant 2 : i32
    %mul3A_0 = arith.muli %arg1, %mul3A : i32
    %add3A = arith.addi %mul3A_0, %arg0 : i32
    %mul3A_1 = arith.constant 640 : i32
    %mul3A_2 = arith.muli %arg1, %mul3A_1 : i32
    %mul3A_3 = arith.constant 640 : i32
    %mul3A_4 = arith.muli %arg1, %mul3A_3 : i32
    "tpu.region"() ({
      %run_scoped3A = tpu.sem_alloc : memref<!tpu.dma_semaphore, #tpu.memory_space<semaphore_mem>>
      %dma_start3A = arith.constant 0 : i32
      %dma_start3A_19 = tpu.memref_slice %arg19[%mul3A_4, %dma_start3A] : memref<10240x32xf32, #tpu.memory_space<vmem_shared>> -> memref<640x32xf32, #tpu.memory_space<vmem_shared>>
      %dma_start3A_20 = arith.constant 0 : i32
      %dma_start3A_21 = tpu.memref_slice %arg7[%mul3A_2, %dma_start3A_20] : memref<10240x32xf32, #tpu.memory_space<hbm>> -> memref<640x32xf32, #tpu.memory_space<hbm>>
      tpu.enqueue_dma source(%dma_start3A_21 : memref<640x32xf32, #tpu.memory_space<hbm>>) target(%dma_start3A_19 : memref<640x32xf32, #tpu.memory_space<vmem_shared>>) target_semaphore(%run_scoped3A : memref<!tpu.dma_semaphore, #tpu.memory_space<semaphore_mem>>)
      %dma_wait3A = arith.constant 0 : i32
      %dma_wait3A_22 = tpu.memref_slice %arg19[%mul3A_4, %dma_wait3A] : memref<10240x32xf32, #tpu.memory_space<vmem_shared>> -> memref<640x32xf32, #tpu.memory_space<vmem_shared>>
      %dma_wait3A_23 = arith.constant 0 : i32
      %dma_wait3A_24 = tpu.memref_slice %arg7[%mul3A_2, %dma_wait3A_23] : memref<10240x32xf32, #tpu.memory_space<hbm>> -> memref<640x32xf32, #tpu.memory_space<hbm>>
      tpu.wait_dma2 semaphore(%run_scoped3A : memref<!tpu.dma_semaphore, #tpu.memory_space<semaphore_mem>>) src(%dma_wait3A_24 : memref<640x32xf32, #tpu.memory_space<hbm>>) dst(%dma_wait3A_22 : memref<640x32xf32, #tpu.memory_space<vmem_shared>>)
      tpu.yield
    }) : () -> ()
    %barrier3A = arith.constant 0 : index
    tpu.barrier barrier_id(%barrier3A)
    %lt3A = arith.constant 1250 : i32
    %lt3A_5 = arith.cmpi slt, %add3A, %lt3A : i32
    %convert_element_type3A = arith.extui %lt3A_5 : i1 to i32
    %cond3A = arith.constant 0 : i32
    %cond3A_6 = arith.cmpi ne, %convert_element_type3A, %cond3A : i32
    scf.if %cond3A_6 {
      %mul3A_19 = arith.constant 4 : i32
      %mul3A_20 = arith.muli %add3A, %mul3A_19 : i32
      %mul3A_21 = arith.constant 128 : i32
      %mul3A_22 = arith.muli %add3A, %mul3A_21 : i32
      %mul3A_23 = arith.constant 128 : i32
      %mul3A_24 = arith.muli %add3A, %mul3A_23 : i32
      %mul3A_25 = arith.constant 128 : i32
      %mul3A_26 = arith.muli %add3A, %mul3A_25 : i32
      %mul3A_27 = arith.constant 128 : i32
      %mul3A_28 = arith.muli %add3A, %mul3A_27 : i32
      %dma_start3A = arith.constant 0 : i32
      %dma_start3A_29 = tpu.memref_slice %arg4[%mul3A_20, %dma_start3A] : memref<5000x128xi32, #tpu.memory_space<hbm>> -> memref<4x128xi32, #tpu.memory_space<hbm>>
      %dma_start3A_30 = arith.constant 0 : i32
      %dma_start3A_31 = tpu.memref_slice %arg4[%mul3A_20, %dma_start3A_30] : memref<5000x128xi32, #tpu.memory_space<hbm>> -> memref<4x128xi32, #tpu.memory_space<hbm>>
      tpu.enqueue_dma source(%dma_start3A_31 : memref<4x128xi32, #tpu.memory_space<hbm>>) target(%arg9 : memref<4x128xi32, #tpu.memory_space<vmem>>) target_semaphore(%arg20 : memref<!tpu.dma_semaphore, #tpu.memory_space<semaphore_mem>>)
      %dma_start3A_32 = arith.constant 0 : i32
      %dma_start3A_33 = tpu.memref_slice %arg5[%mul3A_20, %dma_start3A_32] : memref<5000x128xi32, #tpu.memory_space<hbm>> -> memref<4x128xi32, #tpu.memory_space<hbm>>
      %dma_start3A_34 = arith.constant 0 : i32
      %dma_start3A_35 = tpu.memref_slice %arg5[%mul3A_20, %dma_start3A_34] : memref<5000x128xi32, #tpu.memory_space<hbm>> -> memref<4x128xi32, #tpu.memory_space<hbm>>
      tpu.enqueue_dma source(%dma_start3A_35 : memref<4x128xi32, #tpu.memory_space<hbm>>) target(%arg10 : memref<4x128xi32, #tpu.memory_space<vmem>>) target_semaphore(%arg20 : memref<!tpu.dma_semaphore, #tpu.memory_space<semaphore_mem>>)
      %dma_wait3A = arith.constant 0 : i32
      %dma_wait3A_36 = tpu.memref_slice %arg4[%mul3A_20, %dma_wait3A] : memref<5000x128xi32, #tpu.memory_space<hbm>> -> memref<4x128xi32, #tpu.memory_space<hbm>>
      %dma_wait3A_37 = arith.constant 0 : i32
      %dma_wait3A_38 = tpu.memref_slice %arg4[%mul3A_20, %dma_wait3A_37] : memref<5000x128xi32, #tpu.memory_space<hbm>> -> memref<4x128xi32, #tpu.memory_space<hbm>>
      tpu.wait_dma2 semaphore(%arg20 : memref<!tpu.dma_semaphore, #tpu.memory_space<semaphore_mem>>) src(%dma_wait3A_38 : memref<4x128xi32, #tpu.memory_space<hbm>>) dst(%arg9 : memref<4x128xi32, #tpu.memory_space<vmem>>)
      %dma_wait3A_39 = arith.constant 0 : i32
      %dma_wait3A_40 = tpu.memref_slice %arg5[%mul3A_20, %dma_wait3A_39] : memref<5000x128xi32, #tpu.memory_space<hbm>> -> memref<4x128xi32, #tpu.memory_space<hbm>>
      %dma_wait3A_41 = arith.constant 0 : i32
      %dma_wait3A_42 = tpu.memref_slice %arg5[%mul3A_20, %dma_wait3A_41] : memref<5000x128xi32, #tpu.memory_space<hbm>> -> memref<4x128xi32, #tpu.memory_space<hbm>>
      tpu.wait_dma2 semaphore(%arg20 : memref<!tpu.dma_semaphore, #tpu.memory_space<semaphore_mem>>) src(%dma_wait3A_42 : memref<4x128xi32, #tpu.memory_space<hbm>>) dst(%arg10 : memref<4x128xi32, #tpu.memory_space<vmem>>)
      %dma_start3A_43 = arith.constant 0 : i32
      %dma_start3A_44 = arith.constant 0 : i32
      %dma_start3A_45 = arith.constant 0 : i32
      %dma_start3A_46 = tpu.memref_slice %arg12[%dma_start3A_44, %dma_start3A_45] : memref<512x32xf32, #tpu.memory_space<vmem>> -> memref<128x32xf32, #tpu.memory_space<vmem>>
      %dma_start3A_47 = arith.constant 0 : i32
      %dma_start3A_48 = tpu.memref_slice %arg9[%dma_start3A_43, %dma_start3A_47] : memref<4x128xi32, #tpu.memory_space<vmem>> -> memref<1x128xi32, #tpu.memory_space<vmem>>
      %dma_start3A_49 = tpu.memref_squeeze %dma_start3A_48 : memref<1x128xi32, #tpu.memory_space<vmem>> -> memref<128xi32, #tpu.memory_space<vmem>>
      %dma_start3A_50 = arith.constant 0 : i32
      %dma_start3A_51 = arith.constant 0 : i32
      %dma_start3A_52 = tpu.memref_slice %arg2[%dma_start3A_50, %dma_start3A_51] : memref<320000x32xf32, #tpu.memory_space<hbm>> -> memref<320000x32xf32, #tpu.memory_space<hbm>>
      tpu.enqueue_indirect_dma source(%dma_start3A_52 : memref<320000x32xf32, #tpu.memory_space<hbm>>) target(%dma_start3A_46 : memref<128x32xf32, #tpu.memory_space<vmem>>) offsets(%dma_start3A_49 : memref<128xi32, #tpu.memory_space<vmem>>) semaphore(%arg20 : memref<!tpu.dma_semaphore, #tpu.memory_space<semaphore_mem>>)
      %dma_start3A_53 = arith.constant 0 : i32
      %dma_start3A_54 = arith.constant 0 : i32
      %dma_start3A_55 = arith.constant 0 : i32
      %dma_start3A_56 = tpu.memref_slice %arg11[%dma_start3A_54, %dma_start3A_55] : memref<4x128xi32, #tpu.memory_space<vmem>> -> memref<1x128xi32, #tpu.memory_space<vmem>>
      %dma_start3A_57 = tpu.memref_squeeze %dma_start3A_56 : memref<1x128xi32, #tpu.memory_space<vmem>> -> memref<128xi32, #tpu.memory_space<vmem>>
      %dma_start3A_58 = arith.constant 0 : i32
      %dma_start3A_59 = tpu.memref_slice %arg10[%dma_start3A_53, %dma_start3A_58] : memref<4x128xi32, #tpu.memory_space<vmem>> -> memref<1x128xi32, #tpu.memory_space<vmem>>
      %dma_start3A_60 = tpu.memref_squeeze %dma_start3A_59 : memref<1x128xi32, #tpu.memory_space<vmem>> -> memref<128xi32, #tpu.memory_space<vmem>>
      %dma_start3A_61 = arith.constant 0 : i32
      %dma_start3A_62 = tpu.memref_slice %arg6[%dma_start3A_61] : memref<320000xi32, #tpu.memory_space<hbm>> -> memref<320000xi32, #tpu.memory_space<hbm>>
      tpu.enqueue_indirect_dma source(%dma_start3A_62 : memref<320000xi32, #tpu.memory_space<hbm>>) target(%dma_start3A_57 : memref<128xi32, #tpu.memory_space<vmem>>) offsets(%dma_start3A_60 : memref<128xi32, #tpu.memory_space<vmem>>) semaphore(%arg20 : memref<!tpu.dma_semaphore, #tpu.memory_space<semaphore_mem>>)
      %dma_start3A_63 = arith.constant 0 : i32
      %dma_start3A_64 = arith.constant 0 : i32
      %dma_start3A_65 = tpu.memref_slice %arg13[%dma_start3A_63, %dma_start3A_64] : memref<512x32xf32, #tpu.memory_space<vmem>> -> memref<128x32xf32, #tpu.memory_space<vmem>>
      %dma_start3A_66 = arith.constant 0 : i32
      %dma_start3A_67 = tpu.memref_slice %arg3[%mul3A_22, %dma_start3A_66] : memref<160000x128xf32, #tpu.memory_space<hbm>> -> memref<128x32xf32, #tpu.memory_space<hbm>>
      %dma_start3A_68 = arith.constant 0 : i32
      %dma_start3A_69 = arith.constant 0 : i32
      %dma_start3A_70 = tpu.memref_slice %arg13[%dma_start3A_68, %dma_start3A_69] : memref<512x32xf32, #tpu.memory_space<vmem>> -> memref<128x32xf32, #tpu.memory_space<vmem>>
      %dma_start3A_71 = arith.constant 0 : i32
      %dma_start3A_72 = tpu.memref_slice %arg3[%mul3A_22, %dma_start3A_71] : memref<160000x128xf32, #tpu.memory_space<hbm>> -> memref<128x32xf32, #tpu.memory_space<hbm>>
      tpu.enqueue_dma source(%dma_start3A_72 : memref<128x32xf32, #tpu.memory_space<hbm>>) target(%dma_start3A_70 : memref<128x32xf32, #tpu.memory_space<vmem>>) target_semaphore(%arg20 : memref<!tpu.dma_semaphore, #tpu.memory_space<semaphore_mem>>)
      %dma_start3A_73 = arith.constant 1 : i32
      %dma_start3A_74 = arith.constant 128 : i32
      %dma_start3A_75 = arith.constant 0 : i32
      %dma_start3A_76 = tpu.memref_slice %arg12[%dma_start3A_74, %dma_start3A_75] : memref<512x32xf32, #tpu.memory_space<vmem>> -> memref<128x32xf32, #tpu.memory_space<vmem>>
      %dma_start3A_77 = arith.constant 0 : i32
      %dma_start3A_78 = tpu.memref_slice %arg9[%dma_start3A_73, %dma_start3A_77] : memref<4x128xi32, #tpu.memory_space<vmem>> -> memref<1x128xi32, #tpu.memory_space<vmem>>
      %dma_start3A_79 = tpu.memref_squeeze %dma_start3A_78 : memref<1x128xi32, #tpu.memory_space<vmem>> -> memref<128xi32, #tpu.memory_space<vmem>>
      %dma_start3A_80 = arith.constant 0 : i32
      %dma_start3A_81 = arith.constant 0 : i32
      %dma_start3A_82 = tpu.memref_slice %arg2[%dma_start3A_80, %dma_start3A_81] : memref<320000x32xf32, #tpu.memory_space<hbm>> -> memref<320000x32xf32, #tpu.memory_space<hbm>>
      tpu.enqueue_indirect_dma source(%dma_start3A_82 : memref<320000x32xf32, #tpu.memory_space<hbm>>) target(%dma_start3A_76 : memref<128x32xf32, #tpu.memory_space<vmem>>) offsets(%dma_start3A_79 : memref<128xi32, #tpu.memory_space<vmem>>) semaphore(%arg20 : memref<!tpu.dma_semaphore, #tpu.memory_space<semaphore_mem>>)
      %dma_start3A_83 = arith.constant 1 : i32
      %dma_start3A_84 = arith.constant 1 : i32
      %dma_start3A_85 = arith.constant 0 : i32
      %dma_start3A_86 = tpu.memref_slice %arg11[%dma_start3A_84, %dma_start3A_85] : memref<4x128xi32, #tpu.memory_space<vmem>> -> memref<1x128xi32, #tpu.memory_space<vmem>>
      %dma_start3A_87 = tpu.memref_squeeze %dma_start3A_86 : memref<1x128xi32, #tpu.memory_space<vmem>> -> memref<128xi32, #tpu.memory_space<vmem>>
      %dma_start3A_88 = arith.constant 0 : i32
      %dma_start3A_89 = tpu.memref_slice %arg10[%dma_start3A_83, %dma_start3A_88] : memref<4x128xi32, #tpu.memory_space<vmem>> -> memref<1x128xi32, #tpu.memory_space<vmem>>
      %dma_start3A_90 = tpu.memref_squeeze %dma_start3A_89 : memref<1x128xi32, #tpu.memory_space<vmem>> -> memref<128xi32, #tpu.memory_space<vmem>>
      %dma_start3A_91 = arith.constant 0 : i32
      %dma_start3A_92 = tpu.memref_slice %arg6[%dma_start3A_91] : memref<320000xi32, #tpu.memory_space<hbm>> -> memref<320000xi32, #tpu.memory_space<hbm>>
      tpu.enqueue_indirect_dma source(%dma_start3A_92 : memref<320000xi32, #tpu.memory_space<hbm>>) target(%dma_start3A_87 : memref<128xi32, #tpu.memory_space<vmem>>) offsets(%dma_start3A_90 : memref<128xi32, #tpu.memory_space<vmem>>) semaphore(%arg20 : memref<!tpu.dma_semaphore, #tpu.memory_space<semaphore_mem>>)
      %dma_start3A_93 = arith.constant 128 : i32
      %dma_start3A_94 = arith.constant 0 : i32
      %dma_start3A_95 = tpu.memref_slice %arg13[%dma_start3A_93, %dma_start3A_94] : memref<512x32xf32, #tpu.memory_space<vmem>> -> memref<128x32xf32, #tpu.memory_space<vmem>>
      %dma_start3A_96 = arith.constant 32 : i32
      %dma_start3A_97 = tpu.memref_slice %arg3[%mul3A_24, %dma_start3A_96] : memref<160000x128xf32, #tpu.memory_space<hbm>> -> memref<128x32xf32, #tpu.memory_space<hbm>>
      %dma_start3A_98 = arith.constant 128 : i32
      %dma_start3A_99 = arith.constant 0 : i32
      %dma_start3A_100 = tpu.memref_slice %arg13[%dma_start3A_98, %dma_start3A_99] : memref<512x32xf32, #tpu.memory_space<vmem>> -> memref<128x32xf32, #tpu.memory_space<vmem>>
      %dma_start3A_101 = arith.constant 32 : i32
      %dma_start3A_102 = tpu.memref_slice %arg3[%mul3A_24, %dma_start3A_101] : memref<160000x128xf32, #tpu.memory_space<hbm>> -> memref<128x32xf32, #tpu.memory_space<hbm>>
      tpu.enqueue_dma source(%dma_start3A_102 : memref<128x32xf32, #tpu.memory_space<hbm>>) target(%dma_start3A_100 : memref<128x32xf32, #tpu.memory_space<vmem>>) target_semaphore(%arg20 : memref<!tpu.dma_semaphore, #tpu.memory_space<semaphore_mem>>)
      %dma_start3A_103 = arith.constant 2 : i32
      %dma_start3A_104 = arith.constant 256 : i32
      %dma_start3A_105 = arith.constant 0 : i32
      %dma_start3A_106 = tpu.memref_slice %arg12[%dma_start3A_104, %dma_start3A_105] : memref<512x32xf32, #tpu.memory_space<vmem>> -> memref<128x32xf32, #tpu.memory_space<vmem>>
      %dma_start3A_107 = arith.constant 0 : i32
      %dma_start3A_108 = tpu.memref_slice %arg9[%dma_start3A_103, %dma_start3A_107] : memref<4x128xi32, #tpu.memory_space<vmem>> -> memref<1x128xi32, #tpu.memory_space<vmem>>
      %dma_start3A_109 = tpu.memref_squeeze %dma_start3A_108 : memref<1x128xi32, #tpu.memory_space<vmem>> -> memref<128xi32, #tpu.memory_space<vmem>>
      %dma_start3A_110 = arith.constant 0 : i32
      %dma_start3A_111 = arith.constant 0 : i32
      %dma_start3A_112 = tpu.memref_slice %arg2[%dma_start3A_110, %dma_start3A_111] : memref<320000x32xf32, #tpu.memory_space<hbm>> -> memref<320000x32xf32, #tpu.memory_space<hbm>>
      tpu.enqueue_indirect_dma source(%dma_start3A_112 : memref<320000x32xf32, #tpu.memory_space<hbm>>) target(%dma_start3A_106 : memref<128x32xf32, #tpu.memory_space<vmem>>) offsets(%dma_start3A_109 : memref<128xi32, #tpu.memory_space<vmem>>) semaphore(%arg20 : memref<!tpu.dma_semaphore, #tpu.memory_space<semaphore_mem>>)
      %dma_start3A_113 = arith.constant 2 : i32
      %dma_start3A_114 = arith.constant 2 : i32
      %dma_start3A_115 = arith.constant 0 : i32
      %dma_start3A_116 = tpu.memref_slice %arg11[%dma_start3A_114, %dma_start3A_115] : memref<4x128xi32, #tpu.memory_space<vmem>> -> memref<1x128xi32, #tpu.memory_space<vmem>>
      %dma_start3A_117 = tpu.memref_squeeze %dma_start3A_116 : memref<1x128xi32, #tpu.memory_space<vmem>> -> memref<128xi32, #tpu.memory_space<vmem>>
      %dma_start3A_118 = arith.constant 0 : i32
      %dma_start3A_119 = tpu.memref_slice %arg10[%dma_start3A_113, %dma_start3A_118] : memref<4x128xi32, #tpu.memory_space<vmem>> -> memref<1x128xi32, #tpu.memory_space<vmem>>
      %dma_start3A_120 = tpu.memref_squeeze %dma_start3A_119 : memref<1x128xi32, #tpu.memory_space<vmem>> -> memref<128xi32, #tpu.memory_space<vmem>>
      %dma_start3A_121 = arith.constant 0 : i32
      %dma_start3A_122 = tpu.memref_slice %arg6[%dma_start3A_121] : memref<320000xi32, #tpu.memory_space<hbm>> -> memref<320000xi32, #tpu.memory_space<hbm>>
      tpu.enqueue_indirect_dma source(%dma_start3A_122 : memref<320000xi32, #tpu.memory_space<hbm>>) target(%dma_start3A_117 : memref<128xi32, #tpu.memory_space<vmem>>) offsets(%dma_start3A_120 : memref<128xi32, #tpu.memory_space<vmem>>) semaphore(%arg20 : memref<!tpu.dma_semaphore, #tpu.memory_space<semaphore_mem>>)
      %dma_start3A_123 = arith.constant 256 : i32
      %dma_start3A_124 = arith.constant 0 : i32
      %dma_start3A_125 = tpu.memref_slice %arg13[%dma_start3A_123, %dma_start3A_124] : memref<512x32xf32, #tpu.memory_space<vmem>> -> memref<128x32xf32, #tpu.memory_space<vmem>>
      %dma_start3A_126 = arith.constant 64 : i32
      %dma_start3A_127 = tpu.memref_slice %arg3[%mul3A_26, %dma_start3A_126] : memref<160000x128xf32, #tpu.memory_space<hbm>> -> memref<128x32xf32, #tpu.memory_space<hbm>>
      %dma_start3A_128 = arith.constant 256 : i32
      %dma_start3A_129 = arith.constant 0 : i32
      %dma_start3A_130 = tpu.memref_slice %arg13[%dma_start3A_128, %dma_start3A_129] : memref<512x32xf32, #tpu.memory_space<vmem>> -> memref<128x32xf32, #tpu.memory_space<vmem>>
      %dma_start3A_131 = arith.constant 64 : i32
      %dma_start3A_132 = tpu.memref_slice %arg3[%mul3A_26, %dma_start3A_131] : memref<160000x128xf32, #tpu.memory_space<hbm>> -> memref<128x32xf32, #tpu.memory_space<hbm>>
      tpu.enqueue_dma source(%dma_start3A_132 : memref<128x32xf32, #tpu.memory_space<hbm>>) target(%dma_start3A_130 : memref<128x32xf32, #tpu.memory_space<vmem>>) target_semaphore(%arg20 : memref<!tpu.dma_semaphore, #tpu.memory_space<semaphore_mem>>)
      %dma_start3A_133 = arith.constant 3 : i32
      %dma_start3A_134 = arith.constant 384 : i32
      %dma_start3A_135 = arith.constant 0 : i32
      %dma_start3A_136 = tpu.memref_slice %arg12[%dma_start3A_134, %dma_start3A_135] : memref<512x32xf32, #tpu.memory_space<vmem>> -> memref<128x32xf32, #tpu.memory_space<vmem>>
      %dma_start3A_137 = arith.constant 0 : i32
      %dma_start3A_138 = tpu.memref_slice %arg9[%dma_start3A_133, %dma_start3A_137] : memref<4x128xi32, #tpu.memory_space<vmem>> -> memref<1x128xi32, #tpu.memory_space<vmem>>
      %dma_start3A_139 = tpu.memref_squeeze %dma_start3A_138 : memref<1x128xi32, #tpu.memory_space<vmem>> -> memref<128xi32, #tpu.memory_space<vmem>>
      %dma_start3A_140 = arith.constant 0 : i32
      %dma_start3A_141 = arith.constant 0 : i32
      %dma_start3A_142 = tpu.memref_slice %arg2[%dma_start3A_140, %dma_start3A_141] : memref<320000x32xf32, #tpu.memory_space<hbm>> -> memref<320000x32xf32, #tpu.memory_space<hbm>>
      tpu.enqueue_indirect_dma source(%dma_start3A_142 : memref<320000x32xf32, #tpu.memory_space<hbm>>) target(%dma_start3A_136 : memref<128x32xf32, #tpu.memory_space<vmem>>) offsets(%dma_start3A_139 : memref<128xi32, #tpu.memory_space<vmem>>) semaphore(%arg20 : memref<!tpu.dma_semaphore, #tpu.memory_space<semaphore_mem>>)
      %dma_start3A_143 = arith.constant 3 : i32
      %dma_start3A_144 = arith.constant 3 : i32
      %dma_start3A_145 = arith.constant 0 : i32
      %dma_start3A_146 = tpu.memref_slice %arg11[%dma_start3A_144, %dma_start3A_145] : memref<4x128xi32, #tpu.memory_space<vmem>> -> memref<1x128xi32, #tpu.memory_space<vmem>>
      %dma_start3A_147 = tpu.memref_squeeze %dma_start3A_146 : memref<1x128xi32, #tpu.memory_space<vmem>> -> memref<128xi32, #tpu.memory_space<vmem>>
      %dma_start3A_148 = arith.constant 0 : i32
      %dma_start3A_149 = tpu.memref_slice %arg10[%dma_start3A_143, %dma_start3A_148] : memref<4x128xi32, #tpu.memory_space<vmem>> -> memref<1x128xi32, #tpu.memory_space<vmem>>
      %dma_start3A_150 = tpu.memref_squeeze %dma_start3A_149 : memref<1x128xi32, #tpu.memory_space<vmem>> -> memref<128xi32, #tpu.memory_space<vmem>>
      %dma_start3A_151 = arith.constant 0 : i32
      %dma_start3A_152 = tpu.memref_slice %arg6[%dma_start3A_151] : memref<320000xi32, #tpu.memory_space<hbm>> -> memref<320000xi32, #tpu.memory_space<hbm>>
      tpu.enqueue_indirect_dma source(%dma_start3A_152 : memref<320000xi32, #tpu.memory_space<hbm>>) target(%dma_start3A_147 : memref<128xi32, #tpu.memory_space<vmem>>) offsets(%dma_start3A_150 : memref<128xi32, #tpu.memory_space<vmem>>) semaphore(%arg20 : memref<!tpu.dma_semaphore, #tpu.memory_space<semaphore_mem>>)
      %dma_start3A_153 = arith.constant 384 : i32
      %dma_start3A_154 = arith.constant 0 : i32
      %dma_start3A_155 = tpu.memref_slice %arg13[%dma_start3A_153, %dma_start3A_154] : memref<512x32xf32, #tpu.memory_space<vmem>> -> memref<128x32xf32, #tpu.memory_space<vmem>>
      %dma_start3A_156 = arith.constant 96 : i32
      %dma_start3A_157 = tpu.memref_slice %arg3[%mul3A_28, %dma_start3A_156] : memref<160000x128xf32, #tpu.memory_space<hbm>> -> memref<128x32xf32, #tpu.memory_space<hbm>>
      %dma_start3A_158 = arith.constant 384 : i32
      %dma_start3A_159 = arith.constant 0 : i32
      %dma_start3A_160 = tpu.memref_slice %arg13[%dma_start3A_158, %dma_start3A_159] : memref<512x32xf32, #tpu.memory_space<vmem>> -> memref<128x32xf32, #tpu.memory_space<vmem>>
      %dma_start3A_161 = arith.constant 96 : i32
      %dma_start3A_162 = tpu.memref_slice %arg3[%mul3A_28, %dma_start3A_161] : memref<160000x128xf32, #tpu.memory_space<hbm>> -> memref<128x32xf32, #tpu.memory_space<hbm>>
      tpu.enqueue_dma source(%dma_start3A_162 : memref<128x32xf32, #tpu.memory_space<hbm>>) target(%dma_start3A_160 : memref<128x32xf32, #tpu.memory_space<vmem>>) target_semaphore(%arg20 : memref<!tpu.dma_semaphore, #tpu.memory_space<semaphore_mem>>)
    } else {
    }
    %scan3A = arith.constant 0 : i32
    %scan3A_7 = arith.constant 20 : i32
    %scan3A_8 = arith.addi %scan3A, %scan3A_7 : i32
    %scan3A_9 = arith.constant 1 : i32
    scf.for %scan3A_19 = %scan3A to %scan3A_8 step %scan3A_9  : i32 {
      %mul3A_20 = arith.constant 1 : i32
      %mul3A_21 = arith.muli %scan3A_19, %mul3A_20 : i32
      %add3A_22 = arith.constant 0 : i32
      %add3A_23 = arith.addi %add3A_22, %mul3A_21 : i32
      %mul3A_24 = arith.constant 2 : i32
      %mul3A_25 = arith.muli %mul3A_24, %add3A_23 : i32
      %mul3A_26 = arith.constant 32 : i32
      %mul3A_27 = arith.muli %mul3A_25, %mul3A_26 : i32
      %add3A_28 = arith.addi %mul3A_27, %add3A : i32
      %add3A_29 = arith.constant 32 : i32
      %add3A_30 = arith.addi %add3A_28, %add3A_29 : i32
      %add3A_31 = arith.constant 32 : i32
      %add3A_32 = arith.addi %add3A_30, %add3A_31 : i32
      %lt3A_33 = arith.constant 1250 : i32
      %lt3A_34 = arith.cmpi slt, %add3A_30, %lt3A_33 : i32
      %convert_element_type3A_35 = arith.extui %lt3A_34 : i1 to i32
      %cond3A_36 = arith.constant 0 : i32
      %cond3A_37 = arith.cmpi ne, %convert_element_type3A_35, %cond3A_36 : i32
      scf.if %cond3A_37 {
        %mul3A_53 = arith.constant 4 : i32
        %mul3A_54 = arith.muli %add3A_30, %mul3A_53 : i32
        %mul3A_55 = arith.constant 128 : i32
        %mul3A_56 = arith.muli %add3A_30, %mul3A_55 : i32
        %mul3A_57 = arith.constant 128 : i32
        %mul3A_58 = arith.muli %add3A_30, %mul3A_57 : i32
        %mul3A_59 = arith.constant 128 : i32
        %mul3A_60 = arith.muli %add3A_30, %mul3A_59 : i32
        %mul3A_61 = arith.constant 128 : i32
        %mul3A_62 = arith.muli %add3A_30, %mul3A_61 : i32
        %dma_start3A = arith.constant 0 : i32
        %dma_start3A_63 = tpu.memref_slice %arg4[%mul3A_54, %dma_start3A] : memref<5000x128xi32, #tpu.memory_space<hbm>> -> memref<4x128xi32, #tpu.memory_space<hbm>>
        %dma_start3A_64 = arith.constant 0 : i32
        %dma_start3A_65 = tpu.memref_slice %arg4[%mul3A_54, %dma_start3A_64] : memref<5000x128xi32, #tpu.memory_space<hbm>> -> memref<4x128xi32, #tpu.memory_space<hbm>>
        tpu.enqueue_dma source(%dma_start3A_65 : memref<4x128xi32, #tpu.memory_space<hbm>>) target(%arg14 : memref<4x128xi32, #tpu.memory_space<vmem>>) target_semaphore(%arg21 : memref<!tpu.dma_semaphore, #tpu.memory_space<semaphore_mem>>)
        %dma_start3A_66 = arith.constant 0 : i32
        %dma_start3A_67 = tpu.memref_slice %arg5[%mul3A_54, %dma_start3A_66] : memref<5000x128xi32, #tpu.memory_space<hbm>> -> memref<4x128xi32, #tpu.memory_space<hbm>>
        %dma_start3A_68 = arith.constant 0 : i32
        %dma_start3A_69 = tpu.memref_slice %arg5[%mul3A_54, %dma_start3A_68] : memref<5000x128xi32, #tpu.memory_space<hbm>> -> memref<4x128xi32, #tpu.memory_space<hbm>>
        tpu.enqueue_dma source(%dma_start3A_69 : memref<4x128xi32, #tpu.memory_space<hbm>>) target(%arg15 : memref<4x128xi32, #tpu.memory_space<vmem>>) target_semaphore(%arg21 : memref<!tpu.dma_semaphore, #tpu.memory_space<semaphore_mem>>)
        %dma_wait3A = arith.constant 0 : i32
        %dma_wait3A_70 = tpu.memref_slice %arg4[%mul3A_54, %dma_wait3A] : memref<5000x128xi32, #tpu.memory_space<hbm>> -> memref<4x128xi32, #tpu.memory_space<hbm>>
        %dma_wait3A_71 = arith.constant 0 : i32
        %dma_wait3A_72 = tpu.memref_slice %arg4[%mul3A_54, %dma_wait3A_71] : memref<5000x128xi32, #tpu.memory_space<hbm>> -> memref<4x128xi32, #tpu.memory_space<hbm>>
        tpu.wait_dma2 semaphore(%arg21 : memref<!tpu.dma_semaphore, #tpu.memory_space<semaphore_mem>>) src(%dma_wait3A_72 : memref<4x128xi32, #tpu.memory_space<hbm>>) dst(%arg14 : memref<4x128xi32, #tpu.memory_space<vmem>>)
        %dma_wait3A_73 = arith.constant 0 : i32
        %dma_wait3A_74 = tpu.memref_slice %arg5[%mul3A_54, %dma_wait3A_73] : memref<5000x128xi32, #tpu.memory_space<hbm>> -> memref<4x128xi32, #tpu.memory_space<hbm>>
        %dma_wait3A_75 = arith.constant 0 : i32
        %dma_wait3A_76 = tpu.memref_slice %arg5[%mul3A_54, %dma_wait3A_75] : memref<5000x128xi32, #tpu.memory_space<hbm>> -> memref<4x128xi32, #tpu.memory_space<hbm>>
        tpu.wait_dma2 semaphore(%arg21 : memref<!tpu.dma_semaphore, #tpu.memory_space<semaphore_mem>>) src(%dma_wait3A_76 : memref<4x128xi32, #tpu.memory_space<hbm>>) dst(%arg15 : memref<4x128xi32, #tpu.memory_space<vmem>>)
        %dma_start3A_77 = arith.constant 0 : i32
        %dma_start3A_78 = arith.constant 0 : i32
        %dma_start3A_79 = arith.constant 0 : i32
        %dma_start3A_80 = tpu.memref_slice %arg17[%dma_start3A_78, %dma_start3A_79] : memref<512x32xf32, #tpu.memory_space<vmem>> -> memref<128x32xf32, #tpu.memory_space<vmem>>
        %dma_start3A_81 = arith.constant 0 : i32
        %dma_start3A_82 = tpu.memref_slice %arg14[%dma_start3A_77, %dma_start3A_81] : memref<4x128xi32, #tpu.memory_space<vmem>> -> memref<1x128xi32, #tpu.memory_space<vmem>>
        %dma_start3A_83 = tpu.memref_squeeze %dma_start3A_82 : memref<1x128xi32, #tpu.memory_space<vmem>> -> memref<128xi32, #tpu.memory_space<vmem>>
        %dma_start3A_84 = arith.constant 0 : i32
        %dma_start3A_85 = arith.constant 0 : i32
        %dma_start3A_86 = tpu.memref_slice %arg2[%dma_start3A_84, %dma_start3A_85] : memref<320000x32xf32, #tpu.memory_space<hbm>> -> memref<320000x32xf32, #tpu.memory_space<hbm>>
        tpu.enqueue_indirect_dma source(%dma_start3A_86 : memref<320000x32xf32, #tpu.memory_space<hbm>>) target(%dma_start3A_80 : memref<128x32xf32, #tpu.memory_space<vmem>>) offsets(%dma_start3A_83 : memref<128xi32, #tpu.memory_space<vmem>>) semaphore(%arg21 : memref<!tpu.dma_semaphore, #tpu.memory_space<semaphore_mem>>)
        %dma_start3A_87 = arith.constant 0 : i32
        %dma_start3A_88 = arith.constant 0 : i32
        %dma_start3A_89 = arith.constant 0 : i32
        %dma_start3A_90 = tpu.memref_slice %arg16[%dma_start3A_88, %dma_start3A_89] : memref<4x128xi32, #tpu.memory_space<vmem>> -> memref<1x128xi32, #tpu.memory_space<vmem>>
        %dma_start3A_91 = tpu.memref_squeeze %dma_start3A_90 : memref<1x128xi32, #tpu.memory_space<vmem>> -> memref<128xi32, #tpu.memory_space<vmem>>
        %dma_start3A_92 = arith.constant 0 : i32
        %dma_start3A_93 = tpu.memref_slice %arg15[%dma_start3A_87, %dma_start3A_92] : memref<4x128xi32, #tpu.memory_space<vmem>> -> memref<1x128xi32, #tpu.memory_space<vmem>>
        %dma_start3A_94 = tpu.memref_squeeze %dma_start3A_93 : memref<1x128xi32, #tpu.memory_space<vmem>> -> memref<128xi32, #tpu.memory_space<vmem>>
        %dma_start3A_95 = arith.constant 0 : i32
        %dma_start3A_96 = tpu.memref_slice %arg6[%dma_start3A_95] : memref<320000xi32, #tpu.memory_space<hbm>> -> memref<320000xi32, #tpu.memory_space<hbm>>
        tpu.enqueue_indirect_dma source(%dma_start3A_96 : memref<320000xi32, #tpu.memory_space<hbm>>) target(%dma_start3A_91 : memref<128xi32, #tpu.memory_space<vmem>>) offsets(%dma_start3A_94 : memref<128xi32, #tpu.memory_space<vmem>>) semaphore(%arg21 : memref<!tpu.dma_semaphore, #tpu.memory_space<semaphore_mem>>)
        %dma_start3A_97 = arith.constant 0 : i32
        %dma_start3A_98 = arith.constant 0 : i32
        %dma_start3A_99 = tpu.memref_slice %arg18[%dma_start3A_97, %dma_start3A_98] : memref<512x32xf32, #tpu.memory_space<vmem>> -> memref<128x32xf32, #tpu.memory_space<vmem>>
        %dma_start3A_100 = arith.constant 0 : i32
        %dma_start3A_101 = tpu.memref_slice %arg3[%mul3A_56, %dma_start3A_100] : memref<160000x128xf32, #tpu.memory_space<hbm>> -> memref<128x32xf32, #tpu.memory_space<hbm>>
        %dma_start3A_102 = arith.constant 0 : i32
        %dma_start3A_103 = arith.constant 0 : i32
        %dma_start3A_104 = tpu.memref_slice %arg18[%dma_start3A_102, %dma_start3A_103] : memref<512x32xf32, #tpu.memory_space<vmem>> -> memref<128x32xf32, #tpu.memory_space<vmem>>
        %dma_start3A_105 = arith.constant 0 : i32
        %dma_start3A_106 = tpu.memref_slice %arg3[%mul3A_56, %dma_start3A_105] : memref<160000x128xf32, #tpu.memory_space<hbm>> -> memref<128x32xf32, #tpu.memory_space<hbm>>
        tpu.enqueue_dma source(%dma_start3A_106 : memref<128x32xf32, #tpu.memory_space<hbm>>) target(%dma_start3A_104 : memref<128x32xf32, #tpu.memory_space<vmem>>) target_semaphore(%arg21 : memref<!tpu.dma_semaphore, #tpu.memory_space<semaphore_mem>>)
        %dma_start3A_107 = arith.constant 1 : i32
        %dma_start3A_108 = arith.constant 128 : i32
        %dma_start3A_109 = arith.constant 0 : i32
        %dma_start3A_110 = tpu.memref_slice %arg17[%dma_start3A_108, %dma_start3A_109] : memref<512x32xf32, #tpu.memory_space<vmem>> -> memref<128x32xf32, #tpu.memory_space<vmem>>
        %dma_start3A_111 = arith.constant 0 : i32
        %dma_start3A_112 = tpu.memref_slice %arg14[%dma_start3A_107, %dma_start3A_111] : memref<4x128xi32, #tpu.memory_space<vmem>> -> memref<1x128xi32, #tpu.memory_space<vmem>>
        %dma_start3A_113 = tpu.memref_squeeze %dma_start3A_112 : memref<1x128xi32, #tpu.memory_space<vmem>> -> memref<128xi32, #tpu.memory_space<vmem>>
        %dma_start3A_114 = arith.constant 0 : i32
        %dma_start3A_115 = arith.constant 0 : i32
        %dma_start3A_116 = tpu.memref_slice %arg2[%dma_start3A_114, %dma_start3A_115] : memref<320000x32xf32, #tpu.memory_space<hbm>> -> memref<320000x32xf32, #tpu.memory_space<hbm>>
        tpu.enqueue_indirect_dma source(%dma_start3A_116 : memref<320000x32xf32, #tpu.memory_space<hbm>>) target(%dma_start3A_110 : memref<128x32xf32, #tpu.memory_space<vmem>>) offsets(%dma_start3A_113 : memref<128xi32, #tpu.memory_space<vmem>>) semaphore(%arg21 : memref<!tpu.dma_semaphore, #tpu.memory_space<semaphore_mem>>)
        %dma_start3A_117 = arith.constant 1 : i32
        %dma_start3A_118 = arith.constant 1 : i32
        %dma_start3A_119 = arith.constant 0 : i32
        %dma_start3A_120 = tpu.memref_slice %arg16[%dma_start3A_118, %dma_start3A_119] : memref<4x128xi32, #tpu.memory_space<vmem>> -> memref<1x128xi32, #tpu.memory_space<vmem>>
        %dma_start3A_121 = tpu.memref_squeeze %dma_start3A_120 : memref<1x128xi32, #tpu.memory_space<vmem>> -> memref<128xi32, #tpu.memory_space<vmem>>
        %dma_start3A_122 = arith.constant 0 : i32
        %dma_start3A_123 = tpu.memref_slice %arg15[%dma_start3A_117, %dma_start3A_122] : memref<4x128xi32, #tpu.memory_space<vmem>> -> memref<1x128xi32, #tpu.memory_space<vmem>>
        %dma_start3A_124 = tpu.memref_squeeze %dma_start3A_123 : memref<1x128xi32, #tpu.memory_space<vmem>> -> memref<128xi32, #tpu.memory_space<vmem>>
        %dma_start3A_125 = arith.constant 0 : i32
        %dma_start3A_126 = tpu.memref_slice %arg6[%dma_start3A_125] : memref<320000xi32, #tpu.memory_space<hbm>> -> memref<320000xi32, #tpu.memory_space<hbm>>
        tpu.enqueue_indirect_dma source(%dma_start3A_126 : memref<320000xi32, #tpu.memory_space<hbm>>) target(%dma_start3A_121 : memref<128xi32, #tpu.memory_space<vmem>>) offsets(%dma_start3A_124 : memref<128xi32, #tpu.memory_space<vmem>>) semaphore(%arg21 : memref<!tpu.dma_semaphore, #tpu.memory_space<semaphore_mem>>)
        %dma_start3A_127 = arith.constant 128 : i32
        %dma_start3A_128 = arith.constant 0 : i32
        %dma_start3A_129 = tpu.memref_slice %arg18[%dma_start3A_127, %dma_start3A_128] : memref<512x32xf32, #tpu.memory_space<vmem>> -> memref<128x32xf32, #tpu.memory_space<vmem>>
        %dma_start3A_130 = arith.constant 32 : i32
        %dma_start3A_131 = tpu.memref_slice %arg3[%mul3A_58, %dma_start3A_130] : memref<160000x128xf32, #tpu.memory_space<hbm>> -> memref<128x32xf32, #tpu.memory_space<hbm>>
        %dma_start3A_132 = arith.constant 128 : i32
        %dma_start3A_133 = arith.constant 0 : i32
        %dma_start3A_134 = tpu.memref_slice %arg18[%dma_start3A_132, %dma_start3A_133] : memref<512x32xf32, #tpu.memory_space<vmem>> -> memref<128x32xf32, #tpu.memory_space<vmem>>
        %dma_start3A_135 = arith.constant 32 : i32
        %dma_start3A_136 = tpu.memref_slice %arg3[%mul3A_58, %dma_start3A_135] : memref<160000x128xf32, #tpu.memory_space<hbm>> -> memref<128x32xf32, #tpu.memory_space<hbm>>
        tpu.enqueue_dma source(%dma_start3A_136 : memref<128x32xf32, #tpu.memory_space<hbm>>) target(%dma_start3A_134 : memref<128x32xf32, #tpu.memory_space<vmem>>) target_semaphore(%arg21 : memref<!tpu.dma_semaphore, #tpu.memory_space<semaphore_mem>>)
        %dma_start3A_137 = arith.constant 2 : i32
        %dma_start3A_138 = arith.constant 256 : i32
        %dma_start3A_139 = arith.constant 0 : i32
        %dma_start3A_140 = tpu.memref_slice %arg17[%dma_start3A_138, %dma_start3A_139] : memref<512x32xf32, #tpu.memory_space<vmem>> -> memref<128x32xf32, #tpu.memory_space<vmem>>
        %dma_start3A_141 = arith.constant 0 : i32
        %dma_start3A_142 = tpu.memref_slice %arg14[%dma_start3A_137, %dma_start3A_141] : memref<4x128xi32, #tpu.memory_space<vmem>> -> memref<1x128xi32, #tpu.memory_space<vmem>>
        %dma_start3A_143 = tpu.memref_squeeze %dma_start3A_142 : memref<1x128xi32, #tpu.memory_space<vmem>> -> memref<128xi32, #tpu.memory_space<vmem>>
        %dma_start3A_144 = arith.constant 0 : i32
        %dma_start3A_145 = arith.constant 0 : i32
        %dma_start3A_146 = tpu.memref_slice %arg2[%dma_start3A_144, %dma_start3A_145] : memref<320000x32xf32, #tpu.memory_space<hbm>> -> memref<320000x32xf32, #tpu.memory_space<hbm>>
        tpu.enqueue_indirect_dma source(%dma_start3A_146 : memref<320000x32xf32, #tpu.memory_space<hbm>>) target(%dma_start3A_140 : memref<128x32xf32, #tpu.memory_space<vmem>>) offsets(%dma_start3A_143 : memref<128xi32, #tpu.memory_space<vmem>>) semaphore(%arg21 : memref<!tpu.dma_semaphore, #tpu.memory_space<semaphore_mem>>)
        %dma_start3A_147 = arith.constant 2 : i32
        %dma_start3A_148 = arith.constant 2 : i32
        %dma_start3A_149 = arith.constant 0 : i32
        %dma_start3A_150 = tpu.memref_slice %arg16[%dma_start3A_148, %dma_start3A_149] : memref<4x128xi32, #tpu.memory_space<vmem>> -> memref<1x128xi32, #tpu.memory_space<vmem>>
        %dma_start3A_151 = tpu.memref_squeeze %dma_start3A_150 : memref<1x128xi32, #tpu.memory_space<vmem>> -> memref<128xi32, #tpu.memory_space<vmem>>
        %dma_start3A_152 = arith.constant 0 : i32
        %dma_start3A_153 = tpu.memref_slice %arg15[%dma_start3A_147, %dma_start3A_152] : memref<4x128xi32, #tpu.memory_space<vmem>> -> memref<1x128xi32, #tpu.memory_space<vmem>>
        %dma_start3A_154 = tpu.memref_squeeze %dma_start3A_153 : memref<1x128xi32, #tpu.memory_space<vmem>> -> memref<128xi32, #tpu.memory_space<vmem>>
        %dma_start3A_155 = arith.constant 0 : i32
        %dma_start3A_156 = tpu.memref_slice %arg6[%dma_start3A_155] : memref<320000xi32, #tpu.memory_space<hbm>> -> memref<320000xi32, #tpu.memory_space<hbm>>
        tpu.enqueue_indirect_dma source(%dma_start3A_156 : memref<320000xi32, #tpu.memory_space<hbm>>) target(%dma_start3A_151 : memref<128xi32, #tpu.memory_space<vmem>>) offsets(%dma_start3A_154 : memref<128xi32, #tpu.memory_space<vmem>>) semaphore(%arg21 : memref<!tpu.dma_semaphore, #tpu.memory_space<semaphore_mem>>)
        %dma_start3A_157 = arith.constant 256 : i32
        %dma_start3A_158 = arith.constant 0 : i32
        %dma_start3A_159 = tpu.memref_slice %arg18[%dma_start3A_157, %dma_start3A_158] : memref<512x32xf32, #tpu.memory_space<vmem>> -> memref<128x32xf32, #tpu.memory_space<vmem>>
        %dma_start3A_160 = arith.constant 64 : i32
        %dma_start3A_161 = tpu.memref_slice %arg3[%mul3A_60, %dma_start3A_160] : memref<160000x128xf32, #tpu.memory_space<hbm>> -> memref<128x32xf32, #tpu.memory_space<hbm>>
        %dma_start3A_162 = arith.constant 256 : i32
        %dma_start3A_163 = arith.constant 0 : i32
        %dma_start3A_164 = tpu.memref_slice %arg18[%dma_start3A_162, %dma_start3A_163] : memref<512x32xf32, #tpu.memory_space<vmem>> -> memref<128x32xf32, #tpu.memory_space<vmem>>
        %dma_start3A_165 = arith.constant 64 : i32
        %dma_start3A_166 = tpu.memref_slice %arg3[%mul3A_60, %dma_start3A_165] : memref<160000x128xf32, #tpu.memory_space<hbm>> -> memref<128x32xf32, #tpu.memory_space<hbm>>
        tpu.enqueue_dma source(%dma_start3A_166 : memref<128x32xf32, #tpu.memory_space<hbm>>) target(%dma_start3A_164 : memref<128x32xf32, #tpu.memory_space<vmem>>) target_semaphore(%arg21 : memref<!tpu.dma_semaphore, #tpu.memory_space<semaphore_mem>>)
        %dma_start3A_167 = arith.constant 3 : i32
        %dma_start3A_168 = arith.constant 384 : i32
        %dma_start3A_169 = arith.constant 0 : i32
        %dma_start3A_170 = tpu.memref_slice %arg17[%dma_start3A_168, %dma_start3A_169] : memref<512x32xf32, #tpu.memory_space<vmem>> -> memref<128x32xf32, #tpu.memory_space<vmem>>
        %dma_start3A_171 = arith.constant 0 : i32
        %dma_start3A_172 = tpu.memref_slice %arg14[%dma_start3A_167, %dma_start3A_171] : memref<4x128xi32, #tpu.memory_space<vmem>> -> memref<1x128xi32, #tpu.memory_space<vmem>>
        %dma_start3A_173 = tpu.memref_squeeze %dma_start3A_172 : memref<1x128xi32, #tpu.memory_space<vmem>> -> memref<128xi32, #tpu.memory_space<vmem>>
        %dma_start3A_174 = arith.constant 0 : i32
        %dma_start3A_175 = arith.constant 0 : i32
        %dma_start3A_176 = tpu.memref_slice %arg2[%dma_start3A_174, %dma_start3A_175] : memref<320000x32xf32, #tpu.memory_space<hbm>> -> memref<320000x32xf32, #tpu.memory_space<hbm>>
        tpu.enqueue_indirect_dma source(%dma_start3A_176 : memref<320000x32xf32, #tpu.memory_space<hbm>>) target(%dma_start3A_170 : memref<128x32xf32, #tpu.memory_space<vmem>>) offsets(%dma_start3A_173 : memref<128xi32, #tpu.memory_space<vmem>>) semaphore(%arg21 : memref<!tpu.dma_semaphore, #tpu.memory_space<semaphore_mem>>)
        %dma_start3A_177 = arith.constant 3 : i32
        %dma_start3A_178 = arith.constant 3 : i32
        %dma_start3A_179 = arith.constant 0 : i32
        %dma_start3A_180 = tpu.memref_slice %arg16[%dma_start3A_178, %dma_start3A_179] : memref<4x128xi32, #tpu.memory_space<vmem>> -> memref<1x128xi32, #tpu.memory_space<vmem>>
        %dma_start3A_181 = tpu.memref_squeeze %dma_start3A_180 : memref<1x128xi32, #tpu.memory_space<vmem>> -> memref<128xi32, #tpu.memory_space<vmem>>
        %dma_start3A_182 = arith.constant 0 : i32
        %dma_start3A_183 = tpu.memref_slice %arg15[%dma_start3A_177, %dma_start3A_182] : memref<4x128xi32, #tpu.memory_space<vmem>> -> memref<1x128xi32, #tpu.memory_space<vmem>>
        %dma_start3A_184 = tpu.memref_squeeze %dma_start3A_183 : memref<1x128xi32, #tpu.memory_space<vmem>> -> memref<128xi32, #tpu.memory_space<vmem>>
        %dma_start3A_185 = arith.constant 0 : i32
        %dma_start3A_186 = tpu.memref_slice %arg6[%dma_start3A_185] : memref<320000xi32, #tpu.memory_space<hbm>> -> memref<320000xi32, #tpu.memory_space<hbm>>
        tpu.enqueue_indirect_dma source(%dma_start3A_186 : memref<320000xi32, #tpu.memory_space<hbm>>) target(%dma_start3A_181 : memref<128xi32, #tpu.memory_space<vmem>>) offsets(%dma_start3A_184 : memref<128xi32, #tpu.memory_space<vmem>>) semaphore(%arg21 : memref<!tpu.dma_semaphore, #tpu.memory_space<semaphore_mem>>)
        %dma_start3A_187 = arith.constant 384 : i32
        %dma_start3A_188 = arith.constant 0 : i32
        %dma_start3A_189 = tpu.memref_slice %arg18[%dma_start3A_187, %dma_start3A_188] : memref<512x32xf32, #tpu.memory_space<vmem>> -> memref<128x32xf32, #tpu.memory_space<vmem>>
        %dma_start3A_190 = arith.constant 96 : i32
        %dma_start3A_191 = tpu.memref_slice %arg3[%mul3A_62, %dma_start3A_190] : memref<160000x128xf32, #tpu.memory_space<hbm>> -> memref<128x32xf32, #tpu.memory_space<hbm>>
        %dma_start3A_192 = arith.constant 384 : i32
        %dma_start3A_193 = arith.constant 0 : i32
        %dma_start3A_194 = tpu.memref_slice %arg18[%dma_start3A_192, %dma_start3A_193] : memref<512x32xf32, #tpu.memory_space<vmem>> -> memref<128x32xf32, #tpu.memory_space<vmem>>
        %dma_start3A_195 = arith.constant 96 : i32
        %dma_start3A_196 = tpu.memref_slice %arg3[%mul3A_62, %dma_start3A_195] : memref<160000x128xf32, #tpu.memory_space<hbm>> -> memref<128x32xf32, #tpu.memory_space<hbm>>
        tpu.enqueue_dma source(%dma_start3A_196 : memref<128x32xf32, #tpu.memory_space<hbm>>) target(%dma_start3A_194 : memref<128x32xf32, #tpu.memory_space<vmem>>) target_semaphore(%arg21 : memref<!tpu.dma_semaphore, #tpu.memory_space<semaphore_mem>>)
      } else {
      }
      %lt3A_38 = arith.constant 1250 : i32
      %lt3A_39 = arith.cmpi slt, %add3A_28, %lt3A_38 : i32
      %convert_element_type3A_40 = arith.extui %lt3A_39 : i1 to i32
      %cond3A_41 = arith.constant 0 : i32
      %cond3A_42 = arith.cmpi ne, %convert_element_type3A_40, %cond3A_41 : i32
      scf.if %cond3A_42 {
        %mul3A_53 = arith.constant 4 : i32
        %mul3A_54 = arith.muli %add3A_28, %mul3A_53 : i32
        %mul3A_55 = arith.constant 128 : i32
        %mul3A_56 = arith.muli %add3A_28, %mul3A_55 : i32
        %mul3A_57 = arith.constant 128 : i32
        %mul3A_58 = arith.muli %add3A_28, %mul3A_57 : i32
        %mul3A_59 = arith.constant 128 : i32
        %mul3A_60 = arith.muli %add3A_28, %mul3A_59 : i32
        %mul3A_61 = arith.constant 128 : i32
        %mul3A_62 = arith.muli %add3A_28, %mul3A_61 : i32
        %dma_wait3A = arith.constant 0 : i32
        %dma_wait3A_63 = arith.constant 0 : i32
        %dma_wait3A_64 = arith.constant 0 : i32
        %dma_wait3A_65 = tpu.memref_slice %arg12[%dma_wait3A_63, %dma_wait3A_64] : memref<512x32xf32, #tpu.memory_space<vmem>> -> memref<128x32xf32, #tpu.memory_space<vmem>>
        %dma_wait3A_66 = arith.constant 0 : i32
        %dma_wait3A_67 = tpu.memref_slice %arg9[%dma_wait3A, %dma_wait3A_66] : memref<4x128xi32, #tpu.memory_space<vmem>> -> memref<1x128xi32, #tpu.memory_space<vmem>>
        %dma_wait3A_68 = tpu.memref_squeeze %dma_wait3A_67 : memref<1x128xi32, #tpu.memory_space<vmem>> -> memref<128xi32, #tpu.memory_space<vmem>>
        %dma_wait3A_69 = arith.constant 0 : i32
        %dma_wait3A_70 = arith.constant 0 : i32
        %dma_wait3A_71 = tpu.memref_slice %arg2[%dma_wait3A_69, %dma_wait3A_70] : memref<320000x32xf32, #tpu.memory_space<hbm>> -> memref<320000x32xf32, #tpu.memory_space<hbm>>
        tpu.wait_indirect_dma semaphore(%arg20 : memref<!tpu.dma_semaphore, #tpu.memory_space<semaphore_mem>>) src(%dma_wait3A_71 : memref<320000x32xf32, #tpu.memory_space<hbm>>) dst(%dma_wait3A_65 : memref<128x32xf32, #tpu.memory_space<vmem>>)
        %dma_wait3A_72 = arith.constant 0 : i32
        %dma_wait3A_73 = arith.constant 0 : i32
        %dma_wait3A_74 = arith.constant 0 : i32
        %dma_wait3A_75 = tpu.memref_slice %arg11[%dma_wait3A_73, %dma_wait3A_74] : memref<4x128xi32, #tpu.memory_space<vmem>> -> memref<1x128xi32, #tpu.memory_space<vmem>>
        %dma_wait3A_76 = tpu.memref_squeeze %dma_wait3A_75 : memref<1x128xi32, #tpu.memory_space<vmem>> -> memref<128xi32, #tpu.memory_space<vmem>>
        %dma_wait3A_77 = arith.constant 0 : i32
        %dma_wait3A_78 = tpu.memref_slice %arg10[%dma_wait3A_72, %dma_wait3A_77] : memref<4x128xi32, #tpu.memory_space<vmem>> -> memref<1x128xi32, #tpu.memory_space<vmem>>
        %dma_wait3A_79 = tpu.memref_squeeze %dma_wait3A_78 : memref<1x128xi32, #tpu.memory_space<vmem>> -> memref<128xi32, #tpu.memory_space<vmem>>
        %dma_wait3A_80 = arith.constant 0 : i32
        %dma_wait3A_81 = tpu.memref_slice %arg6[%dma_wait3A_80] : memref<320000xi32, #tpu.memory_space<hbm>> -> memref<320000xi32, #tpu.memory_space<hbm>>
        tpu.wait_indirect_dma semaphore(%arg20 : memref<!tpu.dma_semaphore, #tpu.memory_space<semaphore_mem>>) src(%dma_wait3A_81 : memref<320000xi32, #tpu.memory_space<hbm>>) dst(%dma_wait3A_76 : memref<128xi32, #tpu.memory_space<vmem>>)
        %dma_wait3A_82 = arith.constant 0 : i32
        %dma_wait3A_83 = arith.constant 0 : i32
        %dma_wait3A_84 = tpu.memref_slice %arg13[%dma_wait3A_82, %dma_wait3A_83] : memref<512x32xf32, #tpu.memory_space<vmem>> -> memref<128x32xf32, #tpu.memory_space<vmem>>
        %dma_wait3A_85 = arith.constant 0 : i32
        %dma_wait3A_86 = tpu.memref_slice %arg3[%mul3A_56, %dma_wait3A_85] : memref<160000x128xf32, #tpu.memory_space<hbm>> -> memref<128x32xf32, #tpu.memory_space<hbm>>
        %dma_wait3A_87 = arith.constant 0 : i32
        %dma_wait3A_88 = arith.constant 0 : i32
        %dma_wait3A_89 = tpu.memref_slice %arg13[%dma_wait3A_87, %dma_wait3A_88] : memref<512x32xf32, #tpu.memory_space<vmem>> -> memref<128x32xf32, #tpu.memory_space<vmem>>
        %dma_wait3A_90 = arith.constant 0 : i32
        %dma_wait3A_91 = tpu.memref_slice %arg3[%mul3A_56, %dma_wait3A_90] : memref<160000x128xf32, #tpu.memory_space<hbm>> -> memref<128x32xf32, #tpu.memory_space<hbm>>
        tpu.wait_dma2 semaphore(%arg20 : memref<!tpu.dma_semaphore, #tpu.memory_space<semaphore_mem>>) src(%dma_wait3A_91 : memref<128x32xf32, #tpu.memory_space<hbm>>) dst(%dma_wait3A_89 : memref<128x32xf32, #tpu.memory_space<vmem>>)
        %dma_wait3A_92 = arith.constant 1 : i32
        %dma_wait3A_93 = arith.constant 128 : i32
        %dma_wait3A_94 = arith.constant 0 : i32
        %dma_wait3A_95 = tpu.memref_slice %arg12[%dma_wait3A_93, %dma_wait3A_94] : memref<512x32xf32, #tpu.memory_space<vmem>> -> memref<128x32xf32, #tpu.memory_space<vmem>>
        %dma_wait3A_96 = arith.constant 0 : i32
        %dma_wait3A_97 = tpu.memref_slice %arg9[%dma_wait3A_92, %dma_wait3A_96] : memref<4x128xi32, #tpu.memory_space<vmem>> -> memref<1x128xi32, #tpu.memory_space<vmem>>
        %dma_wait3A_98 = tpu.memref_squeeze %dma_wait3A_97 : memref<1x128xi32, #tpu.memory_space<vmem>> -> memref<128xi32, #tpu.memory_space<vmem>>
        %dma_wait3A_99 = arith.constant 0 : i32
        %dma_wait3A_100 = arith.constant 0 : i32
        %dma_wait3A_101 = tpu.memref_slice %arg2[%dma_wait3A_99, %dma_wait3A_100] : memref<320000x32xf32, #tpu.memory_space<hbm>> -> memref<320000x32xf32, #tpu.memory_space<hbm>>
        tpu.wait_indirect_dma semaphore(%arg20 : memref<!tpu.dma_semaphore, #tpu.memory_space<semaphore_mem>>) src(%dma_wait3A_101 : memref<320000x32xf32, #tpu.memory_space<hbm>>) dst(%dma_wait3A_95 : memref<128x32xf32, #tpu.memory_space<vmem>>)
        %dma_wait3A_102 = arith.constant 1 : i32
        %dma_wait3A_103 = arith.constant 1 : i32
        %dma_wait3A_104 = arith.constant 0 : i32
        %dma_wait3A_105 = tpu.memref_slice %arg11[%dma_wait3A_103, %dma_wait3A_104] : memref<4x128xi32, #tpu.memory_space<vmem>> -> memref<1x128xi32, #tpu.memory_space<vmem>>
        %dma_wait3A_106 = tpu.memref_squeeze %dma_wait3A_105 : memref<1x128xi32, #tpu.memory_space<vmem>> -> memref<128xi32, #tpu.memory_space<vmem>>
        %dma_wait3A_107 = arith.constant 0 : i32
        %dma_wait3A_108 = tpu.memref_slice %arg10[%dma_wait3A_102, %dma_wait3A_107] : memref<4x128xi32, #tpu.memory_space<vmem>> -> memref<1x128xi32, #tpu.memory_space<vmem>>
        %dma_wait3A_109 = tpu.memref_squeeze %dma_wait3A_108 : memref<1x128xi32, #tpu.memory_space<vmem>> -> memref<128xi32, #tpu.memory_space<vmem>>
        %dma_wait3A_110 = arith.constant 0 : i32
        %dma_wait3A_111 = tpu.memref_slice %arg6[%dma_wait3A_110] : memref<320000xi32, #tpu.memory_space<hbm>> -> memref<320000xi32, #tpu.memory_space<hbm>>
        tpu.wait_indirect_dma semaphore(%arg20 : memref<!tpu.dma_semaphore, #tpu.memory_space<semaphore_mem>>) src(%dma_wait3A_111 : memref<320000xi32, #tpu.memory_space<hbm>>) dst(%dma_wait3A_106 : memref<128xi32, #tpu.memory_space<vmem>>)
        %dma_wait3A_112 = arith.constant 128 : i32
        %dma_wait3A_113 = arith.constant 0 : i32
        %dma_wait3A_114 = tpu.memref_slice %arg13[%dma_wait3A_112, %dma_wait3A_113] : memref<512x32xf32, #tpu.memory_space<vmem>> -> memref<128x32xf32, #tpu.memory_space<vmem>>
        %dma_wait3A_115 = arith.constant 32 : i32
        %dma_wait3A_116 = tpu.memref_slice %arg3[%mul3A_58, %dma_wait3A_115] : memref<160000x128xf32, #tpu.memory_space<hbm>> -> memref<128x32xf32, #tpu.memory_space<hbm>>
        %dma_wait3A_117 = arith.constant 128 : i32
        %dma_wait3A_118 = arith.constant 0 : i32
        %dma_wait3A_119 = tpu.memref_slice %arg13[%dma_wait3A_117, %dma_wait3A_118] : memref<512x32xf32, #tpu.memory_space<vmem>> -> memref<128x32xf32, #tpu.memory_space<vmem>>
        %dma_wait3A_120 = arith.constant 32 : i32
        %dma_wait3A_121 = tpu.memref_slice %arg3[%mul3A_58, %dma_wait3A_120] : memref<160000x128xf32, #tpu.memory_space<hbm>> -> memref<128x32xf32, #tpu.memory_space<hbm>>
        tpu.wait_dma2 semaphore(%arg20 : memref<!tpu.dma_semaphore, #tpu.memory_space<semaphore_mem>>) src(%dma_wait3A_121 : memref<128x32xf32, #tpu.memory_space<hbm>>) dst(%dma_wait3A_119 : memref<128x32xf32, #tpu.memory_space<vmem>>)
        %dma_wait3A_122 = arith.constant 2 : i32
        %dma_wait3A_123 = arith.constant 256 : i32
        %dma_wait3A_124 = arith.constant 0 : i32
        %dma_wait3A_125 = tpu.memref_slice %arg12[%dma_wait3A_123, %dma_wait3A_124] : memref<512x32xf32, #tpu.memory_space<vmem>> -> memref<128x32xf32, #tpu.memory_space<vmem>>
        %dma_wait3A_126 = arith.constant 0 : i32
        %dma_wait3A_127 = tpu.memref_slice %arg9[%dma_wait3A_122, %dma_wait3A_126] : memref<4x128xi32, #tpu.memory_space<vmem>> -> memref<1x128xi32, #tpu.memory_space<vmem>>
        %dma_wait3A_128 = tpu.memref_squeeze %dma_wait3A_127 : memref<1x128xi32, #tpu.memory_space<vmem>> -> memref<128xi32, #tpu.memory_space<vmem>>
        %dma_wait3A_129 = arith.constant 0 : i32
        %dma_wait3A_130 = arith.constant 0 : i32
        %dma_wait3A_131 = tpu.memref_slice %arg2[%dma_wait3A_129, %dma_wait3A_130] : memref<320000x32xf32, #tpu.memory_space<hbm>> -> memref<320000x32xf32, #tpu.memory_space<hbm>>
        tpu.wait_indirect_dma semaphore(%arg20 : memref<!tpu.dma_semaphore, #tpu.memory_space<semaphore_mem>>) src(%dma_wait3A_131 : memref<320000x32xf32, #tpu.memory_space<hbm>>) dst(%dma_wait3A_125 : memref<128x32xf32, #tpu.memory_space<vmem>>)
        %dma_wait3A_132 = arith.constant 2 : i32
        %dma_wait3A_133 = arith.constant 2 : i32
        %dma_wait3A_134 = arith.constant 0 : i32
        %dma_wait3A_135 = tpu.memref_slice %arg11[%dma_wait3A_133, %dma_wait3A_134] : memref<4x128xi32, #tpu.memory_space<vmem>> -> memref<1x128xi32, #tpu.memory_space<vmem>>
        %dma_wait3A_136 = tpu.memref_squeeze %dma_wait3A_135 : memref<1x128xi32, #tpu.memory_space<vmem>> -> memref<128xi32, #tpu.memory_space<vmem>>
        %dma_wait3A_137 = arith.constant 0 : i32
        %dma_wait3A_138 = tpu.memref_slice %arg10[%dma_wait3A_132, %dma_wait3A_137] : memref<4x128xi32, #tpu.memory_space<vmem>> -> memref<1x128xi32, #tpu.memory_space<vmem>>
        %dma_wait3A_139 = tpu.memref_squeeze %dma_wait3A_138 : memref<1x128xi32, #tpu.memory_space<vmem>> -> memref<128xi32, #tpu.memory_space<vmem>>
        %dma_wait3A_140 = arith.constant 0 : i32
        %dma_wait3A_141 = tpu.memref_slice %arg6[%dma_wait3A_140] : memref<320000xi32, #tpu.memory_space<hbm>> -> memref<320000xi32, #tpu.memory_space<hbm>>
        tpu.wait_indirect_dma semaphore(%arg20 : memref<!tpu.dma_semaphore, #tpu.memory_space<semaphore_mem>>) src(%dma_wait3A_141 : memref<320000xi32, #tpu.memory_space<hbm>>) dst(%dma_wait3A_136 : memref<128xi32, #tpu.memory_space<vmem>>)
        %dma_wait3A_142 = arith.constant 256 : i32
        %dma_wait3A_143 = arith.constant 0 : i32
        %dma_wait3A_144 = tpu.memref_slice %arg13[%dma_wait3A_142, %dma_wait3A_143] : memref<512x32xf32, #tpu.memory_space<vmem>> -> memref<128x32xf32, #tpu.memory_space<vmem>>
        %dma_wait3A_145 = arith.constant 64 : i32
        %dma_wait3A_146 = tpu.memref_slice %arg3[%mul3A_60, %dma_wait3A_145] : memref<160000x128xf32, #tpu.memory_space<hbm>> -> memref<128x32xf32, #tpu.memory_space<hbm>>
        %dma_wait3A_147 = arith.constant 256 : i32
        %dma_wait3A_148 = arith.constant 0 : i32
        %dma_wait3A_149 = tpu.memref_slice %arg13[%dma_wait3A_147, %dma_wait3A_148] : memref<512x32xf32, #tpu.memory_space<vmem>> -> memref<128x32xf32, #tpu.memory_space<vmem>>
        %dma_wait3A_150 = arith.constant 64 : i32
        %dma_wait3A_151 = tpu.memref_slice %arg3[%mul3A_60, %dma_wait3A_150] : memref<160000x128xf32, #tpu.memory_space<hbm>> -> memref<128x32xf32, #tpu.memory_space<hbm>>
        tpu.wait_dma2 semaphore(%arg20 : memref<!tpu.dma_semaphore, #tpu.memory_space<semaphore_mem>>) src(%dma_wait3A_151 : memref<128x32xf32, #tpu.memory_space<hbm>>) dst(%dma_wait3A_149 : memref<128x32xf32, #tpu.memory_space<vmem>>)
        %dma_wait3A_152 = arith.constant 3 : i32
        %dma_wait3A_153 = arith.constant 384 : i32
        %dma_wait3A_154 = arith.constant 0 : i32
        %dma_wait3A_155 = tpu.memref_slice %arg12[%dma_wait3A_153, %dma_wait3A_154] : memref<512x32xf32, #tpu.memory_space<vmem>> -> memref<128x32xf32, #tpu.memory_space<vmem>>
        %dma_wait3A_156 = arith.constant 0 : i32
        %dma_wait3A_157 = tpu.memref_slice %arg9[%dma_wait3A_152, %dma_wait3A_156] : memref<4x128xi32, #tpu.memory_space<vmem>> -> memref<1x128xi32, #tpu.memory_space<vmem>>
        %dma_wait3A_158 = tpu.memref_squeeze %dma_wait3A_157 : memref<1x128xi32, #tpu.memory_space<vmem>> -> memref<128xi32, #tpu.memory_space<vmem>>
        %dma_wait3A_159 = arith.constant 0 : i32
        %dma_wait3A_160 = arith.constant 0 : i32
        %dma_wait3A_161 = tpu.memref_slice %arg2[%dma_wait3A_159, %dma_wait3A_160] : memref<320000x32xf32, #tpu.memory_space<hbm>> -> memref<320000x32xf32, #tpu.memory_space<hbm>>
        tpu.wait_indirect_dma semaphore(%arg20 : memref<!tpu.dma_semaphore, #tpu.memory_space<semaphore_mem>>) src(%dma_wait3A_161 : memref<320000x32xf32, #tpu.memory_space<hbm>>) dst(%dma_wait3A_155 : memref<128x32xf32, #tpu.memory_space<vmem>>)
        %dma_wait3A_162 = arith.constant 3 : i32
        %dma_wait3A_163 = arith.constant 3 : i32
        %dma_wait3A_164 = arith.constant 0 : i32
        %dma_wait3A_165 = tpu.memref_slice %arg11[%dma_wait3A_163, %dma_wait3A_164] : memref<4x128xi32, #tpu.memory_space<vmem>> -> memref<1x128xi32, #tpu.memory_space<vmem>>
        %dma_wait3A_166 = tpu.memref_squeeze %dma_wait3A_165 : memref<1x128xi32, #tpu.memory_space<vmem>> -> memref<128xi32, #tpu.memory_space<vmem>>
        %dma_wait3A_167 = arith.constant 0 : i32
        %dma_wait3A_168 = tpu.memref_slice %arg10[%dma_wait3A_162, %dma_wait3A_167] : memref<4x128xi32, #tpu.memory_space<vmem>> -> memref<1x128xi32, #tpu.memory_space<vmem>>
        %dma_wait3A_169 = tpu.memref_squeeze %dma_wait3A_168 : memref<1x128xi32, #tpu.memory_space<vmem>> -> memref<128xi32, #tpu.memory_space<vmem>>
        %dma_wait3A_170 = arith.constant 0 : i32
        %dma_wait3A_171 = tpu.memref_slice %arg6[%dma_wait3A_170] : memref<320000xi32, #tpu.memory_space<hbm>> -> memref<320000xi32, #tpu.memory_space<hbm>>
        tpu.wait_indirect_dma semaphore(%arg20 : memref<!tpu.dma_semaphore, #tpu.memory_space<semaphore_mem>>) src(%dma_wait3A_171 : memref<320000xi32, #tpu.memory_space<hbm>>) dst(%dma_wait3A_166 : memref<128xi32, #tpu.memory_space<vmem>>)
        %dma_wait3A_172 = arith.constant 384 : i32
        %dma_wait3A_173 = arith.constant 0 : i32
        %dma_wait3A_174 = tpu.memref_slice %arg13[%dma_wait3A_172, %dma_wait3A_173] : memref<512x32xf32, #tpu.memory_space<vmem>> -> memref<128x32xf32, #tpu.memory_space<vmem>>
        %dma_wait3A_175 = arith.constant 96 : i32
        %dma_wait3A_176 = tpu.memref_slice %arg3[%mul3A_62, %dma_wait3A_175] : memref<160000x128xf32, #tpu.memory_space<hbm>> -> memref<128x32xf32, #tpu.memory_space<hbm>>
        %dma_wait3A_177 = arith.constant 384 : i32
        %dma_wait3A_178 = arith.constant 0 : i32
        %dma_wait3A_179 = tpu.memref_slice %arg13[%dma_wait3A_177, %dma_wait3A_178] : memref<512x32xf32, #tpu.memory_space<vmem>> -> memref<128x32xf32, #tpu.memory_space<vmem>>
        %dma_wait3A_180 = arith.constant 96 : i32
        %dma_wait3A_181 = tpu.memref_slice %arg3[%mul3A_62, %dma_wait3A_180] : memref<160000x128xf32, #tpu.memory_space<hbm>> -> memref<128x32xf32, #tpu.memory_space<hbm>>
        tpu.wait_dma2 semaphore(%arg20 : memref<!tpu.dma_semaphore, #tpu.memory_space<semaphore_mem>>) src(%dma_wait3A_181 : memref<128x32xf32, #tpu.memory_space<hbm>>) dst(%dma_wait3A_179 : memref<128x32xf32, #tpu.memory_space<vmem>>)
        %scan3A_182 = arith.constant 0 : i32
        %scan3A_183 = arith.constant 512 : i32
        %scan3A_184 = arith.addi %scan3A_182, %scan3A_183 : i32
        %scan3A_185 = arith.constant 1 : i32
        scf.for %scan3A_190 = %scan3A_182 to %scan3A_184 step %scan3A_185  : i32 {
          %mul3A_191 = arith.constant 1 : i32
          %mul3A_192 = arith.muli %scan3A_190, %mul3A_191 : i32
          %add3A_193 = arith.constant 0 : i32
          %add3A_194 = arith.addi %add3A_193, %mul3A_192 : i32
          %get3A = arith.index_cast %add3A_194 : i32 to index
          %get3A_195 = arith.constant 0 : index
          %get3A_196 = tpu.vector_load %arg13[%get3A, %get3A_195] {strides = array<i32>} : memref<512x32xf32, #tpu.memory_space<vmem>>, vector<1x16xf32>,
          %get3A_197 = vector.shape_cast %get3A_196 : vector<1x16xf32> to vector<16xf32>
          %get3A_198 = arith.index_cast %add3A_194 : i32 to index
          %get3A_199 = arith.constant 0 : index
          %get3A_200 = tpu.vector_load %arg12[%get3A_198, %get3A_199] {strides = array<i32>} : memref<512x32xf32, #tpu.memory_space<vmem>>, vector<1x16xf32>,
          %get3A_201 = vector.shape_cast %get3A_200 : vector<1x16xf32> to vector<16xf32>
          %add3A_202 = arith.addf %get3A_197, %get3A_201 : vector<16xf32>
          %max3A = arith.constant 0.000000e+00 : f32
          %max3A_203 = vector.broadcast %max3A : f32 to vector<16xf32>
          %max3A_204 = arith.maximumf %add3A_202, %max3A_203 : vector<16xf32>
          %swap3A = arith.index_cast %add3A_194 : i32 to index
          %swap3A_205 = arith.constant 0 : index
          %swap3A_206 = tpu.vector_load %arg13[%swap3A, %swap3A_205] {strides = array<i32>} : memref<512x32xf32, #tpu.memory_space<vmem>>, vector<1x16xf32>,
          %swap3A_207 = vector.shape_cast %swap3A_206 : vector<1x16xf32> to vector<16xf32>
          %swap3A_208 = vector.shape_cast %max3A_204 : vector<16xf32> to vector<1x16xf32>
          tpu.vector_store %arg13[%swap3A, %swap3A_205], %swap3A_208 {strides = array<i32>} : memref<512x32xf32, #tpu.memory_space<vmem>>, vector<1x16xf32>,
          %get3A_209 = arith.index_cast %add3A_194 : i32 to index
          %get3A_210 = arith.constant 16 : index
          %get3A_211 = tpu.vector_load %arg13[%get3A_209, %get3A_210] {strides = array<i32>} : memref<512x32xf32, #tpu.memory_space<vmem>>, vector<1x16xf32>,
          %get3A_212 = vector.shape_cast %get3A_211 : vector<1x16xf32> to vector<16xf32>
          %get3A_213 = arith.index_cast %add3A_194 : i32 to index
          %get3A_214 = arith.constant 16 : index
          %get3A_215 = tpu.vector_load %arg12[%get3A_213, %get3A_214] {strides = array<i32>} : memref<512x32xf32, #tpu.memory_space<vmem>>, vector<1x16xf32>,
          %get3A_216 = vector.shape_cast %get3A_215 : vector<1x16xf32> to vector<16xf32>
          %add3A_217 = arith.addf %get3A_212, %get3A_216 : vector<16xf32>
          %max3A_218 = arith.constant 0.000000e+00 : f32
          %max3A_219 = vector.broadcast %max3A_218 : f32 to vector<16xf32>
          %max3A_220 = arith.maximumf %add3A_217, %max3A_219 : vector<16xf32>
          %swap3A_221 = arith.index_cast %add3A_194 : i32 to index
          %swap3A_222 = arith.constant 16 : index
          %swap3A_223 = tpu.vector_load %arg13[%swap3A_221, %swap3A_222] {strides = array<i32>} : memref<512x32xf32, #tpu.memory_space<vmem>>, vector<1x16xf32>,
          %swap3A_224 = vector.shape_cast %swap3A_223 : vector<1x16xf32> to vector<16xf32>
          %swap3A_225 = vector.shape_cast %max3A_220 : vector<16xf32> to vector<1x16xf32>
          tpu.vector_store %arg13[%swap3A_221, %swap3A_222], %swap3A_225 {strides = array<i32>} : memref<512x32xf32, #tpu.memory_space<vmem>>, vector<1x16xf32>,
        }
        %scan3A_186 = arith.constant 512 : i32
        %run_scoped3A = arith.constant 0 : i32
        "tpu.region"() ({
          %run_scoped3A_190 = tpu.sem_alloc : memref<!tpu.dma_semaphore, #tpu.memory_space<semaphore_mem>>
          %dma_start3A = arith.constant 0 : i32
          %dma_start3A_191 = arith.constant 0 : i32
          %dma_start3A_192 = tpu.memref_slice %arg13[%dma_start3A, %dma_start3A_191] : memref<512x32xf32, #tpu.memory_space<vmem>> -> memref<128x32xf32, #tpu.memory_space<vmem>>
          %dma_start3A_193 = arith.constant 0 : i32
          %dma_start3A_194 = tpu.memref_slice %arg11[%run_scoped3A, %dma_start3A_193] : memref<4x128xi32, #tpu.memory_space<vmem>> -> memref<1x128xi32, #tpu.memory_space<vmem>>
          %dma_start3A_195 = tpu.memref_squeeze %dma_start3A_194 : memref<1x128xi32, #tpu.memory_space<vmem>> -> memref<128xi32, #tpu.memory_space<vmem>>
          %dma_start3A_196 = arith.constant 0 : i32
          %dma_start3A_197 = arith.constant 0 : i32
          %dma_start3A_198 = tpu.memref_slice %arg19[%dma_start3A_196, %dma_start3A_197] : memref<10240x32xf32, #tpu.memory_space<vmem_shared>> -> memref<10240x32xf32, #tpu.memory_space<vmem_shared>>
          tpu.enqueue_indirect_dma source(%dma_start3A_192 : memref<128x32xf32, #tpu.memory_space<vmem>>) target(%dma_start3A_198 : memref<10240x32xf32, #tpu.memory_space<vmem_shared>>) offsets(%dma_start3A_195 : memref<128xi32, #tpu.memory_space<vmem>>) semaphore(%run_scoped3A_190 : memref<!tpu.dma_semaphore, #tpu.memory_space<semaphore_mem>>) {add = true}
          %dma_wait3A_199 = arith.constant 0 : i32
          %dma_wait3A_200 = arith.constant 0 : i32
          %dma_wait3A_201 = tpu.memref_slice %arg13[%dma_wait3A_199, %dma_wait3A_200] : memref<512x32xf32, #tpu.memory_space<vmem>> -> memref<128x32xf32, #tpu.memory_space<vmem>>
          %dma_wait3A_202 = arith.constant 0 : i32
          %dma_wait3A_203 = tpu.memref_slice %arg11[%run_scoped3A, %dma_wait3A_202] : memref<4x128xi32, #tpu.memory_space<vmem>> -> memref<1x128xi32, #tpu.memory_space<vmem>>
          %dma_wait3A_204 = tpu.memref_squeeze %dma_wait3A_203 : memref<1x128xi32, #tpu.memory_space<vmem>> -> memref<128xi32, #tpu.memory_space<vmem>>
          %dma_wait3A_205 = arith.constant 0 : i32
          %dma_wait3A_206 = arith.constant 0 : i32
          %dma_wait3A_207 = tpu.memref_slice %arg19[%dma_wait3A_205, %dma_wait3A_206] : memref<10240x32xf32, #tpu.memory_space<vmem_shared>> -> memref<10240x32xf32, #tpu.memory_space<vmem_shared>>
          tpu.wait_indirect_dma semaphore(%run_scoped3A_190 : memref<!tpu.dma_semaphore, #tpu.memory_space<semaphore_mem>>) src(%dma_wait3A_201 : memref<128x32xf32, #tpu.memory_space<vmem>>) dst(%dma_wait3A_207 : memref<10240x32xf32, #tpu.memory_space<vmem_shared>>)
          tpu.yield
        }) : () -> ()
        %run_scoped3A_187 = arith.constant 1 : i32
        "tpu.region"() ({
          %run_scoped3A_190 = tpu.sem_alloc : memref<!tpu.dma_semaphore, #tpu.memory_space<semaphore_mem>>
          %dma_start3A = arith.constant 128 : i32
          %dma_start3A_191 = arith.constant 0 : i32
          %dma_start3A_192 = tpu.memref_slice %arg13[%dma_start3A, %dma_start3A_191] : memref<512x32xf32, #tpu.memory_space<vmem>> -> memref<128x32xf32, #tpu.memory_space<vmem>>
          %dma_start3A_193 = arith.constant 0 : i32
          %dma_start3A_194 = tpu.memref_slice %arg11[%run_scoped3A_187, %dma_start3A_193] : memref<4x128xi32, #tpu.memory_space<vmem>> -> memref<1x128xi32, #tpu.memory_space<vmem>>
          %dma_start3A_195 = tpu.memref_squeeze %dma_start3A_194 : memref<1x128xi32, #tpu.memory_space<vmem>> -> memref<128xi32, #tpu.memory_space<vmem>>
          %dma_start3A_196 = arith.constant 0 : i32
          %dma_start3A_197 = arith.constant 0 : i32
          %dma_start3A_198 = tpu.memref_slice %arg19[%dma_start3A_196, %dma_start3A_197] : memref<10240x32xf32, #tpu.memory_space<vmem_shared>> -> memref<10240x32xf32, #tpu.memory_space<vmem_shared>>
          tpu.enqueue_indirect_dma source(%dma_start3A_192 : memref<128x32xf32, #tpu.memory_space<vmem>>) target(%dma_start3A_198 : memref<10240x32xf32, #tpu.memory_space<vmem_shared>>) offsets(%dma_start3A_195 : memref<128xi32, #tpu.memory_space<vmem>>) semaphore(%run_scoped3A_190 : memref<!tpu.dma_semaphore, #tpu.memory_space<semaphore_mem>>) {add = true}
          %dma_wait3A_199 = arith.constant 128 : i32
          %dma_wait3A_200 = arith.constant 0 : i32
          %dma_wait3A_201 = tpu.memref_slice %arg13[%dma_wait3A_199, %dma_wait3A_200] : memref<512x32xf32, #tpu.memory_space<vmem>> -> memref<128x32xf32, #tpu.memory_space<vmem>>
          %dma_wait3A_202 = arith.constant 0 : i32
          %dma_wait3A_203 = tpu.memref_slice %arg11[%run_scoped3A_187, %dma_wait3A_202] : memref<4x128xi32, #tpu.memory_space<vmem>> -> memref<1x128xi32, #tpu.memory_space<vmem>>
          %dma_wait3A_204 = tpu.memref_squeeze %dma_wait3A_203 : memref<1x128xi32, #tpu.memory_space<vmem>> -> memref<128xi32, #tpu.memory_space<vmem>>
          %dma_wait3A_205 = arith.constant 0 : i32
          %dma_wait3A_206 = arith.constant 0 : i32
          %dma_wait3A_207 = tpu.memref_slice %arg19[%dma_wait3A_205, %dma_wait3A_206] : memref<10240x32xf32, #tpu.memory_space<vmem_shared>> -> memref<10240x32xf32, #tpu.memory_space<vmem_shared>>
          tpu.wait_indirect_dma semaphore(%run_scoped3A_190 : memref<!tpu.dma_semaphore, #tpu.memory_space<semaphore_mem>>) src(%dma_wait3A_201 : memref<128x32xf32, #tpu.memory_space<vmem>>) dst(%dma_wait3A_207 : memref<10240x32xf32, #tpu.memory_space<vmem_shared>>)
          tpu.yield
        }) : () -> ()
        %run_scoped3A_188 = arith.constant 2 : i32
        "tpu.region"() ({
          %run_scoped3A_190 = tpu.sem_alloc : memref<!tpu.dma_semaphore, #tpu.memory_space<semaphore_mem>>
          %dma_start3A = arith.constant 256 : i32
          %dma_start3A_191 = arith.constant 0 : i32
          %dma_start3A_192 = tpu.memref_slice %arg13[%dma_start3A, %dma_start3A_191] : memref<512x32xf32, #tpu.memory_space<vmem>> -> memref<128x32xf32, #tpu.memory_space<vmem>>
          %dma_start3A_193 = arith.constant 0 : i32
          %dma_start3A_194 = tpu.memref_slice %arg11[%run_scoped3A_188, %dma_start3A_193] : memref<4x128xi32, #tpu.memory_space<vmem>> -> memref<1x128xi32, #tpu.memory_space<vmem>>
          %dma_start3A_195 = tpu.memref_squeeze %dma_start3A_194 : memref<1x128xi32, #tpu.memory_space<vmem>> -> memref<128xi32, #tpu.memory_space<vmem>>
          %dma_start3A_196 = arith.constant 0 : i32
          %dma_start3A_197 = arith.constant 0 : i32
          %dma_start3A_198 = tpu.memref_slice %arg19[%dma_start3A_196, %dma_start3A_197] : memref<10240x32xf32, #tpu.memory_space<vmem_shared>> -> memref<10240x32xf32, #tpu.memory_space<vmem_shared>>
          tpu.enqueue_indirect_dma source(%dma_start3A_192 : memref<128x32xf32, #tpu.memory_space<vmem>>) target(%dma_start3A_198 : memref<10240x32xf32, #tpu.memory_space<vmem_shared>>) offsets(%dma_start3A_195 : memref<128xi32, #tpu.memory_space<vmem>>) semaphore(%run_scoped3A_190 : memref<!tpu.dma_semaphore, #tpu.memory_space<semaphore_mem>>) {add = true}
          %dma_wait3A_199 = arith.constant 256 : i32
          %dma_wait3A_200 = arith.constant 0 : i32
          %dma_wait3A_201 = tpu.memref_slice %arg13[%dma_wait3A_199, %dma_wait3A_200] : memref<512x32xf32, #tpu.memory_space<vmem>> -> memref<128x32xf32, #tpu.memory_space<vmem>>
          %dma_wait3A_202 = arith.constant 0 : i32
          %dma_wait3A_203 = tpu.memref_slice %arg11[%run_scoped3A_188, %dma_wait3A_202] : memref<4x128xi32, #tpu.memory_space<vmem>> -> memref<1x128xi32, #tpu.memory_space<vmem>>
          %dma_wait3A_204 = tpu.memref_squeeze %dma_wait3A_203 : memref<1x128xi32, #tpu.memory_space<vmem>> -> memref<128xi32, #tpu.memory_space<vmem>>
          %dma_wait3A_205 = arith.constant 0 : i32
          %dma_wait3A_206 = arith.constant 0 : i32
          %dma_wait3A_207 = tpu.memref_slice %arg19[%dma_wait3A_205, %dma_wait3A_206] : memref<10240x32xf32, #tpu.memory_space<vmem_shared>> -> memref<10240x32xf32, #tpu.memory_space<vmem_shared>>
          tpu.wait_indirect_dma semaphore(%run_scoped3A_190 : memref<!tpu.dma_semaphore, #tpu.memory_space<semaphore_mem>>) src(%dma_wait3A_201 : memref<128x32xf32, #tpu.memory_space<vmem>>) dst(%dma_wait3A_207 : memref<10240x32xf32, #tpu.memory_space<vmem_shared>>)
          tpu.yield
        }) : () -> ()
        %run_scoped3A_189 = arith.constant 3 : i32
        "tpu.region"() ({
          %run_scoped3A_190 = tpu.sem_alloc : memref<!tpu.dma_semaphore, #tpu.memory_space<semaphore_mem>>
          %dma_start3A = arith.constant 384 : i32
          %dma_start3A_191 = arith.constant 0 : i32
          %dma_start3A_192 = tpu.memref_slice %arg13[%dma_start3A, %dma_start3A_191] : memref<512x32xf32, #tpu.memory_space<vmem>> -> memref<128x32xf32, #tpu.memory_space<vmem>>
          %dma_start3A_193 = arith.constant 0 : i32
          %dma_start3A_194 = tpu.memref_slice %arg11[%run_scoped3A_189, %dma_start3A_193] : memref<4x128xi32, #tpu.memory_space<vmem>> -> memref<1x128xi32, #tpu.memory_space<vmem>>
          %dma_start3A_195 = tpu.memref_squeeze %dma_start3A_194 : memref<1x128xi32, #tpu.memory_space<vmem>> -> memref<128xi32, #tpu.memory_space<vmem>>
          %dma_start3A_196 = arith.constant 0 : i32
          %dma_start3A_197 = arith.constant 0 : i32
          %dma_start3A_198 = tpu.memref_slice %arg19[%dma_start3A_196, %dma_start3A_197] : memref<10240x32xf32, #tpu.memory_space<vmem_shared>> -> memref<10240x32xf32, #tpu.memory_space<vmem_shared>>
          tpu.enqueue_indirect_dma source(%dma_start3A_192 : memref<128x32xf32, #tpu.memory_space<vmem>>) target(%dma_start3A_198 : memref<10240x32xf32, #tpu.memory_space<vmem_shared>>) offsets(%dma_start3A_195 : memref<128xi32, #tpu.memory_space<vmem>>) semaphore(%run_scoped3A_190 : memref<!tpu.dma_semaphore, #tpu.memory_space<semaphore_mem>>) {add = true}
          %dma_wait3A_199 = arith.constant 384 : i32
          %dma_wait3A_200 = arith.constant 0 : i32
          %dma_wait3A_201 = tpu.memref_slice %arg13[%dma_wait3A_199, %dma_wait3A_200] : memref<512x32xf32, #tpu.memory_space<vmem>> -> memref<128x32xf32, #tpu.memory_space<vmem>>
          %dma_wait3A_202 = arith.constant 0 : i32
          %dma_wait3A_203 = tpu.memref_slice %arg11[%run_scoped3A_189, %dma_wait3A_202] : memref<4x128xi32, #tpu.memory_space<vmem>> -> memref<1x128xi32, #tpu.memory_space<vmem>>
          %dma_wait3A_204 = tpu.memref_squeeze %dma_wait3A_203 : memref<1x128xi32, #tpu.memory_space<vmem>> -> memref<128xi32, #tpu.memory_space<vmem>>
          %dma_wait3A_205 = arith.constant 0 : i32
          %dma_wait3A_206 = arith.constant 0 : i32
          %dma_wait3A_207 = tpu.memref_slice %arg19[%dma_wait3A_205, %dma_wait3A_206] : memref<10240x32xf32, #tpu.memory_space<vmem_shared>> -> memref<10240x32xf32, #tpu.memory_space<vmem_shared>>
          tpu.wait_indirect_dma semaphore(%run_scoped3A_190 : memref<!tpu.dma_semaphore, #tpu.memory_space<semaphore_mem>>) src(%dma_wait3A_201 : memref<128x32xf32, #tpu.memory_space<vmem>>) dst(%dma_wait3A_207 : memref<10240x32xf32, #tpu.memory_space<vmem_shared>>)
          tpu.yield
        }) : () -> ()
      } else {
      }
      %lt3A_43 = arith.constant 1250 : i32
      %lt3A_44 = arith.cmpi slt, %add3A_32, %lt3A_43 : i32
      %convert_element_type3A_45 = arith.extui %lt3A_44 : i1 to i32
      %cond3A_46 = arith.constant 0 : i32
      %cond3A_47 = arith.cmpi ne, %convert_element_type3A_45, %cond3A_46 : i32
      scf.if %cond3A_47 {
        %mul3A_53 = arith.constant 4 : i32
        %mul3A_54 = arith.muli %add3A_32, %mul3A_53 : i32
        %mul3A_55 = arith.constant 128 : i32
        %mul3A_56 = arith.muli %add3A_32, %mul3A_55 : i32
        %mul3A_57 = arith.constant 128 : i32
        %mul3A_58 = arith.muli %add3A_32, %mul3A_57 : i32
        %mul3A_59 = arith.constant 128 : i32
        %mul3A_60 = arith.muli %add3A_32, %mul3A_59 : i32
        %mul3A_61 = arith.constant 128 : i32
        %mul3A_62 = arith.muli %add3A_32, %mul3A_61 : i32
        %dma_start3A = arith.constant 0 : i32
        %dma_start3A_63 = tpu.memref_slice %arg4[%mul3A_54, %dma_start3A] : memref<5000x128xi32, #tpu.memory_space<hbm>> -> memref<4x128xi32, #tpu.memory_space<hbm>>
        %dma_start3A_64 = arith.constant 0 : i32
        %dma_start3A_65 = tpu.memref_slice %arg4[%mul3A_54, %dma_start3A_64] : memref<5000x128xi32, #tpu.memory_space<hbm>> -> memref<4x128xi32, #tpu.memory_space<hbm>>
        tpu.enqueue_dma source(%dma_start3A_65 : memref<4x128xi32, #tpu.memory_space<hbm>>) target(%arg9 : memref<4x128xi32, #tpu.memory_space<vmem>>) target_semaphore(%arg20 : memref<!tpu.dma_semaphore, #tpu.memory_space<semaphore_mem>>)
        %dma_start3A_66 = arith.constant 0 : i32
        %dma_start3A_67 = tpu.memref_slice %arg5[%mul3A_54, %dma_start3A_66] : memref<5000x128xi32, #tpu.memory_space<hbm>> -> memref<4x128xi32, #tpu.memory_space<hbm>>
        %dma_start3A_68 = arith.constant 0 : i32
        %dma_start3A_69 = tpu.memref_slice %arg5[%mul3A_54, %dma_start3A_68] : memref<5000x128xi32, #tpu.memory_space<hbm>> -> memref<4x128xi32, #tpu.memory_space<hbm>>
        tpu.enqueue_dma source(%dma_start3A_69 : memref<4x128xi32, #tpu.memory_space<hbm>>) target(%arg10 : memref<4x128xi32, #tpu.memory_space<vmem>>) target_semaphore(%arg20 : memref<!tpu.dma_semaphore, #tpu.memory_space<semaphore_mem>>)
        %dma_wait3A = arith.constant 0 : i32
        %dma_wait3A_70 = tpu.memref_slice %arg4[%mul3A_54, %dma_wait3A] : memref<5000x128xi32, #tpu.memory_space<hbm>> -> memref<4x128xi32, #tpu.memory_space<hbm>>
        %dma_wait3A_71 = arith.constant 0 : i32
        %dma_wait3A_72 = tpu.memref_slice %arg4[%mul3A_54, %dma_wait3A_71] : memref<5000x128xi32, #tpu.memory_space<hbm>> -> memref<4x128xi32, #tpu.memory_space<hbm>>
        tpu.wait_dma2 semaphore(%arg20 : memref<!tpu.dma_semaphore, #tpu.memory_space<semaphore_mem>>) src(%dma_wait3A_72 : memref<4x128xi32, #tpu.memory_space<hbm>>) dst(%arg9 : memref<4x128xi32, #tpu.memory_space<vmem>>)
        %dma_wait3A_73 = arith.constant 0 : i32
        %dma_wait3A_74 = tpu.memref_slice %arg5[%mul3A_54, %dma_wait3A_73] : memref<5000x128xi32, #tpu.memory_space<hbm>> -> memref<4x128xi32, #tpu.memory_space<hbm>>
        %dma_wait3A_75 = arith.constant 0 : i32
        %dma_wait3A_76 = tpu.memref_slice %arg5[%mul3A_54, %dma_wait3A_75] : memref<5000x128xi32, #tpu.memory_space<hbm>> -> memref<4x128xi32, #tpu.memory_space<hbm>>
        tpu.wait_dma2 semaphore(%arg20 : memref<!tpu.dma_semaphore, #tpu.memory_space<semaphore_mem>>) src(%dma_wait3A_76 : memref<4x128xi32, #tpu.memory_space<hbm>>) dst(%arg10 : memref<4x128xi32, #tpu.memory_space<vmem>>)
        %dma_start3A_77 = arith.constant 0 : i32
        %dma_start3A_78 = arith.constant 0 : i32
        %dma_start3A_79 = arith.constant 0 : i32
        %dma_start3A_80 = tpu.memref_slice %arg12[%dma_start3A_78, %dma_start3A_79] : memref<512x32xf32, #tpu.memory_space<vmem>> -> memref<128x32xf32, #tpu.memory_space<vmem>>
        %dma_start3A_81 = arith.constant 0 : i32
        %dma_start3A_82 = tpu.memref_slice %arg9[%dma_start3A_77, %dma_start3A_81] : memref<4x128xi32, #tpu.memory_space<vmem>> -> memref<1x128xi32, #tpu.memory_space<vmem>>
        %dma_start3A_83 = tpu.memref_squeeze %dma_start3A_82 : memref<1x128xi32, #tpu.memory_space<vmem>> -> memref<128xi32, #tpu.memory_space<vmem>>
        %dma_start3A_84 = arith.constant 0 : i32
        %dma_start3A_85 = arith.constant 0 : i32
        %dma_start3A_86 = tpu.memref_slice %arg2[%dma_start3A_84, %dma_start3A_85] : memref<320000x32xf32, #tpu.memory_space<hbm>> -> memref<320000x32xf32, #tpu.memory_space<hbm>>
        tpu.enqueue_indirect_dma source(%dma_start3A_86 : memref<320000x32xf32, #tpu.memory_space<hbm>>) target(%dma_start3A_80 : memref<128x32xf32, #tpu.memory_space<vmem>>) offsets(%dma_start3A_83 : memref<128xi32, #tpu.memory_space<vmem>>) semaphore(%arg20 : memref<!tpu.dma_semaphore, #tpu.memory_space<semaphore_mem>>)
        %dma_start3A_87 = arith.constant 0 : i32
        %dma_start3A_88 = arith.constant 0 : i32
        %dma_start3A_89 = arith.constant 0 : i32
        %dma_start3A_90 = tpu.memref_slice %arg11[%dma_start3A_88, %dma_start3A_89] : memref<4x128xi32, #tpu.memory_space<vmem>> -> memref<1x128xi32, #tpu.memory_space<vmem>>
        %dma_start3A_91 = tpu.memref_squeeze %dma_start3A_90 : memref<1x128xi32, #tpu.memory_space<vmem>> -> memref<128xi32, #tpu.memory_space<vmem>>
        %dma_start3A_92 = arith.constant 0 : i32
        %dma_start3A_93 = tpu.memref_slice %arg10[%dma_start3A_87, %dma_start3A_92] : memref<4x128xi32, #tpu.memory_space<vmem>> -> memref<1x128xi32, #tpu.memory_space<vmem>>
        %dma_start3A_94 = tpu.memref_squeeze %dma_start3A_93 : memref<1x128xi32, #tpu.memory_space<vmem>> -> memref<128xi32, #tpu.memory_space<vmem>>
        %dma_start3A_95 = arith.constant 0 : i32
        %dma_start3A_96 = tpu.memref_slice %arg6[%dma_start3A_95] : memref<320000xi32, #tpu.memory_space<hbm>> -> memref<320000xi32, #tpu.memory_space<hbm>>
        tpu.enqueue_indirect_dma source(%dma_start3A_96 : memref<320000xi32, #tpu.memory_space<hbm>>) target(%dma_start3A_91 : memref<128xi32, #tpu.memory_space<vmem>>) offsets(%dma_start3A_94 : memref<128xi32, #tpu.memory_space<vmem>>) semaphore(%arg20 : memref<!tpu.dma_semaphore, #tpu.memory_space<semaphore_mem>>)
        %dma_start3A_97 = arith.constant 0 : i32
        %dma_start3A_98 = arith.constant 0 : i32
        %dma_start3A_99 = tpu.memref_slice %arg13[%dma_start3A_97, %dma_start3A_98] : memref<512x32xf32, #tpu.memory_space<vmem>> -> memref<128x32xf32, #tpu.memory_space<vmem>>
        %dma_start3A_100 = arith.constant 0 : i32
        %dma_start3A_101 = tpu.memref_slice %arg3[%mul3A_56, %dma_start3A_100] : memref<160000x128xf32, #tpu.memory_space<hbm>> -> memref<128x32xf32, #tpu.memory_space<hbm>>
        %dma_start3A_102 = arith.constant 0 : i32
        %dma_start3A_103 = arith.constant 0 : i32
        %dma_start3A_104 = tpu.memref_slice %arg13[%dma_start3A_102, %dma_start3A_103] : memref<512x32xf32, #tpu.memory_space<vmem>> -> memref<128x32xf32, #tpu.memory_space<vmem>>
        %dma_start3A_105 = arith.constant 0 : i32
        %dma_start3A_106 = tpu.memref_slice %arg3[%mul3A_56, %dma_start3A_105] : memref<160000x128xf32, #tpu.memory_space<hbm>> -> memref<128x32xf32, #tpu.memory_space<hbm>>
        tpu.enqueue_dma source(%dma_start3A_106 : memref<128x32xf32, #tpu.memory_space<hbm>>) target(%dma_start3A_104 : memref<128x32xf32, #tpu.memory_space<vmem>>) target_semaphore(%arg20 : memref<!tpu.dma_semaphore, #tpu.memory_space<semaphore_mem>>)
        %dma_start3A_107 = arith.constant 1 : i32
        %dma_start3A_108 = arith.constant 128 : i32
        %dma_start3A_109 = arith.constant 0 : i32
        %dma_start3A_110 = tpu.memref_slice %arg12[%dma_start3A_108, %dma_start3A_109] : memref<512x32xf32, #tpu.memory_space<vmem>> -> memref<128x32xf32, #tpu.memory_space<vmem>>
        %dma_start3A_111 = arith.constant 0 : i32
        %dma_start3A_112 = tpu.memref_slice %arg9[%dma_start3A_107, %dma_start3A_111] : memref<4x128xi32, #tpu.memory_space<vmem>> -> memref<1x128xi32, #tpu.memory_space<vmem>>
        %dma_start3A_113 = tpu.memref_squeeze %dma_start3A_112 : memref<1x128xi32, #tpu.memory_space<vmem>> -> memref<128xi32, #tpu.memory_space<vmem>>
        %dma_start3A_114 = arith.constant 0 : i32
        %dma_start3A_115 = arith.constant 0 : i32
        %dma_start3A_116 = tpu.memref_slice %arg2[%dma_start3A_114, %dma_start3A_115] : memref<320000x32xf32, #tpu.memory_space<hbm>> -> memref<320000x32xf32, #tpu.memory_space<hbm>>
        tpu.enqueue_indirect_dma source(%dma_start3A_116 : memref<320000x32xf32, #tpu.memory_space<hbm>>) target(%dma_start3A_110 : memref<128x32xf32, #tpu.memory_space<vmem>>) offsets(%dma_start3A_113 : memref<128xi32, #tpu.memory_space<vmem>>) semaphore(%arg20 : memref<!tpu.dma_semaphore, #tpu.memory_space<semaphore_mem>>)
        %dma_start3A_117 = arith.constant 1 : i32
        %dma_start3A_118 = arith.constant 1 : i32
        %dma_start3A_119 = arith.constant 0 : i32
        %dma_start3A_120 = tpu.memref_slice %arg11[%dma_start3A_118, %dma_start3A_119] : memref<4x128xi32, #tpu.memory_space<vmem>> -> memref<1x128xi32, #tpu.memory_space<vmem>>
        %dma_start3A_121 = tpu.memref_squeeze %dma_start3A_120 : memref<1x128xi32, #tpu.memory_space<vmem>> -> memref<128xi32, #tpu.memory_space<vmem>>
        %dma_start3A_122 = arith.constant 0 : i32
        %dma_start3A_123 = tpu.memref_slice %arg10[%dma_start3A_117, %dma_start3A_122] : memref<4x128xi32, #tpu.memory_space<vmem>> -> memref<1x128xi32, #tpu.memory_space<vmem>>
        %dma_start3A_124 = tpu.memref_squeeze %dma_start3A_123 : memref<1x128xi32, #tpu.memory_space<vmem>> -> memref<128xi32, #tpu.memory_space<vmem>>
        %dma_start3A_125 = arith.constant 0 : i32
        %dma_start3A_126 = tpu.memref_slice %arg6[%dma_start3A_125] : memref<320000xi32, #tpu.memory_space<hbm>> -> memref<320000xi32, #tpu.memory_space<hbm>>
        tpu.enqueue_indirect_dma source(%dma_start3A_126 : memref<320000xi32, #tpu.memory_space<hbm>>) target(%dma_start3A_121 : memref<128xi32, #tpu.memory_space<vmem>>) offsets(%dma_start3A_124 : memref<128xi32, #tpu.memory_space<vmem>>) semaphore(%arg20 : memref<!tpu.dma_semaphore, #tpu.memory_space<semaphore_mem>>)
        %dma_start3A_127 = arith.constant 128 : i32
        %dma_start3A_128 = arith.constant 0 : i32
        %dma_start3A_129 = tpu.memref_slice %arg13[%dma_start3A_127, %dma_start3A_128] : memref<512x32xf32, #tpu.memory_space<vmem>> -> memref<128x32xf32, #tpu.memory_space<vmem>>
        %dma_start3A_130 = arith.constant 32 : i32
        %dma_start3A_131 = tpu.memref_slice %arg3[%mul3A_58, %dma_start3A_130] : memref<160000x128xf32, #tpu.memory_space<hbm>> -> memref<128x32xf32, #tpu.memory_space<hbm>>
        %dma_start3A_132 = arith.constant 128 : i32
        %dma_start3A_133 = arith.constant 0 : i32
        %dma_start3A_134 = tpu.memref_slice %arg13[%dma_start3A_132, %dma_start3A_133] : memref<512x32xf32, #tpu.memory_space<vmem>> -> memref<128x32xf32, #tpu.memory_space<vmem>>
        %dma_start3A_135 = arith.constant 32 : i32
        %dma_start3A_136 = tpu.memref_slice %arg3[%mul3A_58, %dma_start3A_135] : memref<160000x128xf32, #tpu.memory_space<hbm>> -> memref<128x32xf32, #tpu.memory_space<hbm>>
        tpu.enqueue_dma source(%dma_start3A_136 : memref<128x32xf32, #tpu.memory_space<hbm>>) target(%dma_start3A_134 : memref<128x32xf32, #tpu.memory_space<vmem>>) target_semaphore(%arg20 : memref<!tpu.dma_semaphore, #tpu.memory_space<semaphore_mem>>)
        %dma_start3A_137 = arith.constant 2 : i32
        %dma_start3A_138 = arith.constant 256 : i32
        %dma_start3A_139 = arith.constant 0 : i32
        %dma_start3A_140 = tpu.memref_slice %arg12[%dma_start3A_138, %dma_start3A_139] : memref<512x32xf32, #tpu.memory_space<vmem>> -> memref<128x32xf32, #tpu.memory_space<vmem>>
        %dma_start3A_141 = arith.constant 0 : i32
        %dma_start3A_142 = tpu.memref_slice %arg9[%dma_start3A_137, %dma_start3A_141] : memref<4x128xi32, #tpu.memory_space<vmem>> -> memref<1x128xi32, #tpu.memory_space<vmem>>
        %dma_start3A_143 = tpu.memref_squeeze %dma_start3A_142 : memref<1x128xi32, #tpu.memory_space<vmem>> -> memref<128xi32, #tpu.memory_space<vmem>>
        %dma_start3A_144 = arith.constant 0 : i32
        %dma_start3A_145 = arith.constant 0 : i32
        %dma_start3A_146 = tpu.memref_slice %arg2[%dma_start3A_144, %dma_start3A_145] : memref<320000x32xf32, #tpu.memory_space<hbm>> -> memref<320000x32xf32, #tpu.memory_space<hbm>>
        tpu.enqueue_indirect_dma source(%dma_start3A_146 : memref<320000x32xf32, #tpu.memory_space<hbm>>) target(%dma_start3A_140 : memref<128x32xf32, #tpu.memory_space<vmem>>) offsets(%dma_start3A_143 : memref<128xi32, #tpu.memory_space<vmem>>) semaphore(%arg20 : memref<!tpu.dma_semaphore, #tpu.memory_space<semaphore_mem>>)
        %dma_start3A_147 = arith.constant 2 : i32
        %dma_start3A_148 = arith.constant 2 : i32
        %dma_start3A_149 = arith.constant 0 : i32
        %dma_start3A_150 = tpu.memref_slice %arg11[%dma_start3A_148, %dma_start3A_149] : memref<4x128xi32, #tpu.memory_space<vmem>> -> memref<1x128xi32, #tpu.memory_space<vmem>>
        %dma_start3A_151 = tpu.memref_squeeze %dma_start3A_150 : memref<1x128xi32, #tpu.memory_space<vmem>> -> memref<128xi32, #tpu.memory_space<vmem>>
        %dma_start3A_152 = arith.constant 0 : i32
        %dma_start3A_153 = tpu.memref_slice %arg10[%dma_start3A_147, %dma_start3A_152] : memref<4x128xi32, #tpu.memory_space<vmem>> -> memref<1x128xi32, #tpu.memory_space<vmem>>
        %dma_start3A_154 = tpu.memref_squeeze %dma_start3A_153 : memref<1x128xi32, #tpu.memory_space<vmem>> -> memref<128xi32, #tpu.memory_space<vmem>>
        %dma_start3A_155 = arith.constant 0 : i32
        %dma_start3A_156 = tpu.memref_slice %arg6[%dma_start3A_155] : memref<320000xi32, #tpu.memory_space<hbm>> -> memref<320000xi32, #tpu.memory_space<hbm>>
        tpu.enqueue_indirect_dma source(%dma_start3A_156 : memref<320000xi32, #tpu.memory_space<hbm>>) target(%dma_start3A_151 : memref<128xi32, #tpu.memory_space<vmem>>) offsets(%dma_start3A_154 : memref<128xi32, #tpu.memory_space<vmem>>) semaphore(%arg20 : memref<!tpu.dma_semaphore, #tpu.memory_space<semaphore_mem>>)
        %dma_start3A_157 = arith.constant 256 : i32
        %dma_start3A_158 = arith.constant 0 : i32
        %dma_start3A_159 = tpu.memref_slice %arg13[%dma_start3A_157, %dma_start3A_158] : memref<512x32xf32, #tpu.memory_space<vmem>> -> memref<128x32xf32, #tpu.memory_space<vmem>>
        %dma_start3A_160 = arith.constant 64 : i32
        %dma_start3A_161 = tpu.memref_slice %arg3[%mul3A_60, %dma_start3A_160] : memref<160000x128xf32, #tpu.memory_space<hbm>> -> memref<128x32xf32, #tpu.memory_space<hbm>>
        %dma_start3A_162 = arith.constant 256 : i32
        %dma_start3A_163 = arith.constant 0 : i32
        %dma_start3A_164 = tpu.memref_slice %arg13[%dma_start3A_162, %dma_start3A_163] : memref<512x32xf32, #tpu.memory_space<vmem>> -> memref<128x32xf32, #tpu.memory_space<vmem>>
        %dma_start3A_165 = arith.constant 64 : i32
        %dma_start3A_166 = tpu.memref_slice %arg3[%mul3A_60, %dma_start3A_165] : memref<160000x128xf32, #tpu.memory_space<hbm>> -> memref<128x32xf32, #tpu.memory_space<hbm>>
        tpu.enqueue_dma source(%dma_start3A_166 : memref<128x32xf32, #tpu.memory_space<hbm>>) target(%dma_start3A_164 : memref<128x32xf32, #tpu.memory_space<vmem>>) target_semaphore(%arg20 : memref<!tpu.dma_semaphore, #tpu.memory_space<semaphore_mem>>)
        %dma_start3A_167 = arith.constant 3 : i32
        %dma_start3A_168 = arith.constant 384 : i32
        %dma_start3A_169 = arith.constant 0 : i32
        %dma_start3A_170 = tpu.memref_slice %arg12[%dma_start3A_168, %dma_start3A_169] : memref<512x32xf32, #tpu.memory_space<vmem>> -> memref<128x32xf32, #tpu.memory_space<vmem>>
        %dma_start3A_171 = arith.constant 0 : i32
        %dma_start3A_172 = tpu.memref_slice %arg9[%dma_start3A_167, %dma_start3A_171] : memref<4x128xi32, #tpu.memory_space<vmem>> -> memref<1x128xi32, #tpu.memory_space<vmem>>
        %dma_start3A_173 = tpu.memref_squeeze %dma_start3A_172 : memref<1x128xi32, #tpu.memory_space<vmem>> -> memref<128xi32, #tpu.memory_space<vmem>>
        %dma_start3A_174 = arith.constant 0 : i32
        %dma_start3A_175 = arith.constant 0 : i32
        %dma_start3A_176 = tpu.memref_slice %arg2[%dma_start3A_174, %dma_start3A_175] : memref<320000x32xf32, #tpu.memory_space<hbm>> -> memref<320000x32xf32, #tpu.memory_space<hbm>>
        tpu.enqueue_indirect_dma source(%dma_start3A_176 : memref<320000x32xf32, #tpu.memory_space<hbm>>) target(%dma_start3A_170 : memref<128x32xf32, #tpu.memory_space<vmem>>) offsets(%dma_start3A_173 : memref<128xi32, #tpu.memory_space<vmem>>) semaphore(%arg20 : memref<!tpu.dma_semaphore, #tpu.memory_space<semaphore_mem>>)
        %dma_start3A_177 = arith.constant 3 : i32
        %dma_start3A_178 = arith.constant 3 : i32
        %dma_start3A_179 = arith.constant 0 : i32
        %dma_start3A_180 = tpu.memref_slice %arg11[%dma_start3A_178, %dma_start3A_179] : memref<4x128xi32, #tpu.memory_space<vmem>> -> memref<1x128xi32, #tpu.memory_space<vmem>>
        %dma_start3A_181 = tpu.memref_squeeze %dma_start3A_180 : memref<1x128xi32, #tpu.memory_space<vmem>> -> memref<128xi32, #tpu.memory_space<vmem>>
        %dma_start3A_182 = arith.constant 0 : i32
        %dma_start3A_183 = tpu.memref_slice %arg10[%dma_start3A_177, %dma_start3A_182] : memref<4x128xi32, #tpu.memory_space<vmem>> -> memref<1x128xi32, #tpu.memory_space<vmem>>
        %dma_start3A_184 = tpu.memref_squeeze %dma_start3A_183 : memref<1x128xi32, #tpu.memory_space<vmem>> -> memref<128xi32, #tpu.memory_space<vmem>>
        %dma_start3A_185 = arith.constant 0 : i32
        %dma_start3A_186 = tpu.memref_slice %arg6[%dma_start3A_185] : memref<320000xi32, #tpu.memory_space<hbm>> -> memref<320000xi32, #tpu.memory_space<hbm>>
        tpu.enqueue_indirect_dma source(%dma_start3A_186 : memref<320000xi32, #tpu.memory_space<hbm>>) target(%dma_start3A_181 : memref<128xi32, #tpu.memory_space<vmem>>) offsets(%dma_start3A_184 : memref<128xi32, #tpu.memory_space<vmem>>) semaphore(%arg20 : memref<!tpu.dma_semaphore, #tpu.memory_space<semaphore_mem>>)
        %dma_start3A_187 = arith.constant 384 : i32
        %dma_start3A_188 = arith.constant 0 : i32
        %dma_start3A_189 = tpu.memref_slice %arg13[%dma_start3A_187, %dma_start3A_188] : memref<512x32xf32, #tpu.memory_space<vmem>> -> memref<128x32xf32, #tpu.memory_space<vmem>>
        %dma_start3A_190 = arith.constant 96 : i32
        %dma_start3A_191 = tpu.memref_slice %arg3[%mul3A_62, %dma_start3A_190] : memref<160000x128xf32, #tpu.memory_space<hbm>> -> memref<128x32xf32, #tpu.memory_space<hbm>>
        %dma_start3A_192 = arith.constant 384 : i32
        %dma_start3A_193 = arith.constant 0 : i32
        %dma_start3A_194 = tpu.memref_slice %arg13[%dma_start3A_192, %dma_start3A_193] : memref<512x32xf32, #tpu.memory_space<vmem>> -> memref<128x32xf32, #tpu.memory_space<vmem>>
        %dma_start3A_195 = arith.constant 96 : i32
        %dma_start3A_196 = tpu.memref_slice %arg3[%mul3A_62, %dma_start3A_195] : memref<160000x128xf32, #tpu.memory_space<hbm>> -> memref<128x32xf32, #tpu.memory_space<hbm>>
        tpu.enqueue_dma source(%dma_start3A_196 : memref<128x32xf32, #tpu.memory_space<hbm>>) target(%dma_start3A_194 : memref<128x32xf32, #tpu.memory_space<vmem>>) target_semaphore(%arg20 : memref<!tpu.dma_semaphore, #tpu.memory_space<semaphore_mem>>)
      } else {
      }
      %lt3A_48 = arith.constant 1250 : i32
      %lt3A_49 = arith.cmpi slt, %add3A_30, %lt3A_48 : i32
      %convert_element_type3A_50 = arith.extui %lt3A_49 : i1 to i32
      %cond3A_51 = arith.constant 0 : i32
      %cond3A_52 = arith.cmpi ne, %convert_element_type3A_50, %cond3A_51 : i32
      scf.if %cond3A_52 {
        %mul3A_53 = arith.constant 4 : i32
        %mul3A_54 = arith.muli %add3A_30, %mul3A_53 : i32
        %mul3A_55 = arith.constant 128 : i32
        %mul3A_56 = arith.muli %add3A_30, %mul3A_55 : i32
        %mul3A_57 = arith.constant 128 : i32
        %mul3A_58 = arith.muli %add3A_30, %mul3A_57 : i32
        %mul3A_59 = arith.constant 128 : i32
        %mul3A_60 = arith.muli %add3A_30, %mul3A_59 : i32
        %mul3A_61 = arith.constant 128 : i32
        %mul3A_62 = arith.muli %add3A_30, %mul3A_61 : i32
        %dma_wait3A = arith.constant 0 : i32
        %dma_wait3A_63 = arith.constant 0 : i32
        %dma_wait3A_64 = arith.constant 0 : i32
        %dma_wait3A_65 = tpu.memref_slice %arg17[%dma_wait3A_63, %dma_wait3A_64] : memref<512x32xf32, #tpu.memory_space<vmem>> -> memref<128x32xf32, #tpu.memory_space<vmem>>
        %dma_wait3A_66 = arith.constant 0 : i32
        %dma_wait3A_67 = tpu.memref_slice %arg14[%dma_wait3A, %dma_wait3A_66] : memref<4x128xi32, #tpu.memory_space<vmem>> -> memref<1x128xi32, #tpu.memory_space<vmem>>
        %dma_wait3A_68 = tpu.memref_squeeze %dma_wait3A_67 : memref<1x128xi32, #tpu.memory_space<vmem>> -> memref<128xi32, #tpu.memory_space<vmem>>
        %dma_wait3A_69 = arith.constant 0 : i32
        %dma_wait3A_70 = arith.constant 0 : i32
        %dma_wait3A_71 = tpu.memref_slice %arg2[%dma_wait3A_69, %dma_wait3A_70] : memref<320000x32xf32, #tpu.memory_space<hbm>> -> memref<320000x32xf32, #tpu.memory_space<hbm>>
        tpu.wait_indirect_dma semaphore(%arg21 : memref<!tpu.dma_semaphore, #tpu.memory_space<semaphore_mem>>) src(%dma_wait3A_71 : memref<320000x32xf32, #tpu.memory_space<hbm>>) dst(%dma_wait3A_65 : memref<128x32xf32, #tpu.memory_space<vmem>>)
        %dma_wait3A_72 = arith.constant 0 : i32
        %dma_wait3A_73 = arith.constant 0 : i32
        %dma_wait3A_74 = arith.constant 0 : i32
        %dma_wait3A_75 = tpu.memref_slice %arg16[%dma_wait3A_73, %dma_wait3A_74] : memref<4x128xi32, #tpu.memory_space<vmem>> -> memref<1x128xi32, #tpu.memory_space<vmem>>
        %dma_wait3A_76 = tpu.memref_squeeze %dma_wait3A_75 : memref<1x128xi32, #tpu.memory_space<vmem>> -> memref<128xi32, #tpu.memory_space<vmem>>
        %dma_wait3A_77 = arith.constant 0 : i32
        %dma_wait3A_78 = tpu.memref_slice %arg15[%dma_wait3A_72, %dma_wait3A_77] : memref<4x128xi32, #tpu.memory_space<vmem>> -> memref<1x128xi32, #tpu.memory_space<vmem>>
        %dma_wait3A_79 = tpu.memref_squeeze %dma_wait3A_78 : memref<1x128xi32, #tpu.memory_space<vmem>> -> memref<128xi32, #tpu.memory_space<vmem>>
        %dma_wait3A_80 = arith.constant 0 : i32
        %dma_wait3A_81 = tpu.memref_slice %arg6[%dma_wait3A_80] : memref<320000xi32, #tpu.memory_space<hbm>> -> memref<320000xi32, #tpu.memory_space<hbm>>
        tpu.wait_indirect_dma semaphore(%arg21 : memref<!tpu.dma_semaphore, #tpu.memory_space<semaphore_mem>>) src(%dma_wait3A_81 : memref<320000xi32, #tpu.memory_space<hbm>>) dst(%dma_wait3A_76 : memref<128xi32, #tpu.memory_space<vmem>>)
        %dma_wait3A_82 = arith.constant 0 : i32
        %dma_wait3A_83 = arith.constant 0 : i32
        %dma_wait3A_84 = tpu.memref_slice %arg18[%dma_wait3A_82, %dma_wait3A_83] : memref<512x32xf32, #tpu.memory_space<vmem>> -> memref<128x32xf32, #tpu.memory_space<vmem>>
        %dma_wait3A_85 = arith.constant 0 : i32
        %dma_wait3A_86 = tpu.memref_slice %arg3[%mul3A_56, %dma_wait3A_85] : memref<160000x128xf32, #tpu.memory_space<hbm>> -> memref<128x32xf32, #tpu.memory_space<hbm>>
        %dma_wait3A_87 = arith.constant 0 : i32
        %dma_wait3A_88 = arith.constant 0 : i32
        %dma_wait3A_89 = tpu.memref_slice %arg18[%dma_wait3A_87, %dma_wait3A_88] : memref<512x32xf32, #tpu.memory_space<vmem>> -> memref<128x32xf32, #tpu.memory_space<vmem>>
        %dma_wait3A_90 = arith.constant 0 : i32
        %dma_wait3A_91 = tpu.memref_slice %arg3[%mul3A_56, %dma_wait3A_90] : memref<160000x128xf32, #tpu.memory_space<hbm>> -> memref<128x32xf32, #tpu.memory_space<hbm>>
        tpu.wait_dma2 semaphore(%arg21 : memref<!tpu.dma_semaphore, #tpu.memory_space<semaphore_mem>>) src(%dma_wait3A_91 : memref<128x32xf32, #tpu.memory_space<hbm>>) dst(%dma_wait3A_89 : memref<128x32xf32, #tpu.memory_space<vmem>>)
        %dma_wait3A_92 = arith.constant 1 : i32
        %dma_wait3A_93 = arith.constant 128 : i32
        %dma_wait3A_94 = arith.constant 0 : i32
        %dma_wait3A_95 = tpu.memref_slice %arg17[%dma_wait3A_93, %dma_wait3A_94] : memref<512x32xf32, #tpu.memory_space<vmem>> -> memref<128x32xf32, #tpu.memory_space<vmem>>
        %dma_wait3A_96 = arith.constant 0 : i32
        %dma_wait3A_97 = tpu.memref_slice %arg14[%dma_wait3A_92, %dma_wait3A_96] : memref<4x128xi32, #tpu.memory_space<vmem>> -> memref<1x128xi32, #tpu.memory_space<vmem>>
        %dma_wait3A_98 = tpu.memref_squeeze %dma_wait3A_97 : memref<1x128xi32, #tpu.memory_space<vmem>> -> memref<128xi32, #tpu.memory_space<vmem>>
        %dma_wait3A_99 = arith.constant 0 : i32
        %dma_wait3A_100 = arith.constant 0 : i32
        %dma_wait3A_101 = tpu.memref_slice %arg2[%dma_wait3A_99, %dma_wait3A_100] : memref<320000x32xf32, #tpu.memory_space<hbm>> -> memref<320000x32xf32, #tpu.memory_space<hbm>>
        tpu.wait_indirect_dma semaphore(%arg21 : memref<!tpu.dma_semaphore, #tpu.memory_space<semaphore_mem>>) src(%dma_wait3A_101 : memref<320000x32xf32, #tpu.memory_space<hbm>>) dst(%dma_wait3A_95 : memref<128x32xf32, #tpu.memory_space<vmem>>)
        %dma_wait3A_102 = arith.constant 1 : i32
        %dma_wait3A_103 = arith.constant 1 : i32
        %dma_wait3A_104 = arith.constant 0 : i32
        %dma_wait3A_105 = tpu.memref_slice %arg16[%dma_wait3A_103, %dma_wait3A_104] : memref<4x128xi32, #tpu.memory_space<vmem>> -> memref<1x128xi32, #tpu.memory_space<vmem>>
        %dma_wait3A_106 = tpu.memref_squeeze %dma_wait3A_105 : memref<1x128xi32, #tpu.memory_space<vmem>> -> memref<128xi32, #tpu.memory_space<vmem>>
        %dma_wait3A_107 = arith.constant 0 : i32
        %dma_wait3A_108 = tpu.memref_slice %arg15[%dma_wait3A_102, %dma_wait3A_107] : memref<4x128xi32, #tpu.memory_space<vmem>> -> memref<1x128xi32, #tpu.memory_space<vmem>>
        %dma_wait3A_109 = tpu.memref_squeeze %dma_wait3A_108 : memref<1x128xi32, #tpu.memory_space<vmem>> -> memref<128xi32, #tpu.memory_space<vmem>>
        %dma_wait3A_110 = arith.constant 0 : i32
        %dma_wait3A_111 = tpu.memref_slice %arg6[%dma_wait3A_110] : memref<320000xi32, #tpu.memory_space<hbm>> -> memref<320000xi32, #tpu.memory_space<hbm>>
        tpu.wait_indirect_dma semaphore(%arg21 : memref<!tpu.dma_semaphore, #tpu.memory_space<semaphore_mem>>) src(%dma_wait3A_111 : memref<320000xi32, #tpu.memory_space<hbm>>) dst(%dma_wait3A_106 : memref<128xi32, #tpu.memory_space<vmem>>)
        %dma_wait3A_112 = arith.constant 128 : i32
        %dma_wait3A_113 = arith.constant 0 : i32
        %dma_wait3A_114 = tpu.memref_slice %arg18[%dma_wait3A_112, %dma_wait3A_113] : memref<512x32xf32, #tpu.memory_space<vmem>> -> memref<128x32xf32, #tpu.memory_space<vmem>>
        %dma_wait3A_115 = arith.constant 32 : i32
        %dma_wait3A_116 = tpu.memref_slice %arg3[%mul3A_58, %dma_wait3A_115] : memref<160000x128xf32, #tpu.memory_space<hbm>> -> memref<128x32xf32, #tpu.memory_space<hbm>>
        %dma_wait3A_117 = arith.constant 128 : i32
        %dma_wait3A_118 = arith.constant 0 : i32
        %dma_wait3A_119 = tpu.memref_slice %arg18[%dma_wait3A_117, %dma_wait3A_118] : memref<512x32xf32, #tpu.memory_space<vmem>> -> memref<128x32xf32, #tpu.memory_space<vmem>>
        %dma_wait3A_120 = arith.constant 32 : i32
        %dma_wait3A_121 = tpu.memref_slice %arg3[%mul3A_58, %dma_wait3A_120] : memref<160000x128xf32, #tpu.memory_space<hbm>> -> memref<128x32xf32, #tpu.memory_space<hbm>>
        tpu.wait_dma2 semaphore(%arg21 : memref<!tpu.dma_semaphore, #tpu.memory_space<semaphore_mem>>) src(%dma_wait3A_121 : memref<128x32xf32, #tpu.memory_space<hbm>>) dst(%dma_wait3A_119 : memref<128x32xf32, #tpu.memory_space<vmem>>)
        %dma_wait3A_122 = arith.constant 2 : i32
        %dma_wait3A_123 = arith.constant 256 : i32
        %dma_wait3A_124 = arith.constant 0 : i32
        %dma_wait3A_125 = tpu.memref_slice %arg17[%dma_wait3A_123, %dma_wait3A_124] : memref<512x32xf32, #tpu.memory_space<vmem>> -> memref<128x32xf32, #tpu.memory_space<vmem>>
        %dma_wait3A_126 = arith.constant 0 : i32
        %dma_wait3A_127 = tpu.memref_slice %arg14[%dma_wait3A_122, %dma_wait3A_126] : memref<4x128xi32, #tpu.memory_space<vmem>> -> memref<1x128xi32, #tpu.memory_space<vmem>>
        %dma_wait3A_128 = tpu.memref_squeeze %dma_wait3A_127 : memref<1x128xi32, #tpu.memory_space<vmem>> -> memref<128xi32, #tpu.memory_space<vmem>>
        %dma_wait3A_129 = arith.constant 0 : i32
        %dma_wait3A_130 = arith.constant 0 : i32
        %dma_wait3A_131 = tpu.memref_slice %arg2[%dma_wait3A_129, %dma_wait3A_130] : memref<320000x32xf32, #tpu.memory_space<hbm>> -> memref<320000x32xf32, #tpu.memory_space<hbm>>
        tpu.wait_indirect_dma semaphore(%arg21 : memref<!tpu.dma_semaphore, #tpu.memory_space<semaphore_mem>>) src(%dma_wait3A_131 : memref<320000x32xf32, #tpu.memory_space<hbm>>) dst(%dma_wait3A_125 : memref<128x32xf32, #tpu.memory_space<vmem>>)
        %dma_wait3A_132 = arith.constant 2 : i32
        %dma_wait3A_133 = arith.constant 2 : i32
        %dma_wait3A_134 = arith.constant 0 : i32
        %dma_wait3A_135 = tpu.memref_slice %arg16[%dma_wait3A_133, %dma_wait3A_134] : memref<4x128xi32, #tpu.memory_space<vmem>> -> memref<1x128xi32, #tpu.memory_space<vmem>>
        %dma_wait3A_136 = tpu.memref_squeeze %dma_wait3A_135 : memref<1x128xi32, #tpu.memory_space<vmem>> -> memref<128xi32, #tpu.memory_space<vmem>>
        %dma_wait3A_137 = arith.constant 0 : i32
        %dma_wait3A_138 = tpu.memref_slice %arg15[%dma_wait3A_132, %dma_wait3A_137] : memref<4x128xi32, #tpu.memory_space<vmem>> -> memref<1x128xi32, #tpu.memory_space<vmem>>
        %dma_wait3A_139 = tpu.memref_squeeze %dma_wait3A_138 : memref<1x128xi32, #tpu.memory_space<vmem>> -> memref<128xi32, #tpu.memory_space<vmem>>
        %dma_wait3A_140 = arith.constant 0 : i32
        %dma_wait3A_141 = tpu.memref_slice %arg6[%dma_wait3A_140] : memref<320000xi32, #tpu.memory_space<hbm>> -> memref<320000xi32, #tpu.memory_space<hbm>>
        tpu.wait_indirect_dma semaphore(%arg21 : memref<!tpu.dma_semaphore, #tpu.memory_space<semaphore_mem>>) src(%dma_wait3A_141 : memref<320000xi32, #tpu.memory_space<hbm>>) dst(%dma_wait3A_136 : memref<128xi32, #tpu.memory_space<vmem>>)
        %dma_wait3A_142 = arith.constant 256 : i32
        %dma_wait3A_143 = arith.constant 0 : i32
        %dma_wait3A_144 = tpu.memref_slice %arg18[%dma_wait3A_142, %dma_wait3A_143] : memref<512x32xf32, #tpu.memory_space<vmem>> -> memref<128x32xf32, #tpu.memory_space<vmem>>
        %dma_wait3A_145 = arith.constant 64 : i32
        %dma_wait3A_146 = tpu.memref_slice %arg3[%mul3A_60, %dma_wait3A_145] : memref<160000x128xf32, #tpu.memory_space<hbm>> -> memref<128x32xf32, #tpu.memory_space<hbm>>
        %dma_wait3A_147 = arith.constant 256 : i32
        %dma_wait3A_148 = arith.constant 0 : i32
        %dma_wait3A_149 = tpu.memref_slice %arg18[%dma_wait3A_147, %dma_wait3A_148] : memref<512x32xf32, #tpu.memory_space<vmem>> -> memref<128x32xf32, #tpu.memory_space<vmem>>
        %dma_wait3A_150 = arith.constant 64 : i32
        %dma_wait3A_151 = tpu.memref_slice %arg3[%mul3A_60, %dma_wait3A_150] : memref<160000x128xf32, #tpu.memory_space<hbm>> -> memref<128x32xf32, #tpu.memory_space<hbm>>
        tpu.wait_dma2 semaphore(%arg21 : memref<!tpu.dma_semaphore, #tpu.memory_space<semaphore_mem>>) src(%dma_wait3A_151 : memref<128x32xf32, #tpu.memory_space<hbm>>) dst(%dma_wait3A_149 : memref<128x32xf32, #tpu.memory_space<vmem>>)
        %dma_wait3A_152 = arith.constant 3 : i32
        %dma_wait3A_153 = arith.constant 384 : i32
        %dma_wait3A_154 = arith.constant 0 : i32
        %dma_wait3A_155 = tpu.memref_slice %arg17[%dma_wait3A_153, %dma_wait3A_154] : memref<512x32xf32, #tpu.memory_space<vmem>> -> memref<128x32xf32, #tpu.memory_space<vmem>>
        %dma_wait3A_156 = arith.constant 0 : i32
        %dma_wait3A_157 = tpu.memref_slice %arg14[%dma_wait3A_152, %dma_wait3A_156] : memref<4x128xi32, #tpu.memory_space<vmem>> -> memref<1x128xi32, #tpu.memory_space<vmem>>
        %dma_wait3A_158 = tpu.memref_squeeze %dma_wait3A_157 : memref<1x128xi32, #tpu.memory_space<vmem>> -> memref<128xi32, #tpu.memory_space<vmem>>
        %dma_wait3A_159 = arith.constant 0 : i32
        %dma_wait3A_160 = arith.constant 0 : i32
        %dma_wait3A_161 = tpu.memref_slice %arg2[%dma_wait3A_159, %dma_wait3A_160] : memref<320000x32xf32, #tpu.memory_space<hbm>> -> memref<320000x32xf32, #tpu.memory_space<hbm>>
        tpu.wait_indirect_dma semaphore(%arg21 : memref<!tpu.dma_semaphore, #tpu.memory_space<semaphore_mem>>) src(%dma_wait3A_161 : memref<320000x32xf32, #tpu.memory_space<hbm>>) dst(%dma_wait3A_155 : memref<128x32xf32, #tpu.memory_space<vmem>>)
        %dma_wait3A_162 = arith.constant 3 : i32
        %dma_wait3A_163 = arith.constant 3 : i32
        %dma_wait3A_164 = arith.constant 0 : i32
        %dma_wait3A_165 = tpu.memref_slice %arg16[%dma_wait3A_163, %dma_wait3A_164] : memref<4x128xi32, #tpu.memory_space<vmem>> -> memref<1x128xi32, #tpu.memory_space<vmem>>
        %dma_wait3A_166 = tpu.memref_squeeze %dma_wait3A_165 : memref<1x128xi32, #tpu.memory_space<vmem>> -> memref<128xi32, #tpu.memory_space<vmem>>
        %dma_wait3A_167 = arith.constant 0 : i32
        %dma_wait3A_168 = tpu.memref_slice %arg15[%dma_wait3A_162, %dma_wait3A_167] : memref<4x128xi32, #tpu.memory_space<vmem>> -> memref<1x128xi32, #tpu.memory_space<vmem>>
        %dma_wait3A_169 = tpu.memref_squeeze %dma_wait3A_168 : memref<1x128xi32, #tpu.memory_space<vmem>> -> memref<128xi32, #tpu.memory_space<vmem>>
        %dma_wait3A_170 = arith.constant 0 : i32
        %dma_wait3A_171 = tpu.memref_slice %arg6[%dma_wait3A_170] : memref<320000xi32, #tpu.memory_space<hbm>> -> memref<320000xi32, #tpu.memory_space<hbm>>
        tpu.wait_indirect_dma semaphore(%arg21 : memref<!tpu.dma_semaphore, #tpu.memory_space<semaphore_mem>>) src(%dma_wait3A_171 : memref<320000xi32, #tpu.memory_space<hbm>>) dst(%dma_wait3A_166 : memref<128xi32, #tpu.memory_space<vmem>>)
        %dma_wait3A_172 = arith.constant 384 : i32
        %dma_wait3A_173 = arith.constant 0 : i32
        %dma_wait3A_174 = tpu.memref_slice %arg18[%dma_wait3A_172, %dma_wait3A_173] : memref<512x32xf32, #tpu.memory_space<vmem>> -> memref<128x32xf32, #tpu.memory_space<vmem>>
        %dma_wait3A_175 = arith.constant 96 : i32
        %dma_wait3A_176 = tpu.memref_slice %arg3[%mul3A_62, %dma_wait3A_175] : memref<160000x128xf32, #tpu.memory_space<hbm>> -> memref<128x32xf32, #tpu.memory_space<hbm>>
        %dma_wait3A_177 = arith.constant 384 : i32
        %dma_wait3A_178 = arith.constant 0 : i32
        %dma_wait3A_179 = tpu.memref_slice %arg18[%dma_wait3A_177, %dma_wait3A_178] : memref<512x32xf32, #tpu.memory_space<vmem>> -> memref<128x32xf32, #tpu.memory_space<vmem>>
        %dma_wait3A_180 = arith.constant 96 : i32
        %dma_wait3A_181 = tpu.memref_slice %arg3[%mul3A_62, %dma_wait3A_180] : memref<160000x128xf32, #tpu.memory_space<hbm>> -> memref<128x32xf32, #tpu.memory_space<hbm>>
        tpu.wait_dma2 semaphore(%arg21 : memref<!tpu.dma_semaphore, #tpu.memory_space<semaphore_mem>>) src(%dma_wait3A_181 : memref<128x32xf32, #tpu.memory_space<hbm>>) dst(%dma_wait3A_179 : memref<128x32xf32, #tpu.memory_space<vmem>>)
        %scan3A_182 = arith.constant 0 : i32
        %scan3A_183 = arith.constant 512 : i32
        %scan3A_184 = arith.addi %scan3A_182, %scan3A_183 : i32
        %scan3A_185 = arith.constant 1 : i32
        scf.for %scan3A_190 = %scan3A_182 to %scan3A_184 step %scan3A_185  : i32 {
          %mul3A_191 = arith.constant 1 : i32
          %mul3A_192 = arith.muli %scan3A_190, %mul3A_191 : i32
          %add3A_193 = arith.constant 0 : i32
          %add3A_194 = arith.addi %add3A_193, %mul3A_192 : i32
          %get3A = arith.index_cast %add3A_194 : i32 to index
          %get3A_195 = arith.constant 0 : index
          %get3A_196 = tpu.vector_load %arg18[%get3A, %get3A_195] {strides = array<i32>} : memref<512x32xf32, #tpu.memory_space<vmem>>, vector<1x16xf32>,
          %get3A_197 = vector.shape_cast %get3A_196 : vector<1x16xf32> to vector<16xf32>
          %get3A_198 = arith.index_cast %add3A_194 : i32 to index
          %get3A_199 = arith.constant 0 : index
          %get3A_200 = tpu.vector_load %arg17[%get3A_198, %get3A_199] {strides = array<i32>} : memref<512x32xf32, #tpu.memory_space<vmem>>, vector<1x16xf32>,
          %get3A_201 = vector.shape_cast %get3A_200 : vector<1x16xf32> to vector<16xf32>
          %add3A_202 = arith.addf %get3A_197, %get3A_201 : vector<16xf32>
          %max3A = arith.constant 0.000000e+00 : f32
          %max3A_203 = vector.broadcast %max3A : f32 to vector<16xf32>
          %max3A_204 = arith.maximumf %add3A_202, %max3A_203 : vector<16xf32>
          %swap3A = arith.index_cast %add3A_194 : i32 to index
          %swap3A_205 = arith.constant 0 : index
          %swap3A_206 = tpu.vector_load %arg18[%swap3A, %swap3A_205] {strides = array<i32>} : memref<512x32xf32, #tpu.memory_space<vmem>>, vector<1x16xf32>,
          %swap3A_207 = vector.shape_cast %swap3A_206 : vector<1x16xf32> to vector<16xf32>
          %swap3A_208 = vector.shape_cast %max3A_204 : vector<16xf32> to vector<1x16xf32>
          tpu.vector_store %arg18[%swap3A, %swap3A_205], %swap3A_208 {strides = array<i32>} : memref<512x32xf32, #tpu.memory_space<vmem>>, vector<1x16xf32>,
          %get3A_209 = arith.index_cast %add3A_194 : i32 to index
          %get3A_210 = arith.constant 16 : index
          %get3A_211 = tpu.vector_load %arg18[%get3A_209, %get3A_210] {strides = array<i32>} : memref<512x32xf32, #tpu.memory_space<vmem>>, vector<1x16xf32>,
          %get3A_212 = vector.shape_cast %get3A_211 : vector<1x16xf32> to vector<16xf32>
          %get3A_213 = arith.index_cast %add3A_194 : i32 to index
          %get3A_214 = arith.constant 16 : index
          %get3A_215 = tpu.vector_load %arg17[%get3A_213, %get3A_214] {strides = array<i32>} : memref<512x32xf32, #tpu.memory_space<vmem>>, vector<1x16xf32>,
          %get3A_216 = vector.shape_cast %get3A_215 : vector<1x16xf32> to vector<16xf32>
          %add3A_217 = arith.addf %get3A_212, %get3A_216 : vector<16xf32>
          %max3A_218 = arith.constant 0.000000e+00 : f32
          %max3A_219 = vector.broadcast %max3A_218 : f32 to vector<16xf32>
          %max3A_220 = arith.maximumf %add3A_217, %max3A_219 : vector<16xf32>
          %swap3A_221 = arith.index_cast %add3A_194 : i32 to index
          %swap3A_222 = arith.constant 16 : index
          %swap3A_223 = tpu.vector_load %arg18[%swap3A_221, %swap3A_222] {strides = array<i32>} : memref<512x32xf32, #tpu.memory_space<vmem>>, vector<1x16xf32>,
          %swap3A_224 = vector.shape_cast %swap3A_223 : vector<1x16xf32> to vector<16xf32>
          %swap3A_225 = vector.shape_cast %max3A_220 : vector<16xf32> to vector<1x16xf32>
          tpu.vector_store %arg18[%swap3A_221, %swap3A_222], %swap3A_225 {strides = array<i32>} : memref<512x32xf32, #tpu.memory_space<vmem>>, vector<1x16xf32>,
        }
        %scan3A_186 = arith.constant 512 : i32
        %run_scoped3A = arith.constant 0 : i32
        "tpu.region"() ({
          %run_scoped3A_190 = tpu.sem_alloc : memref<!tpu.dma_semaphore, #tpu.memory_space<semaphore_mem>>
          %dma_start3A = arith.constant 0 : i32
          %dma_start3A_191 = arith.constant 0 : i32
          %dma_start3A_192 = tpu.memref_slice %arg18[%dma_start3A, %dma_start3A_191] : memref<512x32xf32, #tpu.memory_space<vmem>> -> memref<128x32xf32, #tpu.memory_space<vmem>>
          %dma_start3A_193 = arith.constant 0 : i32
          %dma_start3A_194 = tpu.memref_slice %arg16[%run_scoped3A, %dma_start3A_193] : memref<4x128xi32, #tpu.memory_space<vmem>> -> memref<1x128xi32, #tpu.memory_space<vmem>>
          %dma_start3A_195 = tpu.memref_squeeze %dma_start3A_194 : memref<1x128xi32, #tpu.memory_space<vmem>> -> memref<128xi32, #tpu.memory_space<vmem>>
          %dma_start3A_196 = arith.constant 0 : i32
          %dma_start3A_197 = arith.constant 0 : i32
          %dma_start3A_198 = tpu.memref_slice %arg19[%dma_start3A_196, %dma_start3A_197] : memref<10240x32xf32, #tpu.memory_space<vmem_shared>> -> memref<10240x32xf32, #tpu.memory_space<vmem_shared>>
          tpu.enqueue_indirect_dma source(%dma_start3A_192 : memref<128x32xf32, #tpu.memory_space<vmem>>) target(%dma_start3A_198 : memref<10240x32xf32, #tpu.memory_space<vmem_shared>>) offsets(%dma_start3A_195 : memref<128xi32, #tpu.memory_space<vmem>>) semaphore(%run_scoped3A_190 : memref<!tpu.dma_semaphore, #tpu.memory_space<semaphore_mem>>) {add = true}
          %dma_wait3A_199 = arith.constant 0 : i32
          %dma_wait3A_200 = arith.constant 0 : i32
          %dma_wait3A_201 = tpu.memref_slice %arg18[%dma_wait3A_199, %dma_wait3A_200] : memref<512x32xf32, #tpu.memory_space<vmem>> -> memref<128x32xf32, #tpu.memory_space<vmem>>
          %dma_wait3A_202 = arith.constant 0 : i32
          %dma_wait3A_203 = tpu.memref_slice %arg16[%run_scoped3A, %dma_wait3A_202] : memref<4x128xi32, #tpu.memory_space<vmem>> -> memref<1x128xi32, #tpu.memory_space<vmem>>
          %dma_wait3A_204 = tpu.memref_squeeze %dma_wait3A_203 : memref<1x128xi32, #tpu.memory_space<vmem>> -> memref<128xi32, #tpu.memory_space<vmem>>
          %dma_wait3A_205 = arith.constant 0 : i32
          %dma_wait3A_206 = arith.constant 0 : i32
          %dma_wait3A_207 = tpu.memref_slice %arg19[%dma_wait3A_205, %dma_wait3A_206] : memref<10240x32xf32, #tpu.memory_space<vmem_shared>> -> memref<10240x32xf32, #tpu.memory_space<vmem_shared>>
          tpu.wait_indirect_dma semaphore(%run_scoped3A_190 : memref<!tpu.dma_semaphore, #tpu.memory_space<semaphore_mem>>) src(%dma_wait3A_201 : memref<128x32xf32, #tpu.memory_space<vmem>>) dst(%dma_wait3A_207 : memref<10240x32xf32, #tpu.memory_space<vmem_shared>>)
          tpu.yield
        }) : () -> ()
        %run_scoped3A_187 = arith.constant 1 : i32
        "tpu.region"() ({
          %run_scoped3A_190 = tpu.sem_alloc : memref<!tpu.dma_semaphore, #tpu.memory_space<semaphore_mem>>
          %dma_start3A = arith.constant 128 : i32
          %dma_start3A_191 = arith.constant 0 : i32
          %dma_start3A_192 = tpu.memref_slice %arg18[%dma_start3A, %dma_start3A_191] : memref<512x32xf32, #tpu.memory_space<vmem>> -> memref<128x32xf32, #tpu.memory_space<vmem>>
          %dma_start3A_193 = arith.constant 0 : i32
          %dma_start3A_194 = tpu.memref_slice %arg16[%run_scoped3A_187, %dma_start3A_193] : memref<4x128xi32, #tpu.memory_space<vmem>> -> memref<1x128xi32, #tpu.memory_space<vmem>>
          %dma_start3A_195 = tpu.memref_squeeze %dma_start3A_194 : memref<1x128xi32, #tpu.memory_space<vmem>> -> memref<128xi32, #tpu.memory_space<vmem>>
          %dma_start3A_196 = arith.constant 0 : i32
          %dma_start3A_197 = arith.constant 0 : i32
          %dma_start3A_198 = tpu.memref_slice %arg19[%dma_start3A_196, %dma_start3A_197] : memref<10240x32xf32, #tpu.memory_space<vmem_shared>> -> memref<10240x32xf32, #tpu.memory_space<vmem_shared>>
          tpu.enqueue_indirect_dma source(%dma_start3A_192 : memref<128x32xf32, #tpu.memory_space<vmem>>) target(%dma_start3A_198 : memref<10240x32xf32, #tpu.memory_space<vmem_shared>>) offsets(%dma_start3A_195 : memref<128xi32, #tpu.memory_space<vmem>>) semaphore(%run_scoped3A_190 : memref<!tpu.dma_semaphore, #tpu.memory_space<semaphore_mem>>) {add = true}
          %dma_wait3A_199 = arith.constant 128 : i32
          %dma_wait3A_200 = arith.constant 0 : i32
          %dma_wait3A_201 = tpu.memref_slice %arg18[%dma_wait3A_199, %dma_wait3A_200] : memref<512x32xf32, #tpu.memory_space<vmem>> -> memref<128x32xf32, #tpu.memory_space<vmem>>
          %dma_wait3A_202 = arith.constant 0 : i32
          %dma_wait3A_203 = tpu.memref_slice %arg16[%run_scoped3A_187, %dma_wait3A_202] : memref<4x128xi32, #tpu.memory_space<vmem>> -> memref<1x128xi32, #tpu.memory_space<vmem>>
          %dma_wait3A_204 = tpu.memref_squeeze %dma_wait3A_203 : memref<1x128xi32, #tpu.memory_space<vmem>> -> memref<128xi32, #tpu.memory_space<vmem>>
          %dma_wait3A_205 = arith.constant 0 : i32
          %dma_wait3A_206 = arith.constant 0 : i32
          %dma_wait3A_207 = tpu.memref_slice %arg19[%dma_wait3A_205, %dma_wait3A_206] : memref<10240x32xf32, #tpu.memory_space<vmem_shared>> -> memref<10240x32xf32, #tpu.memory_space<vmem_shared>>
          tpu.wait_indirect_dma semaphore(%run_scoped3A_190 : memref<!tpu.dma_semaphore, #tpu.memory_space<semaphore_mem>>) src(%dma_wait3A_201 : memref<128x32xf32, #tpu.memory_space<vmem>>) dst(%dma_wait3A_207 : memref<10240x32xf32, #tpu.memory_space<vmem_shared>>)
          tpu.yield
        }) : () -> ()
        %run_scoped3A_188 = arith.constant 2 : i32
        "tpu.region"() ({
          %run_scoped3A_190 = tpu.sem_alloc : memref<!tpu.dma_semaphore, #tpu.memory_space<semaphore_mem>>
          %dma_start3A = arith.constant 256 : i32
          %dma_start3A_191 = arith.constant 0 : i32
          %dma_start3A_192 = tpu.memref_slice %arg18[%dma_start3A, %dma_start3A_191] : memref<512x32xf32, #tpu.memory_space<vmem>> -> memref<128x32xf32, #tpu.memory_space<vmem>>
          %dma_start3A_193 = arith.constant 0 : i32
          %dma_start3A_194 = tpu.memref_slice %arg16[%run_scoped3A_188, %dma_start3A_193] : memref<4x128xi32, #tpu.memory_space<vmem>> -> memref<1x128xi32, #tpu.memory_space<vmem>>
          %dma_start3A_195 = tpu.memref_squeeze %dma_start3A_194 : memref<1x128xi32, #tpu.memory_space<vmem>> -> memref<128xi32, #tpu.memory_space<vmem>>
          %dma_start3A_196 = arith.constant 0 : i32
          %dma_start3A_197 = arith.constant 0 : i32
          %dma_start3A_198 = tpu.memref_slice %arg19[%dma_start3A_196, %dma_start3A_197] : memref<10240x32xf32, #tpu.memory_space<vmem_shared>> -> memref<10240x32xf32, #tpu.memory_space<vmem_shared>>
          tpu.enqueue_indirect_dma source(%dma_start3A_192 : memref<128x32xf32, #tpu.memory_space<vmem>>) target(%dma_start3A_198 : memref<10240x32xf32, #tpu.memory_space<vmem_shared>>) offsets(%dma_start3A_195 : memref<128xi32, #tpu.memory_space<vmem>>) semaphore(%run_scoped3A_190 : memref<!tpu.dma_semaphore, #tpu.memory_space<semaphore_mem>>) {add = true}
          %dma_wait3A_199 = arith.constant 256 : i32
          %dma_wait3A_200 = arith.constant 0 : i32
          %dma_wait3A_201 = tpu.memref_slice %arg18[%dma_wait3A_199, %dma_wait3A_200] : memref<512x32xf32, #tpu.memory_space<vmem>> -> memref<128x32xf32, #tpu.memory_space<vmem>>
          %dma_wait3A_202 = arith.constant 0 : i32
          %dma_wait3A_203 = tpu.memref_slice %arg16[%run_scoped3A_188, %dma_wait3A_202] : memref<4x128xi32, #tpu.memory_space<vmem>> -> memref<1x128xi32, #tpu.memory_space<vmem>>
          %dma_wait3A_204 = tpu.memref_squeeze %dma_wait3A_203 : memref<1x128xi32, #tpu.memory_space<vmem>> -> memref<128xi32, #tpu.memory_space<vmem>>
          %dma_wait3A_205 = arith.constant 0 : i32
          %dma_wait3A_206 = arith.constant 0 : i32
          %dma_wait3A_207 = tpu.memref_slice %arg19[%dma_wait3A_205, %dma_wait3A_206] : memref<10240x32xf32, #tpu.memory_space<vmem_shared>> -> memref<10240x32xf32, #tpu.memory_space<vmem_shared>>
          tpu.wait_indirect_dma semaphore(%run_scoped3A_190 : memref<!tpu.dma_semaphore, #tpu.memory_space<semaphore_mem>>) src(%dma_wait3A_201 : memref<128x32xf32, #tpu.memory_space<vmem>>) dst(%dma_wait3A_207 : memref<10240x32xf32, #tpu.memory_space<vmem_shared>>)
          tpu.yield
        }) : () -> ()
        %run_scoped3A_189 = arith.constant 3 : i32
        "tpu.region"() ({
          %run_scoped3A_190 = tpu.sem_alloc : memref<!tpu.dma_semaphore, #tpu.memory_space<semaphore_mem>>
          %dma_start3A = arith.constant 384 : i32
          %dma_start3A_191 = arith.constant 0 : i32
          %dma_start3A_192 = tpu.memref_slice %arg18[%dma_start3A, %dma_start3A_191] : memref<512x32xf32, #tpu.memory_space<vmem>> -> memref<128x32xf32, #tpu.memory_space<vmem>>
          %dma_start3A_193 = arith.constant 0 : i32
          %dma_start3A_194 = tpu.memref_slice %arg16[%run_scoped3A_189, %dma_start3A_193] : memref<4x128xi32, #tpu.memory_space<vmem>> -> memref<1x128xi32, #tpu.memory_space<vmem>>
          %dma_start3A_195 = tpu.memref_squeeze %dma_start3A_194 : memref<1x128xi32, #tpu.memory_space<vmem>> -> memref<128xi32, #tpu.memory_space<vmem>>
          %dma_start3A_196 = arith.constant 0 : i32
          %dma_start3A_197 = arith.constant 0 : i32
          %dma_start3A_198 = tpu.memref_slice %arg19[%dma_start3A_196, %dma_start3A_197] : memref<10240x32xf32, #tpu.memory_space<vmem_shared>> -> memref<10240x32xf32, #tpu.memory_space<vmem_shared>>
          tpu.enqueue_indirect_dma source(%dma_start3A_192 : memref<128x32xf32, #tpu.memory_space<vmem>>) target(%dma_start3A_198 : memref<10240x32xf32, #tpu.memory_space<vmem_shared>>) offsets(%dma_start3A_195 : memref<128xi32, #tpu.memory_space<vmem>>) semaphore(%run_scoped3A_190 : memref<!tpu.dma_semaphore, #tpu.memory_space<semaphore_mem>>) {add = true}
          %dma_wait3A_199 = arith.constant 384 : i32
          %dma_wait3A_200 = arith.constant 0 : i32
          %dma_wait3A_201 = tpu.memref_slice %arg18[%dma_wait3A_199, %dma_wait3A_200] : memref<512x32xf32, #tpu.memory_space<vmem>> -> memref<128x32xf32, #tpu.memory_space<vmem>>
          %dma_wait3A_202 = arith.constant 0 : i32
          %dma_wait3A_203 = tpu.memref_slice %arg16[%run_scoped3A_189, %dma_wait3A_202] : memref<4x128xi32, #tpu.memory_space<vmem>> -> memref<1x128xi32, #tpu.memory_space<vmem>>
          %dma_wait3A_204 = tpu.memref_squeeze %dma_wait3A_203 : memref<1x128xi32, #tpu.memory_space<vmem>> -> memref<128xi32, #tpu.memory_space<vmem>>
          %dma_wait3A_205 = arith.constant 0 : i32
          %dma_wait3A_206 = arith.constant 0 : i32
          %dma_wait3A_207 = tpu.memref_slice %arg19[%dma_wait3A_205, %dma_wait3A_206] : memref<10240x32xf32, #tpu.memory_space<vmem_shared>> -> memref<10240x32xf32, #tpu.memory_space<vmem_shared>>
          tpu.wait_indirect_dma semaphore(%run_scoped3A_190 : memref<!tpu.dma_semaphore, #tpu.memory_space<semaphore_mem>>) src(%dma_wait3A_201 : memref<128x32xf32, #tpu.memory_space<vmem>>) dst(%dma_wait3A_207 : memref<10240x32xf32, #tpu.memory_space<vmem_shared>>)
          tpu.yield
        }) : () -> ()
      } else {
      }
    }
    %scan3A_10 = arith.constant 20 : i32
    %barrier3A_11 = arith.constant 0 : index
    tpu.barrier barrier_id(%barrier3A_11)
    %mul3A_12 = arith.constant 10240 : i32
    %mul3A_13 = arith.muli %arg0, %mul3A_12 : i32
    %mul3A_14 = arith.constant 640 : i32
    %mul3A_15 = arith.muli %arg1, %mul3A_14 : i32
    %add3A_16 = arith.addi %mul3A_13, %mul3A_15 : i32
    %mul3A_17 = arith.constant 640 : i32
    %mul3A_18 = arith.muli %arg1, %mul3A_17 : i32
    "tpu.region"() ({
      %run_scoped3A = tpu.sem_alloc : memref<!tpu.dma_semaphore, #tpu.memory_space<semaphore_mem>>
      %dma_start3A = arith.constant 0 : i32
      %dma_start3A_19 = tpu.memref_slice %arg8[%add3A_16, %dma_start3A] : memref<20480x32xf32, #tpu.memory_space<hbm>> -> memref<640x32xf32, #tpu.memory_space<hbm>>
      %dma_start3A_20 = arith.constant 0 : i32
      %dma_start3A_21 = tpu.memref_slice %arg19[%mul3A_18, %dma_start3A_20] : memref<10240x32xf32, #tpu.memory_space<vmem_shared>> -> memref<640x32xf32, #tpu.memory_space<vmem_shared>>
      tpu.enqueue_dma source(%dma_start3A_21 : memref<640x32xf32, #tpu.memory_space<vmem_shared>>) target(%dma_start3A_19 : memref<640x32xf32, #tpu.memory_space<hbm>>) target_semaphore(%run_scoped3A : memref<!tpu.dma_semaphore, #tpu.memory_space<semaphore_mem>>)
      %dma_wait3A = arith.constant 0 : i32
      %dma_wait3A_22 = tpu.memref_slice %arg8[%add3A_16, %dma_wait3A] : memref<20480x32xf32, #tpu.memory_space<hbm>> -> memref<640x32xf32, #tpu.memory_space<hbm>>
      %dma_wait3A_23 = arith.constant 0 : i32
      %dma_wait3A_24 = tpu.memref_slice %arg19[%mul3A_18, %dma_wait3A_23] : memref<10240x32xf32, #tpu.memory_space<vmem_shared>> -> memref<640x32xf32, #tpu.memory_space<vmem_shared>>
      tpu.wait_dma2 semaphore(%run_scoped3A : memref<!tpu.dma_semaphore, #tpu.memory_space<semaphore_mem>>) src(%dma_wait3A_24 : memref<640x32xf32, #tpu.memory_space<vmem_shared>>) dst(%dma_wait3A_22 : memref<640x32xf32, #tpu.memory_space<hbm>>)
      tpu.yield
    }) : () -> ()
    return
  }
}

#map = affine_map<(d0, d1) -> (0, 0)>
module attributes {stable_mosaic.version = 14 : i64} {
  func.func @k(%arg0: i32, %arg1: i32, %arg2: memref<10000x32xf32, #tpu.memory_space<hbm>>, %arg3: memref<10000x32xf32, #tpu.memory_space<hbm>>, %arg4: memref<80000x128xf32, #tpu.memory_space<hbm>>, %arg5: memref<2500x128xi32, #tpu.memory_space<hbm>>, %arg6: memref<2500x128xi32, #tpu.memory_space<hbm>>, %arg7: memref<10240x32xf32, #tpu.memory_space<hbm>>, %arg8: memref<80000x128xf32, #tpu.memory_space<hbm>>, %arg9: memref<20480x32xf32, #tpu.memory_space<hbm>>, %arg10: memref<4x128xi32, #tpu.memory_space<vmem>>, %arg11: memref<4x128xi32, #tpu.memory_space<vmem>>, %arg12: memref<512x32xf32, #tpu.memory_space<vmem>>, %arg13: memref<512x32xf32, #tpu.memory_space<vmem>>, %arg14: memref<512x32xf32, #tpu.memory_space<vmem>>, %arg15: memref<4x128xi32, #tpu.memory_space<vmem>>, %arg16: memref<4x128xi32, #tpu.memory_space<vmem>>, %arg17: memref<512x32xf32, #tpu.memory_space<vmem>>, %arg18: memref<512x32xf32, #tpu.memory_space<vmem>>, %arg19: memref<512x32xf32, #tpu.memory_space<vmem>>, %arg20: memref<10240x32xf32, #tpu.memory_space<vmem_shared>>, %arg21: memref<!tpu.dma_semaphore, #tpu.memory_space<semaphore_mem>>, %arg22: memref<!tpu.dma_semaphore, #tpu.memory_space<semaphore_mem>>) attributes {dimension_semantics = [#tpu.dimension_semantics<core_parallel>, #tpu.dimension_semantics<subcore_parallel>], iteration_bounds = array<i64: 2, 16>, scalar_prefetch = 0 : i64, scratch_operands = 13 : i64, tpu.core_type = #tpu.core_type<sc_vector_subcore>, window_params = [{transform_indices = #map}, {transform_indices = #map}, {transform_indices = #map}, {transform_indices = #map}, {transform_indices = #map}, {transform_indices = #map}, {transform_indices = #map}, {transform_indices = #map}]} {
    %mul3A = arith.constant 2 : i32
    %mul3A_0 = arith.muli %arg1, %mul3A : i32
    %add3A = arith.addi %mul3A_0, %arg0 : i32
    %mul3A_1 = arith.constant 640 : i32
    %mul3A_2 = arith.muli %arg1, %mul3A_1 : i32
    %mul3A_3 = arith.constant 640 : i32
    %mul3A_4 = arith.muli %arg1, %mul3A_3 : i32
    "tpu.region"() ({
      %run_scoped3A = tpu.sem_alloc : memref<!tpu.dma_semaphore, #tpu.memory_space<semaphore_mem>>
      %dma_start3A = arith.constant 0 : i32
      %dma_start3A_19 = tpu.memref_slice %arg20[%mul3A_4, %dma_start3A] : memref<10240x32xf32, #tpu.memory_space<vmem_shared>> -> memref<640x32xf32, #tpu.memory_space<vmem_shared>>
      %dma_start3A_20 = arith.constant 0 : i32
      %dma_start3A_21 = tpu.memref_slice %arg7[%mul3A_2, %dma_start3A_20] : memref<10240x32xf32, #tpu.memory_space<hbm>> -> memref<640x32xf32, #tpu.memory_space<hbm>>
      tpu.enqueue_dma source(%dma_start3A_21 : memref<640x32xf32, #tpu.memory_space<hbm>>) target(%dma_start3A_19 : memref<640x32xf32, #tpu.memory_space<vmem_shared>>) target_semaphore(%run_scoped3A : memref<!tpu.dma_semaphore, #tpu.memory_space<semaphore_mem>>)
      %dma_wait3A = arith.constant 0 : i32
      %dma_wait3A_22 = tpu.memref_slice %arg20[%mul3A_4, %dma_wait3A] : memref<10240x32xf32, #tpu.memory_space<vmem_shared>> -> memref<640x32xf32, #tpu.memory_space<vmem_shared>>
      %dma_wait3A_23 = arith.constant 0 : i32
      %dma_wait3A_24 = tpu.memref_slice %arg7[%mul3A_2, %dma_wait3A_23] : memref<10240x32xf32, #tpu.memory_space<hbm>> -> memref<640x32xf32, #tpu.memory_space<hbm>>
      tpu.wait_dma2 semaphore(%run_scoped3A : memref<!tpu.dma_semaphore, #tpu.memory_space<semaphore_mem>>) src(%dma_wait3A_24 : memref<640x32xf32, #tpu.memory_space<hbm>>) dst(%dma_wait3A_22 : memref<640x32xf32, #tpu.memory_space<vmem_shared>>)
      tpu.yield
    }) : () -> ()
    %barrier3A = arith.constant 0 : index
    tpu.barrier barrier_id(%barrier3A)
    %lt3A = arith.constant 625 : i32
    %lt3A_5 = arith.cmpi slt, %add3A, %lt3A : i32
    %convert_element_type3A = arith.extui %lt3A_5 : i1 to i32
    %cond3A = arith.constant 0 : i32
    %cond3A_6 = arith.cmpi ne, %convert_element_type3A, %cond3A : i32
    scf.if %cond3A_6 {
      %mul3A_19 = arith.constant 4 : i32
      %mul3A_20 = arith.muli %add3A, %mul3A_19 : i32
      %mul3A_21 = arith.constant 128 : i32
      %mul3A_22 = arith.muli %add3A, %mul3A_21 : i32
      %mul3A_23 = arith.constant 128 : i32
      %mul3A_24 = arith.muli %add3A, %mul3A_23 : i32
      %mul3A_25 = arith.constant 128 : i32
      %mul3A_26 = arith.muli %add3A, %mul3A_25 : i32
      %mul3A_27 = arith.constant 128 : i32
      %mul3A_28 = arith.muli %add3A, %mul3A_27 : i32
      %dma_start3A = arith.constant 0 : i32
      %dma_start3A_29 = tpu.memref_slice %arg5[%mul3A_20, %dma_start3A] : memref<2500x128xi32, #tpu.memory_space<hbm>> -> memref<4x128xi32, #tpu.memory_space<hbm>>
      %dma_start3A_30 = arith.constant 0 : i32
      %dma_start3A_31 = tpu.memref_slice %arg5[%mul3A_20, %dma_start3A_30] : memref<2500x128xi32, #tpu.memory_space<hbm>> -> memref<4x128xi32, #tpu.memory_space<hbm>>
      tpu.enqueue_dma source(%dma_start3A_31 : memref<4x128xi32, #tpu.memory_space<hbm>>) target(%arg10 : memref<4x128xi32, #tpu.memory_space<vmem>>) target_semaphore(%arg21 : memref<!tpu.dma_semaphore, #tpu.memory_space<semaphore_mem>>)
      %dma_start3A_32 = arith.constant 0 : i32
      %dma_start3A_33 = tpu.memref_slice %arg6[%mul3A_20, %dma_start3A_32] : memref<2500x128xi32, #tpu.memory_space<hbm>> -> memref<4x128xi32, #tpu.memory_space<hbm>>
      %dma_start3A_34 = arith.constant 0 : i32
      %dma_start3A_35 = tpu.memref_slice %arg6[%mul3A_20, %dma_start3A_34] : memref<2500x128xi32, #tpu.memory_space<hbm>> -> memref<4x128xi32, #tpu.memory_space<hbm>>
      tpu.enqueue_dma source(%dma_start3A_35 : memref<4x128xi32, #tpu.memory_space<hbm>>) target(%arg11 : memref<4x128xi32, #tpu.memory_space<vmem>>) target_semaphore(%arg21 : memref<!tpu.dma_semaphore, #tpu.memory_space<semaphore_mem>>)
      %dma_wait3A = arith.constant 0 : i32
      %dma_wait3A_36 = tpu.memref_slice %arg5[%mul3A_20, %dma_wait3A] : memref<2500x128xi32, #tpu.memory_space<hbm>> -> memref<4x128xi32, #tpu.memory_space<hbm>>
      %dma_wait3A_37 = arith.constant 0 : i32
      %dma_wait3A_38 = tpu.memref_slice %arg5[%mul3A_20, %dma_wait3A_37] : memref<2500x128xi32, #tpu.memory_space<hbm>> -> memref<4x128xi32, #tpu.memory_space<hbm>>
      tpu.wait_dma2 semaphore(%arg21 : memref<!tpu.dma_semaphore, #tpu.memory_space<semaphore_mem>>) src(%dma_wait3A_38 : memref<4x128xi32, #tpu.memory_space<hbm>>) dst(%arg10 : memref<4x128xi32, #tpu.memory_space<vmem>>)
      %dma_wait3A_39 = arith.constant 0 : i32
      %dma_wait3A_40 = tpu.memref_slice %arg6[%mul3A_20, %dma_wait3A_39] : memref<2500x128xi32, #tpu.memory_space<hbm>> -> memref<4x128xi32, #tpu.memory_space<hbm>>
      %dma_wait3A_41 = arith.constant 0 : i32
      %dma_wait3A_42 = tpu.memref_slice %arg6[%mul3A_20, %dma_wait3A_41] : memref<2500x128xi32, #tpu.memory_space<hbm>> -> memref<4x128xi32, #tpu.memory_space<hbm>>
      tpu.wait_dma2 semaphore(%arg21 : memref<!tpu.dma_semaphore, #tpu.memory_space<semaphore_mem>>) src(%dma_wait3A_42 : memref<4x128xi32, #tpu.memory_space<hbm>>) dst(%arg11 : memref<4x128xi32, #tpu.memory_space<vmem>>)
      %dma_start3A_43 = arith.constant 0 : i32
      %dma_start3A_44 = arith.constant 0 : i32
      %dma_start3A_45 = arith.constant 0 : i32
      %dma_start3A_46 = tpu.memref_slice %arg12[%dma_start3A_44, %dma_start3A_45] : memref<512x32xf32, #tpu.memory_space<vmem>> -> memref<128x32xf32, #tpu.memory_space<vmem>>
      %dma_start3A_47 = arith.constant 0 : i32
      %dma_start3A_48 = tpu.memref_slice %arg10[%dma_start3A_43, %dma_start3A_47] : memref<4x128xi32, #tpu.memory_space<vmem>> -> memref<1x128xi32, #tpu.memory_space<vmem>>
      %dma_start3A_49 = tpu.memref_squeeze %dma_start3A_48 : memref<1x128xi32, #tpu.memory_space<vmem>> -> memref<128xi32, #tpu.memory_space<vmem>>
      %dma_start3A_50 = arith.constant 0 : i32
      %dma_start3A_51 = arith.constant 0 : i32
      %dma_start3A_52 = tpu.memref_slice %arg2[%dma_start3A_50, %dma_start3A_51] : memref<10000x32xf32, #tpu.memory_space<hbm>> -> memref<10000x32xf32, #tpu.memory_space<hbm>>
      tpu.enqueue_indirect_dma source(%dma_start3A_52 : memref<10000x32xf32, #tpu.memory_space<hbm>>) target(%dma_start3A_46 : memref<128x32xf32, #tpu.memory_space<vmem>>) offsets(%dma_start3A_49 : memref<128xi32, #tpu.memory_space<vmem>>) semaphore(%arg21 : memref<!tpu.dma_semaphore, #tpu.memory_space<semaphore_mem>>)
      %dma_start3A_53 = arith.constant 0 : i32
      %dma_start3A_54 = arith.constant 0 : i32
      %dma_start3A_55 = arith.constant 0 : i32
      %dma_start3A_56 = tpu.memref_slice %arg13[%dma_start3A_54, %dma_start3A_55] : memref<512x32xf32, #tpu.memory_space<vmem>> -> memref<128x32xf32, #tpu.memory_space<vmem>>
      %dma_start3A_57 = arith.constant 0 : i32
      %dma_start3A_58 = tpu.memref_slice %arg11[%dma_start3A_53, %dma_start3A_57] : memref<4x128xi32, #tpu.memory_space<vmem>> -> memref<1x128xi32, #tpu.memory_space<vmem>>
      %dma_start3A_59 = tpu.memref_squeeze %dma_start3A_58 : memref<1x128xi32, #tpu.memory_space<vmem>> -> memref<128xi32, #tpu.memory_space<vmem>>
      %dma_start3A_60 = arith.constant 0 : i32
      %dma_start3A_61 = arith.constant 0 : i32
      %dma_start3A_62 = tpu.memref_slice %arg3[%dma_start3A_60, %dma_start3A_61] : memref<10000x32xf32, #tpu.memory_space<hbm>> -> memref<10000x32xf32, #tpu.memory_space<hbm>>
      tpu.enqueue_indirect_dma source(%dma_start3A_62 : memref<10000x32xf32, #tpu.memory_space<hbm>>) target(%dma_start3A_56 : memref<128x32xf32, #tpu.memory_space<vmem>>) offsets(%dma_start3A_59 : memref<128xi32, #tpu.memory_space<vmem>>) semaphore(%arg21 : memref<!tpu.dma_semaphore, #tpu.memory_space<semaphore_mem>>)
      %dma_start3A_63 = arith.constant 0 : i32
      %dma_start3A_64 = arith.constant 0 : i32
      %dma_start3A_65 = tpu.memref_slice %arg14[%dma_start3A_63, %dma_start3A_64] : memref<512x32xf32, #tpu.memory_space<vmem>> -> memref<128x32xf32, #tpu.memory_space<vmem>>
      %dma_start3A_66 = arith.constant 0 : i32
      %dma_start3A_67 = tpu.memref_slice %arg4[%mul3A_22, %dma_start3A_66] : memref<80000x128xf32, #tpu.memory_space<hbm>> -> memref<128x32xf32, #tpu.memory_space<hbm>>
      %dma_start3A_68 = arith.constant 0 : i32
      %dma_start3A_69 = arith.constant 0 : i32
      %dma_start3A_70 = tpu.memref_slice %arg14[%dma_start3A_68, %dma_start3A_69] : memref<512x32xf32, #tpu.memory_space<vmem>> -> memref<128x32xf32, #tpu.memory_space<vmem>>
      %dma_start3A_71 = arith.constant 0 : i32
      %dma_start3A_72 = tpu.memref_slice %arg4[%mul3A_22, %dma_start3A_71] : memref<80000x128xf32, #tpu.memory_space<hbm>> -> memref<128x32xf32, #tpu.memory_space<hbm>>
      tpu.enqueue_dma source(%dma_start3A_72 : memref<128x32xf32, #tpu.memory_space<hbm>>) target(%dma_start3A_70 : memref<128x32xf32, #tpu.memory_space<vmem>>) target_semaphore(%arg21 : memref<!tpu.dma_semaphore, #tpu.memory_space<semaphore_mem>>)
      %dma_start3A_73 = arith.constant 1 : i32
      %dma_start3A_74 = arith.constant 128 : i32
      %dma_start3A_75 = arith.constant 0 : i32
      %dma_start3A_76 = tpu.memref_slice %arg12[%dma_start3A_74, %dma_start3A_75] : memref<512x32xf32, #tpu.memory_space<vmem>> -> memref<128x32xf32, #tpu.memory_space<vmem>>
      %dma_start3A_77 = arith.constant 0 : i32
      %dma_start3A_78 = tpu.memref_slice %arg10[%dma_start3A_73, %dma_start3A_77] : memref<4x128xi32, #tpu.memory_space<vmem>> -> memref<1x128xi32, #tpu.memory_space<vmem>>
      %dma_start3A_79 = tpu.memref_squeeze %dma_start3A_78 : memref<1x128xi32, #tpu.memory_space<vmem>> -> memref<128xi32, #tpu.memory_space<vmem>>
      %dma_start3A_80 = arith.constant 0 : i32
      %dma_start3A_81 = arith.constant 0 : i32
      %dma_start3A_82 = tpu.memref_slice %arg2[%dma_start3A_80, %dma_start3A_81] : memref<10000x32xf32, #tpu.memory_space<hbm>> -> memref<10000x32xf32, #tpu.memory_space<hbm>>
      tpu.enqueue_indirect_dma source(%dma_start3A_82 : memref<10000x32xf32, #tpu.memory_space<hbm>>) target(%dma_start3A_76 : memref<128x32xf32, #tpu.memory_space<vmem>>) offsets(%dma_start3A_79 : memref<128xi32, #tpu.memory_space<vmem>>) semaphore(%arg21 : memref<!tpu.dma_semaphore, #tpu.memory_space<semaphore_mem>>)
      %dma_start3A_83 = arith.constant 1 : i32
      %dma_start3A_84 = arith.constant 128 : i32
      %dma_start3A_85 = arith.constant 0 : i32
      %dma_start3A_86 = tpu.memref_slice %arg13[%dma_start3A_84, %dma_start3A_85] : memref<512x32xf32, #tpu.memory_space<vmem>> -> memref<128x32xf32, #tpu.memory_space<vmem>>
      %dma_start3A_87 = arith.constant 0 : i32
      %dma_start3A_88 = tpu.memref_slice %arg11[%dma_start3A_83, %dma_start3A_87] : memref<4x128xi32, #tpu.memory_space<vmem>> -> memref<1x128xi32, #tpu.memory_space<vmem>>
      %dma_start3A_89 = tpu.memref_squeeze %dma_start3A_88 : memref<1x128xi32, #tpu.memory_space<vmem>> -> memref<128xi32, #tpu.memory_space<vmem>>
      %dma_start3A_90 = arith.constant 0 : i32
      %dma_start3A_91 = arith.constant 0 : i32
      %dma_start3A_92 = tpu.memref_slice %arg3[%dma_start3A_90, %dma_start3A_91] : memref<10000x32xf32, #tpu.memory_space<hbm>> -> memref<10000x32xf32, #tpu.memory_space<hbm>>
      tpu.enqueue_indirect_dma source(%dma_start3A_92 : memref<10000x32xf32, #tpu.memory_space<hbm>>) target(%dma_start3A_86 : memref<128x32xf32, #tpu.memory_space<vmem>>) offsets(%dma_start3A_89 : memref<128xi32, #tpu.memory_space<vmem>>) semaphore(%arg21 : memref<!tpu.dma_semaphore, #tpu.memory_space<semaphore_mem>>)
      %dma_start3A_93 = arith.constant 128 : i32
      %dma_start3A_94 = arith.constant 0 : i32
      %dma_start3A_95 = tpu.memref_slice %arg14[%dma_start3A_93, %dma_start3A_94] : memref<512x32xf32, #tpu.memory_space<vmem>> -> memref<128x32xf32, #tpu.memory_space<vmem>>
      %dma_start3A_96 = arith.constant 32 : i32
      %dma_start3A_97 = tpu.memref_slice %arg4[%mul3A_24, %dma_start3A_96] : memref<80000x128xf32, #tpu.memory_space<hbm>> -> memref<128x32xf32, #tpu.memory_space<hbm>>
      %dma_start3A_98 = arith.constant 128 : i32
      %dma_start3A_99 = arith.constant 0 : i32
      %dma_start3A_100 = tpu.memref_slice %arg14[%dma_start3A_98, %dma_start3A_99] : memref<512x32xf32, #tpu.memory_space<vmem>> -> memref<128x32xf32, #tpu.memory_space<vmem>>
      %dma_start3A_101 = arith.constant 32 : i32
      %dma_start3A_102 = tpu.memref_slice %arg4[%mul3A_24, %dma_start3A_101] : memref<80000x128xf32, #tpu.memory_space<hbm>> -> memref<128x32xf32, #tpu.memory_space<hbm>>
      tpu.enqueue_dma source(%dma_start3A_102 : memref<128x32xf32, #tpu.memory_space<hbm>>) target(%dma_start3A_100 : memref<128x32xf32, #tpu.memory_space<vmem>>) target_semaphore(%arg21 : memref<!tpu.dma_semaphore, #tpu.memory_space<semaphore_mem>>)
      %dma_start3A_103 = arith.constant 2 : i32
      %dma_start3A_104 = arith.constant 256 : i32
      %dma_start3A_105 = arith.constant 0 : i32
      %dma_start3A_106 = tpu.memref_slice %arg12[%dma_start3A_104, %dma_start3A_105] : memref<512x32xf32, #tpu.memory_space<vmem>> -> memref<128x32xf32, #tpu.memory_space<vmem>>
      %dma_start3A_107 = arith.constant 0 : i32
      %dma_start3A_108 = tpu.memref_slice %arg10[%dma_start3A_103, %dma_start3A_107] : memref<4x128xi32, #tpu.memory_space<vmem>> -> memref<1x128xi32, #tpu.memory_space<vmem>>
      %dma_start3A_109 = tpu.memref_squeeze %dma_start3A_108 : memref<1x128xi32, #tpu.memory_space<vmem>> -> memref<128xi32, #tpu.memory_space<vmem>>
      %dma_start3A_110 = arith.constant 0 : i32
      %dma_start3A_111 = arith.constant 0 : i32
      %dma_start3A_112 = tpu.memref_slice %arg2[%dma_start3A_110, %dma_start3A_111] : memref<10000x32xf32, #tpu.memory_space<hbm>> -> memref<10000x32xf32, #tpu.memory_space<hbm>>
      tpu.enqueue_indirect_dma source(%dma_start3A_112 : memref<10000x32xf32, #tpu.memory_space<hbm>>) target(%dma_start3A_106 : memref<128x32xf32, #tpu.memory_space<vmem>>) offsets(%dma_start3A_109 : memref<128xi32, #tpu.memory_space<vmem>>) semaphore(%arg21 : memref<!tpu.dma_semaphore, #tpu.memory_space<semaphore_mem>>)
      %dma_start3A_113 = arith.constant 2 : i32
      %dma_start3A_114 = arith.constant 256 : i32
      %dma_start3A_115 = arith.constant 0 : i32
      %dma_start3A_116 = tpu.memref_slice %arg13[%dma_start3A_114, %dma_start3A_115] : memref<512x32xf32, #tpu.memory_space<vmem>> -> memref<128x32xf32, #tpu.memory_space<vmem>>
      %dma_start3A_117 = arith.constant 0 : i32
      %dma_start3A_118 = tpu.memref_slice %arg11[%dma_start3A_113, %dma_start3A_117] : memref<4x128xi32, #tpu.memory_space<vmem>> -> memref<1x128xi32, #tpu.memory_space<vmem>>
      %dma_start3A_119 = tpu.memref_squeeze %dma_start3A_118 : memref<1x128xi32, #tpu.memory_space<vmem>> -> memref<128xi32, #tpu.memory_space<vmem>>
      %dma_start3A_120 = arith.constant 0 : i32
      %dma_start3A_121 = arith.constant 0 : i32
      %dma_start3A_122 = tpu.memref_slice %arg3[%dma_start3A_120, %dma_start3A_121] : memref<10000x32xf32, #tpu.memory_space<hbm>> -> memref<10000x32xf32, #tpu.memory_space<hbm>>
      tpu.enqueue_indirect_dma source(%dma_start3A_122 : memref<10000x32xf32, #tpu.memory_space<hbm>>) target(%dma_start3A_116 : memref<128x32xf32, #tpu.memory_space<vmem>>) offsets(%dma_start3A_119 : memref<128xi32, #tpu.memory_space<vmem>>) semaphore(%arg21 : memref<!tpu.dma_semaphore, #tpu.memory_space<semaphore_mem>>)
      %dma_start3A_123 = arith.constant 256 : i32
      %dma_start3A_124 = arith.constant 0 : i32
      %dma_start3A_125 = tpu.memref_slice %arg14[%dma_start3A_123, %dma_start3A_124] : memref<512x32xf32, #tpu.memory_space<vmem>> -> memref<128x32xf32, #tpu.memory_space<vmem>>
      %dma_start3A_126 = arith.constant 64 : i32
      %dma_start3A_127 = tpu.memref_slice %arg4[%mul3A_26, %dma_start3A_126] : memref<80000x128xf32, #tpu.memory_space<hbm>> -> memref<128x32xf32, #tpu.memory_space<hbm>>
      %dma_start3A_128 = arith.constant 256 : i32
      %dma_start3A_129 = arith.constant 0 : i32
      %dma_start3A_130 = tpu.memref_slice %arg14[%dma_start3A_128, %dma_start3A_129] : memref<512x32xf32, #tpu.memory_space<vmem>> -> memref<128x32xf32, #tpu.memory_space<vmem>>
      %dma_start3A_131 = arith.constant 64 : i32
      %dma_start3A_132 = tpu.memref_slice %arg4[%mul3A_26, %dma_start3A_131] : memref<80000x128xf32, #tpu.memory_space<hbm>> -> memref<128x32xf32, #tpu.memory_space<hbm>>
      tpu.enqueue_dma source(%dma_start3A_132 : memref<128x32xf32, #tpu.memory_space<hbm>>) target(%dma_start3A_130 : memref<128x32xf32, #tpu.memory_space<vmem>>) target_semaphore(%arg21 : memref<!tpu.dma_semaphore, #tpu.memory_space<semaphore_mem>>)
      %dma_start3A_133 = arith.constant 3 : i32
      %dma_start3A_134 = arith.constant 384 : i32
      %dma_start3A_135 = arith.constant 0 : i32
      %dma_start3A_136 = tpu.memref_slice %arg12[%dma_start3A_134, %dma_start3A_135] : memref<512x32xf32, #tpu.memory_space<vmem>> -> memref<128x32xf32, #tpu.memory_space<vmem>>
      %dma_start3A_137 = arith.constant 0 : i32
      %dma_start3A_138 = tpu.memref_slice %arg10[%dma_start3A_133, %dma_start3A_137] : memref<4x128xi32, #tpu.memory_space<vmem>> -> memref<1x128xi32, #tpu.memory_space<vmem>>
      %dma_start3A_139 = tpu.memref_squeeze %dma_start3A_138 : memref<1x128xi32, #tpu.memory_space<vmem>> -> memref<128xi32, #tpu.memory_space<vmem>>
      %dma_start3A_140 = arith.constant 0 : i32
      %dma_start3A_141 = arith.constant 0 : i32
      %dma_start3A_142 = tpu.memref_slice %arg2[%dma_start3A_140, %dma_start3A_141] : memref<10000x32xf32, #tpu.memory_space<hbm>> -> memref<10000x32xf32, #tpu.memory_space<hbm>>
      tpu.enqueue_indirect_dma source(%dma_start3A_142 : memref<10000x32xf32, #tpu.memory_space<hbm>>) target(%dma_start3A_136 : memref<128x32xf32, #tpu.memory_space<vmem>>) offsets(%dma_start3A_139 : memref<128xi32, #tpu.memory_space<vmem>>) semaphore(%arg21 : memref<!tpu.dma_semaphore, #tpu.memory_space<semaphore_mem>>)
      %dma_start3A_143 = arith.constant 3 : i32
      %dma_start3A_144 = arith.constant 384 : i32
      %dma_start3A_145 = arith.constant 0 : i32
      %dma_start3A_146 = tpu.memref_slice %arg13[%dma_start3A_144, %dma_start3A_145] : memref<512x32xf32, #tpu.memory_space<vmem>> -> memref<128x32xf32, #tpu.memory_space<vmem>>
      %dma_start3A_147 = arith.constant 0 : i32
      %dma_start3A_148 = tpu.memref_slice %arg11[%dma_start3A_143, %dma_start3A_147] : memref<4x128xi32, #tpu.memory_space<vmem>> -> memref<1x128xi32, #tpu.memory_space<vmem>>
      %dma_start3A_149 = tpu.memref_squeeze %dma_start3A_148 : memref<1x128xi32, #tpu.memory_space<vmem>> -> memref<128xi32, #tpu.memory_space<vmem>>
      %dma_start3A_150 = arith.constant 0 : i32
      %dma_start3A_151 = arith.constant 0 : i32
      %dma_start3A_152 = tpu.memref_slice %arg3[%dma_start3A_150, %dma_start3A_151] : memref<10000x32xf32, #tpu.memory_space<hbm>> -> memref<10000x32xf32, #tpu.memory_space<hbm>>
      tpu.enqueue_indirect_dma source(%dma_start3A_152 : memref<10000x32xf32, #tpu.memory_space<hbm>>) target(%dma_start3A_146 : memref<128x32xf32, #tpu.memory_space<vmem>>) offsets(%dma_start3A_149 : memref<128xi32, #tpu.memory_space<vmem>>) semaphore(%arg21 : memref<!tpu.dma_semaphore, #tpu.memory_space<semaphore_mem>>)
      %dma_start3A_153 = arith.constant 384 : i32
      %dma_start3A_154 = arith.constant 0 : i32
      %dma_start3A_155 = tpu.memref_slice %arg14[%dma_start3A_153, %dma_start3A_154] : memref<512x32xf32, #tpu.memory_space<vmem>> -> memref<128x32xf32, #tpu.memory_space<vmem>>
      %dma_start3A_156 = arith.constant 96 : i32
      %dma_start3A_157 = tpu.memref_slice %arg4[%mul3A_28, %dma_start3A_156] : memref<80000x128xf32, #tpu.memory_space<hbm>> -> memref<128x32xf32, #tpu.memory_space<hbm>>
      %dma_start3A_158 = arith.constant 384 : i32
      %dma_start3A_159 = arith.constant 0 : i32
      %dma_start3A_160 = tpu.memref_slice %arg14[%dma_start3A_158, %dma_start3A_159] : memref<512x32xf32, #tpu.memory_space<vmem>> -> memref<128x32xf32, #tpu.memory_space<vmem>>
      %dma_start3A_161 = arith.constant 96 : i32
      %dma_start3A_162 = tpu.memref_slice %arg4[%mul3A_28, %dma_start3A_161] : memref<80000x128xf32, #tpu.memory_space<hbm>> -> memref<128x32xf32, #tpu.memory_space<hbm>>
      tpu.enqueue_dma source(%dma_start3A_162 : memref<128x32xf32, #tpu.memory_space<hbm>>) target(%dma_start3A_160 : memref<128x32xf32, #tpu.memory_space<vmem>>) target_semaphore(%arg21 : memref<!tpu.dma_semaphore, #tpu.memory_space<semaphore_mem>>)
    } else {
    }
    %scan3A = arith.constant 0 : i32
    %scan3A_7 = arith.constant 10 : i32
    %scan3A_8 = arith.addi %scan3A, %scan3A_7 : i32
    %scan3A_9 = arith.constant 1 : i32
    scf.for %scan3A_19 = %scan3A to %scan3A_8 step %scan3A_9  : i32 {
      %mul3A_20 = arith.constant 1 : i32
      %mul3A_21 = arith.muli %scan3A_19, %mul3A_20 : i32
      %add3A_22 = arith.constant 0 : i32
      %add3A_23 = arith.addi %add3A_22, %mul3A_21 : i32
      %mul3A_24 = arith.constant 2 : i32
      %mul3A_25 = arith.muli %mul3A_24, %add3A_23 : i32
      %mul3A_26 = arith.constant 32 : i32
      %mul3A_27 = arith.muli %mul3A_25, %mul3A_26 : i32
      %add3A_28 = arith.addi %mul3A_27, %add3A : i32
      %add3A_29 = arith.constant 32 : i32
      %add3A_30 = arith.addi %add3A_28, %add3A_29 : i32
      %add3A_31 = arith.constant 32 : i32
      %add3A_32 = arith.addi %add3A_30, %add3A_31 : i32
      %lt3A_33 = arith.constant 625 : i32
      %lt3A_34 = arith.cmpi slt, %add3A_30, %lt3A_33 : i32
      %convert_element_type3A_35 = arith.extui %lt3A_34 : i1 to i32
      %cond3A_36 = arith.constant 0 : i32
      %cond3A_37 = arith.cmpi ne, %convert_element_type3A_35, %cond3A_36 : i32
      scf.if %cond3A_37 {
        %mul3A_53 = arith.constant 4 : i32
        %mul3A_54 = arith.muli %add3A_30, %mul3A_53 : i32
        %mul3A_55 = arith.constant 128 : i32
        %mul3A_56 = arith.muli %add3A_30, %mul3A_55 : i32
        %mul3A_57 = arith.constant 128 : i32
        %mul3A_58 = arith.muli %add3A_30, %mul3A_57 : i32
        %mul3A_59 = arith.constant 128 : i32
        %mul3A_60 = arith.muli %add3A_30, %mul3A_59 : i32
        %mul3A_61 = arith.constant 128 : i32
        %mul3A_62 = arith.muli %add3A_30, %mul3A_61 : i32
        %dma_start3A = arith.constant 0 : i32
        %dma_start3A_63 = tpu.memref_slice %arg5[%mul3A_54, %dma_start3A] : memref<2500x128xi32, #tpu.memory_space<hbm>> -> memref<4x128xi32, #tpu.memory_space<hbm>>
        %dma_start3A_64 = arith.constant 0 : i32
        %dma_start3A_65 = tpu.memref_slice %arg5[%mul3A_54, %dma_start3A_64] : memref<2500x128xi32, #tpu.memory_space<hbm>> -> memref<4x128xi32, #tpu.memory_space<hbm>>
        tpu.enqueue_dma source(%dma_start3A_65 : memref<4x128xi32, #tpu.memory_space<hbm>>) target(%arg15 : memref<4x128xi32, #tpu.memory_space<vmem>>) target_semaphore(%arg22 : memref<!tpu.dma_semaphore, #tpu.memory_space<semaphore_mem>>)
        %dma_start3A_66 = arith.constant 0 : i32
        %dma_start3A_67 = tpu.memref_slice %arg6[%mul3A_54, %dma_start3A_66] : memref<2500x128xi32, #tpu.memory_space<hbm>> -> memref<4x128xi32, #tpu.memory_space<hbm>>
        %dma_start3A_68 = arith.constant 0 : i32
        %dma_start3A_69 = tpu.memref_slice %arg6[%mul3A_54, %dma_start3A_68] : memref<2500x128xi32, #tpu.memory_space<hbm>> -> memref<4x128xi32, #tpu.memory_space<hbm>>
        tpu.enqueue_dma source(%dma_start3A_69 : memref<4x128xi32, #tpu.memory_space<hbm>>) target(%arg16 : memref<4x128xi32, #tpu.memory_space<vmem>>) target_semaphore(%arg22 : memref<!tpu.dma_semaphore, #tpu.memory_space<semaphore_mem>>)
        %dma_wait3A = arith.constant 0 : i32
        %dma_wait3A_70 = tpu.memref_slice %arg5[%mul3A_54, %dma_wait3A] : memref<2500x128xi32, #tpu.memory_space<hbm>> -> memref<4x128xi32, #tpu.memory_space<hbm>>
        %dma_wait3A_71 = arith.constant 0 : i32
        %dma_wait3A_72 = tpu.memref_slice %arg5[%mul3A_54, %dma_wait3A_71] : memref<2500x128xi32, #tpu.memory_space<hbm>> -> memref<4x128xi32, #tpu.memory_space<hbm>>
        tpu.wait_dma2 semaphore(%arg22 : memref<!tpu.dma_semaphore, #tpu.memory_space<semaphore_mem>>) src(%dma_wait3A_72 : memref<4x128xi32, #tpu.memory_space<hbm>>) dst(%arg15 : memref<4x128xi32, #tpu.memory_space<vmem>>)
        %dma_wait3A_73 = arith.constant 0 : i32
        %dma_wait3A_74 = tpu.memref_slice %arg6[%mul3A_54, %dma_wait3A_73] : memref<2500x128xi32, #tpu.memory_space<hbm>> -> memref<4x128xi32, #tpu.memory_space<hbm>>
        %dma_wait3A_75 = arith.constant 0 : i32
        %dma_wait3A_76 = tpu.memref_slice %arg6[%mul3A_54, %dma_wait3A_75] : memref<2500x128xi32, #tpu.memory_space<hbm>> -> memref<4x128xi32, #tpu.memory_space<hbm>>
        tpu.wait_dma2 semaphore(%arg22 : memref<!tpu.dma_semaphore, #tpu.memory_space<semaphore_mem>>) src(%dma_wait3A_76 : memref<4x128xi32, #tpu.memory_space<hbm>>) dst(%arg16 : memref<4x128xi32, #tpu.memory_space<vmem>>)
        %dma_start3A_77 = arith.constant 0 : i32
        %dma_start3A_78 = arith.constant 0 : i32
        %dma_start3A_79 = arith.constant 0 : i32
        %dma_start3A_80 = tpu.memref_slice %arg17[%dma_start3A_78, %dma_start3A_79] : memref<512x32xf32, #tpu.memory_space<vmem>> -> memref<128x32xf32, #tpu.memory_space<vmem>>
        %dma_start3A_81 = arith.constant 0 : i32
        %dma_start3A_82 = tpu.memref_slice %arg15[%dma_start3A_77, %dma_start3A_81] : memref<4x128xi32, #tpu.memory_space<vmem>> -> memref<1x128xi32, #tpu.memory_space<vmem>>
        %dma_start3A_83 = tpu.memref_squeeze %dma_start3A_82 : memref<1x128xi32, #tpu.memory_space<vmem>> -> memref<128xi32, #tpu.memory_space<vmem>>
        %dma_start3A_84 = arith.constant 0 : i32
        %dma_start3A_85 = arith.constant 0 : i32
        %dma_start3A_86 = tpu.memref_slice %arg2[%dma_start3A_84, %dma_start3A_85] : memref<10000x32xf32, #tpu.memory_space<hbm>> -> memref<10000x32xf32, #tpu.memory_space<hbm>>
        tpu.enqueue_indirect_dma source(%dma_start3A_86 : memref<10000x32xf32, #tpu.memory_space<hbm>>) target(%dma_start3A_80 : memref<128x32xf32, #tpu.memory_space<vmem>>) offsets(%dma_start3A_83 : memref<128xi32, #tpu.memory_space<vmem>>) semaphore(%arg22 : memref<!tpu.dma_semaphore, #tpu.memory_space<semaphore_mem>>)
        %dma_start3A_87 = arith.constant 0 : i32
        %dma_start3A_88 = arith.constant 0 : i32
        %dma_start3A_89 = arith.constant 0 : i32
        %dma_start3A_90 = tpu.memref_slice %arg18[%dma_start3A_88, %dma_start3A_89] : memref<512x32xf32, #tpu.memory_space<vmem>> -> memref<128x32xf32, #tpu.memory_space<vmem>>
        %dma_start3A_91 = arith.constant 0 : i32
        %dma_start3A_92 = tpu.memref_slice %arg16[%dma_start3A_87, %dma_start3A_91] : memref<4x128xi32, #tpu.memory_space<vmem>> -> memref<1x128xi32, #tpu.memory_space<vmem>>
        %dma_start3A_93 = tpu.memref_squeeze %dma_start3A_92 : memref<1x128xi32, #tpu.memory_space<vmem>> -> memref<128xi32, #tpu.memory_space<vmem>>
        %dma_start3A_94 = arith.constant 0 : i32
        %dma_start3A_95 = arith.constant 0 : i32
        %dma_start3A_96 = tpu.memref_slice %arg3[%dma_start3A_94, %dma_start3A_95] : memref<10000x32xf32, #tpu.memory_space<hbm>> -> memref<10000x32xf32, #tpu.memory_space<hbm>>
        tpu.enqueue_indirect_dma source(%dma_start3A_96 : memref<10000x32xf32, #tpu.memory_space<hbm>>) target(%dma_start3A_90 : memref<128x32xf32, #tpu.memory_space<vmem>>) offsets(%dma_start3A_93 : memref<128xi32, #tpu.memory_space<vmem>>) semaphore(%arg22 : memref<!tpu.dma_semaphore, #tpu.memory_space<semaphore_mem>>)
        %dma_start3A_97 = arith.constant 0 : i32
        %dma_start3A_98 = arith.constant 0 : i32
        %dma_start3A_99 = tpu.memref_slice %arg19[%dma_start3A_97, %dma_start3A_98] : memref<512x32xf32, #tpu.memory_space<vmem>> -> memref<128x32xf32, #tpu.memory_space<vmem>>
        %dma_start3A_100 = arith.constant 0 : i32
        %dma_start3A_101 = tpu.memref_slice %arg4[%mul3A_56, %dma_start3A_100] : memref<80000x128xf32, #tpu.memory_space<hbm>> -> memref<128x32xf32, #tpu.memory_space<hbm>>
        %dma_start3A_102 = arith.constant 0 : i32
        %dma_start3A_103 = arith.constant 0 : i32
        %dma_start3A_104 = tpu.memref_slice %arg19[%dma_start3A_102, %dma_start3A_103] : memref<512x32xf32, #tpu.memory_space<vmem>> -> memref<128x32xf32, #tpu.memory_space<vmem>>
        %dma_start3A_105 = arith.constant 0 : i32
        %dma_start3A_106 = tpu.memref_slice %arg4[%mul3A_56, %dma_start3A_105] : memref<80000x128xf32, #tpu.memory_space<hbm>> -> memref<128x32xf32, #tpu.memory_space<hbm>>
        tpu.enqueue_dma source(%dma_start3A_106 : memref<128x32xf32, #tpu.memory_space<hbm>>) target(%dma_start3A_104 : memref<128x32xf32, #tpu.memory_space<vmem>>) target_semaphore(%arg22 : memref<!tpu.dma_semaphore, #tpu.memory_space<semaphore_mem>>)
        %dma_start3A_107 = arith.constant 1 : i32
        %dma_start3A_108 = arith.constant 128 : i32
        %dma_start3A_109 = arith.constant 0 : i32
        %dma_start3A_110 = tpu.memref_slice %arg17[%dma_start3A_108, %dma_start3A_109] : memref<512x32xf32, #tpu.memory_space<vmem>> -> memref<128x32xf32, #tpu.memory_space<vmem>>
        %dma_start3A_111 = arith.constant 0 : i32
        %dma_start3A_112 = tpu.memref_slice %arg15[%dma_start3A_107, %dma_start3A_111] : memref<4x128xi32, #tpu.memory_space<vmem>> -> memref<1x128xi32, #tpu.memory_space<vmem>>
        %dma_start3A_113 = tpu.memref_squeeze %dma_start3A_112 : memref<1x128xi32, #tpu.memory_space<vmem>> -> memref<128xi32, #tpu.memory_space<vmem>>
        %dma_start3A_114 = arith.constant 0 : i32
        %dma_start3A_115 = arith.constant 0 : i32
        %dma_start3A_116 = tpu.memref_slice %arg2[%dma_start3A_114, %dma_start3A_115] : memref<10000x32xf32, #tpu.memory_space<hbm>> -> memref<10000x32xf32, #tpu.memory_space<hbm>>
        tpu.enqueue_indirect_dma source(%dma_start3A_116 : memref<10000x32xf32, #tpu.memory_space<hbm>>) target(%dma_start3A_110 : memref<128x32xf32, #tpu.memory_space<vmem>>) offsets(%dma_start3A_113 : memref<128xi32, #tpu.memory_space<vmem>>) semaphore(%arg22 : memref<!tpu.dma_semaphore, #tpu.memory_space<semaphore_mem>>)
        %dma_start3A_117 = arith.constant 1 : i32
        %dma_start3A_118 = arith.constant 128 : i32
        %dma_start3A_119 = arith.constant 0 : i32
        %dma_start3A_120 = tpu.memref_slice %arg18[%dma_start3A_118, %dma_start3A_119] : memref<512x32xf32, #tpu.memory_space<vmem>> -> memref<128x32xf32, #tpu.memory_space<vmem>>
        %dma_start3A_121 = arith.constant 0 : i32
        %dma_start3A_122 = tpu.memref_slice %arg16[%dma_start3A_117, %dma_start3A_121] : memref<4x128xi32, #tpu.memory_space<vmem>> -> memref<1x128xi32, #tpu.memory_space<vmem>>
        %dma_start3A_123 = tpu.memref_squeeze %dma_start3A_122 : memref<1x128xi32, #tpu.memory_space<vmem>> -> memref<128xi32, #tpu.memory_space<vmem>>
        %dma_start3A_124 = arith.constant 0 : i32
        %dma_start3A_125 = arith.constant 0 : i32
        %dma_start3A_126 = tpu.memref_slice %arg3[%dma_start3A_124, %dma_start3A_125] : memref<10000x32xf32, #tpu.memory_space<hbm>> -> memref<10000x32xf32, #tpu.memory_space<hbm>>
        tpu.enqueue_indirect_dma source(%dma_start3A_126 : memref<10000x32xf32, #tpu.memory_space<hbm>>) target(%dma_start3A_120 : memref<128x32xf32, #tpu.memory_space<vmem>>) offsets(%dma_start3A_123 : memref<128xi32, #tpu.memory_space<vmem>>) semaphore(%arg22 : memref<!tpu.dma_semaphore, #tpu.memory_space<semaphore_mem>>)
        %dma_start3A_127 = arith.constant 128 : i32
        %dma_start3A_128 = arith.constant 0 : i32
        %dma_start3A_129 = tpu.memref_slice %arg19[%dma_start3A_127, %dma_start3A_128] : memref<512x32xf32, #tpu.memory_space<vmem>> -> memref<128x32xf32, #tpu.memory_space<vmem>>
        %dma_start3A_130 = arith.constant 32 : i32
        %dma_start3A_131 = tpu.memref_slice %arg4[%mul3A_58, %dma_start3A_130] : memref<80000x128xf32, #tpu.memory_space<hbm>> -> memref<128x32xf32, #tpu.memory_space<hbm>>
        %dma_start3A_132 = arith.constant 128 : i32
        %dma_start3A_133 = arith.constant 0 : i32
        %dma_start3A_134 = tpu.memref_slice %arg19[%dma_start3A_132, %dma_start3A_133] : memref<512x32xf32, #tpu.memory_space<vmem>> -> memref<128x32xf32, #tpu.memory_space<vmem>>
        %dma_start3A_135 = arith.constant 32 : i32
        %dma_start3A_136 = tpu.memref_slice %arg4[%mul3A_58, %dma_start3A_135] : memref<80000x128xf32, #tpu.memory_space<hbm>> -> memref<128x32xf32, #tpu.memory_space<hbm>>
        tpu.enqueue_dma source(%dma_start3A_136 : memref<128x32xf32, #tpu.memory_space<hbm>>) target(%dma_start3A_134 : memref<128x32xf32, #tpu.memory_space<vmem>>) target_semaphore(%arg22 : memref<!tpu.dma_semaphore, #tpu.memory_space<semaphore_mem>>)
        %dma_start3A_137 = arith.constant 2 : i32
        %dma_start3A_138 = arith.constant 256 : i32
        %dma_start3A_139 = arith.constant 0 : i32
        %dma_start3A_140 = tpu.memref_slice %arg17[%dma_start3A_138, %dma_start3A_139] : memref<512x32xf32, #tpu.memory_space<vmem>> -> memref<128x32xf32, #tpu.memory_space<vmem>>
        %dma_start3A_141 = arith.constant 0 : i32
        %dma_start3A_142 = tpu.memref_slice %arg15[%dma_start3A_137, %dma_start3A_141] : memref<4x128xi32, #tpu.memory_space<vmem>> -> memref<1x128xi32, #tpu.memory_space<vmem>>
        %dma_start3A_143 = tpu.memref_squeeze %dma_start3A_142 : memref<1x128xi32, #tpu.memory_space<vmem>> -> memref<128xi32, #tpu.memory_space<vmem>>
        %dma_start3A_144 = arith.constant 0 : i32
        %dma_start3A_145 = arith.constant 0 : i32
        %dma_start3A_146 = tpu.memref_slice %arg2[%dma_start3A_144, %dma_start3A_145] : memref<10000x32xf32, #tpu.memory_space<hbm>> -> memref<10000x32xf32, #tpu.memory_space<hbm>>
        tpu.enqueue_indirect_dma source(%dma_start3A_146 : memref<10000x32xf32, #tpu.memory_space<hbm>>) target(%dma_start3A_140 : memref<128x32xf32, #tpu.memory_space<vmem>>) offsets(%dma_start3A_143 : memref<128xi32, #tpu.memory_space<vmem>>) semaphore(%arg22 : memref<!tpu.dma_semaphore, #tpu.memory_space<semaphore_mem>>)
        %dma_start3A_147 = arith.constant 2 : i32
        %dma_start3A_148 = arith.constant 256 : i32
        %dma_start3A_149 = arith.constant 0 : i32
        %dma_start3A_150 = tpu.memref_slice %arg18[%dma_start3A_148, %dma_start3A_149] : memref<512x32xf32, #tpu.memory_space<vmem>> -> memref<128x32xf32, #tpu.memory_space<vmem>>
        %dma_start3A_151 = arith.constant 0 : i32
        %dma_start3A_152 = tpu.memref_slice %arg16[%dma_start3A_147, %dma_start3A_151] : memref<4x128xi32, #tpu.memory_space<vmem>> -> memref<1x128xi32, #tpu.memory_space<vmem>>
        %dma_start3A_153 = tpu.memref_squeeze %dma_start3A_152 : memref<1x128xi32, #tpu.memory_space<vmem>> -> memref<128xi32, #tpu.memory_space<vmem>>
        %dma_start3A_154 = arith.constant 0 : i32
        %dma_start3A_155 = arith.constant 0 : i32
        %dma_start3A_156 = tpu.memref_slice %arg3[%dma_start3A_154, %dma_start3A_155] : memref<10000x32xf32, #tpu.memory_space<hbm>> -> memref<10000x32xf32, #tpu.memory_space<hbm>>
        tpu.enqueue_indirect_dma source(%dma_start3A_156 : memref<10000x32xf32, #tpu.memory_space<hbm>>) target(%dma_start3A_150 : memref<128x32xf32, #tpu.memory_space<vmem>>) offsets(%dma_start3A_153 : memref<128xi32, #tpu.memory_space<vmem>>) semaphore(%arg22 : memref<!tpu.dma_semaphore, #tpu.memory_space<semaphore_mem>>)
        %dma_start3A_157 = arith.constant 256 : i32
        %dma_start3A_158 = arith.constant 0 : i32
        %dma_start3A_159 = tpu.memref_slice %arg19[%dma_start3A_157, %dma_start3A_158] : memref<512x32xf32, #tpu.memory_space<vmem>> -> memref<128x32xf32, #tpu.memory_space<vmem>>
        %dma_start3A_160 = arith.constant 64 : i32
        %dma_start3A_161 = tpu.memref_slice %arg4[%mul3A_60, %dma_start3A_160] : memref<80000x128xf32, #tpu.memory_space<hbm>> -> memref<128x32xf32, #tpu.memory_space<hbm>>
        %dma_start3A_162 = arith.constant 256 : i32
        %dma_start3A_163 = arith.constant 0 : i32
        %dma_start3A_164 = tpu.memref_slice %arg19[%dma_start3A_162, %dma_start3A_163] : memref<512x32xf32, #tpu.memory_space<vmem>> -> memref<128x32xf32, #tpu.memory_space<vmem>>
        %dma_start3A_165 = arith.constant 64 : i32
        %dma_start3A_166 = tpu.memref_slice %arg4[%mul3A_60, %dma_start3A_165] : memref<80000x128xf32, #tpu.memory_space<hbm>> -> memref<128x32xf32, #tpu.memory_space<hbm>>
        tpu.enqueue_dma source(%dma_start3A_166 : memref<128x32xf32, #tpu.memory_space<hbm>>) target(%dma_start3A_164 : memref<128x32xf32, #tpu.memory_space<vmem>>) target_semaphore(%arg22 : memref<!tpu.dma_semaphore, #tpu.memory_space<semaphore_mem>>)
        %dma_start3A_167 = arith.constant 3 : i32
        %dma_start3A_168 = arith.constant 384 : i32
        %dma_start3A_169 = arith.constant 0 : i32
        %dma_start3A_170 = tpu.memref_slice %arg17[%dma_start3A_168, %dma_start3A_169] : memref<512x32xf32, #tpu.memory_space<vmem>> -> memref<128x32xf32, #tpu.memory_space<vmem>>
        %dma_start3A_171 = arith.constant 0 : i32
        %dma_start3A_172 = tpu.memref_slice %arg15[%dma_start3A_167, %dma_start3A_171] : memref<4x128xi32, #tpu.memory_space<vmem>> -> memref<1x128xi32, #tpu.memory_space<vmem>>
        %dma_start3A_173 = tpu.memref_squeeze %dma_start3A_172 : memref<1x128xi32, #tpu.memory_space<vmem>> -> memref<128xi32, #tpu.memory_space<vmem>>
        %dma_start3A_174 = arith.constant 0 : i32
        %dma_start3A_175 = arith.constant 0 : i32
        %dma_start3A_176 = tpu.memref_slice %arg2[%dma_start3A_174, %dma_start3A_175] : memref<10000x32xf32, #tpu.memory_space<hbm>> -> memref<10000x32xf32, #tpu.memory_space<hbm>>
        tpu.enqueue_indirect_dma source(%dma_start3A_176 : memref<10000x32xf32, #tpu.memory_space<hbm>>) target(%dma_start3A_170 : memref<128x32xf32, #tpu.memory_space<vmem>>) offsets(%dma_start3A_173 : memref<128xi32, #tpu.memory_space<vmem>>) semaphore(%arg22 : memref<!tpu.dma_semaphore, #tpu.memory_space<semaphore_mem>>)
        %dma_start3A_177 = arith.constant 3 : i32
        %dma_start3A_178 = arith.constant 384 : i32
        %dma_start3A_179 = arith.constant 0 : i32
        %dma_start3A_180 = tpu.memref_slice %arg18[%dma_start3A_178, %dma_start3A_179] : memref<512x32xf32, #tpu.memory_space<vmem>> -> memref<128x32xf32, #tpu.memory_space<vmem>>
        %dma_start3A_181 = arith.constant 0 : i32
        %dma_start3A_182 = tpu.memref_slice %arg16[%dma_start3A_177, %dma_start3A_181] : memref<4x128xi32, #tpu.memory_space<vmem>> -> memref<1x128xi32, #tpu.memory_space<vmem>>
        %dma_start3A_183 = tpu.memref_squeeze %dma_start3A_182 : memref<1x128xi32, #tpu.memory_space<vmem>> -> memref<128xi32, #tpu.memory_space<vmem>>
        %dma_start3A_184 = arith.constant 0 : i32
        %dma_start3A_185 = arith.constant 0 : i32
        %dma_start3A_186 = tpu.memref_slice %arg3[%dma_start3A_184, %dma_start3A_185] : memref<10000x32xf32, #tpu.memory_space<hbm>> -> memref<10000x32xf32, #tpu.memory_space<hbm>>
        tpu.enqueue_indirect_dma source(%dma_start3A_186 : memref<10000x32xf32, #tpu.memory_space<hbm>>) target(%dma_start3A_180 : memref<128x32xf32, #tpu.memory_space<vmem>>) offsets(%dma_start3A_183 : memref<128xi32, #tpu.memory_space<vmem>>) semaphore(%arg22 : memref<!tpu.dma_semaphore, #tpu.memory_space<semaphore_mem>>)
        %dma_start3A_187 = arith.constant 384 : i32
        %dma_start3A_188 = arith.constant 0 : i32
        %dma_start3A_189 = tpu.memref_slice %arg19[%dma_start3A_187, %dma_start3A_188] : memref<512x32xf32, #tpu.memory_space<vmem>> -> memref<128x32xf32, #tpu.memory_space<vmem>>
        %dma_start3A_190 = arith.constant 96 : i32
        %dma_start3A_191 = tpu.memref_slice %arg4[%mul3A_62, %dma_start3A_190] : memref<80000x128xf32, #tpu.memory_space<hbm>> -> memref<128x32xf32, #tpu.memory_space<hbm>>
        %dma_start3A_192 = arith.constant 384 : i32
        %dma_start3A_193 = arith.constant 0 : i32
        %dma_start3A_194 = tpu.memref_slice %arg19[%dma_start3A_192, %dma_start3A_193] : memref<512x32xf32, #tpu.memory_space<vmem>> -> memref<128x32xf32, #tpu.memory_space<vmem>>
        %dma_start3A_195 = arith.constant 96 : i32
        %dma_start3A_196 = tpu.memref_slice %arg4[%mul3A_62, %dma_start3A_195] : memref<80000x128xf32, #tpu.memory_space<hbm>> -> memref<128x32xf32, #tpu.memory_space<hbm>>
        tpu.enqueue_dma source(%dma_start3A_196 : memref<128x32xf32, #tpu.memory_space<hbm>>) target(%dma_start3A_194 : memref<128x32xf32, #tpu.memory_space<vmem>>) target_semaphore(%arg22 : memref<!tpu.dma_semaphore, #tpu.memory_space<semaphore_mem>>)
      } else {
      }
      %lt3A_38 = arith.constant 625 : i32
      %lt3A_39 = arith.cmpi slt, %add3A_28, %lt3A_38 : i32
      %convert_element_type3A_40 = arith.extui %lt3A_39 : i1 to i32
      %cond3A_41 = arith.constant 0 : i32
      %cond3A_42 = arith.cmpi ne, %convert_element_type3A_40, %cond3A_41 : i32
      scf.if %cond3A_42 {
        %mul3A_53 = arith.constant 4 : i32
        %mul3A_54 = arith.muli %add3A_28, %mul3A_53 : i32
        %mul3A_55 = arith.constant 128 : i32
        %mul3A_56 = arith.muli %add3A_28, %mul3A_55 : i32
        %mul3A_57 = arith.constant 128 : i32
        %mul3A_58 = arith.muli %add3A_28, %mul3A_57 : i32
        %mul3A_59 = arith.constant 128 : i32
        %mul3A_60 = arith.muli %add3A_28, %mul3A_59 : i32
        %mul3A_61 = arith.constant 128 : i32
        %mul3A_62 = arith.muli %add3A_28, %mul3A_61 : i32
        %dma_wait3A = arith.constant 0 : i32
        %dma_wait3A_63 = arith.constant 0 : i32
        %dma_wait3A_64 = arith.constant 0 : i32
        %dma_wait3A_65 = tpu.memref_slice %arg12[%dma_wait3A_63, %dma_wait3A_64] : memref<512x32xf32, #tpu.memory_space<vmem>> -> memref<128x32xf32, #tpu.memory_space<vmem>>
        %dma_wait3A_66 = arith.constant 0 : i32
        %dma_wait3A_67 = tpu.memref_slice %arg10[%dma_wait3A, %dma_wait3A_66] : memref<4x128xi32, #tpu.memory_space<vmem>> -> memref<1x128xi32, #tpu.memory_space<vmem>>
        %dma_wait3A_68 = tpu.memref_squeeze %dma_wait3A_67 : memref<1x128xi32, #tpu.memory_space<vmem>> -> memref<128xi32, #tpu.memory_space<vmem>>
        %dma_wait3A_69 = arith.constant 0 : i32
        %dma_wait3A_70 = arith.constant 0 : i32
        %dma_wait3A_71 = tpu.memref_slice %arg2[%dma_wait3A_69, %dma_wait3A_70] : memref<10000x32xf32, #tpu.memory_space<hbm>> -> memref<10000x32xf32, #tpu.memory_space<hbm>>
        tpu.wait_indirect_dma semaphore(%arg21 : memref<!tpu.dma_semaphore, #tpu.memory_space<semaphore_mem>>) src(%dma_wait3A_71 : memref<10000x32xf32, #tpu.memory_space<hbm>>) dst(%dma_wait3A_65 : memref<128x32xf32, #tpu.memory_space<vmem>>)
        %dma_wait3A_72 = arith.constant 0 : i32
        %dma_wait3A_73 = arith.constant 0 : i32
        %dma_wait3A_74 = arith.constant 0 : i32
        %dma_wait3A_75 = tpu.memref_slice %arg13[%dma_wait3A_73, %dma_wait3A_74] : memref<512x32xf32, #tpu.memory_space<vmem>> -> memref<128x32xf32, #tpu.memory_space<vmem>>
        %dma_wait3A_76 = arith.constant 0 : i32
        %dma_wait3A_77 = tpu.memref_slice %arg11[%dma_wait3A_72, %dma_wait3A_76] : memref<4x128xi32, #tpu.memory_space<vmem>> -> memref<1x128xi32, #tpu.memory_space<vmem>>
        %dma_wait3A_78 = tpu.memref_squeeze %dma_wait3A_77 : memref<1x128xi32, #tpu.memory_space<vmem>> -> memref<128xi32, #tpu.memory_space<vmem>>
        %dma_wait3A_79 = arith.constant 0 : i32
        %dma_wait3A_80 = arith.constant 0 : i32
        %dma_wait3A_81 = tpu.memref_slice %arg3[%dma_wait3A_79, %dma_wait3A_80] : memref<10000x32xf32, #tpu.memory_space<hbm>> -> memref<10000x32xf32, #tpu.memory_space<hbm>>
        tpu.wait_indirect_dma semaphore(%arg21 : memref<!tpu.dma_semaphore, #tpu.memory_space<semaphore_mem>>) src(%dma_wait3A_81 : memref<10000x32xf32, #tpu.memory_space<hbm>>) dst(%dma_wait3A_75 : memref<128x32xf32, #tpu.memory_space<vmem>>)
        %dma_wait3A_82 = arith.constant 0 : i32
        %dma_wait3A_83 = arith.constant 0 : i32
        %dma_wait3A_84 = tpu.memref_slice %arg14[%dma_wait3A_82, %dma_wait3A_83] : memref<512x32xf32, #tpu.memory_space<vmem>> -> memref<128x32xf32, #tpu.memory_space<vmem>>
        %dma_wait3A_85 = arith.constant 0 : i32
        %dma_wait3A_86 = tpu.memref_slice %arg4[%mul3A_56, %dma_wait3A_85] : memref<80000x128xf32, #tpu.memory_space<hbm>> -> memref<128x32xf32, #tpu.memory_space<hbm>>
        %dma_wait3A_87 = arith.constant 0 : i32
        %dma_wait3A_88 = arith.constant 0 : i32
        %dma_wait3A_89 = tpu.memref_slice %arg14[%dma_wait3A_87, %dma_wait3A_88] : memref<512x32xf32, #tpu.memory_space<vmem>> -> memref<128x32xf32, #tpu.memory_space<vmem>>
        %dma_wait3A_90 = arith.constant 0 : i32
        %dma_wait3A_91 = tpu.memref_slice %arg4[%mul3A_56, %dma_wait3A_90] : memref<80000x128xf32, #tpu.memory_space<hbm>> -> memref<128x32xf32, #tpu.memory_space<hbm>>
        tpu.wait_dma2 semaphore(%arg21 : memref<!tpu.dma_semaphore, #tpu.memory_space<semaphore_mem>>) src(%dma_wait3A_91 : memref<128x32xf32, #tpu.memory_space<hbm>>) dst(%dma_wait3A_89 : memref<128x32xf32, #tpu.memory_space<vmem>>)
        %dma_wait3A_92 = arith.constant 1 : i32
        %dma_wait3A_93 = arith.constant 128 : i32
        %dma_wait3A_94 = arith.constant 0 : i32
        %dma_wait3A_95 = tpu.memref_slice %arg12[%dma_wait3A_93, %dma_wait3A_94] : memref<512x32xf32, #tpu.memory_space<vmem>> -> memref<128x32xf32, #tpu.memory_space<vmem>>
        %dma_wait3A_96 = arith.constant 0 : i32
        %dma_wait3A_97 = tpu.memref_slice %arg10[%dma_wait3A_92, %dma_wait3A_96] : memref<4x128xi32, #tpu.memory_space<vmem>> -> memref<1x128xi32, #tpu.memory_space<vmem>>
        %dma_wait3A_98 = tpu.memref_squeeze %dma_wait3A_97 : memref<1x128xi32, #tpu.memory_space<vmem>> -> memref<128xi32, #tpu.memory_space<vmem>>
        %dma_wait3A_99 = arith.constant 0 : i32
        %dma_wait3A_100 = arith.constant 0 : i32
        %dma_wait3A_101 = tpu.memref_slice %arg2[%dma_wait3A_99, %dma_wait3A_100] : memref<10000x32xf32, #tpu.memory_space<hbm>> -> memref<10000x32xf32, #tpu.memory_space<hbm>>
        tpu.wait_indirect_dma semaphore(%arg21 : memref<!tpu.dma_semaphore, #tpu.memory_space<semaphore_mem>>) src(%dma_wait3A_101 : memref<10000x32xf32, #tpu.memory_space<hbm>>) dst(%dma_wait3A_95 : memref<128x32xf32, #tpu.memory_space<vmem>>)
        %dma_wait3A_102 = arith.constant 1 : i32
        %dma_wait3A_103 = arith.constant 128 : i32
        %dma_wait3A_104 = arith.constant 0 : i32
        %dma_wait3A_105 = tpu.memref_slice %arg13[%dma_wait3A_103, %dma_wait3A_104] : memref<512x32xf32, #tpu.memory_space<vmem>> -> memref<128x32xf32, #tpu.memory_space<vmem>>
        %dma_wait3A_106 = arith.constant 0 : i32
        %dma_wait3A_107 = tpu.memref_slice %arg11[%dma_wait3A_102, %dma_wait3A_106] : memref<4x128xi32, #tpu.memory_space<vmem>> -> memref<1x128xi32, #tpu.memory_space<vmem>>
        %dma_wait3A_108 = tpu.memref_squeeze %dma_wait3A_107 : memref<1x128xi32, #tpu.memory_space<vmem>> -> memref<128xi32, #tpu.memory_space<vmem>>
        %dma_wait3A_109 = arith.constant 0 : i32
        %dma_wait3A_110 = arith.constant 0 : i32
        %dma_wait3A_111 = tpu.memref_slice %arg3[%dma_wait3A_109, %dma_wait3A_110] : memref<10000x32xf32, #tpu.memory_space<hbm>> -> memref<10000x32xf32, #tpu.memory_space<hbm>>
        tpu.wait_indirect_dma semaphore(%arg21 : memref<!tpu.dma_semaphore, #tpu.memory_space<semaphore_mem>>) src(%dma_wait3A_111 : memref<10000x32xf32, #tpu.memory_space<hbm>>) dst(%dma_wait3A_105 : memref<128x32xf32, #tpu.memory_space<vmem>>)
        %dma_wait3A_112 = arith.constant 128 : i32
        %dma_wait3A_113 = arith.constant 0 : i32
        %dma_wait3A_114 = tpu.memref_slice %arg14[%dma_wait3A_112, %dma_wait3A_113] : memref<512x32xf32, #tpu.memory_space<vmem>> -> memref<128x32xf32, #tpu.memory_space<vmem>>
        %dma_wait3A_115 = arith.constant 32 : i32
        %dma_wait3A_116 = tpu.memref_slice %arg4[%mul3A_58, %dma_wait3A_115] : memref<80000x128xf32, #tpu.memory_space<hbm>> -> memref<128x32xf32, #tpu.memory_space<hbm>>
        %dma_wait3A_117 = arith.constant 128 : i32
        %dma_wait3A_118 = arith.constant 0 : i32
        %dma_wait3A_119 = tpu.memref_slice %arg14[%dma_wait3A_117, %dma_wait3A_118] : memref<512x32xf32, #tpu.memory_space<vmem>> -> memref<128x32xf32, #tpu.memory_space<vmem>>
        %dma_wait3A_120 = arith.constant 32 : i32
        %dma_wait3A_121 = tpu.memref_slice %arg4[%mul3A_58, %dma_wait3A_120] : memref<80000x128xf32, #tpu.memory_space<hbm>> -> memref<128x32xf32, #tpu.memory_space<hbm>>
        tpu.wait_dma2 semaphore(%arg21 : memref<!tpu.dma_semaphore, #tpu.memory_space<semaphore_mem>>) src(%dma_wait3A_121 : memref<128x32xf32, #tpu.memory_space<hbm>>) dst(%dma_wait3A_119 : memref<128x32xf32, #tpu.memory_space<vmem>>)
        %dma_wait3A_122 = arith.constant 2 : i32
        %dma_wait3A_123 = arith.constant 256 : i32
        %dma_wait3A_124 = arith.constant 0 : i32
        %dma_wait3A_125 = tpu.memref_slice %arg12[%dma_wait3A_123, %dma_wait3A_124] : memref<512x32xf32, #tpu.memory_space<vmem>> -> memref<128x32xf32, #tpu.memory_space<vmem>>
        %dma_wait3A_126 = arith.constant 0 : i32
        %dma_wait3A_127 = tpu.memref_slice %arg10[%dma_wait3A_122, %dma_wait3A_126] : memref<4x128xi32, #tpu.memory_space<vmem>> -> memref<1x128xi32, #tpu.memory_space<vmem>>
        %dma_wait3A_128 = tpu.memref_squeeze %dma_wait3A_127 : memref<1x128xi32, #tpu.memory_space<vmem>> -> memref<128xi32, #tpu.memory_space<vmem>>
        %dma_wait3A_129 = arith.constant 0 : i32
        %dma_wait3A_130 = arith.constant 0 : i32
        %dma_wait3A_131 = tpu.memref_slice %arg2[%dma_wait3A_129, %dma_wait3A_130] : memref<10000x32xf32, #tpu.memory_space<hbm>> -> memref<10000x32xf32, #tpu.memory_space<hbm>>
        tpu.wait_indirect_dma semaphore(%arg21 : memref<!tpu.dma_semaphore, #tpu.memory_space<semaphore_mem>>) src(%dma_wait3A_131 : memref<10000x32xf32, #tpu.memory_space<hbm>>) dst(%dma_wait3A_125 : memref<128x32xf32, #tpu.memory_space<vmem>>)
        %dma_wait3A_132 = arith.constant 2 : i32
        %dma_wait3A_133 = arith.constant 256 : i32
        %dma_wait3A_134 = arith.constant 0 : i32
        %dma_wait3A_135 = tpu.memref_slice %arg13[%dma_wait3A_133, %dma_wait3A_134] : memref<512x32xf32, #tpu.memory_space<vmem>> -> memref<128x32xf32, #tpu.memory_space<vmem>>
        %dma_wait3A_136 = arith.constant 0 : i32
        %dma_wait3A_137 = tpu.memref_slice %arg11[%dma_wait3A_132, %dma_wait3A_136] : memref<4x128xi32, #tpu.memory_space<vmem>> -> memref<1x128xi32, #tpu.memory_space<vmem>>
        %dma_wait3A_138 = tpu.memref_squeeze %dma_wait3A_137 : memref<1x128xi32, #tpu.memory_space<vmem>> -> memref<128xi32, #tpu.memory_space<vmem>>
        %dma_wait3A_139 = arith.constant 0 : i32
        %dma_wait3A_140 = arith.constant 0 : i32
        %dma_wait3A_141 = tpu.memref_slice %arg3[%dma_wait3A_139, %dma_wait3A_140] : memref<10000x32xf32, #tpu.memory_space<hbm>> -> memref<10000x32xf32, #tpu.memory_space<hbm>>
        tpu.wait_indirect_dma semaphore(%arg21 : memref<!tpu.dma_semaphore, #tpu.memory_space<semaphore_mem>>) src(%dma_wait3A_141 : memref<10000x32xf32, #tpu.memory_space<hbm>>) dst(%dma_wait3A_135 : memref<128x32xf32, #tpu.memory_space<vmem>>)
        %dma_wait3A_142 = arith.constant 256 : i32
        %dma_wait3A_143 = arith.constant 0 : i32
        %dma_wait3A_144 = tpu.memref_slice %arg14[%dma_wait3A_142, %dma_wait3A_143] : memref<512x32xf32, #tpu.memory_space<vmem>> -> memref<128x32xf32, #tpu.memory_space<vmem>>
        %dma_wait3A_145 = arith.constant 64 : i32
        %dma_wait3A_146 = tpu.memref_slice %arg4[%mul3A_60, %dma_wait3A_145] : memref<80000x128xf32, #tpu.memory_space<hbm>> -> memref<128x32xf32, #tpu.memory_space<hbm>>
        %dma_wait3A_147 = arith.constant 256 : i32
        %dma_wait3A_148 = arith.constant 0 : i32
        %dma_wait3A_149 = tpu.memref_slice %arg14[%dma_wait3A_147, %dma_wait3A_148] : memref<512x32xf32, #tpu.memory_space<vmem>> -> memref<128x32xf32, #tpu.memory_space<vmem>>
        %dma_wait3A_150 = arith.constant 64 : i32
        %dma_wait3A_151 = tpu.memref_slice %arg4[%mul3A_60, %dma_wait3A_150] : memref<80000x128xf32, #tpu.memory_space<hbm>> -> memref<128x32xf32, #tpu.memory_space<hbm>>
        tpu.wait_dma2 semaphore(%arg21 : memref<!tpu.dma_semaphore, #tpu.memory_space<semaphore_mem>>) src(%dma_wait3A_151 : memref<128x32xf32, #tpu.memory_space<hbm>>) dst(%dma_wait3A_149 : memref<128x32xf32, #tpu.memory_space<vmem>>)
        %dma_wait3A_152 = arith.constant 3 : i32
        %dma_wait3A_153 = arith.constant 384 : i32
        %dma_wait3A_154 = arith.constant 0 : i32
        %dma_wait3A_155 = tpu.memref_slice %arg12[%dma_wait3A_153, %dma_wait3A_154] : memref<512x32xf32, #tpu.memory_space<vmem>> -> memref<128x32xf32, #tpu.memory_space<vmem>>
        %dma_wait3A_156 = arith.constant 0 : i32
        %dma_wait3A_157 = tpu.memref_slice %arg10[%dma_wait3A_152, %dma_wait3A_156] : memref<4x128xi32, #tpu.memory_space<vmem>> -> memref<1x128xi32, #tpu.memory_space<vmem>>
        %dma_wait3A_158 = tpu.memref_squeeze %dma_wait3A_157 : memref<1x128xi32, #tpu.memory_space<vmem>> -> memref<128xi32, #tpu.memory_space<vmem>>
        %dma_wait3A_159 = arith.constant 0 : i32
        %dma_wait3A_160 = arith.constant 0 : i32
        %dma_wait3A_161 = tpu.memref_slice %arg2[%dma_wait3A_159, %dma_wait3A_160] : memref<10000x32xf32, #tpu.memory_space<hbm>> -> memref<10000x32xf32, #tpu.memory_space<hbm>>
        tpu.wait_indirect_dma semaphore(%arg21 : memref<!tpu.dma_semaphore, #tpu.memory_space<semaphore_mem>>) src(%dma_wait3A_161 : memref<10000x32xf32, #tpu.memory_space<hbm>>) dst(%dma_wait3A_155 : memref<128x32xf32, #tpu.memory_space<vmem>>)
        %dma_wait3A_162 = arith.constant 3 : i32
        %dma_wait3A_163 = arith.constant 384 : i32
        %dma_wait3A_164 = arith.constant 0 : i32
        %dma_wait3A_165 = tpu.memref_slice %arg13[%dma_wait3A_163, %dma_wait3A_164] : memref<512x32xf32, #tpu.memory_space<vmem>> -> memref<128x32xf32, #tpu.memory_space<vmem>>
        %dma_wait3A_166 = arith.constant 0 : i32
        %dma_wait3A_167 = tpu.memref_slice %arg11[%dma_wait3A_162, %dma_wait3A_166] : memref<4x128xi32, #tpu.memory_space<vmem>> -> memref<1x128xi32, #tpu.memory_space<vmem>>
        %dma_wait3A_168 = tpu.memref_squeeze %dma_wait3A_167 : memref<1x128xi32, #tpu.memory_space<vmem>> -> memref<128xi32, #tpu.memory_space<vmem>>
        %dma_wait3A_169 = arith.constant 0 : i32
        %dma_wait3A_170 = arith.constant 0 : i32
        %dma_wait3A_171 = tpu.memref_slice %arg3[%dma_wait3A_169, %dma_wait3A_170] : memref<10000x32xf32, #tpu.memory_space<hbm>> -> memref<10000x32xf32, #tpu.memory_space<hbm>>
        tpu.wait_indirect_dma semaphore(%arg21 : memref<!tpu.dma_semaphore, #tpu.memory_space<semaphore_mem>>) src(%dma_wait3A_171 : memref<10000x32xf32, #tpu.memory_space<hbm>>) dst(%dma_wait3A_165 : memref<128x32xf32, #tpu.memory_space<vmem>>)
        %dma_wait3A_172 = arith.constant 384 : i32
        %dma_wait3A_173 = arith.constant 0 : i32
        %dma_wait3A_174 = tpu.memref_slice %arg14[%dma_wait3A_172, %dma_wait3A_173] : memref<512x32xf32, #tpu.memory_space<vmem>> -> memref<128x32xf32, #tpu.memory_space<vmem>>
        %dma_wait3A_175 = arith.constant 96 : i32
        %dma_wait3A_176 = tpu.memref_slice %arg4[%mul3A_62, %dma_wait3A_175] : memref<80000x128xf32, #tpu.memory_space<hbm>> -> memref<128x32xf32, #tpu.memory_space<hbm>>
        %dma_wait3A_177 = arith.constant 384 : i32
        %dma_wait3A_178 = arith.constant 0 : i32
        %dma_wait3A_179 = tpu.memref_slice %arg14[%dma_wait3A_177, %dma_wait3A_178] : memref<512x32xf32, #tpu.memory_space<vmem>> -> memref<128x32xf32, #tpu.memory_space<vmem>>
        %dma_wait3A_180 = arith.constant 96 : i32
        %dma_wait3A_181 = tpu.memref_slice %arg4[%mul3A_62, %dma_wait3A_180] : memref<80000x128xf32, #tpu.memory_space<hbm>> -> memref<128x32xf32, #tpu.memory_space<hbm>>
        tpu.wait_dma2 semaphore(%arg21 : memref<!tpu.dma_semaphore, #tpu.memory_space<semaphore_mem>>) src(%dma_wait3A_181 : memref<128x32xf32, #tpu.memory_space<hbm>>) dst(%dma_wait3A_179 : memref<128x32xf32, #tpu.memory_space<vmem>>)
        %scan3A_182 = arith.constant 0 : i32
        %scan3A_183 = arith.constant 512 : i32
        %scan3A_184 = arith.addi %scan3A_182, %scan3A_183 : i32
        %scan3A_185 = arith.constant 1 : i32
        scf.for %scan3A_198 = %scan3A_182 to %scan3A_184 step %scan3A_185  : i32 {
          %mul3A_199 = arith.constant 1 : i32
          %mul3A_200 = arith.muli %scan3A_198, %mul3A_199 : i32
          %add3A_201 = arith.constant 0 : i32
          %add3A_202 = arith.addi %add3A_201, %mul3A_200 : i32
          %get3A = arith.index_cast %add3A_202 : i32 to index
          %get3A_203 = arith.constant 0 : index
          %get3A_204 = tpu.vector_load %arg14[%get3A, %get3A_203] {strides = array<i32>} : memref<512x32xf32, #tpu.memory_space<vmem>>, vector<1x16xf32>,
          %get3A_205 = vector.shape_cast %get3A_204 : vector<1x16xf32> to vector<16xf32>
          %get3A_206 = arith.index_cast %add3A_202 : i32 to index
          %get3A_207 = arith.constant 0 : index
          %get3A_208 = tpu.vector_load %arg12[%get3A_206, %get3A_207] {strides = array<i32>} : memref<512x32xf32, #tpu.memory_space<vmem>>, vector<1x16xf32>,
          %get3A_209 = vector.shape_cast %get3A_208 : vector<1x16xf32> to vector<16xf32>
          %add3A_210 = arith.addf %get3A_205, %get3A_209 : vector<16xf32>
          %get3A_211 = arith.index_cast %add3A_202 : i32 to index
          %get3A_212 = arith.constant 0 : index
          %get3A_213 = tpu.vector_load %arg13[%get3A_211, %get3A_212] {strides = array<i32>} : memref<512x32xf32, #tpu.memory_space<vmem>>, vector<1x16xf32>,
          %get3A_214 = vector.shape_cast %get3A_213 : vector<1x16xf32> to vector<16xf32>
          %add3A_215 = arith.addf %add3A_210, %get3A_214 : vector<16xf32>
          %max3A = arith.constant 0.000000e+00 : f32
          %max3A_216 = vector.broadcast %max3A : f32 to vector<16xf32>
          %max3A_217 = arith.maximumf %add3A_215, %max3A_216 : vector<16xf32>
          %swap3A = arith.index_cast %add3A_202 : i32 to index
          %swap3A_218 = arith.constant 0 : index
          %swap3A_219 = tpu.vector_load %arg14[%swap3A, %swap3A_218] {strides = array<i32>} : memref<512x32xf32, #tpu.memory_space<vmem>>, vector<1x16xf32>,
          %swap3A_220 = vector.shape_cast %swap3A_219 : vector<1x16xf32> to vector<16xf32>
          %swap3A_221 = vector.shape_cast %max3A_217 : vector<16xf32> to vector<1x16xf32>
          tpu.vector_store %arg14[%swap3A, %swap3A_218], %swap3A_221 {strides = array<i32>} : memref<512x32xf32, #tpu.memory_space<vmem>>, vector<1x16xf32>,
          %get3A_222 = arith.index_cast %add3A_202 : i32 to index
          %get3A_223 = arith.constant 16 : index
          %get3A_224 = tpu.vector_load %arg14[%get3A_222, %get3A_223] {strides = array<i32>} : memref<512x32xf32, #tpu.memory_space<vmem>>, vector<1x16xf32>,
          %get3A_225 = vector.shape_cast %get3A_224 : vector<1x16xf32> to vector<16xf32>
          %get3A_226 = arith.index_cast %add3A_202 : i32 to index
          %get3A_227 = arith.constant 16 : index
          %get3A_228 = tpu.vector_load %arg12[%get3A_226, %get3A_227] {strides = array<i32>} : memref<512x32xf32, #tpu.memory_space<vmem>>, vector<1x16xf32>,
          %get3A_229 = vector.shape_cast %get3A_228 : vector<1x16xf32> to vector<16xf32>
          %add3A_230 = arith.addf %get3A_225, %get3A_229 : vector<16xf32>
          %get3A_231 = arith.index_cast %add3A_202 : i32 to index
          %get3A_232 = arith.constant 16 : index
          %get3A_233 = tpu.vector_load %arg13[%get3A_231, %get3A_232] {strides = array<i32>} : memref<512x32xf32, #tpu.memory_space<vmem>>, vector<1x16xf32>,
          %get3A_234 = vector.shape_cast %get3A_233 : vector<1x16xf32> to vector<16xf32>
          %add3A_235 = arith.addf %add3A_230, %get3A_234 : vector<16xf32>
          %max3A_236 = arith.constant 0.000000e+00 : f32
          %max3A_237 = vector.broadcast %max3A_236 : f32 to vector<16xf32>
          %max3A_238 = arith.maximumf %add3A_235, %max3A_237 : vector<16xf32>
          %swap3A_239 = arith.index_cast %add3A_202 : i32 to index
          %swap3A_240 = arith.constant 16 : index
          %swap3A_241 = tpu.vector_load %arg14[%swap3A_239, %swap3A_240] {strides = array<i32>} : memref<512x32xf32, #tpu.memory_space<vmem>>, vector<1x16xf32>,
          %swap3A_242 = vector.shape_cast %swap3A_241 : vector<1x16xf32> to vector<16xf32>
          %swap3A_243 = vector.shape_cast %max3A_238 : vector<16xf32> to vector<1x16xf32>
          tpu.vector_store %arg14[%swap3A_239, %swap3A_240], %swap3A_243 {strides = array<i32>} : memref<512x32xf32, #tpu.memory_space<vmem>>, vector<1x16xf32>,
        }
        %scan3A_186 = arith.constant 512 : i32
        %mul3A_187 = arith.constant 128 : i32
        %mul3A_188 = arith.muli %add3A_28, %mul3A_187 : i32
        "tpu.region"() ({
          %run_scoped3A_198 = tpu.sem_alloc : memref<!tpu.dma_semaphore, #tpu.memory_space<semaphore_mem>>
          %dma_start3A = arith.constant 0 : i32
          %dma_start3A_199 = arith.constant 0 : i32
          %dma_start3A_200 = tpu.memref_slice %arg14[%dma_start3A, %dma_start3A_199] : memref<512x32xf32, #tpu.memory_space<vmem>> -> memref<128x32xf32, #tpu.memory_space<vmem>>
          %dma_start3A_201 = arith.constant 0 : i32
          %dma_start3A_202 = tpu.memref_slice %arg8[%mul3A_188, %dma_start3A_201] : memref<80000x128xf32, #tpu.memory_space<hbm>> -> memref<128x32xf32, #tpu.memory_space<hbm>>
          %dma_start3A_203 = arith.constant 0 : i32
          %dma_start3A_204 = tpu.memref_slice %arg8[%mul3A_188, %dma_start3A_203] : memref<80000x128xf32, #tpu.memory_space<hbm>> -> memref<128x32xf32, #tpu.memory_space<hbm>>
          %dma_start3A_205 = arith.constant 0 : i32
          %dma_start3A_206 = arith.constant 0 : i32
          %dma_start3A_207 = tpu.memref_slice %arg14[%dma_start3A_205, %dma_start3A_206] : memref<512x32xf32, #tpu.memory_space<vmem>> -> memref<128x32xf32, #tpu.memory_space<vmem>>
          tpu.enqueue_dma source(%dma_start3A_207 : memref<128x32xf32, #tpu.memory_space<vmem>>) target(%dma_start3A_204 : memref<128x32xf32, #tpu.memory_space<hbm>>) target_semaphore(%run_scoped3A_198 : memref<!tpu.dma_semaphore, #tpu.memory_space<semaphore_mem>>)
          %dma_wait3A_208 = arith.constant 0 : i32
          %dma_wait3A_209 = arith.constant 0 : i32
          %dma_wait3A_210 = tpu.memref_slice %arg14[%dma_wait3A_208, %dma_wait3A_209] : memref<512x32xf32, #tpu.memory_space<vmem>> -> memref<128x32xf32, #tpu.memory_space<vmem>>
          %dma_wait3A_211 = arith.constant 0 : i32
          %dma_wait3A_212 = tpu.memref_slice %arg8[%mul3A_188, %dma_wait3A_211] : memref<80000x128xf32, #tpu.memory_space<hbm>> -> memref<128x32xf32, #tpu.memory_space<hbm>>
          %dma_wait3A_213 = arith.constant 0 : i32
          %dma_wait3A_214 = tpu.memref_slice %arg8[%mul3A_188, %dma_wait3A_213] : memref<80000x128xf32, #tpu.memory_space<hbm>> -> memref<128x32xf32, #tpu.memory_space<hbm>>
          %dma_wait3A_215 = arith.constant 0 : i32
          %dma_wait3A_216 = arith.constant 0 : i32
          %dma_wait3A_217 = tpu.memref_slice %arg14[%dma_wait3A_215, %dma_wait3A_216] : memref<512x32xf32, #tpu.memory_space<vmem>> -> memref<128x32xf32, #tpu.memory_space<vmem>>
          tpu.wait_dma2 semaphore(%run_scoped3A_198 : memref<!tpu.dma_semaphore, #tpu.memory_space<semaphore_mem>>) src(%dma_wait3A_217 : memref<128x32xf32, #tpu.memory_space<vmem>>) dst(%dma_wait3A_214 : memref<128x32xf32, #tpu.memory_space<hbm>>)
          tpu.yield
        }) : () -> ()
        %run_scoped3A = arith.constant 0 : i32
        "tpu.region"() ({
          %run_scoped3A_198 = tpu.sem_alloc : memref<!tpu.dma_semaphore, #tpu.memory_space<semaphore_mem>>
          %dma_start3A = arith.constant 0 : i32
          %dma_start3A_199 = arith.constant 0 : i32
          %dma_start3A_200 = tpu.memref_slice %arg14[%dma_start3A, %dma_start3A_199] : memref<512x32xf32, #tpu.memory_space<vmem>> -> memref<128x32xf32, #tpu.memory_space<vmem>>
          %dma_start3A_201 = arith.constant 0 : i32
          %dma_start3A_202 = tpu.memref_slice %arg11[%run_scoped3A, %dma_start3A_201] : memref<4x128xi32, #tpu.memory_space<vmem>> -> memref<1x128xi32, #tpu.memory_space<vmem>>
          %dma_start3A_203 = tpu.memref_squeeze %dma_start3A_202 : memref<1x128xi32, #tpu.memory_space<vmem>> -> memref<128xi32, #tpu.memory_space<vmem>>
          %dma_start3A_204 = arith.constant 0 : i32
          %dma_start3A_205 = arith.constant 0 : i32
          %dma_start3A_206 = tpu.memref_slice %arg20[%dma_start3A_204, %dma_start3A_205] : memref<10240x32xf32, #tpu.memory_space<vmem_shared>> -> memref<10240x32xf32, #tpu.memory_space<vmem_shared>>
          tpu.enqueue_indirect_dma source(%dma_start3A_200 : memref<128x32xf32, #tpu.memory_space<vmem>>) target(%dma_start3A_206 : memref<10240x32xf32, #tpu.memory_space<vmem_shared>>) offsets(%dma_start3A_203 : memref<128xi32, #tpu.memory_space<vmem>>) semaphore(%run_scoped3A_198 : memref<!tpu.dma_semaphore, #tpu.memory_space<semaphore_mem>>) {add = true}
          %dma_wait3A_207 = arith.constant 0 : i32
          %dma_wait3A_208 = arith.constant 0 : i32
          %dma_wait3A_209 = tpu.memref_slice %arg14[%dma_wait3A_207, %dma_wait3A_208] : memref<512x32xf32, #tpu.memory_space<vmem>> -> memref<128x32xf32, #tpu.memory_space<vmem>>
          %dma_wait3A_210 = arith.constant 0 : i32
          %dma_wait3A_211 = tpu.memref_slice %arg11[%run_scoped3A, %dma_wait3A_210] : memref<4x128xi32, #tpu.memory_space<vmem>> -> memref<1x128xi32, #tpu.memory_space<vmem>>
          %dma_wait3A_212 = tpu.memref_squeeze %dma_wait3A_211 : memref<1x128xi32, #tpu.memory_space<vmem>> -> memref<128xi32, #tpu.memory_space<vmem>>
          %dma_wait3A_213 = arith.constant 0 : i32
          %dma_wait3A_214 = arith.constant 0 : i32
          %dma_wait3A_215 = tpu.memref_slice %arg20[%dma_wait3A_213, %dma_wait3A_214] : memref<10240x32xf32, #tpu.memory_space<vmem_shared>> -> memref<10240x32xf32, #tpu.memory_space<vmem_shared>>
          tpu.wait_indirect_dma semaphore(%run_scoped3A_198 : memref<!tpu.dma_semaphore, #tpu.memory_space<semaphore_mem>>) src(%dma_wait3A_209 : memref<128x32xf32, #tpu.memory_space<vmem>>) dst(%dma_wait3A_215 : memref<10240x32xf32, #tpu.memory_space<vmem_shared>>)
          tpu.yield
        }) : () -> ()
        %mul3A_189 = arith.constant 128 : i32
        %mul3A_190 = arith.muli %add3A_28, %mul3A_189 : i32
        "tpu.region"() ({
          %run_scoped3A_198 = tpu.sem_alloc : memref<!tpu.dma_semaphore, #tpu.memory_space<semaphore_mem>>
          %dma_start3A = arith.constant 128 : i32
          %dma_start3A_199 = arith.constant 0 : i32
          %dma_start3A_200 = tpu.memref_slice %arg14[%dma_start3A, %dma_start3A_199] : memref<512x32xf32, #tpu.memory_space<vmem>> -> memref<128x32xf32, #tpu.memory_space<vmem>>
          %dma_start3A_201 = arith.constant 32 : i32
          %dma_start3A_202 = tpu.memref_slice %arg8[%mul3A_190, %dma_start3A_201] : memref<80000x128xf32, #tpu.memory_space<hbm>> -> memref<128x32xf32, #tpu.memory_space<hbm>>
          %dma_start3A_203 = arith.constant 32 : i32
          %dma_start3A_204 = tpu.memref_slice %arg8[%mul3A_190, %dma_start3A_203] : memref<80000x128xf32, #tpu.memory_space<hbm>> -> memref<128x32xf32, #tpu.memory_space<hbm>>
          %dma_start3A_205 = arith.constant 128 : i32
          %dma_start3A_206 = arith.constant 0 : i32
          %dma_start3A_207 = tpu.memref_slice %arg14[%dma_start3A_205, %dma_start3A_206] : memref<512x32xf32, #tpu.memory_space<vmem>> -> memref<128x32xf32, #tpu.memory_space<vmem>>
          tpu.enqueue_dma source(%dma_start3A_207 : memref<128x32xf32, #tpu.memory_space<vmem>>) target(%dma_start3A_204 : memref<128x32xf32, #tpu.memory_space<hbm>>) target_semaphore(%run_scoped3A_198 : memref<!tpu.dma_semaphore, #tpu.memory_space<semaphore_mem>>)
          %dma_wait3A_208 = arith.constant 128 : i32
          %dma_wait3A_209 = arith.constant 0 : i32
          %dma_wait3A_210 = tpu.memref_slice %arg14[%dma_wait3A_208, %dma_wait3A_209] : memref<512x32xf32, #tpu.memory_space<vmem>> -> memref<128x32xf32, #tpu.memory_space<vmem>>
          %dma_wait3A_211 = arith.constant 32 : i32
          %dma_wait3A_212 = tpu.memref_slice %arg8[%mul3A_190, %dma_wait3A_211] : memref<80000x128xf32, #tpu.memory_space<hbm>> -> memref<128x32xf32, #tpu.memory_space<hbm>>
          %dma_wait3A_213 = arith.constant 32 : i32
          %dma_wait3A_214 = tpu.memref_slice %arg8[%mul3A_190, %dma_wait3A_213] : memref<80000x128xf32, #tpu.memory_space<hbm>> -> memref<128x32xf32, #tpu.memory_space<hbm>>
          %dma_wait3A_215 = arith.constant 128 : i32
          %dma_wait3A_216 = arith.constant 0 : i32
          %dma_wait3A_217 = tpu.memref_slice %arg14[%dma_wait3A_215, %dma_wait3A_216] : memref<512x32xf32, #tpu.memory_space<vmem>> -> memref<128x32xf32, #tpu.memory_space<vmem>>
          tpu.wait_dma2 semaphore(%run_scoped3A_198 : memref<!tpu.dma_semaphore, #tpu.memory_space<semaphore_mem>>) src(%dma_wait3A_217 : memref<128x32xf32, #tpu.memory_space<vmem>>) dst(%dma_wait3A_214 : memref<128x32xf32, #tpu.memory_space<hbm>>)
          tpu.yield
        }) : () -> ()
        %run_scoped3A_191 = arith.constant 1 : i32
        "tpu.region"() ({
          %run_scoped3A_198 = tpu.sem_alloc : memref<!tpu.dma_semaphore, #tpu.memory_space<semaphore_mem>>
          %dma_start3A = arith.constant 128 : i32
          %dma_start3A_199 = arith.constant 0 : i32
          %dma_start3A_200 = tpu.memref_slice %arg14[%dma_start3A, %dma_start3A_199] : memref<512x32xf32, #tpu.memory_space<vmem>> -> memref<128x32xf32, #tpu.memory_space<vmem>>
          %dma_start3A_201 = arith.constant 0 : i32
          %dma_start3A_202 = tpu.memref_slice %arg11[%run_scoped3A_191, %dma_start3A_201] : memref<4x128xi32, #tpu.memory_space<vmem>> -> memref<1x128xi32, #tpu.memory_space<vmem>>
          %dma_start3A_203 = tpu.memref_squeeze %dma_start3A_202 : memref<1x128xi32, #tpu.memory_space<vmem>> -> memref<128xi32, #tpu.memory_space<vmem>>
          %dma_start3A_204 = arith.constant 0 : i32
          %dma_start3A_205 = arith.constant 0 : i32
          %dma_start3A_206 = tpu.memref_slice %arg20[%dma_start3A_204, %dma_start3A_205] : memref<10240x32xf32, #tpu.memory_space<vmem_shared>> -> memref<10240x32xf32, #tpu.memory_space<vmem_shared>>
          tpu.enqueue_indirect_dma source(%dma_start3A_200 : memref<128x32xf32, #tpu.memory_space<vmem>>) target(%dma_start3A_206 : memref<10240x32xf32, #tpu.memory_space<vmem_shared>>) offsets(%dma_start3A_203 : memref<128xi32, #tpu.memory_space<vmem>>) semaphore(%run_scoped3A_198 : memref<!tpu.dma_semaphore, #tpu.memory_space<semaphore_mem>>) {add = true}
          %dma_wait3A_207 = arith.constant 128 : i32
          %dma_wait3A_208 = arith.constant 0 : i32
          %dma_wait3A_209 = tpu.memref_slice %arg14[%dma_wait3A_207, %dma_wait3A_208] : memref<512x32xf32, #tpu.memory_space<vmem>> -> memref<128x32xf32, #tpu.memory_space<vmem>>
          %dma_wait3A_210 = arith.constant 0 : i32
          %dma_wait3A_211 = tpu.memref_slice %arg11[%run_scoped3A_191, %dma_wait3A_210] : memref<4x128xi32, #tpu.memory_space<vmem>> -> memref<1x128xi32, #tpu.memory_space<vmem>>
          %dma_wait3A_212 = tpu.memref_squeeze %dma_wait3A_211 : memref<1x128xi32, #tpu.memory_space<vmem>> -> memref<128xi32, #tpu.memory_space<vmem>>
          %dma_wait3A_213 = arith.constant 0 : i32
          %dma_wait3A_214 = arith.constant 0 : i32
          %dma_wait3A_215 = tpu.memref_slice %arg20[%dma_wait3A_213, %dma_wait3A_214] : memref<10240x32xf32, #tpu.memory_space<vmem_shared>> -> memref<10240x32xf32, #tpu.memory_space<vmem_shared>>
          tpu.wait_indirect_dma semaphore(%run_scoped3A_198 : memref<!tpu.dma_semaphore, #tpu.memory_space<semaphore_mem>>) src(%dma_wait3A_209 : memref<128x32xf32, #tpu.memory_space<vmem>>) dst(%dma_wait3A_215 : memref<10240x32xf32, #tpu.memory_space<vmem_shared>>)
          tpu.yield
        }) : () -> ()
        %mul3A_192 = arith.constant 128 : i32
        %mul3A_193 = arith.muli %add3A_28, %mul3A_192 : i32
        "tpu.region"() ({
          %run_scoped3A_198 = tpu.sem_alloc : memref<!tpu.dma_semaphore, #tpu.memory_space<semaphore_mem>>
          %dma_start3A = arith.constant 256 : i32
          %dma_start3A_199 = arith.constant 0 : i32
          %dma_start3A_200 = tpu.memref_slice %arg14[%dma_start3A, %dma_start3A_199] : memref<512x32xf32, #tpu.memory_space<vmem>> -> memref<128x32xf32, #tpu.memory_space<vmem>>
          %dma_start3A_201 = arith.constant 64 : i32
          %dma_start3A_202 = tpu.memref_slice %arg8[%mul3A_193, %dma_start3A_201] : memref<80000x128xf32, #tpu.memory_space<hbm>> -> memref<128x32xf32, #tpu.memory_space<hbm>>
          %dma_start3A_203 = arith.constant 64 : i32
          %dma_start3A_204 = tpu.memref_slice %arg8[%mul3A_193, %dma_start3A_203] : memref<80000x128xf32, #tpu.memory_space<hbm>> -> memref<128x32xf32, #tpu.memory_space<hbm>>
          %dma_start3A_205 = arith.constant 256 : i32
          %dma_start3A_206 = arith.constant 0 : i32
          %dma_start3A_207 = tpu.memref_slice %arg14[%dma_start3A_205, %dma_start3A_206] : memref<512x32xf32, #tpu.memory_space<vmem>> -> memref<128x32xf32, #tpu.memory_space<vmem>>
          tpu.enqueue_dma source(%dma_start3A_207 : memref<128x32xf32, #tpu.memory_space<vmem>>) target(%dma_start3A_204 : memref<128x32xf32, #tpu.memory_space<hbm>>) target_semaphore(%run_scoped3A_198 : memref<!tpu.dma_semaphore, #tpu.memory_space<semaphore_mem>>)
          %dma_wait3A_208 = arith.constant 256 : i32
          %dma_wait3A_209 = arith.constant 0 : i32
          %dma_wait3A_210 = tpu.memref_slice %arg14[%dma_wait3A_208, %dma_wait3A_209] : memref<512x32xf32, #tpu.memory_space<vmem>> -> memref<128x32xf32, #tpu.memory_space<vmem>>
          %dma_wait3A_211 = arith.constant 64 : i32
          %dma_wait3A_212 = tpu.memref_slice %arg8[%mul3A_193, %dma_wait3A_211] : memref<80000x128xf32, #tpu.memory_space<hbm>> -> memref<128x32xf32, #tpu.memory_space<hbm>>
          %dma_wait3A_213 = arith.constant 64 : i32
          %dma_wait3A_214 = tpu.memref_slice %arg8[%mul3A_193, %dma_wait3A_213] : memref<80000x128xf32, #tpu.memory_space<hbm>> -> memref<128x32xf32, #tpu.memory_space<hbm>>
          %dma_wait3A_215 = arith.constant 256 : i32
          %dma_wait3A_216 = arith.constant 0 : i32
          %dma_wait3A_217 = tpu.memref_slice %arg14[%dma_wait3A_215, %dma_wait3A_216] : memref<512x32xf32, #tpu.memory_space<vmem>> -> memref<128x32xf32, #tpu.memory_space<vmem>>
          tpu.wait_dma2 semaphore(%run_scoped3A_198 : memref<!tpu.dma_semaphore, #tpu.memory_space<semaphore_mem>>) src(%dma_wait3A_217 : memref<128x32xf32, #tpu.memory_space<vmem>>) dst(%dma_wait3A_214 : memref<128x32xf32, #tpu.memory_space<hbm>>)
          tpu.yield
        }) : () -> ()
        %run_scoped3A_194 = arith.constant 2 : i32
        "tpu.region"() ({
          %run_scoped3A_198 = tpu.sem_alloc : memref<!tpu.dma_semaphore, #tpu.memory_space<semaphore_mem>>
          %dma_start3A = arith.constant 256 : i32
          %dma_start3A_199 = arith.constant 0 : i32
          %dma_start3A_200 = tpu.memref_slice %arg14[%dma_start3A, %dma_start3A_199] : memref<512x32xf32, #tpu.memory_space<vmem>> -> memref<128x32xf32, #tpu.memory_space<vmem>>
          %dma_start3A_201 = arith.constant 0 : i32
          %dma_start3A_202 = tpu.memref_slice %arg11[%run_scoped3A_194, %dma_start3A_201] : memref<4x128xi32, #tpu.memory_space<vmem>> -> memref<1x128xi32, #tpu.memory_space<vmem>>
          %dma_start3A_203 = tpu.memref_squeeze %dma_start3A_202 : memref<1x128xi32, #tpu.memory_space<vmem>> -> memref<128xi32, #tpu.memory_space<vmem>>
          %dma_start3A_204 = arith.constant 0 : i32
          %dma_start3A_205 = arith.constant 0 : i32
          %dma_start3A_206 = tpu.memref_slice %arg20[%dma_start3A_204, %dma_start3A_205] : memref<10240x32xf32, #tpu.memory_space<vmem_shared>> -> memref<10240x32xf32, #tpu.memory_space<vmem_shared>>
          tpu.enqueue_indirect_dma source(%dma_start3A_200 : memref<128x32xf32, #tpu.memory_space<vmem>>) target(%dma_start3A_206 : memref<10240x32xf32, #tpu.memory_space<vmem_shared>>) offsets(%dma_start3A_203 : memref<128xi32, #tpu.memory_space<vmem>>) semaphore(%run_scoped3A_198 : memref<!tpu.dma_semaphore, #tpu.memory_space<semaphore_mem>>) {add = true}
          %dma_wait3A_207 = arith.constant 256 : i32
          %dma_wait3A_208 = arith.constant 0 : i32
          %dma_wait3A_209 = tpu.memref_slice %arg14[%dma_wait3A_207, %dma_wait3A_208] : memref<512x32xf32, #tpu.memory_space<vmem>> -> memref<128x32xf32, #tpu.memory_space<vmem>>
          %dma_wait3A_210 = arith.constant 0 : i32
          %dma_wait3A_211 = tpu.memref_slice %arg11[%run_scoped3A_194, %dma_wait3A_210] : memref<4x128xi32, #tpu.memory_space<vmem>> -> memref<1x128xi32, #tpu.memory_space<vmem>>
          %dma_wait3A_212 = tpu.memref_squeeze %dma_wait3A_211 : memref<1x128xi32, #tpu.memory_space<vmem>> -> memref<128xi32, #tpu.memory_space<vmem>>
          %dma_wait3A_213 = arith.constant 0 : i32
          %dma_wait3A_214 = arith.constant 0 : i32
          %dma_wait3A_215 = tpu.memref_slice %arg20[%dma_wait3A_213, %dma_wait3A_214] : memref<10240x32xf32, #tpu.memory_space<vmem_shared>> -> memref<10240x32xf32, #tpu.memory_space<vmem_shared>>
          tpu.wait_indirect_dma semaphore(%run_scoped3A_198 : memref<!tpu.dma_semaphore, #tpu.memory_space<semaphore_mem>>) src(%dma_wait3A_209 : memref<128x32xf32, #tpu.memory_space<vmem>>) dst(%dma_wait3A_215 : memref<10240x32xf32, #tpu.memory_space<vmem_shared>>)
          tpu.yield
        }) : () -> ()
        %mul3A_195 = arith.constant 128 : i32
        %mul3A_196 = arith.muli %add3A_28, %mul3A_195 : i32
        "tpu.region"() ({
          %run_scoped3A_198 = tpu.sem_alloc : memref<!tpu.dma_semaphore, #tpu.memory_space<semaphore_mem>>
          %dma_start3A = arith.constant 384 : i32
          %dma_start3A_199 = arith.constant 0 : i32
          %dma_start3A_200 = tpu.memref_slice %arg14[%dma_start3A, %dma_start3A_199] : memref<512x32xf32, #tpu.memory_space<vmem>> -> memref<128x32xf32, #tpu.memory_space<vmem>>
          %dma_start3A_201 = arith.constant 96 : i32
          %dma_start3A_202 = tpu.memref_slice %arg8[%mul3A_196, %dma_start3A_201] : memref<80000x128xf32, #tpu.memory_space<hbm>> -> memref<128x32xf32, #tpu.memory_space<hbm>>
          %dma_start3A_203 = arith.constant 96 : i32
          %dma_start3A_204 = tpu.memref_slice %arg8[%mul3A_196, %dma_start3A_203] : memref<80000x128xf32, #tpu.memory_space<hbm>> -> memref<128x32xf32, #tpu.memory_space<hbm>>
          %dma_start3A_205 = arith.constant 384 : i32
          %dma_start3A_206 = arith.constant 0 : i32
          %dma_start3A_207 = tpu.memref_slice %arg14[%dma_start3A_205, %dma_start3A_206] : memref<512x32xf32, #tpu.memory_space<vmem>> -> memref<128x32xf32, #tpu.memory_space<vmem>>
          tpu.enqueue_dma source(%dma_start3A_207 : memref<128x32xf32, #tpu.memory_space<vmem>>) target(%dma_start3A_204 : memref<128x32xf32, #tpu.memory_space<hbm>>) target_semaphore(%run_scoped3A_198 : memref<!tpu.dma_semaphore, #tpu.memory_space<semaphore_mem>>)
          %dma_wait3A_208 = arith.constant 384 : i32
          %dma_wait3A_209 = arith.constant 0 : i32
          %dma_wait3A_210 = tpu.memref_slice %arg14[%dma_wait3A_208, %dma_wait3A_209] : memref<512x32xf32, #tpu.memory_space<vmem>> -> memref<128x32xf32, #tpu.memory_space<vmem>>
          %dma_wait3A_211 = arith.constant 96 : i32
          %dma_wait3A_212 = tpu.memref_slice %arg8[%mul3A_196, %dma_wait3A_211] : memref<80000x128xf32, #tpu.memory_space<hbm>> -> memref<128x32xf32, #tpu.memory_space<hbm>>
          %dma_wait3A_213 = arith.constant 96 : i32
          %dma_wait3A_214 = tpu.memref_slice %arg8[%mul3A_196, %dma_wait3A_213] : memref<80000x128xf32, #tpu.memory_space<hbm>> -> memref<128x32xf32, #tpu.memory_space<hbm>>
          %dma_wait3A_215 = arith.constant 384 : i32
          %dma_wait3A_216 = arith.constant 0 : i32
          %dma_wait3A_217 = tpu.memref_slice %arg14[%dma_wait3A_215, %dma_wait3A_216] : memref<512x32xf32, #tpu.memory_space<vmem>> -> memref<128x32xf32, #tpu.memory_space<vmem>>
          tpu.wait_dma2 semaphore(%run_scoped3A_198 : memref<!tpu.dma_semaphore, #tpu.memory_space<semaphore_mem>>) src(%dma_wait3A_217 : memref<128x32xf32, #tpu.memory_space<vmem>>) dst(%dma_wait3A_214 : memref<128x32xf32, #tpu.memory_space<hbm>>)
          tpu.yield
        }) : () -> ()
        %run_scoped3A_197 = arith.constant 3 : i32
        "tpu.region"() ({
          %run_scoped3A_198 = tpu.sem_alloc : memref<!tpu.dma_semaphore, #tpu.memory_space<semaphore_mem>>
          %dma_start3A = arith.constant 384 : i32
          %dma_start3A_199 = arith.constant 0 : i32
          %dma_start3A_200 = tpu.memref_slice %arg14[%dma_start3A, %dma_start3A_199] : memref<512x32xf32, #tpu.memory_space<vmem>> -> memref<128x32xf32, #tpu.memory_space<vmem>>
          %dma_start3A_201 = arith.constant 0 : i32
          %dma_start3A_202 = tpu.memref_slice %arg11[%run_scoped3A_197, %dma_start3A_201] : memref<4x128xi32, #tpu.memory_space<vmem>> -> memref<1x128xi32, #tpu.memory_space<vmem>>
          %dma_start3A_203 = tpu.memref_squeeze %dma_start3A_202 : memref<1x128xi32, #tpu.memory_space<vmem>> -> memref<128xi32, #tpu.memory_space<vmem>>
          %dma_start3A_204 = arith.constant 0 : i32
          %dma_start3A_205 = arith.constant 0 : i32
          %dma_start3A_206 = tpu.memref_slice %arg20[%dma_start3A_204, %dma_start3A_205] : memref<10240x32xf32, #tpu.memory_space<vmem_shared>> -> memref<10240x32xf32, #tpu.memory_space<vmem_shared>>
          tpu.enqueue_indirect_dma source(%dma_start3A_200 : memref<128x32xf32, #tpu.memory_space<vmem>>) target(%dma_start3A_206 : memref<10240x32xf32, #tpu.memory_space<vmem_shared>>) offsets(%dma_start3A_203 : memref<128xi32, #tpu.memory_space<vmem>>) semaphore(%run_scoped3A_198 : memref<!tpu.dma_semaphore, #tpu.memory_space<semaphore_mem>>) {add = true}
          %dma_wait3A_207 = arith.constant 384 : i32
          %dma_wait3A_208 = arith.constant 0 : i32
          %dma_wait3A_209 = tpu.memref_slice %arg14[%dma_wait3A_207, %dma_wait3A_208] : memref<512x32xf32, #tpu.memory_space<vmem>> -> memref<128x32xf32, #tpu.memory_space<vmem>>
          %dma_wait3A_210 = arith.constant 0 : i32
          %dma_wait3A_211 = tpu.memref_slice %arg11[%run_scoped3A_197, %dma_wait3A_210] : memref<4x128xi32, #tpu.memory_space<vmem>> -> memref<1x128xi32, #tpu.memory_space<vmem>>
          %dma_wait3A_212 = tpu.memref_squeeze %dma_wait3A_211 : memref<1x128xi32, #tpu.memory_space<vmem>> -> memref<128xi32, #tpu.memory_space<vmem>>
          %dma_wait3A_213 = arith.constant 0 : i32
          %dma_wait3A_214 = arith.constant 0 : i32
          %dma_wait3A_215 = tpu.memref_slice %arg20[%dma_wait3A_213, %dma_wait3A_214] : memref<10240x32xf32, #tpu.memory_space<vmem_shared>> -> memref<10240x32xf32, #tpu.memory_space<vmem_shared>>
          tpu.wait_indirect_dma semaphore(%run_scoped3A_198 : memref<!tpu.dma_semaphore, #tpu.memory_space<semaphore_mem>>) src(%dma_wait3A_209 : memref<128x32xf32, #tpu.memory_space<vmem>>) dst(%dma_wait3A_215 : memref<10240x32xf32, #tpu.memory_space<vmem_shared>>)
          tpu.yield
        }) : () -> ()
      } else {
      }
      %lt3A_43 = arith.constant 625 : i32
      %lt3A_44 = arith.cmpi slt, %add3A_32, %lt3A_43 : i32
      %convert_element_type3A_45 = arith.extui %lt3A_44 : i1 to i32
      %cond3A_46 = arith.constant 0 : i32
      %cond3A_47 = arith.cmpi ne, %convert_element_type3A_45, %cond3A_46 : i32
      scf.if %cond3A_47 {
        %mul3A_53 = arith.constant 4 : i32
        %mul3A_54 = arith.muli %add3A_32, %mul3A_53 : i32
        %mul3A_55 = arith.constant 128 : i32
        %mul3A_56 = arith.muli %add3A_32, %mul3A_55 : i32
        %mul3A_57 = arith.constant 128 : i32
        %mul3A_58 = arith.muli %add3A_32, %mul3A_57 : i32
        %mul3A_59 = arith.constant 128 : i32
        %mul3A_60 = arith.muli %add3A_32, %mul3A_59 : i32
        %mul3A_61 = arith.constant 128 : i32
        %mul3A_62 = arith.muli %add3A_32, %mul3A_61 : i32
        %dma_start3A = arith.constant 0 : i32
        %dma_start3A_63 = tpu.memref_slice %arg5[%mul3A_54, %dma_start3A] : memref<2500x128xi32, #tpu.memory_space<hbm>> -> memref<4x128xi32, #tpu.memory_space<hbm>>
        %dma_start3A_64 = arith.constant 0 : i32
        %dma_start3A_65 = tpu.memref_slice %arg5[%mul3A_54, %dma_start3A_64] : memref<2500x128xi32, #tpu.memory_space<hbm>> -> memref<4x128xi32, #tpu.memory_space<hbm>>
        tpu.enqueue_dma source(%dma_start3A_65 : memref<4x128xi32, #tpu.memory_space<hbm>>) target(%arg10 : memref<4x128xi32, #tpu.memory_space<vmem>>) target_semaphore(%arg21 : memref<!tpu.dma_semaphore, #tpu.memory_space<semaphore_mem>>)
        %dma_start3A_66 = arith.constant 0 : i32
        %dma_start3A_67 = tpu.memref_slice %arg6[%mul3A_54, %dma_start3A_66] : memref<2500x128xi32, #tpu.memory_space<hbm>> -> memref<4x128xi32, #tpu.memory_space<hbm>>
        %dma_start3A_68 = arith.constant 0 : i32
        %dma_start3A_69 = tpu.memref_slice %arg6[%mul3A_54, %dma_start3A_68] : memref<2500x128xi32, #tpu.memory_space<hbm>> -> memref<4x128xi32, #tpu.memory_space<hbm>>
        tpu.enqueue_dma source(%dma_start3A_69 : memref<4x128xi32, #tpu.memory_space<hbm>>) target(%arg11 : memref<4x128xi32, #tpu.memory_space<vmem>>) target_semaphore(%arg21 : memref<!tpu.dma_semaphore, #tpu.memory_space<semaphore_mem>>)
        %dma_wait3A = arith.constant 0 : i32
        %dma_wait3A_70 = tpu.memref_slice %arg5[%mul3A_54, %dma_wait3A] : memref<2500x128xi32, #tpu.memory_space<hbm>> -> memref<4x128xi32, #tpu.memory_space<hbm>>
        %dma_wait3A_71 = arith.constant 0 : i32
        %dma_wait3A_72 = tpu.memref_slice %arg5[%mul3A_54, %dma_wait3A_71] : memref<2500x128xi32, #tpu.memory_space<hbm>> -> memref<4x128xi32, #tpu.memory_space<hbm>>
        tpu.wait_dma2 semaphore(%arg21 : memref<!tpu.dma_semaphore, #tpu.memory_space<semaphore_mem>>) src(%dma_wait3A_72 : memref<4x128xi32, #tpu.memory_space<hbm>>) dst(%arg10 : memref<4x128xi32, #tpu.memory_space<vmem>>)
        %dma_wait3A_73 = arith.constant 0 : i32
        %dma_wait3A_74 = tpu.memref_slice %arg6[%mul3A_54, %dma_wait3A_73] : memref<2500x128xi32, #tpu.memory_space<hbm>> -> memref<4x128xi32, #tpu.memory_space<hbm>>
        %dma_wait3A_75 = arith.constant 0 : i32
        %dma_wait3A_76 = tpu.memref_slice %arg6[%mul3A_54, %dma_wait3A_75] : memref<2500x128xi32, #tpu.memory_space<hbm>> -> memref<4x128xi32, #tpu.memory_space<hbm>>
        tpu.wait_dma2 semaphore(%arg21 : memref<!tpu.dma_semaphore, #tpu.memory_space<semaphore_mem>>) src(%dma_wait3A_76 : memref<4x128xi32, #tpu.memory_space<hbm>>) dst(%arg11 : memref<4x128xi32, #tpu.memory_space<vmem>>)
        %dma_start3A_77 = arith.constant 0 : i32
        %dma_start3A_78 = arith.constant 0 : i32
        %dma_start3A_79 = arith.constant 0 : i32
        %dma_start3A_80 = tpu.memref_slice %arg12[%dma_start3A_78, %dma_start3A_79] : memref<512x32xf32, #tpu.memory_space<vmem>> -> memref<128x32xf32, #tpu.memory_space<vmem>>
        %dma_start3A_81 = arith.constant 0 : i32
        %dma_start3A_82 = tpu.memref_slice %arg10[%dma_start3A_77, %dma_start3A_81] : memref<4x128xi32, #tpu.memory_space<vmem>> -> memref<1x128xi32, #tpu.memory_space<vmem>>
        %dma_start3A_83 = tpu.memref_squeeze %dma_start3A_82 : memref<1x128xi32, #tpu.memory_space<vmem>> -> memref<128xi32, #tpu.memory_space<vmem>>
        %dma_start3A_84 = arith.constant 0 : i32
        %dma_start3A_85 = arith.constant 0 : i32
        %dma_start3A_86 = tpu.memref_slice %arg2[%dma_start3A_84, %dma_start3A_85] : memref<10000x32xf32, #tpu.memory_space<hbm>> -> memref<10000x32xf32, #tpu.memory_space<hbm>>
        tpu.enqueue_indirect_dma source(%dma_start3A_86 : memref<10000x32xf32, #tpu.memory_space<hbm>>) target(%dma_start3A_80 : memref<128x32xf32, #tpu.memory_space<vmem>>) offsets(%dma_start3A_83 : memref<128xi32, #tpu.memory_space<vmem>>) semaphore(%arg21 : memref<!tpu.dma_semaphore, #tpu.memory_space<semaphore_mem>>)
        %dma_start3A_87 = arith.constant 0 : i32
        %dma_start3A_88 = arith.constant 0 : i32
        %dma_start3A_89 = arith.constant 0 : i32
        %dma_start3A_90 = tpu.memref_slice %arg13[%dma_start3A_88, %dma_start3A_89] : memref<512x32xf32, #tpu.memory_space<vmem>> -> memref<128x32xf32, #tpu.memory_space<vmem>>
        %dma_start3A_91 = arith.constant 0 : i32
        %dma_start3A_92 = tpu.memref_slice %arg11[%dma_start3A_87, %dma_start3A_91] : memref<4x128xi32, #tpu.memory_space<vmem>> -> memref<1x128xi32, #tpu.memory_space<vmem>>
        %dma_start3A_93 = tpu.memref_squeeze %dma_start3A_92 : memref<1x128xi32, #tpu.memory_space<vmem>> -> memref<128xi32, #tpu.memory_space<vmem>>
        %dma_start3A_94 = arith.constant 0 : i32
        %dma_start3A_95 = arith.constant 0 : i32
        %dma_start3A_96 = tpu.memref_slice %arg3[%dma_start3A_94, %dma_start3A_95] : memref<10000x32xf32, #tpu.memory_space<hbm>> -> memref<10000x32xf32, #tpu.memory_space<hbm>>
        tpu.enqueue_indirect_dma source(%dma_start3A_96 : memref<10000x32xf32, #tpu.memory_space<hbm>>) target(%dma_start3A_90 : memref<128x32xf32, #tpu.memory_space<vmem>>) offsets(%dma_start3A_93 : memref<128xi32, #tpu.memory_space<vmem>>) semaphore(%arg21 : memref<!tpu.dma_semaphore, #tpu.memory_space<semaphore_mem>>)
        %dma_start3A_97 = arith.constant 0 : i32
        %dma_start3A_98 = arith.constant 0 : i32
        %dma_start3A_99 = tpu.memref_slice %arg14[%dma_start3A_97, %dma_start3A_98] : memref<512x32xf32, #tpu.memory_space<vmem>> -> memref<128x32xf32, #tpu.memory_space<vmem>>
        %dma_start3A_100 = arith.constant 0 : i32
        %dma_start3A_101 = tpu.memref_slice %arg4[%mul3A_56, %dma_start3A_100] : memref<80000x128xf32, #tpu.memory_space<hbm>> -> memref<128x32xf32, #tpu.memory_space<hbm>>
        %dma_start3A_102 = arith.constant 0 : i32
        %dma_start3A_103 = arith.constant 0 : i32
        %dma_start3A_104 = tpu.memref_slice %arg14[%dma_start3A_102, %dma_start3A_103] : memref<512x32xf32, #tpu.memory_space<vmem>> -> memref<128x32xf32, #tpu.memory_space<vmem>>
        %dma_start3A_105 = arith.constant 0 : i32
        %dma_start3A_106 = tpu.memref_slice %arg4[%mul3A_56, %dma_start3A_105] : memref<80000x128xf32, #tpu.memory_space<hbm>> -> memref<128x32xf32, #tpu.memory_space<hbm>>
        tpu.enqueue_dma source(%dma_start3A_106 : memref<128x32xf32, #tpu.memory_space<hbm>>) target(%dma_start3A_104 : memref<128x32xf32, #tpu.memory_space<vmem>>) target_semaphore(%arg21 : memref<!tpu.dma_semaphore, #tpu.memory_space<semaphore_mem>>)
        %dma_start3A_107 = arith.constant 1 : i32
        %dma_start3A_108 = arith.constant 128 : i32
        %dma_start3A_109 = arith.constant 0 : i32
        %dma_start3A_110 = tpu.memref_slice %arg12[%dma_start3A_108, %dma_start3A_109] : memref<512x32xf32, #tpu.memory_space<vmem>> -> memref<128x32xf32, #tpu.memory_space<vmem>>
        %dma_start3A_111 = arith.constant 0 : i32
        %dma_start3A_112 = tpu.memref_slice %arg10[%dma_start3A_107, %dma_start3A_111] : memref<4x128xi32, #tpu.memory_space<vmem>> -> memref<1x128xi32, #tpu.memory_space<vmem>>
        %dma_start3A_113 = tpu.memref_squeeze %dma_start3A_112 : memref<1x128xi32, #tpu.memory_space<vmem>> -> memref<128xi32, #tpu.memory_space<vmem>>
        %dma_start3A_114 = arith.constant 0 : i32
        %dma_start3A_115 = arith.constant 0 : i32
        %dma_start3A_116 = tpu.memref_slice %arg2[%dma_start3A_114, %dma_start3A_115] : memref<10000x32xf32, #tpu.memory_space<hbm>> -> memref<10000x32xf32, #tpu.memory_space<hbm>>
        tpu.enqueue_indirect_dma source(%dma_start3A_116 : memref<10000x32xf32, #tpu.memory_space<hbm>>) target(%dma_start3A_110 : memref<128x32xf32, #tpu.memory_space<vmem>>) offsets(%dma_start3A_113 : memref<128xi32, #tpu.memory_space<vmem>>) semaphore(%arg21 : memref<!tpu.dma_semaphore, #tpu.memory_space<semaphore_mem>>)
        %dma_start3A_117 = arith.constant 1 : i32
        %dma_start3A_118 = arith.constant 128 : i32
        %dma_start3A_119 = arith.constant 0 : i32
        %dma_start3A_120 = tpu.memref_slice %arg13[%dma_start3A_118, %dma_start3A_119] : memref<512x32xf32, #tpu.memory_space<vmem>> -> memref<128x32xf32, #tpu.memory_space<vmem>>
        %dma_start3A_121 = arith.constant 0 : i32
        %dma_start3A_122 = tpu.memref_slice %arg11[%dma_start3A_117, %dma_start3A_121] : memref<4x128xi32, #tpu.memory_space<vmem>> -> memref<1x128xi32, #tpu.memory_space<vmem>>
        %dma_start3A_123 = tpu.memref_squeeze %dma_start3A_122 : memref<1x128xi32, #tpu.memory_space<vmem>> -> memref<128xi32, #tpu.memory_space<vmem>>
        %dma_start3A_124 = arith.constant 0 : i32
        %dma_start3A_125 = arith.constant 0 : i32
        %dma_start3A_126 = tpu.memref_slice %arg3[%dma_start3A_124, %dma_start3A_125] : memref<10000x32xf32, #tpu.memory_space<hbm>> -> memref<10000x32xf32, #tpu.memory_space<hbm>>
        tpu.enqueue_indirect_dma source(%dma_start3A_126 : memref<10000x32xf32, #tpu.memory_space<hbm>>) target(%dma_start3A_120 : memref<128x32xf32, #tpu.memory_space<vmem>>) offsets(%dma_start3A_123 : memref<128xi32, #tpu.memory_space<vmem>>) semaphore(%arg21 : memref<!tpu.dma_semaphore, #tpu.memory_space<semaphore_mem>>)
        %dma_start3A_127 = arith.constant 128 : i32
        %dma_start3A_128 = arith.constant 0 : i32
        %dma_start3A_129 = tpu.memref_slice %arg14[%dma_start3A_127, %dma_start3A_128] : memref<512x32xf32, #tpu.memory_space<vmem>> -> memref<128x32xf32, #tpu.memory_space<vmem>>
        %dma_start3A_130 = arith.constant 32 : i32
        %dma_start3A_131 = tpu.memref_slice %arg4[%mul3A_58, %dma_start3A_130] : memref<80000x128xf32, #tpu.memory_space<hbm>> -> memref<128x32xf32, #tpu.memory_space<hbm>>
        %dma_start3A_132 = arith.constant 128 : i32
        %dma_start3A_133 = arith.constant 0 : i32
        %dma_start3A_134 = tpu.memref_slice %arg14[%dma_start3A_132, %dma_start3A_133] : memref<512x32xf32, #tpu.memory_space<vmem>> -> memref<128x32xf32, #tpu.memory_space<vmem>>
        %dma_start3A_135 = arith.constant 32 : i32
        %dma_start3A_136 = tpu.memref_slice %arg4[%mul3A_58, %dma_start3A_135] : memref<80000x128xf32, #tpu.memory_space<hbm>> -> memref<128x32xf32, #tpu.memory_space<hbm>>
        tpu.enqueue_dma source(%dma_start3A_136 : memref<128x32xf32, #tpu.memory_space<hbm>>) target(%dma_start3A_134 : memref<128x32xf32, #tpu.memory_space<vmem>>) target_semaphore(%arg21 : memref<!tpu.dma_semaphore, #tpu.memory_space<semaphore_mem>>)
        %dma_start3A_137 = arith.constant 2 : i32
        %dma_start3A_138 = arith.constant 256 : i32
        %dma_start3A_139 = arith.constant 0 : i32
        %dma_start3A_140 = tpu.memref_slice %arg12[%dma_start3A_138, %dma_start3A_139] : memref<512x32xf32, #tpu.memory_space<vmem>> -> memref<128x32xf32, #tpu.memory_space<vmem>>
        %dma_start3A_141 = arith.constant 0 : i32
        %dma_start3A_142 = tpu.memref_slice %arg10[%dma_start3A_137, %dma_start3A_141] : memref<4x128xi32, #tpu.memory_space<vmem>> -> memref<1x128xi32, #tpu.memory_space<vmem>>
        %dma_start3A_143 = tpu.memref_squeeze %dma_start3A_142 : memref<1x128xi32, #tpu.memory_space<vmem>> -> memref<128xi32, #tpu.memory_space<vmem>>
        %dma_start3A_144 = arith.constant 0 : i32
        %dma_start3A_145 = arith.constant 0 : i32
        %dma_start3A_146 = tpu.memref_slice %arg2[%dma_start3A_144, %dma_start3A_145] : memref<10000x32xf32, #tpu.memory_space<hbm>> -> memref<10000x32xf32, #tpu.memory_space<hbm>>
        tpu.enqueue_indirect_dma source(%dma_start3A_146 : memref<10000x32xf32, #tpu.memory_space<hbm>>) target(%dma_start3A_140 : memref<128x32xf32, #tpu.memory_space<vmem>>) offsets(%dma_start3A_143 : memref<128xi32, #tpu.memory_space<vmem>>) semaphore(%arg21 : memref<!tpu.dma_semaphore, #tpu.memory_space<semaphore_mem>>)
        %dma_start3A_147 = arith.constant 2 : i32
        %dma_start3A_148 = arith.constant 256 : i32
        %dma_start3A_149 = arith.constant 0 : i32
        %dma_start3A_150 = tpu.memref_slice %arg13[%dma_start3A_148, %dma_start3A_149] : memref<512x32xf32, #tpu.memory_space<vmem>> -> memref<128x32xf32, #tpu.memory_space<vmem>>
        %dma_start3A_151 = arith.constant 0 : i32
        %dma_start3A_152 = tpu.memref_slice %arg11[%dma_start3A_147, %dma_start3A_151] : memref<4x128xi32, #tpu.memory_space<vmem>> -> memref<1x128xi32, #tpu.memory_space<vmem>>
        %dma_start3A_153 = tpu.memref_squeeze %dma_start3A_152 : memref<1x128xi32, #tpu.memory_space<vmem>> -> memref<128xi32, #tpu.memory_space<vmem>>
        %dma_start3A_154 = arith.constant 0 : i32
        %dma_start3A_155 = arith.constant 0 : i32
        %dma_start3A_156 = tpu.memref_slice %arg3[%dma_start3A_154, %dma_start3A_155] : memref<10000x32xf32, #tpu.memory_space<hbm>> -> memref<10000x32xf32, #tpu.memory_space<hbm>>
        tpu.enqueue_indirect_dma source(%dma_start3A_156 : memref<10000x32xf32, #tpu.memory_space<hbm>>) target(%dma_start3A_150 : memref<128x32xf32, #tpu.memory_space<vmem>>) offsets(%dma_start3A_153 : memref<128xi32, #tpu.memory_space<vmem>>) semaphore(%arg21 : memref<!tpu.dma_semaphore, #tpu.memory_space<semaphore_mem>>)
        %dma_start3A_157 = arith.constant 256 : i32
        %dma_start3A_158 = arith.constant 0 : i32
        %dma_start3A_159 = tpu.memref_slice %arg14[%dma_start3A_157, %dma_start3A_158] : memref<512x32xf32, #tpu.memory_space<vmem>> -> memref<128x32xf32, #tpu.memory_space<vmem>>
        %dma_start3A_160 = arith.constant 64 : i32
        %dma_start3A_161 = tpu.memref_slice %arg4[%mul3A_60, %dma_start3A_160] : memref<80000x128xf32, #tpu.memory_space<hbm>> -> memref<128x32xf32, #tpu.memory_space<hbm>>
        %dma_start3A_162 = arith.constant 256 : i32
        %dma_start3A_163 = arith.constant 0 : i32
        %dma_start3A_164 = tpu.memref_slice %arg14[%dma_start3A_162, %dma_start3A_163] : memref<512x32xf32, #tpu.memory_space<vmem>> -> memref<128x32xf32, #tpu.memory_space<vmem>>
        %dma_start3A_165 = arith.constant 64 : i32
        %dma_start3A_166 = tpu.memref_slice %arg4[%mul3A_60, %dma_start3A_165] : memref<80000x128xf32, #tpu.memory_space<hbm>> -> memref<128x32xf32, #tpu.memory_space<hbm>>
        tpu.enqueue_dma source(%dma_start3A_166 : memref<128x32xf32, #tpu.memory_space<hbm>>) target(%dma_start3A_164 : memref<128x32xf32, #tpu.memory_space<vmem>>) target_semaphore(%arg21 : memref<!tpu.dma_semaphore, #tpu.memory_space<semaphore_mem>>)
        %dma_start3A_167 = arith.constant 3 : i32
        %dma_start3A_168 = arith.constant 384 : i32
        %dma_start3A_169 = arith.constant 0 : i32
        %dma_start3A_170 = tpu.memref_slice %arg12[%dma_start3A_168, %dma_start3A_169] : memref<512x32xf32, #tpu.memory_space<vmem>> -> memref<128x32xf32, #tpu.memory_space<vmem>>
        %dma_start3A_171 = arith.constant 0 : i32
        %dma_start3A_172 = tpu.memref_slice %arg10[%dma_start3A_167, %dma_start3A_171] : memref<4x128xi32, #tpu.memory_space<vmem>> -> memref<1x128xi32, #tpu.memory_space<vmem>>
        %dma_start3A_173 = tpu.memref_squeeze %dma_start3A_172 : memref<1x128xi32, #tpu.memory_space<vmem>> -> memref<128xi32, #tpu.memory_space<vmem>>
        %dma_start3A_174 = arith.constant 0 : i32
        %dma_start3A_175 = arith.constant 0 : i32
        %dma_start3A_176 = tpu.memref_slice %arg2[%dma_start3A_174, %dma_start3A_175] : memref<10000x32xf32, #tpu.memory_space<hbm>> -> memref<10000x32xf32, #tpu.memory_space<hbm>>
        tpu.enqueue_indirect_dma source(%dma_start3A_176 : memref<10000x32xf32, #tpu.memory_space<hbm>>) target(%dma_start3A_170 : memref<128x32xf32, #tpu.memory_space<vmem>>) offsets(%dma_start3A_173 : memref<128xi32, #tpu.memory_space<vmem>>) semaphore(%arg21 : memref<!tpu.dma_semaphore, #tpu.memory_space<semaphore_mem>>)
        %dma_start3A_177 = arith.constant 3 : i32
        %dma_start3A_178 = arith.constant 384 : i32
        %dma_start3A_179 = arith.constant 0 : i32
        %dma_start3A_180 = tpu.memref_slice %arg13[%dma_start3A_178, %dma_start3A_179] : memref<512x32xf32, #tpu.memory_space<vmem>> -> memref<128x32xf32, #tpu.memory_space<vmem>>
        %dma_start3A_181 = arith.constant 0 : i32
        %dma_start3A_182 = tpu.memref_slice %arg11[%dma_start3A_177, %dma_start3A_181] : memref<4x128xi32, #tpu.memory_space<vmem>> -> memref<1x128xi32, #tpu.memory_space<vmem>>
        %dma_start3A_183 = tpu.memref_squeeze %dma_start3A_182 : memref<1x128xi32, #tpu.memory_space<vmem>> -> memref<128xi32, #tpu.memory_space<vmem>>
        %dma_start3A_184 = arith.constant 0 : i32
        %dma_start3A_185 = arith.constant 0 : i32
        %dma_start3A_186 = tpu.memref_slice %arg3[%dma_start3A_184, %dma_start3A_185] : memref<10000x32xf32, #tpu.memory_space<hbm>> -> memref<10000x32xf32, #tpu.memory_space<hbm>>
        tpu.enqueue_indirect_dma source(%dma_start3A_186 : memref<10000x32xf32, #tpu.memory_space<hbm>>) target(%dma_start3A_180 : memref<128x32xf32, #tpu.memory_space<vmem>>) offsets(%dma_start3A_183 : memref<128xi32, #tpu.memory_space<vmem>>) semaphore(%arg21 : memref<!tpu.dma_semaphore, #tpu.memory_space<semaphore_mem>>)
        %dma_start3A_187 = arith.constant 384 : i32
        %dma_start3A_188 = arith.constant 0 : i32
        %dma_start3A_189 = tpu.memref_slice %arg14[%dma_start3A_187, %dma_start3A_188] : memref<512x32xf32, #tpu.memory_space<vmem>> -> memref<128x32xf32, #tpu.memory_space<vmem>>
        %dma_start3A_190 = arith.constant 96 : i32
        %dma_start3A_191 = tpu.memref_slice %arg4[%mul3A_62, %dma_start3A_190] : memref<80000x128xf32, #tpu.memory_space<hbm>> -> memref<128x32xf32, #tpu.memory_space<hbm>>
        %dma_start3A_192 = arith.constant 384 : i32
        %dma_start3A_193 = arith.constant 0 : i32
        %dma_start3A_194 = tpu.memref_slice %arg14[%dma_start3A_192, %dma_start3A_193] : memref<512x32xf32, #tpu.memory_space<vmem>> -> memref<128x32xf32, #tpu.memory_space<vmem>>
        %dma_start3A_195 = arith.constant 96 : i32
        %dma_start3A_196 = tpu.memref_slice %arg4[%mul3A_62, %dma_start3A_195] : memref<80000x128xf32, #tpu.memory_space<hbm>> -> memref<128x32xf32, #tpu.memory_space<hbm>>
        tpu.enqueue_dma source(%dma_start3A_196 : memref<128x32xf32, #tpu.memory_space<hbm>>) target(%dma_start3A_194 : memref<128x32xf32, #tpu.memory_space<vmem>>) target_semaphore(%arg21 : memref<!tpu.dma_semaphore, #tpu.memory_space<semaphore_mem>>)
      } else {
      }
      %lt3A_48 = arith.constant 625 : i32
      %lt3A_49 = arith.cmpi slt, %add3A_30, %lt3A_48 : i32
      %convert_element_type3A_50 = arith.extui %lt3A_49 : i1 to i32
      %cond3A_51 = arith.constant 0 : i32
      %cond3A_52 = arith.cmpi ne, %convert_element_type3A_50, %cond3A_51 : i32
      scf.if %cond3A_52 {
        %mul3A_53 = arith.constant 4 : i32
        %mul3A_54 = arith.muli %add3A_30, %mul3A_53 : i32
        %mul3A_55 = arith.constant 128 : i32
        %mul3A_56 = arith.muli %add3A_30, %mul3A_55 : i32
        %mul3A_57 = arith.constant 128 : i32
        %mul3A_58 = arith.muli %add3A_30, %mul3A_57 : i32
        %mul3A_59 = arith.constant 128 : i32
        %mul3A_60 = arith.muli %add3A_30, %mul3A_59 : i32
        %mul3A_61 = arith.constant 128 : i32
        %mul3A_62 = arith.muli %add3A_30, %mul3A_61 : i32
        %dma_wait3A = arith.constant 0 : i32
        %dma_wait3A_63 = arith.constant 0 : i32
        %dma_wait3A_64 = arith.constant 0 : i32
        %dma_wait3A_65 = tpu.memref_slice %arg17[%dma_wait3A_63, %dma_wait3A_64] : memref<512x32xf32, #tpu.memory_space<vmem>> -> memref<128x32xf32, #tpu.memory_space<vmem>>
        %dma_wait3A_66 = arith.constant 0 : i32
        %dma_wait3A_67 = tpu.memref_slice %arg15[%dma_wait3A, %dma_wait3A_66] : memref<4x128xi32, #tpu.memory_space<vmem>> -> memref<1x128xi32, #tpu.memory_space<vmem>>
        %dma_wait3A_68 = tpu.memref_squeeze %dma_wait3A_67 : memref<1x128xi32, #tpu.memory_space<vmem>> -> memref<128xi32, #tpu.memory_space<vmem>>
        %dma_wait3A_69 = arith.constant 0 : i32
        %dma_wait3A_70 = arith.constant 0 : i32
        %dma_wait3A_71 = tpu.memref_slice %arg2[%dma_wait3A_69, %dma_wait3A_70] : memref<10000x32xf32, #tpu.memory_space<hbm>> -> memref<10000x32xf32, #tpu.memory_space<hbm>>
        tpu.wait_indirect_dma semaphore(%arg22 : memref<!tpu.dma_semaphore, #tpu.memory_space<semaphore_mem>>) src(%dma_wait3A_71 : memref<10000x32xf32, #tpu.memory_space<hbm>>) dst(%dma_wait3A_65 : memref<128x32xf32, #tpu.memory_space<vmem>>)
        %dma_wait3A_72 = arith.constant 0 : i32
        %dma_wait3A_73 = arith.constant 0 : i32
        %dma_wait3A_74 = arith.constant 0 : i32
        %dma_wait3A_75 = tpu.memref_slice %arg18[%dma_wait3A_73, %dma_wait3A_74] : memref<512x32xf32, #tpu.memory_space<vmem>> -> memref<128x32xf32, #tpu.memory_space<vmem>>
        %dma_wait3A_76 = arith.constant 0 : i32
        %dma_wait3A_77 = tpu.memref_slice %arg16[%dma_wait3A_72, %dma_wait3A_76] : memref<4x128xi32, #tpu.memory_space<vmem>> -> memref<1x128xi32, #tpu.memory_space<vmem>>
        %dma_wait3A_78 = tpu.memref_squeeze %dma_wait3A_77 : memref<1x128xi32, #tpu.memory_space<vmem>> -> memref<128xi32, #tpu.memory_space<vmem>>
        %dma_wait3A_79 = arith.constant 0 : i32
        %dma_wait3A_80 = arith.constant 0 : i32
        %dma_wait3A_81 = tpu.memref_slice %arg3[%dma_wait3A_79, %dma_wait3A_80] : memref<10000x32xf32, #tpu.memory_space<hbm>> -> memref<10000x32xf32, #tpu.memory_space<hbm>>
        tpu.wait_indirect_dma semaphore(%arg22 : memref<!tpu.dma_semaphore, #tpu.memory_space<semaphore_mem>>) src(%dma_wait3A_81 : memref<10000x32xf32, #tpu.memory_space<hbm>>) dst(%dma_wait3A_75 : memref<128x32xf32, #tpu.memory_space<vmem>>)
        %dma_wait3A_82 = arith.constant 0 : i32
        %dma_wait3A_83 = arith.constant 0 : i32
        %dma_wait3A_84 = tpu.memref_slice %arg19[%dma_wait3A_82, %dma_wait3A_83] : memref<512x32xf32, #tpu.memory_space<vmem>> -> memref<128x32xf32, #tpu.memory_space<vmem>>
        %dma_wait3A_85 = arith.constant 0 : i32
        %dma_wait3A_86 = tpu.memref_slice %arg4[%mul3A_56, %dma_wait3A_85] : memref<80000x128xf32, #tpu.memory_space<hbm>> -> memref<128x32xf32, #tpu.memory_space<hbm>>
        %dma_wait3A_87 = arith.constant 0 : i32
        %dma_wait3A_88 = arith.constant 0 : i32
        %dma_wait3A_89 = tpu.memref_slice %arg19[%dma_wait3A_87, %dma_wait3A_88] : memref<512x32xf32, #tpu.memory_space<vmem>> -> memref<128x32xf32, #tpu.memory_space<vmem>>
        %dma_wait3A_90 = arith.constant 0 : i32
        %dma_wait3A_91 = tpu.memref_slice %arg4[%mul3A_56, %dma_wait3A_90] : memref<80000x128xf32, #tpu.memory_space<hbm>> -> memref<128x32xf32, #tpu.memory_space<hbm>>
        tpu.wait_dma2 semaphore(%arg22 : memref<!tpu.dma_semaphore, #tpu.memory_space<semaphore_mem>>) src(%dma_wait3A_91 : memref<128x32xf32, #tpu.memory_space<hbm>>) dst(%dma_wait3A_89 : memref<128x32xf32, #tpu.memory_space<vmem>>)
        %dma_wait3A_92 = arith.constant 1 : i32
        %dma_wait3A_93 = arith.constant 128 : i32
        %dma_wait3A_94 = arith.constant 0 : i32
        %dma_wait3A_95 = tpu.memref_slice %arg17[%dma_wait3A_93, %dma_wait3A_94] : memref<512x32xf32, #tpu.memory_space<vmem>> -> memref<128x32xf32, #tpu.memory_space<vmem>>
        %dma_wait3A_96 = arith.constant 0 : i32
        %dma_wait3A_97 = tpu.memref_slice %arg15[%dma_wait3A_92, %dma_wait3A_96] : memref<4x128xi32, #tpu.memory_space<vmem>> -> memref<1x128xi32, #tpu.memory_space<vmem>>
        %dma_wait3A_98 = tpu.memref_squeeze %dma_wait3A_97 : memref<1x128xi32, #tpu.memory_space<vmem>> -> memref<128xi32, #tpu.memory_space<vmem>>
        %dma_wait3A_99 = arith.constant 0 : i32
        %dma_wait3A_100 = arith.constant 0 : i32
        %dma_wait3A_101 = tpu.memref_slice %arg2[%dma_wait3A_99, %dma_wait3A_100] : memref<10000x32xf32, #tpu.memory_space<hbm>> -> memref<10000x32xf32, #tpu.memory_space<hbm>>
        tpu.wait_indirect_dma semaphore(%arg22 : memref<!tpu.dma_semaphore, #tpu.memory_space<semaphore_mem>>) src(%dma_wait3A_101 : memref<10000x32xf32, #tpu.memory_space<hbm>>) dst(%dma_wait3A_95 : memref<128x32xf32, #tpu.memory_space<vmem>>)
        %dma_wait3A_102 = arith.constant 1 : i32
        %dma_wait3A_103 = arith.constant 128 : i32
        %dma_wait3A_104 = arith.constant 0 : i32
        %dma_wait3A_105 = tpu.memref_slice %arg18[%dma_wait3A_103, %dma_wait3A_104] : memref<512x32xf32, #tpu.memory_space<vmem>> -> memref<128x32xf32, #tpu.memory_space<vmem>>
        %dma_wait3A_106 = arith.constant 0 : i32
        %dma_wait3A_107 = tpu.memref_slice %arg16[%dma_wait3A_102, %dma_wait3A_106] : memref<4x128xi32, #tpu.memory_space<vmem>> -> memref<1x128xi32, #tpu.memory_space<vmem>>
        %dma_wait3A_108 = tpu.memref_squeeze %dma_wait3A_107 : memref<1x128xi32, #tpu.memory_space<vmem>> -> memref<128xi32, #tpu.memory_space<vmem>>
        %dma_wait3A_109 = arith.constant 0 : i32
        %dma_wait3A_110 = arith.constant 0 : i32
        %dma_wait3A_111 = tpu.memref_slice %arg3[%dma_wait3A_109, %dma_wait3A_110] : memref<10000x32xf32, #tpu.memory_space<hbm>> -> memref<10000x32xf32, #tpu.memory_space<hbm>>
        tpu.wait_indirect_dma semaphore(%arg22 : memref<!tpu.dma_semaphore, #tpu.memory_space<semaphore_mem>>) src(%dma_wait3A_111 : memref<10000x32xf32, #tpu.memory_space<hbm>>) dst(%dma_wait3A_105 : memref<128x32xf32, #tpu.memory_space<vmem>>)
        %dma_wait3A_112 = arith.constant 128 : i32
        %dma_wait3A_113 = arith.constant 0 : i32
        %dma_wait3A_114 = tpu.memref_slice %arg19[%dma_wait3A_112, %dma_wait3A_113] : memref<512x32xf32, #tpu.memory_space<vmem>> -> memref<128x32xf32, #tpu.memory_space<vmem>>
        %dma_wait3A_115 = arith.constant 32 : i32
        %dma_wait3A_116 = tpu.memref_slice %arg4[%mul3A_58, %dma_wait3A_115] : memref<80000x128xf32, #tpu.memory_space<hbm>> -> memref<128x32xf32, #tpu.memory_space<hbm>>
        %dma_wait3A_117 = arith.constant 128 : i32
        %dma_wait3A_118 = arith.constant 0 : i32
        %dma_wait3A_119 = tpu.memref_slice %arg19[%dma_wait3A_117, %dma_wait3A_118] : memref<512x32xf32, #tpu.memory_space<vmem>> -> memref<128x32xf32, #tpu.memory_space<vmem>>
        %dma_wait3A_120 = arith.constant 32 : i32
        %dma_wait3A_121 = tpu.memref_slice %arg4[%mul3A_58, %dma_wait3A_120] : memref<80000x128xf32, #tpu.memory_space<hbm>> -> memref<128x32xf32, #tpu.memory_space<hbm>>
        tpu.wait_dma2 semaphore(%arg22 : memref<!tpu.dma_semaphore, #tpu.memory_space<semaphore_mem>>) src(%dma_wait3A_121 : memref<128x32xf32, #tpu.memory_space<hbm>>) dst(%dma_wait3A_119 : memref<128x32xf32, #tpu.memory_space<vmem>>)
        %dma_wait3A_122 = arith.constant 2 : i32
        %dma_wait3A_123 = arith.constant 256 : i32
        %dma_wait3A_124 = arith.constant 0 : i32
        %dma_wait3A_125 = tpu.memref_slice %arg17[%dma_wait3A_123, %dma_wait3A_124] : memref<512x32xf32, #tpu.memory_space<vmem>> -> memref<128x32xf32, #tpu.memory_space<vmem>>
        %dma_wait3A_126 = arith.constant 0 : i32
        %dma_wait3A_127 = tpu.memref_slice %arg15[%dma_wait3A_122, %dma_wait3A_126] : memref<4x128xi32, #tpu.memory_space<vmem>> -> memref<1x128xi32, #tpu.memory_space<vmem>>
        %dma_wait3A_128 = tpu.memref_squeeze %dma_wait3A_127 : memref<1x128xi32, #tpu.memory_space<vmem>> -> memref<128xi32, #tpu.memory_space<vmem>>
        %dma_wait3A_129 = arith.constant 0 : i32
        %dma_wait3A_130 = arith.constant 0 : i32
        %dma_wait3A_131 = tpu.memref_slice %arg2[%dma_wait3A_129, %dma_wait3A_130] : memref<10000x32xf32, #tpu.memory_space<hbm>> -> memref<10000x32xf32, #tpu.memory_space<hbm>>
        tpu.wait_indirect_dma semaphore(%arg22 : memref<!tpu.dma_semaphore, #tpu.memory_space<semaphore_mem>>) src(%dma_wait3A_131 : memref<10000x32xf32, #tpu.memory_space<hbm>>) dst(%dma_wait3A_125 : memref<128x32xf32, #tpu.memory_space<vmem>>)
        %dma_wait3A_132 = arith.constant 2 : i32
        %dma_wait3A_133 = arith.constant 256 : i32
        %dma_wait3A_134 = arith.constant 0 : i32
        %dma_wait3A_135 = tpu.memref_slice %arg18[%dma_wait3A_133, %dma_wait3A_134] : memref<512x32xf32, #tpu.memory_space<vmem>> -> memref<128x32xf32, #tpu.memory_space<vmem>>
        %dma_wait3A_136 = arith.constant 0 : i32
        %dma_wait3A_137 = tpu.memref_slice %arg16[%dma_wait3A_132, %dma_wait3A_136] : memref<4x128xi32, #tpu.memory_space<vmem>> -> memref<1x128xi32, #tpu.memory_space<vmem>>
        %dma_wait3A_138 = tpu.memref_squeeze %dma_wait3A_137 : memref<1x128xi32, #tpu.memory_space<vmem>> -> memref<128xi32, #tpu.memory_space<vmem>>
        %dma_wait3A_139 = arith.constant 0 : i32
        %dma_wait3A_140 = arith.constant 0 : i32
        %dma_wait3A_141 = tpu.memref_slice %arg3[%dma_wait3A_139, %dma_wait3A_140] : memref<10000x32xf32, #tpu.memory_space<hbm>> -> memref<10000x32xf32, #tpu.memory_space<hbm>>
        tpu.wait_indirect_dma semaphore(%arg22 : memref<!tpu.dma_semaphore, #tpu.memory_space<semaphore_mem>>) src(%dma_wait3A_141 : memref<10000x32xf32, #tpu.memory_space<hbm>>) dst(%dma_wait3A_135 : memref<128x32xf32, #tpu.memory_space<vmem>>)
        %dma_wait3A_142 = arith.constant 256 : i32
        %dma_wait3A_143 = arith.constant 0 : i32
        %dma_wait3A_144 = tpu.memref_slice %arg19[%dma_wait3A_142, %dma_wait3A_143] : memref<512x32xf32, #tpu.memory_space<vmem>> -> memref<128x32xf32, #tpu.memory_space<vmem>>
        %dma_wait3A_145 = arith.constant 64 : i32
        %dma_wait3A_146 = tpu.memref_slice %arg4[%mul3A_60, %dma_wait3A_145] : memref<80000x128xf32, #tpu.memory_space<hbm>> -> memref<128x32xf32, #tpu.memory_space<hbm>>
        %dma_wait3A_147 = arith.constant 256 : i32
        %dma_wait3A_148 = arith.constant 0 : i32
        %dma_wait3A_149 = tpu.memref_slice %arg19[%dma_wait3A_147, %dma_wait3A_148] : memref<512x32xf32, #tpu.memory_space<vmem>> -> memref<128x32xf32, #tpu.memory_space<vmem>>
        %dma_wait3A_150 = arith.constant 64 : i32
        %dma_wait3A_151 = tpu.memref_slice %arg4[%mul3A_60, %dma_wait3A_150] : memref<80000x128xf32, #tpu.memory_space<hbm>> -> memref<128x32xf32, #tpu.memory_space<hbm>>
        tpu.wait_dma2 semaphore(%arg22 : memref<!tpu.dma_semaphore, #tpu.memory_space<semaphore_mem>>) src(%dma_wait3A_151 : memref<128x32xf32, #tpu.memory_space<hbm>>) dst(%dma_wait3A_149 : memref<128x32xf32, #tpu.memory_space<vmem>>)
        %dma_wait3A_152 = arith.constant 3 : i32
        %dma_wait3A_153 = arith.constant 384 : i32
        %dma_wait3A_154 = arith.constant 0 : i32
        %dma_wait3A_155 = tpu.memref_slice %arg17[%dma_wait3A_153, %dma_wait3A_154] : memref<512x32xf32, #tpu.memory_space<vmem>> -> memref<128x32xf32, #tpu.memory_space<vmem>>
        %dma_wait3A_156 = arith.constant 0 : i32
        %dma_wait3A_157 = tpu.memref_slice %arg15[%dma_wait3A_152, %dma_wait3A_156] : memref<4x128xi32, #tpu.memory_space<vmem>> -> memref<1x128xi32, #tpu.memory_space<vmem>>
        %dma_wait3A_158 = tpu.memref_squeeze %dma_wait3A_157 : memref<1x128xi32, #tpu.memory_space<vmem>> -> memref<128xi32, #tpu.memory_space<vmem>>
        %dma_wait3A_159 = arith.constant 0 : i32
        %dma_wait3A_160 = arith.constant 0 : i32
        %dma_wait3A_161 = tpu.memref_slice %arg2[%dma_wait3A_159, %dma_wait3A_160] : memref<10000x32xf32, #tpu.memory_space<hbm>> -> memref<10000x32xf32, #tpu.memory_space<hbm>>
        tpu.wait_indirect_dma semaphore(%arg22 : memref<!tpu.dma_semaphore, #tpu.memory_space<semaphore_mem>>) src(%dma_wait3A_161 : memref<10000x32xf32, #tpu.memory_space<hbm>>) dst(%dma_wait3A_155 : memref<128x32xf32, #tpu.memory_space<vmem>>)
        %dma_wait3A_162 = arith.constant 3 : i32
        %dma_wait3A_163 = arith.constant 384 : i32
        %dma_wait3A_164 = arith.constant 0 : i32
        %dma_wait3A_165 = tpu.memref_slice %arg18[%dma_wait3A_163, %dma_wait3A_164] : memref<512x32xf32, #tpu.memory_space<vmem>> -> memref<128x32xf32, #tpu.memory_space<vmem>>
        %dma_wait3A_166 = arith.constant 0 : i32
        %dma_wait3A_167 = tpu.memref_slice %arg16[%dma_wait3A_162, %dma_wait3A_166] : memref<4x128xi32, #tpu.memory_space<vmem>> -> memref<1x128xi32, #tpu.memory_space<vmem>>
        %dma_wait3A_168 = tpu.memref_squeeze %dma_wait3A_167 : memref<1x128xi32, #tpu.memory_space<vmem>> -> memref<128xi32, #tpu.memory_space<vmem>>
        %dma_wait3A_169 = arith.constant 0 : i32
        %dma_wait3A_170 = arith.constant 0 : i32
        %dma_wait3A_171 = tpu.memref_slice %arg3[%dma_wait3A_169, %dma_wait3A_170] : memref<10000x32xf32, #tpu.memory_space<hbm>> -> memref<10000x32xf32, #tpu.memory_space<hbm>>
        tpu.wait_indirect_dma semaphore(%arg22 : memref<!tpu.dma_semaphore, #tpu.memory_space<semaphore_mem>>) src(%dma_wait3A_171 : memref<10000x32xf32, #tpu.memory_space<hbm>>) dst(%dma_wait3A_165 : memref<128x32xf32, #tpu.memory_space<vmem>>)
        %dma_wait3A_172 = arith.constant 384 : i32
        %dma_wait3A_173 = arith.constant 0 : i32
        %dma_wait3A_174 = tpu.memref_slice %arg19[%dma_wait3A_172, %dma_wait3A_173] : memref<512x32xf32, #tpu.memory_space<vmem>> -> memref<128x32xf32, #tpu.memory_space<vmem>>
        %dma_wait3A_175 = arith.constant 96 : i32
        %dma_wait3A_176 = tpu.memref_slice %arg4[%mul3A_62, %dma_wait3A_175] : memref<80000x128xf32, #tpu.memory_space<hbm>> -> memref<128x32xf32, #tpu.memory_space<hbm>>
        %dma_wait3A_177 = arith.constant 384 : i32
        %dma_wait3A_178 = arith.constant 0 : i32
        %dma_wait3A_179 = tpu.memref_slice %arg19[%dma_wait3A_177, %dma_wait3A_178] : memref<512x32xf32, #tpu.memory_space<vmem>> -> memref<128x32xf32, #tpu.memory_space<vmem>>
        %dma_wait3A_180 = arith.constant 96 : i32
        %dma_wait3A_181 = tpu.memref_slice %arg4[%mul3A_62, %dma_wait3A_180] : memref<80000x128xf32, #tpu.memory_space<hbm>> -> memref<128x32xf32, #tpu.memory_space<hbm>>
        tpu.wait_dma2 semaphore(%arg22 : memref<!tpu.dma_semaphore, #tpu.memory_space<semaphore_mem>>) src(%dma_wait3A_181 : memref<128x32xf32, #tpu.memory_space<hbm>>) dst(%dma_wait3A_179 : memref<128x32xf32, #tpu.memory_space<vmem>>)
        %scan3A_182 = arith.constant 0 : i32
        %scan3A_183 = arith.constant 512 : i32
        %scan3A_184 = arith.addi %scan3A_182, %scan3A_183 : i32
        %scan3A_185 = arith.constant 1 : i32
        scf.for %scan3A_198 = %scan3A_182 to %scan3A_184 step %scan3A_185  : i32 {
          %mul3A_199 = arith.constant 1 : i32
          %mul3A_200 = arith.muli %scan3A_198, %mul3A_199 : i32
          %add3A_201 = arith.constant 0 : i32
          %add3A_202 = arith.addi %add3A_201, %mul3A_200 : i32
          %get3A = arith.index_cast %add3A_202 : i32 to index
          %get3A_203 = arith.constant 0 : index
          %get3A_204 = tpu.vector_load %arg19[%get3A, %get3A_203] {strides = array<i32>} : memref<512x32xf32, #tpu.memory_space<vmem>>, vector<1x16xf32>,
          %get3A_205 = vector.shape_cast %get3A_204 : vector<1x16xf32> to vector<16xf32>
          %get3A_206 = arith.index_cast %add3A_202 : i32 to index
          %get3A_207 = arith.constant 0 : index
          %get3A_208 = tpu.vector_load %arg17[%get3A_206, %get3A_207] {strides = array<i32>} : memref<512x32xf32, #tpu.memory_space<vmem>>, vector<1x16xf32>,
          %get3A_209 = vector.shape_cast %get3A_208 : vector<1x16xf32> to vector<16xf32>
          %add3A_210 = arith.addf %get3A_205, %get3A_209 : vector<16xf32>
          %get3A_211 = arith.index_cast %add3A_202 : i32 to index
          %get3A_212 = arith.constant 0 : index
          %get3A_213 = tpu.vector_load %arg18[%get3A_211, %get3A_212] {strides = array<i32>} : memref<512x32xf32, #tpu.memory_space<vmem>>, vector<1x16xf32>,
          %get3A_214 = vector.shape_cast %get3A_213 : vector<1x16xf32> to vector<16xf32>
          %add3A_215 = arith.addf %add3A_210, %get3A_214 : vector<16xf32>
          %max3A = arith.constant 0.000000e+00 : f32
          %max3A_216 = vector.broadcast %max3A : f32 to vector<16xf32>
          %max3A_217 = arith.maximumf %add3A_215, %max3A_216 : vector<16xf32>
          %swap3A = arith.index_cast %add3A_202 : i32 to index
          %swap3A_218 = arith.constant 0 : index
          %swap3A_219 = tpu.vector_load %arg19[%swap3A, %swap3A_218] {strides = array<i32>} : memref<512x32xf32, #tpu.memory_space<vmem>>, vector<1x16xf32>,
          %swap3A_220 = vector.shape_cast %swap3A_219 : vector<1x16xf32> to vector<16xf32>
          %swap3A_221 = vector.shape_cast %max3A_217 : vector<16xf32> to vector<1x16xf32>
          tpu.vector_store %arg19[%swap3A, %swap3A_218], %swap3A_221 {strides = array<i32>} : memref<512x32xf32, #tpu.memory_space<vmem>>, vector<1x16xf32>,
          %get3A_222 = arith.index_cast %add3A_202 : i32 to index
          %get3A_223 = arith.constant 16 : index
          %get3A_224 = tpu.vector_load %arg19[%get3A_222, %get3A_223] {strides = array<i32>} : memref<512x32xf32, #tpu.memory_space<vmem>>, vector<1x16xf32>,
          %get3A_225 = vector.shape_cast %get3A_224 : vector<1x16xf32> to vector<16xf32>
          %get3A_226 = arith.index_cast %add3A_202 : i32 to index
          %get3A_227 = arith.constant 16 : index
          %get3A_228 = tpu.vector_load %arg17[%get3A_226, %get3A_227] {strides = array<i32>} : memref<512x32xf32, #tpu.memory_space<vmem>>, vector<1x16xf32>,
          %get3A_229 = vector.shape_cast %get3A_228 : vector<1x16xf32> to vector<16xf32>
          %add3A_230 = arith.addf %get3A_225, %get3A_229 : vector<16xf32>
          %get3A_231 = arith.index_cast %add3A_202 : i32 to index
          %get3A_232 = arith.constant 16 : index
          %get3A_233 = tpu.vector_load %arg18[%get3A_231, %get3A_232] {strides = array<i32>} : memref<512x32xf32, #tpu.memory_space<vmem>>, vector<1x16xf32>,
          %get3A_234 = vector.shape_cast %get3A_233 : vector<1x16xf32> to vector<16xf32>
          %add3A_235 = arith.addf %add3A_230, %get3A_234 : vector<16xf32>
          %max3A_236 = arith.constant 0.000000e+00 : f32
          %max3A_237 = vector.broadcast %max3A_236 : f32 to vector<16xf32>
          %max3A_238 = arith.maximumf %add3A_235, %max3A_237 : vector<16xf32>
          %swap3A_239 = arith.index_cast %add3A_202 : i32 to index
          %swap3A_240 = arith.constant 16 : index
          %swap3A_241 = tpu.vector_load %arg19[%swap3A_239, %swap3A_240] {strides = array<i32>} : memref<512x32xf32, #tpu.memory_space<vmem>>, vector<1x16xf32>,
          %swap3A_242 = vector.shape_cast %swap3A_241 : vector<1x16xf32> to vector<16xf32>
          %swap3A_243 = vector.shape_cast %max3A_238 : vector<16xf32> to vector<1x16xf32>
          tpu.vector_store %arg19[%swap3A_239, %swap3A_240], %swap3A_243 {strides = array<i32>} : memref<512x32xf32, #tpu.memory_space<vmem>>, vector<1x16xf32>,
        }
        %scan3A_186 = arith.constant 512 : i32
        %mul3A_187 = arith.constant 128 : i32
        %mul3A_188 = arith.muli %add3A_30, %mul3A_187 : i32
        "tpu.region"() ({
          %run_scoped3A_198 = tpu.sem_alloc : memref<!tpu.dma_semaphore, #tpu.memory_space<semaphore_mem>>
          %dma_start3A = arith.constant 0 : i32
          %dma_start3A_199 = arith.constant 0 : i32
          %dma_start3A_200 = tpu.memref_slice %arg19[%dma_start3A, %dma_start3A_199] : memref<512x32xf32, #tpu.memory_space<vmem>> -> memref<128x32xf32, #tpu.memory_space<vmem>>
          %dma_start3A_201 = arith.constant 0 : i32
          %dma_start3A_202 = tpu.memref_slice %arg8[%mul3A_188, %dma_start3A_201] : memref<80000x128xf32, #tpu.memory_space<hbm>> -> memref<128x32xf32, #tpu.memory_space<hbm>>
          %dma_start3A_203 = arith.constant 0 : i32
          %dma_start3A_204 = tpu.memref_slice %arg8[%mul3A_188, %dma_start3A_203] : memref<80000x128xf32, #tpu.memory_space<hbm>> -> memref<128x32xf32, #tpu.memory_space<hbm>>
          %dma_start3A_205 = arith.constant 0 : i32
          %dma_start3A_206 = arith.constant 0 : i32
          %dma_start3A_207 = tpu.memref_slice %arg19[%dma_start3A_205, %dma_start3A_206] : memref<512x32xf32, #tpu.memory_space<vmem>> -> memref<128x32xf32, #tpu.memory_space<vmem>>
          tpu.enqueue_dma source(%dma_start3A_207 : memref<128x32xf32, #tpu.memory_space<vmem>>) target(%dma_start3A_204 : memref<128x32xf32, #tpu.memory_space<hbm>>) target_semaphore(%run_scoped3A_198 : memref<!tpu.dma_semaphore, #tpu.memory_space<semaphore_mem>>)
          %dma_wait3A_208 = arith.constant 0 : i32
          %dma_wait3A_209 = arith.constant 0 : i32
          %dma_wait3A_210 = tpu.memref_slice %arg19[%dma_wait3A_208, %dma_wait3A_209] : memref<512x32xf32, #tpu.memory_space<vmem>> -> memref<128x32xf32, #tpu.memory_space<vmem>>
          %dma_wait3A_211 = arith.constant 0 : i32
          %dma_wait3A_212 = tpu.memref_slice %arg8[%mul3A_188, %dma_wait3A_211] : memref<80000x128xf32, #tpu.memory_space<hbm>> -> memref<128x32xf32, #tpu.memory_space<hbm>>
          %dma_wait3A_213 = arith.constant 0 : i32
          %dma_wait3A_214 = tpu.memref_slice %arg8[%mul3A_188, %dma_wait3A_213] : memref<80000x128xf32, #tpu.memory_space<hbm>> -> memref<128x32xf32, #tpu.memory_space<hbm>>
          %dma_wait3A_215 = arith.constant 0 : i32
          %dma_wait3A_216 = arith.constant 0 : i32
          %dma_wait3A_217 = tpu.memref_slice %arg19[%dma_wait3A_215, %dma_wait3A_216] : memref<512x32xf32, #tpu.memory_space<vmem>> -> memref<128x32xf32, #tpu.memory_space<vmem>>
          tpu.wait_dma2 semaphore(%run_scoped3A_198 : memref<!tpu.dma_semaphore, #tpu.memory_space<semaphore_mem>>) src(%dma_wait3A_217 : memref<128x32xf32, #tpu.memory_space<vmem>>) dst(%dma_wait3A_214 : memref<128x32xf32, #tpu.memory_space<hbm>>)
          tpu.yield
        }) : () -> ()
        %run_scoped3A = arith.constant 0 : i32
        "tpu.region"() ({
          %run_scoped3A_198 = tpu.sem_alloc : memref<!tpu.dma_semaphore, #tpu.memory_space<semaphore_mem>>
          %dma_start3A = arith.constant 0 : i32
          %dma_start3A_199 = arith.constant 0 : i32
          %dma_start3A_200 = tpu.memref_slice %arg19[%dma_start3A, %dma_start3A_199] : memref<512x32xf32, #tpu.memory_space<vmem>> -> memref<128x32xf32, #tpu.memory_space<vmem>>
          %dma_start3A_201 = arith.constant 0 : i32
          %dma_start3A_202 = tpu.memref_slice %arg16[%run_scoped3A, %dma_start3A_201] : memref<4x128xi32, #tpu.memory_space<vmem>> -> memref<1x128xi32, #tpu.memory_space<vmem>>
          %dma_start3A_203 = tpu.memref_squeeze %dma_start3A_202 : memref<1x128xi32, #tpu.memory_space<vmem>> -> memref<128xi32, #tpu.memory_space<vmem>>
          %dma_start3A_204 = arith.constant 0 : i32
          %dma_start3A_205 = arith.constant 0 : i32
          %dma_start3A_206 = tpu.memref_slice %arg20[%dma_start3A_204, %dma_start3A_205] : memref<10240x32xf32, #tpu.memory_space<vmem_shared>> -> memref<10240x32xf32, #tpu.memory_space<vmem_shared>>
          tpu.enqueue_indirect_dma source(%dma_start3A_200 : memref<128x32xf32, #tpu.memory_space<vmem>>) target(%dma_start3A_206 : memref<10240x32xf32, #tpu.memory_space<vmem_shared>>) offsets(%dma_start3A_203 : memref<128xi32, #tpu.memory_space<vmem>>) semaphore(%run_scoped3A_198 : memref<!tpu.dma_semaphore, #tpu.memory_space<semaphore_mem>>) {add = true}
          %dma_wait3A_207 = arith.constant 0 : i32
          %dma_wait3A_208 = arith.constant 0 : i32
          %dma_wait3A_209 = tpu.memref_slice %arg19[%dma_wait3A_207, %dma_wait3A_208] : memref<512x32xf32, #tpu.memory_space<vmem>> -> memref<128x32xf32, #tpu.memory_space<vmem>>
          %dma_wait3A_210 = arith.constant 0 : i32
          %dma_wait3A_211 = tpu.memref_slice %arg16[%run_scoped3A, %dma_wait3A_210] : memref<4x128xi32, #tpu.memory_space<vmem>> -> memref<1x128xi32, #tpu.memory_space<vmem>>
          %dma_wait3A_212 = tpu.memref_squeeze %dma_wait3A_211 : memref<1x128xi32, #tpu.memory_space<vmem>> -> memref<128xi32, #tpu.memory_space<vmem>>
          %dma_wait3A_213 = arith.constant 0 : i32
          %dma_wait3A_214 = arith.constant 0 : i32
          %dma_wait3A_215 = tpu.memref_slice %arg20[%dma_wait3A_213, %dma_wait3A_214] : memref<10240x32xf32, #tpu.memory_space<vmem_shared>> -> memref<10240x32xf32, #tpu.memory_space<vmem_shared>>
          tpu.wait_indirect_dma semaphore(%run_scoped3A_198 : memref<!tpu.dma_semaphore, #tpu.memory_space<semaphore_mem>>) src(%dma_wait3A_209 : memref<128x32xf32, #tpu.memory_space<vmem>>) dst(%dma_wait3A_215 : memref<10240x32xf32, #tpu.memory_space<vmem_shared>>)
          tpu.yield
        }) : () -> ()
        %mul3A_189 = arith.constant 128 : i32
        %mul3A_190 = arith.muli %add3A_30, %mul3A_189 : i32
        "tpu.region"() ({
          %run_scoped3A_198 = tpu.sem_alloc : memref<!tpu.dma_semaphore, #tpu.memory_space<semaphore_mem>>
          %dma_start3A = arith.constant 128 : i32
          %dma_start3A_199 = arith.constant 0 : i32
          %dma_start3A_200 = tpu.memref_slice %arg19[%dma_start3A, %dma_start3A_199] : memref<512x32xf32, #tpu.memory_space<vmem>> -> memref<128x32xf32, #tpu.memory_space<vmem>>
          %dma_start3A_201 = arith.constant 32 : i32
          %dma_start3A_202 = tpu.memref_slice %arg8[%mul3A_190, %dma_start3A_201] : memref<80000x128xf32, #tpu.memory_space<hbm>> -> memref<128x32xf32, #tpu.memory_space<hbm>>
          %dma_start3A_203 = arith.constant 32 : i32
          %dma_start3A_204 = tpu.memref_slice %arg8[%mul3A_190, %dma_start3A_203] : memref<80000x128xf32, #tpu.memory_space<hbm>> -> memref<128x32xf32, #tpu.memory_space<hbm>>
          %dma_start3A_205 = arith.constant 128 : i32
          %dma_start3A_206 = arith.constant 0 : i32
          %dma_start3A_207 = tpu.memref_slice %arg19[%dma_start3A_205, %dma_start3A_206] : memref<512x32xf32, #tpu.memory_space<vmem>> -> memref<128x32xf32, #tpu.memory_space<vmem>>
          tpu.enqueue_dma source(%dma_start3A_207 : memref<128x32xf32, #tpu.memory_space<vmem>>) target(%dma_start3A_204 : memref<128x32xf32, #tpu.memory_space<hbm>>) target_semaphore(%run_scoped3A_198 : memref<!tpu.dma_semaphore, #tpu.memory_space<semaphore_mem>>)
          %dma_wait3A_208 = arith.constant 128 : i32
          %dma_wait3A_209 = arith.constant 0 : i32
          %dma_wait3A_210 = tpu.memref_slice %arg19[%dma_wait3A_208, %dma_wait3A_209] : memref<512x32xf32, #tpu.memory_space<vmem>> -> memref<128x32xf32, #tpu.memory_space<vmem>>
          %dma_wait3A_211 = arith.constant 32 : i32
          %dma_wait3A_212 = tpu.memref_slice %arg8[%mul3A_190, %dma_wait3A_211] : memref<80000x128xf32, #tpu.memory_space<hbm>> -> memref<128x32xf32, #tpu.memory_space<hbm>>
          %dma_wait3A_213 = arith.constant 32 : i32
          %dma_wait3A_214 = tpu.memref_slice %arg8[%mul3A_190, %dma_wait3A_213] : memref<80000x128xf32, #tpu.memory_space<hbm>> -> memref<128x32xf32, #tpu.memory_space<hbm>>
          %dma_wait3A_215 = arith.constant 128 : i32
          %dma_wait3A_216 = arith.constant 0 : i32
          %dma_wait3A_217 = tpu.memref_slice %arg19[%dma_wait3A_215, %dma_wait3A_216] : memref<512x32xf32, #tpu.memory_space<vmem>> -> memref<128x32xf32, #tpu.memory_space<vmem>>
          tpu.wait_dma2 semaphore(%run_scoped3A_198 : memref<!tpu.dma_semaphore, #tpu.memory_space<semaphore_mem>>) src(%dma_wait3A_217 : memref<128x32xf32, #tpu.memory_space<vmem>>) dst(%dma_wait3A_214 : memref<128x32xf32, #tpu.memory_space<hbm>>)
          tpu.yield
        }) : () -> ()
        %run_scoped3A_191 = arith.constant 1 : i32
        "tpu.region"() ({
          %run_scoped3A_198 = tpu.sem_alloc : memref<!tpu.dma_semaphore, #tpu.memory_space<semaphore_mem>>
          %dma_start3A = arith.constant 128 : i32
          %dma_start3A_199 = arith.constant 0 : i32
          %dma_start3A_200 = tpu.memref_slice %arg19[%dma_start3A, %dma_start3A_199] : memref<512x32xf32, #tpu.memory_space<vmem>> -> memref<128x32xf32, #tpu.memory_space<vmem>>
          %dma_start3A_201 = arith.constant 0 : i32
          %dma_start3A_202 = tpu.memref_slice %arg16[%run_scoped3A_191, %dma_start3A_201] : memref<4x128xi32, #tpu.memory_space<vmem>> -> memref<1x128xi32, #tpu.memory_space<vmem>>
          %dma_start3A_203 = tpu.memref_squeeze %dma_start3A_202 : memref<1x128xi32, #tpu.memory_space<vmem>> -> memref<128xi32, #tpu.memory_space<vmem>>
          %dma_start3A_204 = arith.constant 0 : i32
          %dma_start3A_205 = arith.constant 0 : i32
          %dma_start3A_206 = tpu.memref_slice %arg20[%dma_start3A_204, %dma_start3A_205] : memref<10240x32xf32, #tpu.memory_space<vmem_shared>> -> memref<10240x32xf32, #tpu.memory_space<vmem_shared>>
          tpu.enqueue_indirect_dma source(%dma_start3A_200 : memref<128x32xf32, #tpu.memory_space<vmem>>) target(%dma_start3A_206 : memref<10240x32xf32, #tpu.memory_space<vmem_shared>>) offsets(%dma_start3A_203 : memref<128xi32, #tpu.memory_space<vmem>>) semaphore(%run_scoped3A_198 : memref<!tpu.dma_semaphore, #tpu.memory_space<semaphore_mem>>) {add = true}
          %dma_wait3A_207 = arith.constant 128 : i32
          %dma_wait3A_208 = arith.constant 0 : i32
          %dma_wait3A_209 = tpu.memref_slice %arg19[%dma_wait3A_207, %dma_wait3A_208] : memref<512x32xf32, #tpu.memory_space<vmem>> -> memref<128x32xf32, #tpu.memory_space<vmem>>
          %dma_wait3A_210 = arith.constant 0 : i32
          %dma_wait3A_211 = tpu.memref_slice %arg16[%run_scoped3A_191, %dma_wait3A_210] : memref<4x128xi32, #tpu.memory_space<vmem>> -> memref<1x128xi32, #tpu.memory_space<vmem>>
          %dma_wait3A_212 = tpu.memref_squeeze %dma_wait3A_211 : memref<1x128xi32, #tpu.memory_space<vmem>> -> memref<128xi32, #tpu.memory_space<vmem>>
          %dma_wait3A_213 = arith.constant 0 : i32
          %dma_wait3A_214 = arith.constant 0 : i32
          %dma_wait3A_215 = tpu.memref_slice %arg20[%dma_wait3A_213, %dma_wait3A_214] : memref<10240x32xf32, #tpu.memory_space<vmem_shared>> -> memref<10240x32xf32, #tpu.memory_space<vmem_shared>>
          tpu.wait_indirect_dma semaphore(%run_scoped3A_198 : memref<!tpu.dma_semaphore, #tpu.memory_space<semaphore_mem>>) src(%dma_wait3A_209 : memref<128x32xf32, #tpu.memory_space<vmem>>) dst(%dma_wait3A_215 : memref<10240x32xf32, #tpu.memory_space<vmem_shared>>)
          tpu.yield
        }) : () -> ()
        %mul3A_192 = arith.constant 128 : i32
        %mul3A_193 = arith.muli %add3A_30, %mul3A_192 : i32
        "tpu.region"() ({
          %run_scoped3A_198 = tpu.sem_alloc : memref<!tpu.dma_semaphore, #tpu.memory_space<semaphore_mem>>
          %dma_start3A = arith.constant 256 : i32
          %dma_start3A_199 = arith.constant 0 : i32
          %dma_start3A_200 = tpu.memref_slice %arg19[%dma_start3A, %dma_start3A_199] : memref<512x32xf32, #tpu.memory_space<vmem>> -> memref<128x32xf32, #tpu.memory_space<vmem>>
          %dma_start3A_201 = arith.constant 64 : i32
          %dma_start3A_202 = tpu.memref_slice %arg8[%mul3A_193, %dma_start3A_201] : memref<80000x128xf32, #tpu.memory_space<hbm>> -> memref<128x32xf32, #tpu.memory_space<hbm>>
          %dma_start3A_203 = arith.constant 64 : i32
          %dma_start3A_204 = tpu.memref_slice %arg8[%mul3A_193, %dma_start3A_203] : memref<80000x128xf32, #tpu.memory_space<hbm>> -> memref<128x32xf32, #tpu.memory_space<hbm>>
          %dma_start3A_205 = arith.constant 256 : i32
          %dma_start3A_206 = arith.constant 0 : i32
          %dma_start3A_207 = tpu.memref_slice %arg19[%dma_start3A_205, %dma_start3A_206] : memref<512x32xf32, #tpu.memory_space<vmem>> -> memref<128x32xf32, #tpu.memory_space<vmem>>
          tpu.enqueue_dma source(%dma_start3A_207 : memref<128x32xf32, #tpu.memory_space<vmem>>) target(%dma_start3A_204 : memref<128x32xf32, #tpu.memory_space<hbm>>) target_semaphore(%run_scoped3A_198 : memref<!tpu.dma_semaphore, #tpu.memory_space<semaphore_mem>>)
          %dma_wait3A_208 = arith.constant 256 : i32
          %dma_wait3A_209 = arith.constant 0 : i32
          %dma_wait3A_210 = tpu.memref_slice %arg19[%dma_wait3A_208, %dma_wait3A_209] : memref<512x32xf32, #tpu.memory_space<vmem>> -> memref<128x32xf32, #tpu.memory_space<vmem>>
          %dma_wait3A_211 = arith.constant 64 : i32
          %dma_wait3A_212 = tpu.memref_slice %arg8[%mul3A_193, %dma_wait3A_211] : memref<80000x128xf32, #tpu.memory_space<hbm>> -> memref<128x32xf32, #tpu.memory_space<hbm>>
          %dma_wait3A_213 = arith.constant 64 : i32
          %dma_wait3A_214 = tpu.memref_slice %arg8[%mul3A_193, %dma_wait3A_213] : memref<80000x128xf32, #tpu.memory_space<hbm>> -> memref<128x32xf32, #tpu.memory_space<hbm>>
          %dma_wait3A_215 = arith.constant 256 : i32
          %dma_wait3A_216 = arith.constant 0 : i32
          %dma_wait3A_217 = tpu.memref_slice %arg19[%dma_wait3A_215, %dma_wait3A_216] : memref<512x32xf32, #tpu.memory_space<vmem>> -> memref<128x32xf32, #tpu.memory_space<vmem>>
          tpu.wait_dma2 semaphore(%run_scoped3A_198 : memref<!tpu.dma_semaphore, #tpu.memory_space<semaphore_mem>>) src(%dma_wait3A_217 : memref<128x32xf32, #tpu.memory_space<vmem>>) dst(%dma_wait3A_214 : memref<128x32xf32, #tpu.memory_space<hbm>>)
          tpu.yield
        }) : () -> ()
        %run_scoped3A_194 = arith.constant 2 : i32
        "tpu.region"() ({
          %run_scoped3A_198 = tpu.sem_alloc : memref<!tpu.dma_semaphore, #tpu.memory_space<semaphore_mem>>
          %dma_start3A = arith.constant 256 : i32
          %dma_start3A_199 = arith.constant 0 : i32
          %dma_start3A_200 = tpu.memref_slice %arg19[%dma_start3A, %dma_start3A_199] : memref<512x32xf32, #tpu.memory_space<vmem>> -> memref<128x32xf32, #tpu.memory_space<vmem>>
          %dma_start3A_201 = arith.constant 0 : i32
          %dma_start3A_202 = tpu.memref_slice %arg16[%run_scoped3A_194, %dma_start3A_201] : memref<4x128xi32, #tpu.memory_space<vmem>> -> memref<1x128xi32, #tpu.memory_space<vmem>>
          %dma_start3A_203 = tpu.memref_squeeze %dma_start3A_202 : memref<1x128xi32, #tpu.memory_space<vmem>> -> memref<128xi32, #tpu.memory_space<vmem>>
          %dma_start3A_204 = arith.constant 0 : i32
          %dma_start3A_205 = arith.constant 0 : i32
          %dma_start3A_206 = tpu.memref_slice %arg20[%dma_start3A_204, %dma_start3A_205] : memref<10240x32xf32, #tpu.memory_space<vmem_shared>> -> memref<10240x32xf32, #tpu.memory_space<vmem_shared>>
          tpu.enqueue_indirect_dma source(%dma_start3A_200 : memref<128x32xf32, #tpu.memory_space<vmem>>) target(%dma_start3A_206 : memref<10240x32xf32, #tpu.memory_space<vmem_shared>>) offsets(%dma_start3A_203 : memref<128xi32, #tpu.memory_space<vmem>>) semaphore(%run_scoped3A_198 : memref<!tpu.dma_semaphore, #tpu.memory_space<semaphore_mem>>) {add = true}
          %dma_wait3A_207 = arith.constant 256 : i32
          %dma_wait3A_208 = arith.constant 0 : i32
          %dma_wait3A_209 = tpu.memref_slice %arg19[%dma_wait3A_207, %dma_wait3A_208] : memref<512x32xf32, #tpu.memory_space<vmem>> -> memref<128x32xf32, #tpu.memory_space<vmem>>
          %dma_wait3A_210 = arith.constant 0 : i32
          %dma_wait3A_211 = tpu.memref_slice %arg16[%run_scoped3A_194, %dma_wait3A_210] : memref<4x128xi32, #tpu.memory_space<vmem>> -> memref<1x128xi32, #tpu.memory_space<vmem>>
          %dma_wait3A_212 = tpu.memref_squeeze %dma_wait3A_211 : memref<1x128xi32, #tpu.memory_space<vmem>> -> memref<128xi32, #tpu.memory_space<vmem>>
          %dma_wait3A_213 = arith.constant 0 : i32
          %dma_wait3A_214 = arith.constant 0 : i32
          %dma_wait3A_215 = tpu.memref_slice %arg20[%dma_wait3A_213, %dma_wait3A_214] : memref<10240x32xf32, #tpu.memory_space<vmem_shared>> -> memref<10240x32xf32, #tpu.memory_space<vmem_shared>>
          tpu.wait_indirect_dma semaphore(%run_scoped3A_198 : memref<!tpu.dma_semaphore, #tpu.memory_space<semaphore_mem>>) src(%dma_wait3A_209 : memref<128x32xf32, #tpu.memory_space<vmem>>) dst(%dma_wait3A_215 : memref<10240x32xf32, #tpu.memory_space<vmem_shared>>)
          tpu.yield
        }) : () -> ()
        %mul3A_195 = arith.constant 128 : i32
        %mul3A_196 = arith.muli %add3A_30, %mul3A_195 : i32
        "tpu.region"() ({
          %run_scoped3A_198 = tpu.sem_alloc : memref<!tpu.dma_semaphore, #tpu.memory_space<semaphore_mem>>
          %dma_start3A = arith.constant 384 : i32
          %dma_start3A_199 = arith.constant 0 : i32
          %dma_start3A_200 = tpu.memref_slice %arg19[%dma_start3A, %dma_start3A_199] : memref<512x32xf32, #tpu.memory_space<vmem>> -> memref<128x32xf32, #tpu.memory_space<vmem>>
          %dma_start3A_201 = arith.constant 96 : i32
          %dma_start3A_202 = tpu.memref_slice %arg8[%mul3A_196, %dma_start3A_201] : memref<80000x128xf32, #tpu.memory_space<hbm>> -> memref<128x32xf32, #tpu.memory_space<hbm>>
          %dma_start3A_203 = arith.constant 96 : i32
          %dma_start3A_204 = tpu.memref_slice %arg8[%mul3A_196, %dma_start3A_203] : memref<80000x128xf32, #tpu.memory_space<hbm>> -> memref<128x32xf32, #tpu.memory_space<hbm>>
          %dma_start3A_205 = arith.constant 384 : i32
          %dma_start3A_206 = arith.constant 0 : i32
          %dma_start3A_207 = tpu.memref_slice %arg19[%dma_start3A_205, %dma_start3A_206] : memref<512x32xf32, #tpu.memory_space<vmem>> -> memref<128x32xf32, #tpu.memory_space<vmem>>
          tpu.enqueue_dma source(%dma_start3A_207 : memref<128x32xf32, #tpu.memory_space<vmem>>) target(%dma_start3A_204 : memref<128x32xf32, #tpu.memory_space<hbm>>) target_semaphore(%run_scoped3A_198 : memref<!tpu.dma_semaphore, #tpu.memory_space<semaphore_mem>>)
          %dma_wait3A_208 = arith.constant 384 : i32
          %dma_wait3A_209 = arith.constant 0 : i32
          %dma_wait3A_210 = tpu.memref_slice %arg19[%dma_wait3A_208, %dma_wait3A_209] : memref<512x32xf32, #tpu.memory_space<vmem>> -> memref<128x32xf32, #tpu.memory_space<vmem>>
          %dma_wait3A_211 = arith.constant 96 : i32
          %dma_wait3A_212 = tpu.memref_slice %arg8[%mul3A_196, %dma_wait3A_211] : memref<80000x128xf32, #tpu.memory_space<hbm>> -> memref<128x32xf32, #tpu.memory_space<hbm>>
          %dma_wait3A_213 = arith.constant 96 : i32
          %dma_wait3A_214 = tpu.memref_slice %arg8[%mul3A_196, %dma_wait3A_213] : memref<80000x128xf32, #tpu.memory_space<hbm>> -> memref<128x32xf32, #tpu.memory_space<hbm>>
          %dma_wait3A_215 = arith.constant 384 : i32
          %dma_wait3A_216 = arith.constant 0 : i32
          %dma_wait3A_217 = tpu.memref_slice %arg19[%dma_wait3A_215, %dma_wait3A_216] : memref<512x32xf32, #tpu.memory_space<vmem>> -> memref<128x32xf32, #tpu.memory_space<vmem>>
          tpu.wait_dma2 semaphore(%run_scoped3A_198 : memref<!tpu.dma_semaphore, #tpu.memory_space<semaphore_mem>>) src(%dma_wait3A_217 : memref<128x32xf32, #tpu.memory_space<vmem>>) dst(%dma_wait3A_214 : memref<128x32xf32, #tpu.memory_space<hbm>>)
          tpu.yield
        }) : () -> ()
        %run_scoped3A_197 = arith.constant 3 : i32
        "tpu.region"() ({
          %run_scoped3A_198 = tpu.sem_alloc : memref<!tpu.dma_semaphore, #tpu.memory_space<semaphore_mem>>
          %dma_start3A = arith.constant 384 : i32
          %dma_start3A_199 = arith.constant 0 : i32
          %dma_start3A_200 = tpu.memref_slice %arg19[%dma_start3A, %dma_start3A_199] : memref<512x32xf32, #tpu.memory_space<vmem>> -> memref<128x32xf32, #tpu.memory_space<vmem>>
          %dma_start3A_201 = arith.constant 0 : i32
          %dma_start3A_202 = tpu.memref_slice %arg16[%run_scoped3A_197, %dma_start3A_201] : memref<4x128xi32, #tpu.memory_space<vmem>> -> memref<1x128xi32, #tpu.memory_space<vmem>>
          %dma_start3A_203 = tpu.memref_squeeze %dma_start3A_202 : memref<1x128xi32, #tpu.memory_space<vmem>> -> memref<128xi32, #tpu.memory_space<vmem>>
          %dma_start3A_204 = arith.constant 0 : i32
          %dma_start3A_205 = arith.constant 0 : i32
          %dma_start3A_206 = tpu.memref_slice %arg20[%dma_start3A_204, %dma_start3A_205] : memref<10240x32xf32, #tpu.memory_space<vmem_shared>> -> memref<10240x32xf32, #tpu.memory_space<vmem_shared>>
          tpu.enqueue_indirect_dma source(%dma_start3A_200 : memref<128x32xf32, #tpu.memory_space<vmem>>) target(%dma_start3A_206 : memref<10240x32xf32, #tpu.memory_space<vmem_shared>>) offsets(%dma_start3A_203 : memref<128xi32, #tpu.memory_space<vmem>>) semaphore(%run_scoped3A_198 : memref<!tpu.dma_semaphore, #tpu.memory_space<semaphore_mem>>) {add = true}
          %dma_wait3A_207 = arith.constant 384 : i32
          %dma_wait3A_208 = arith.constant 0 : i32
          %dma_wait3A_209 = tpu.memref_slice %arg19[%dma_wait3A_207, %dma_wait3A_208] : memref<512x32xf32, #tpu.memory_space<vmem>> -> memref<128x32xf32, #tpu.memory_space<vmem>>
          %dma_wait3A_210 = arith.constant 0 : i32
          %dma_wait3A_211 = tpu.memref_slice %arg16[%run_scoped3A_197, %dma_wait3A_210] : memref<4x128xi32, #tpu.memory_space<vmem>> -> memref<1x128xi32, #tpu.memory_space<vmem>>
          %dma_wait3A_212 = tpu.memref_squeeze %dma_wait3A_211 : memref<1x128xi32, #tpu.memory_space<vmem>> -> memref<128xi32, #tpu.memory_space<vmem>>
          %dma_wait3A_213 = arith.constant 0 : i32
          %dma_wait3A_214 = arith.constant 0 : i32
          %dma_wait3A_215 = tpu.memref_slice %arg20[%dma_wait3A_213, %dma_wait3A_214] : memref<10240x32xf32, #tpu.memory_space<vmem_shared>> -> memref<10240x32xf32, #tpu.memory_space<vmem_shared>>
          tpu.wait_indirect_dma semaphore(%run_scoped3A_198 : memref<!tpu.dma_semaphore, #tpu.memory_space<semaphore_mem>>) src(%dma_wait3A_209 : memref<128x32xf32, #tpu.memory_space<vmem>>) dst(%dma_wait3A_215 : memref<10240x32xf32, #tpu.memory_space<vmem_shared>>)
          tpu.yield
        }) : () -> ()
      } else {
      }
    }
    %scan3A_10 = arith.constant 10 : i32
    %barrier3A_11 = arith.constant 0 : index
    tpu.barrier barrier_id(%barrier3A_11)
    %mul3A_12 = arith.constant 10240 : i32
    %mul3A_13 = arith.muli %arg0, %mul3A_12 : i32
    %mul3A_14 = arith.constant 640 : i32
    %mul3A_15 = arith.muli %arg1, %mul3A_14 : i32
    %add3A_16 = arith.addi %mul3A_13, %mul3A_15 : i32
    %mul3A_17 = arith.constant 640 : i32
    %mul3A_18 = arith.muli %arg1, %mul3A_17 : i32
    "tpu.region"() ({
      %run_scoped3A = tpu.sem_alloc : memref<!tpu.dma_semaphore, #tpu.memory_space<semaphore_mem>>
      %dma_start3A = arith.constant 0 : i32
      %dma_start3A_19 = tpu.memref_slice %arg9[%add3A_16, %dma_start3A] : memref<20480x32xf32, #tpu.memory_space<hbm>> -> memref<640x32xf32, #tpu.memory_space<hbm>>
      %dma_start3A_20 = arith.constant 0 : i32
      %dma_start3A_21 = tpu.memref_slice %arg20[%mul3A_18, %dma_start3A_20] : memref<10240x32xf32, #tpu.memory_space<vmem_shared>> -> memref<640x32xf32, #tpu.memory_space<vmem_shared>>
      tpu.enqueue_dma source(%dma_start3A_21 : memref<640x32xf32, #tpu.memory_space<vmem_shared>>) target(%dma_start3A_19 : memref<640x32xf32, #tpu.memory_space<hbm>>) target_semaphore(%run_scoped3A : memref<!tpu.dma_semaphore, #tpu.memory_space<semaphore_mem>>)
      %dma_wait3A = arith.constant 0 : i32
      %dma_wait3A_22 = tpu.memref_slice %arg9[%add3A_16, %dma_wait3A] : memref<20480x32xf32, #tpu.memory_space<hbm>> -> memref<640x32xf32, #tpu.memory_space<hbm>>
      %dma_wait3A_23 = arith.constant 0 : i32
      %dma_wait3A_24 = tpu.memref_slice %arg20[%mul3A_18, %dma_wait3A_23] : memref<10240x32xf32, #tpu.memory_space<vmem_shared>> -> memref<640x32xf32, #tpu.memory_space<vmem_shared>>
      tpu.wait_dma2 semaphore(%run_scoped3A : memref<!tpu.dma_semaphore, #tpu.memory_space<semaphore_mem>>) src(%dma_wait3A_24 : memref<640x32xf32, #tpu.memory_space<vmem_shared>>) dst(%dma_wait3A_22 : memref<640x32xf32, #tpu.memory_space<hbm>>)
      tpu.yield
    }) : () -> ()
    return
  }
}

module attributes {stable_mosaic.version = 14 : i64} {
  func.func @_feat_body(%arg0: i32, %arg1: memref<1000x128xf32, #tpu.memory_space<vmem>>, %arg2: memref<128x32xf32, #tpu.memory_space<vmem>>, %arg3: memref<32x32xf32, #tpu.memory_space<vmem>>, %arg4: memref<32x32xf32, #tpu.memory_space<vmem>>, %arg5: memref<1000x32xf32, #tpu.memory_space<vmem>>, %arg6: memref<1000x32xf32, #tpu.memory_space<vmem>>, %arg7: memref<1000x32xf32, #tpu.memory_space<vmem>>) attributes {dimension_semantics = [#tpu.dimension_semantics<arbitrary>], iteration_bounds = array<i64: 10>, scalar_prefetch = 0 : i64, scratch_operands = 0 : i64, tpu.core_type = #tpu.core_type<tc>, window_params = [{transform_indices = @transform_0, window_bounds = array<i64: 1000, 128>}, {pipeline_mode = #tpu.pipeline_mode<synchronous>, transform_indices = @transform_1, window_bounds = array<i64: 128, 32>}, {pipeline_mode = #tpu.pipeline_mode<synchronous>, transform_indices = @transform_2, window_bounds = array<i64: 32, 32>}, {pipeline_mode = #tpu.pipeline_mode<synchronous>, transform_indices = @transform_3, window_bounds = array<i64: 32, 32>}, {transform_indices = @transform_4, window_bounds = array<i64: 1000, 32>}, {transform_indices = @transform_5, window_bounds = array<i64: 1000, 32>}, {transform_indices = @transform_6, window_bounds = array<i64: 1000, 32>}]} {
    %get3A = arith.constant 0 : index
    %get3A_0 = arith.constant 0 : index
    %get3A_1 = vector.load %arg1[%get3A, %get3A_0] : memref<1000x128xf32, #tpu.memory_space<vmem>>, vector<1000x128xf32>
    %get3A_2 = arith.constant 0 : index
    %get3A_3 = arith.constant 0 : index
    %get3A_4 = vector.load %arg2[%get3A_2, %get3A_3] : memref<128x32xf32, #tpu.memory_space<vmem>>, vector<128x32xf32>
    %dot_general3A = arith.constant dense<0.000000e+00> : vector<1000x32xf32>
    %dot_general3A_5 = tpu.matmul %get3A_1, %get3A_4, %dot_general3A {dimension_numbers = #tpu.dot_dimension_numbers<[1], [0], [0], [1], [0, 0, 1, 1], [], []>, transpose_lhs_hint = false} : vector<1000x128xf32>, vector<128x32xf32>, vector<1000x32xf32> -> vector<1000x32xf32>
    %max3A = arith.constant 0.000000e+00 : f32
    %max3A_6 = vector.broadcast %max3A : f32 to vector<1000x32xf32>
    %max3A_7 = arith.maximumf %dot_general3A_5, %max3A_6 : vector<1000x32xf32>
    %swap3A = arith.constant 0 : index
    %swap3A_8 = arith.constant 0 : index
    %swap3A_9 = vector.load %arg5[%swap3A, %swap3A_8] : memref<1000x32xf32, #tpu.memory_space<vmem>>, vector<1000x32xf32>
    tpu.vector_store %arg5[%swap3A, %swap3A_8], %max3A_7 {strides = array<i32>} : memref<1000x32xf32, #tpu.memory_space<vmem>>, vector<1000x32xf32>,
    %get3A_10 = arith.constant 0 : index
    %get3A_11 = arith.constant 0 : index
    %get3A_12 = vector.load %arg3[%get3A_10, %get3A_11] : memref<32x32xf32, #tpu.memory_space<vmem>>, vector<32x32xf32>
    %dot_general3A_13 = arith.constant dense<0.000000e+00> : vector<1000x32xf32>
    %dot_general3A_14 = tpu.matmul %max3A_7, %get3A_12, %dot_general3A_13 {dimension_numbers = #tpu.dot_dimension_numbers<[1], [0], [0], [1], [0, 0, 1, 1], [], []>, transpose_lhs_hint = false} : vector<1000x32xf32>, vector<32x32xf32>, vector<1000x32xf32> -> vector<1000x32xf32>
    %swap3A_15 = arith.constant 0 : index
    %swap3A_16 = arith.constant 0 : index
    %swap3A_17 = vector.load %arg6[%swap3A_15, %swap3A_16] : memref<1000x32xf32, #tpu.memory_space<vmem>>, vector<1000x32xf32>
    tpu.vector_store %arg6[%swap3A_15, %swap3A_16], %dot_general3A_14 {strides = array<i32>} : memref<1000x32xf32, #tpu.memory_space<vmem>>, vector<1000x32xf32>,
    %get3A_18 = arith.constant 0 : index
    %get3A_19 = arith.constant 0 : index
    %get3A_20 = vector.load %arg4[%get3A_18, %get3A_19] : memref<32x32xf32, #tpu.memory_space<vmem>>, vector<32x32xf32>
    %dot_general3A_21 = arith.constant dense<0.000000e+00> : vector<1000x32xf32>
    %dot_general3A_22 = tpu.matmul %max3A_7, %get3A_20, %dot_general3A_21 {dimension_numbers = #tpu.dot_dimension_numbers<[1], [0], [0], [1], [0, 0, 1, 1], [], []>, transpose_lhs_hint = false} : vector<1000x32xf32>, vector<32x32xf32>, vector<1000x32xf32> -> vector<1000x32xf32>
    %swap3A_23 = arith.constant 0 : index
    %swap3A_24 = arith.constant 0 : index
    %swap3A_25 = vector.load %arg7[%swap3A_23, %swap3A_24] : memref<1000x32xf32, #tpu.memory_space<vmem>>, vector<1000x32xf32>
    tpu.vector_store %arg7[%swap3A_23, %swap3A_24], %dot_general3A_22 {strides = array<i32>} : memref<1000x32xf32, #tpu.memory_space<vmem>>, vector<1000x32xf32>,
    return
  }
  func.func @transform_0(%arg0: i32) -> (i32, i32) {
    %c0_i32 = arith.constant 0 : i32
    %c0_i32_0 = arith.constant 0 : i32
    return %arg0, %c0_i32 : i32, i32
  }
  func.func @transform_1(%arg0: i32) -> (i32, i32) {
    %c0_i32 = arith.constant 0 : i32
    %c0_i32_0 = arith.constant 0 : i32
    %c0_i32_1 = arith.constant 0 : i32
    return %c0_i32, %c0_i32_0 : i32, i32
  }
  func.func @transform_2(%arg0: i32) -> (i32, i32) {
    %c0_i32 = arith.constant 0 : i32
    %c0_i32_0 = arith.constant 0 : i32
    %c0_i32_1 = arith.constant 0 : i32
    return %c0_i32, %c0_i32_0 : i32, i32
  }
  func.func @transform_3(%arg0: i32) -> (i32, i32) {
    %c0_i32 = arith.constant 0 : i32
    %c0_i32_0 = arith.constant 0 : i32
    %c0_i32_1 = arith.constant 0 : i32
    return %c0_i32, %c0_i32_0 : i32, i32
  }
  func.func @transform_4(%arg0: i32) -> (i32, i32) {
    %c0_i32 = arith.constant 0 : i32
    %c0_i32_0 = arith.constant 0 : i32
    return %arg0, %c0_i32 : i32, i32
  }
  func.func @transform_5(%arg0: i32) -> (i32, i32) {
    %c0_i32 = arith.constant 0 : i32
    %c0_i32_0 = arith.constant 0 : i32
    return %arg0, %c0_i32 : i32, i32
  }
  func.func @transform_6(%arg0: i32) -> (i32, i32) {
    %c0_i32 = arith.constant 0 : i32
    %c0_i32_0 = arith.constant 0 : i32
    return %arg0, %c0_i32 : i32, i32
  }
}

module attributes {stable_mosaic.version = 14 : i64} {
  func.func @_rowmm4_body(%arg0: i32, %arg1: memref<4000x16xf32, #tpu.memory_space<vmem>>, %arg2: memref<4000x16xf32, #tpu.memory_space<vmem>>, %arg3: memref<4000x16xf32, #tpu.memory_space<vmem>>, %arg4: memref<4000x16xf32, #tpu.memory_space<vmem>>, %arg5: memref<64x128xf32, #tpu.memory_space<vmem>>, %arg6: memref<4000x128xf32, #tpu.memory_space<vmem>>) attributes {dimension_semantics = [#tpu.dimension_semantics<arbitrary>], iteration_bounds = array<i64: 20>, scalar_prefetch = 0 : i64, scratch_operands = 0 : i64, tpu.core_type = #tpu.core_type<tc>, window_params = [{transform_indices = @transform_0, window_bounds = array<i64: 4000, 16>}, {transform_indices = @transform_1, window_bounds = array<i64: 4000, 16>}, {transform_indices = @transform_2, window_bounds = array<i64: 4000, 16>}, {transform_indices = @transform_3, window_bounds = array<i64: 4000, 16>}, {pipeline_mode = #tpu.pipeline_mode<synchronous>, transform_indices = @transform_4, window_bounds = array<i64: 64, 128>}, {transform_indices = @transform_5, window_bounds = array<i64: 4000, 128>}]} {
    %get3A = arith.constant 0 : index
    %get3A_0 = arith.constant 0 : index
    %get3A_1 = vector.load %arg1[%get3A, %get3A_0] : memref<4000x16xf32, #tpu.memory_space<vmem>>, vector<4000x16xf32>
    %get3A_2 = arith.constant 0 : index
    %get3A_3 = arith.constant 0 : index
    %get3A_4 = vector.load %arg2[%get3A_2, %get3A_3] : memref<4000x16xf32, #tpu.memory_space<vmem>>, vector<4000x16xf32>
    %get3A_5 = arith.constant 0 : index
    %get3A_6 = arith.constant 0 : index
    %get3A_7 = vector.load %arg3[%get3A_5, %get3A_6] : memref<4000x16xf32, #tpu.memory_space<vmem>>, vector<4000x16xf32>
    %get3A_8 = arith.constant 0 : index
    %get3A_9 = arith.constant 0 : index
    %get3A_10 = vector.load %arg4[%get3A_8, %get3A_9] : memref<4000x16xf32, #tpu.memory_space<vmem>>, vector<4000x16xf32>
    %concatenate3A = tpu.concatenate %get3A_1, %get3A_4, %get3A_7, %get3A_10 in 1 : vector<4000x16xf32>, vector<4000x16xf32>, vector<4000x16xf32>, vector<4000x16xf32> -> vector<4000x64xf32>
    %get3A_11 = arith.constant 0 : index
    %get3A_12 = arith.constant 0 : index
    %get3A_13 = vector.load %arg5[%get3A_11, %get3A_12] : memref<64x128xf32, #tpu.memory_space<vmem>>, vector<64x128xf32>
    %dot_general3A = arith.constant dense<0.000000e+00> : vector<4000x128xf32>
    %dot_general3A_14 = tpu.matmul %concatenate3A, %get3A_13, %dot_general3A {dimension_numbers = #tpu.dot_dimension_numbers<[1], [0], [0], [1], [0, 0, 1, 1], [], []>, transpose_lhs_hint = false} : vector<4000x64xf32>, vector<64x128xf32>, vector<4000x128xf32> -> vector<4000x128xf32>
    %swap3A = arith.constant 0 : index
    %swap3A_15 = arith.constant 0 : index
    %swap3A_16 = vector.load %arg6[%swap3A, %swap3A_15] : memref<4000x128xf32, #tpu.memory_space<vmem>>, vector<4000x128xf32>
    tpu.vector_store %arg6[%swap3A, %swap3A_15], %dot_general3A_14 {strides = array<i32>} : memref<4000x128xf32, #tpu.memory_space<vmem>>, vector<4000x128xf32>,
    return
  }
  func.func @transform_0(%arg0: i32) -> (i32, i32) {
    %add3A = arith.constant 0 : i32
    %add3A_0 = arith.addi %add3A, %arg0 : i32
    %c0_i32 = arith.constant 0 : i32
    %c0_i32_1 = arith.constant 0 : i32
    return %add3A_0, %c0_i32 : i32, i32
  }
  func.func @transform_1(%arg0: i32) -> (i32, i32) {
    %add3A = arith.constant 20 : i32
    %add3A_0 = arith.addi %add3A, %arg0 : i32
    %c0_i32 = arith.constant 0 : i32
    %c0_i32_1 = arith.constant 0 : i32
    return %add3A_0, %c0_i32 : i32, i32
  }
  func.func @transform_2(%arg0: i32) -> (i32, i32) {
    %add3A = arith.constant 40 : i32
    %add3A_0 = arith.addi %add3A, %arg0 : i32
    %c0_i32 = arith.constant 0 : i32
    %c0_i32_1 = arith.constant 0 : i32
    return %add3A_0, %c0_i32 : i32, i32
  }
  func.func @transform_3(%arg0: i32) -> (i32, i32) {
    %add3A = arith.constant 60 : i32
    %add3A_0 = arith.addi %add3A, %arg0 : i32
    %c0_i32 = arith.constant 0 : i32
    %c0_i32_1 = arith.constant 0 : i32
    return %add3A_0, %c0_i32 : i32, i32
  }
  func.func @transform_4(%arg0: i32) -> (i32, i32) {
    %c0_i32 = arith.constant 0 : i32
    %c0_i32_0 = arith.constant 0 : i32
    %c0_i32_1 = arith.constant 0 : i32
    return %c0_i32, %c0_i32_0 : i32, i32
  }
  func.func @transform_5(%arg0: i32) -> (i32, i32) {
    %c0_i32 = arith.constant 0 : i32
    %c0_i32_0 = arith.constant 0 : i32
    return %arg0, %c0_i32 : i32, i32
  }
}

module attributes {stable_mosaic.version = 14 : i64} {
  func.func @_rowmm4_body(%arg0: i32, %arg1: memref<4000x16xf32, #tpu.memory_space<vmem>>, %arg2: memref<4000x16xf32, #tpu.memory_space<vmem>>, %arg3: memref<4000x16xf32, #tpu.memory_space<vmem>>, %arg4: memref<4000x16xf32, #tpu.memory_space<vmem>>, %arg5: memref<64x128xf32, #tpu.memory_space<vmem>>, %arg6: memref<4000x128xf32, #tpu.memory_space<vmem>>) attributes {dimension_semantics = [#tpu.dimension_semantics<arbitrary>], iteration_bounds = array<i64: 40>, scalar_prefetch = 0 : i64, scratch_operands = 0 : i64, tpu.core_type = #tpu.core_type<tc>, window_params = [{transform_indices = @transform_0, window_bounds = array<i64: 4000, 16>}, {transform_indices = @transform_1, window_bounds = array<i64: 4000, 16>}, {transform_indices = @transform_2, window_bounds = array<i64: 4000, 16>}, {transform_indices = @transform_3, window_bounds = array<i64: 4000, 16>}, {pipeline_mode = #tpu.pipeline_mode<synchronous>, transform_indices = @transform_4, window_bounds = array<i64: 64, 128>}, {transform_indices = @transform_5, window_bounds = array<i64: 4000, 128>}]} {
    %get3A = arith.constant 0 : index
    %get3A_0 = arith.constant 0 : index
    %get3A_1 = vector.load %arg1[%get3A, %get3A_0] : memref<4000x16xf32, #tpu.memory_space<vmem>>, vector<4000x16xf32>
    %get3A_2 = arith.constant 0 : index
    %get3A_3 = arith.constant 0 : index
    %get3A_4 = vector.load %arg2[%get3A_2, %get3A_3] : memref<4000x16xf32, #tpu.memory_space<vmem>>, vector<4000x16xf32>
    %get3A_5 = arith.constant 0 : index
    %get3A_6 = arith.constant 0 : index
    %get3A_7 = vector.load %arg3[%get3A_5, %get3A_6] : memref<4000x16xf32, #tpu.memory_space<vmem>>, vector<4000x16xf32>
    %get3A_8 = arith.constant 0 : index
    %get3A_9 = arith.constant 0 : index
    %get3A_10 = vector.load %arg4[%get3A_8, %get3A_9] : memref<4000x16xf32, #tpu.memory_space<vmem>>, vector<4000x16xf32>
    %concatenate3A = tpu.concatenate %get3A_1, %get3A_4, %get3A_7, %get3A_10 in 1 : vector<4000x16xf32>, vector<4000x16xf32>, vector<4000x16xf32>, vector<4000x16xf32> -> vector<4000x64xf32>
    %get3A_11 = arith.constant 0 : index
    %get3A_12 = arith.constant 0 : index
    %get3A_13 = vector.load %arg5[%get3A_11, %get3A_12] : memref<64x128xf32, #tpu.memory_space<vmem>>, vector<64x128xf32>
    %dot_general3A = arith.constant dense<0.000000e+00> : vector<4000x128xf32>
    %dot_general3A_14 = tpu.matmul %concatenate3A, %get3A_13, %dot_general3A {dimension_numbers = #tpu.dot_dimension_numbers<[1], [0], [0], [1], [0, 0, 1, 1], [], []>, transpose_lhs_hint = false} : vector<4000x64xf32>, vector<64x128xf32>, vector<4000x128xf32> -> vector<4000x128xf32>
    %swap3A = arith.constant 0 : index
    %swap3A_15 = arith.constant 0 : index
    %swap3A_16 = vector.load %arg6[%swap3A, %swap3A_15] : memref<4000x128xf32, #tpu.memory_space<vmem>>, vector<4000x128xf32>
    tpu.vector_store %arg6[%swap3A, %swap3A_15], %dot_general3A_14 {strides = array<i32>} : memref<4000x128xf32, #tpu.memory_space<vmem>>, vector<4000x128xf32>,
    return
  }
  func.func @transform_0(%arg0: i32) -> (i32, i32) {
    %add3A = arith.constant 0 : i32
    %add3A_0 = arith.addi %add3A, %arg0 : i32
    %c0_i32 = arith.constant 0 : i32
    %c0_i32_1 = arith.constant 0 : i32
    return %add3A_0, %c0_i32 : i32, i32
  }
  func.func @transform_1(%arg0: i32) -> (i32, i32) {
    %add3A = arith.constant 40 : i32
    %add3A_0 = arith.addi %add3A, %arg0 : i32
    %c0_i32 = arith.constant 0 : i32
    %c0_i32_1 = arith.constant 0 : i32
    return %add3A_0, %c0_i32 : i32, i32
  }
  func.func @transform_2(%arg0: i32) -> (i32, i32) {
    %add3A = arith.constant 80 : i32
    %add3A_0 = arith.addi %add3A, %arg0 : i32
    %c0_i32 = arith.constant 0 : i32
    %c0_i32_1 = arith.constant 0 : i32
    return %add3A_0, %c0_i32 : i32, i32
  }
  func.func @transform_3(%arg0: i32) -> (i32, i32) {
    %add3A = arith.constant 120 : i32
    %add3A_0 = arith.addi %add3A, %arg0 : i32
    %c0_i32 = arith.constant 0 : i32
    %c0_i32_1 = arith.constant 0 : i32
    return %add3A_0, %c0_i32 : i32, i32
  }
  func.func @transform_4(%arg0: i32) -> (i32, i32) {
    %c0_i32 = arith.constant 0 : i32
    %c0_i32_0 = arith.constant 0 : i32
    %c0_i32_1 = arith.constant 0 : i32
    return %c0_i32, %c0_i32_0 : i32, i32
  }
  func.func @transform_5(%arg0: i32) -> (i32, i32) {
    %c0_i32 = arith.constant 0 : i32
    %c0_i32_0 = arith.constant 0 : i32
    return %arg0, %c0_i32 : i32, i32
  }
}

module attributes {stable_mosaic.version = 14 : i64} {
  func.func @_rowmm_body(%arg0: i32, %arg1: memref<4000x128xf32, #tpu.memory_space<vmem>>, %arg2: memref<128x128xf32, #tpu.memory_space<vmem>>, %arg3: memref<4000x128xf32, #tpu.memory_space<vmem>>) attributes {dimension_semantics = [#tpu.dimension_semantics<arbitrary>], iteration_bounds = array<i64: 20>, scalar_prefetch = 0 : i64, scratch_operands = 0 : i64, tpu.core_type = #tpu.core_type<tc>, window_params = [{transform_indices = @transform_0, window_bounds = array<i64: 4000, 128>}, {pipeline_mode = #tpu.pipeline_mode<synchronous>, transform_indices = @transform_1, window_bounds = array<i64: 128, 128>}, {transform_indices = @transform_2, window_bounds = array<i64: 4000, 128>}]} {
    %get3A = arith.constant 0 : index
    %get3A_0 = arith.constant 0 : index
    %get3A_1 = vector.load %arg1[%get3A, %get3A_0] : memref<4000x128xf32, #tpu.memory_space<vmem>>, vector<4000x128xf32>
    %get3A_2 = arith.constant 0 : index
    %get3A_3 = arith.constant 0 : index
    %get3A_4 = vector.load %arg2[%get3A_2, %get3A_3] : memref<128x128xf32, #tpu.memory_space<vmem>>, vector<128x128xf32>
    %dot_general3A = arith.constant dense<0.000000e+00> : vector<4000x128xf32>
    %dot_general3A_5 = tpu.matmul %get3A_1, %get3A_4, %dot_general3A {dimension_numbers = #tpu.dot_dimension_numbers<[1], [0], [0], [1], [0, 0, 1, 1], [], []>, transpose_lhs_hint = false} : vector<4000x128xf32>, vector<128x128xf32>, vector<4000x128xf32> -> vector<4000x128xf32>
    %swap3A = arith.constant 0 : index
    %swap3A_6 = arith.constant 0 : index
    %swap3A_7 = vector.load %arg3[%swap3A, %swap3A_6] : memref<4000x128xf32, #tpu.memory_space<vmem>>, vector<4000x128xf32>
    tpu.vector_store %arg3[%swap3A, %swap3A_6], %dot_general3A_5 {strides = array<i32>} : memref<4000x128xf32, #tpu.memory_space<vmem>>, vector<4000x128xf32>,
    return
  }
  func.func @transform_0(%arg0: i32) -> (i32, i32) {
    %c0_i32 = arith.constant 0 : i32
    %c0_i32_0 = arith.constant 0 : i32
    return %arg0, %c0_i32 : i32, i32
  }
  func.func @transform_1(%arg0: i32) -> (i32, i32) {
    %c0_i32 = arith.constant 0 : i32
    %c0_i32_0 = arith.constant 0 : i32
    %c0_i32_1 = arith.constant 0 : i32
    return %c0_i32, %c0_i32_0 : i32, i32
  }
  func.func @transform_2(%arg0: i32) -> (i32, i32) {
    %c0_i32 = arith.constant 0 : i32
    %c0_i32_0 = arith.constant 0 : i32
    return %arg0, %c0_i32 : i32, i32
  }
}

module attributes {stable_mosaic.version = 14 : i64} {
  func.func @_final_body(%arg0: i32, %arg1: memref<1000x32xf32, #tpu.memory_space<vmem>>, %arg2: memref<1000x32xf32, #tpu.memory_space<vmem>>, %arg3: memref<1000x32xf32, #tpu.memory_space<vmem>>, %arg4: memref<1000x32xf32, #tpu.memory_space<vmem>>, %arg5: memref<1000x32xf32, #tpu.memory_space<vmem>>, %arg6: memref<32x32xf32, #tpu.memory_space<vmem>>, %arg7: memref<1x32xf32, #tpu.memory_space<vmem>>, %arg8: memref<32x192xf32, #tpu.memory_space<vmem>>, %arg9: memref<48x192xf32, #tpu.memory_space<vmem>>, %arg10: memref<1x192xf32, #tpu.memory_space<vmem>>, %arg11: memref<32x192xf32, #tpu.memory_space<vmem>>, %arg12: memref<48x192xf32, #tpu.memory_space<vmem>>, %arg13: memref<1x192xf32, #tpu.memory_space<vmem>>, %arg14: memref<1x48xf32, #tpu.memory_space<vmem>>, %arg15: memref<1x48xf32, #tpu.memory_space<vmem>>, %arg16: memref<1x1xf32, #tpu.memory_space<vmem>>, %arg17: memref<32x40xf32, #tpu.memory_space<vmem>>, %arg18: memref<1000x40xf32, #tpu.memory_space<vmem>>) attributes {dimension_semantics = [#tpu.dimension_semantics<arbitrary>], iteration_bounds = array<i64: 10>, scalar_prefetch = 0 : i64, scratch_operands = 0 : i64, tpu.core_type = #tpu.core_type<tc>, window_params = [{transform_indices = @transform_0, window_bounds = array<i64: 1000, 32>}, {transform_indices = @transform_1, window_bounds = array<i64: 1000, 32>}, {transform_indices = @transform_2, window_bounds = array<i64: 1000, 32>}, {transform_indices = @transform_3, window_bounds = array<i64: 1000, 32>}, {transform_indices = @transform_4, window_bounds = array<i64: 1000, 32>}, {pipeline_mode = #tpu.pipeline_mode<synchronous>, transform_indices = @transform_5, window_bounds = array<i64: 32, 32>}, {pipeline_mode = #tpu.pipeline_mode<synchronous>, transform_indices = @transform_6, window_bounds = array<i64: 1, 32>}, {pipeline_mode = #tpu.pipeline_mode<synchronous>, transform_indices = @transform_7, window_bounds = array<i64: 32, 192>}, {pipeline_mode = #tpu.pipeline_mode<synchronous>, transform_indices = @transform_8, window_bounds = array<i64: 48, 192>}, {pipeline_mode = #tpu.pipeline_mode<synchronous>, transform_indices = @transform_9, window_bounds = array<i64: 1, 192>}, {pipeline_mode = #tpu.pipeline_mode<synchronous>, transform_indices = @transform_10, window_bounds = array<i64: 32, 192>}, {pipeline_mode = #tpu.pipeline_mode<synchronous>, transform_indices = @transform_11, window_bounds = array<i64: 48, 192>}, {pipeline_mode = #tpu.pipeline_mode<synchronous>, transform_indices = @transform_12, window_bounds = array<i64: 1, 192>}, {pipeline_mode = #tpu.pipeline_mode<synchronous>, transform_indices = @transform_13, window_bounds = array<i64: 1, 48>}, {pipeline_mode = #tpu.pipeline_mode<synchronous>, transform_indices = @transform_14, window_bounds = array<i64: 1, 48>}, {pipeline_mode = #tpu.pipeline_mode<synchronous>, transform_indices = @transform_15, window_bounds = array<i64: 1, 1>}, {pipeline_mode = #tpu.pipeline_mode<synchronous>, transform_indices = @transform_16, window_bounds = array<i64: 32, 40>}, {transform_indices = @transform_17, window_bounds = array<i64: 1000, 40>}]} {
    %get3A = arith.constant 0 : index
    %get3A_0 = arith.constant 0 : index
    %get3A_1 = vector.load %arg1[%get3A, %get3A_0] : memref<1000x32xf32, #tpu.memory_space<vmem>>, vector<1000x32xf32>
    %get3A_2 = arith.constant 0 : index
    %get3A_3 = arith.constant 0 : index
    %get3A_4 = vector.load %arg2[%get3A_2, %get3A_3] : memref<1000x32xf32, #tpu.memory_space<vmem>>, vector<1000x32xf32>
    %get3A_5 = arith.constant 0 : index
    %get3A_6 = arith.constant 0 : index
    %get3A_7 = vector.load %arg3[%get3A_5, %get3A_6] : memref<1000x32xf32, #tpu.memory_space<vmem>>, vector<1000x32xf32>
    %add3A = arith.addf %get3A_4, %get3A_7 : vector<1000x32xf32>
    %get3A_8 = arith.constant 0 : index
    %get3A_9 = arith.constant 0 : index
    %get3A_10 = vector.load %arg4[%get3A_8, %get3A_9] : memref<1000x32xf32, #tpu.memory_space<vmem>>, vector<1000x32xf32>
    %get3A_11 = arith.constant 0 : index
    %get3A_12 = arith.constant 0 : index
    %get3A_13 = vector.load %arg5[%get3A_11, %get3A_12] : memref<1000x32xf32, #tpu.memory_space<vmem>>, vector<1000x32xf32>
    %add3A_14 = arith.addf %get3A_10, %get3A_13 : vector<1000x32xf32>
    %get3A_15 = arith.constant 0 : index
    %get3A_16 = arith.constant 0 : index
    %get3A_17 = vector.load %arg6[%get3A_15, %get3A_16] : memref<32x32xf32, #tpu.memory_space<vmem>>, vector<32x32xf32>
    %get3A_18 = arith.constant 0 : index
    %get3A_19 = arith.constant 0 : index
    %get3A_20 = vector.load %arg7[%get3A_18, %get3A_19] : memref<1x32xf32, #tpu.memory_space<vmem>>, vector<1x32xf32>
    %dot_general3A = arith.constant dense<0.000000e+00> : vector<1000x32xf32>
    %dot_general3A_21 = tpu.matmul %add3A, %get3A_17, %dot_general3A {dimension_numbers = #tpu.dot_dimension_numbers<[1], [0], [0], [1], [0, 0, 1, 1], [], []>, transpose_lhs_hint = false} : vector<1000x32xf32>, vector<32x32xf32>, vector<1000x32xf32> -> vector<1000x32xf32>
    %add3A_22 = vector.broadcast %get3A_20 : vector<1x32xf32> to vector<1000x32xf32>
    %add3A_23 = arith.addf %dot_general3A_21, %add3A_22 : vector<1000x32xf32>
    %dot_general3A_24 = arith.constant dense<0.000000e+00> : vector<1000x32xf32>
    %dot_general3A_25 = tpu.matmul %add3A_14, %get3A_17, %dot_general3A_24 {dimension_numbers = #tpu.dot_dimension_numbers<[1], [0], [0], [1], [0, 0, 1, 1], [], []>, transpose_lhs_hint = false} : vector<1000x32xf32>, vector<32x32xf32>, vector<1000x32xf32> -> vector<1000x32xf32>
    %add3A_26 = vector.broadcast %get3A_20 : vector<1x32xf32> to vector<1000x32xf32>
    %add3A_27 = arith.addf %dot_general3A_25, %add3A_26 : vector<1000x32xf32>
    %get3A_28 = arith.constant 0 : index
    %get3A_29 = arith.constant 0 : index
    %get3A_30 = vector.load %arg8[%get3A_28, %get3A_29] : memref<32x192xf32, #tpu.memory_space<vmem>>, vector<32x192xf32>
    %get3A_31 = arith.constant 0 : index
    %get3A_32 = arith.constant 0 : index
    %get3A_33 = vector.load %arg9[%get3A_31, %get3A_32] : memref<48x192xf32, #tpu.memory_space<vmem>>, vector<48x192xf32>
    %get3A_34 = arith.constant 0 : index
    %get3A_35 = arith.constant 0 : index
    %get3A_36 = vector.load %arg10[%get3A_34, %get3A_35] : memref<1x192xf32, #tpu.memory_space<vmem>>, vector<1x192xf32>
    %broadcast_in_dim3A = arith.constant 0.000000e+00 : f32
    %broadcast_in_dim3A_37 = vector.broadcast %broadcast_in_dim3A : f32 to vector<1000x48xf32>
    %broadcast_in_dim3A_38 = arith.constant 0.000000e+00 : f32
    %broadcast_in_dim3A_39 = vector.broadcast %broadcast_in_dim3A_38 : f32 to vector<1000x48xf32>
    %dot_general3A_40 = arith.constant dense<0.000000e+00> : vector<1000x192xf32>
    %dot_general3A_41 = tpu.matmul %get3A_1, %get3A_30, %dot_general3A_40 {dimension_numbers = #tpu.dot_dimension_numbers<[1], [0], [0], [1], [0, 0, 1, 1], [], []>, transpose_lhs_hint = false} : vector<1000x32xf32>, vector<32x192xf32>, vector<1000x192xf32> -> vector<1000x192xf32>
    %dot_general3A_42 = arith.constant dense<0.000000e+00> : vector<1000x192xf32>
    %dot_general3A_43 = tpu.matmul %broadcast_in_dim3A_37, %get3A_33, %dot_general3A_42 {dimension_numbers = #tpu.dot_dimension_numbers<[1], [0], [0], [1], [0, 0, 1, 1], [], []>, transpose_lhs_hint = false} : vector<1000x48xf32>, vector<48x192xf32>, vector<1000x192xf32> -> vector<1000x192xf32>
    %add3A_44 = arith.addf %dot_general3A_41, %dot_general3A_43 : vector<1000x192xf32>
    %add3A_45 = vector.broadcast %get3A_36 : vector<1x192xf32> to vector<1000x192xf32>
    %add3A_46 = arith.addf %add3A_44, %add3A_45 : vector<1000x192xf32>
    %slice3A = vector.extract_strided_slice %add3A_46 {offsets = [0, 0], sizes = [1000, 48], strides = [1, 1]} : vector<1000x192xf32> to vector<1000x48xf32>
    %logistic3A = arith.negf %slice3A : vector<1000x48xf32>
    %logistic3A_47 = math.exp %logistic3A : vector<1000x48xf32>
    %logistic3A_48 = arith.constant 1.000000e+00 : f32
    %logistic3A_49 = vector.broadcast %logistic3A_48 : f32 to vector<1000x48xf32>
    %logistic3A_50 = arith.addf %logistic3A_49, %logistic3A_47 : vector<1000x48xf32>
    %logistic3A_51 = arith.divf %logistic3A_49, %logistic3A_50 : vector<1000x48xf32>
    %slice3A_52 = vector.extract_strided_slice %add3A_46 {offsets = [0, 48], sizes = [1000, 48], strides = [1, 1]} : vector<1000x192xf32> to vector<1000x48xf32>
    %logistic3A_53 = arith.negf %slice3A_52 : vector<1000x48xf32>
    %logistic3A_54 = math.exp %logistic3A_53 : vector<1000x48xf32>
    %logistic3A_55 = arith.constant 1.000000e+00 : f32
    %logistic3A_56 = vector.broadcast %logistic3A_55 : f32 to vector<1000x48xf32>
    %logistic3A_57 = arith.addf %logistic3A_56, %logistic3A_54 : vector<1000x48xf32>
    %logistic3A_58 = arith.divf %logistic3A_56, %logistic3A_57 : vector<1000x48xf32>
    %slice3A_59 = vector.extract_strided_slice %add3A_46 {offsets = [0, 96], sizes = [1000, 48], strides = [1, 1]} : vector<1000x192xf32> to vector<1000x48xf32>
    %tanh3A = math.tanh %slice3A_59 : vector<1000x48xf32>
    %slice3A_60 = vector.extract_strided_slice %add3A_46 {offsets = [0, 144], sizes = [1000, 48], strides = [1, 1]} : vector<1000x192xf32> to vector<1000x48xf32>
    %logistic3A_61 = arith.negf %slice3A_60 : vector<1000x48xf32>
    %logistic3A_62 = math.exp %logistic3A_61 : vector<1000x48xf32>
    %logistic3A_63 = arith.constant 1.000000e+00 : f32
    %logistic3A_64 = vector.broadcast %logistic3A_63 : f32 to vector<1000x48xf32>
    %logistic3A_65 = arith.addf %logistic3A_64, %logistic3A_62 : vector<1000x48xf32>
    %logistic3A_66 = arith.divf %logistic3A_64, %logistic3A_65 : vector<1000x48xf32>
    %mul3A = arith.mulf %logistic3A_58, %broadcast_in_dim3A_39 : vector<1000x48xf32>
    %mul3A_67 = arith.mulf %logistic3A_51, %tanh3A : vector<1000x48xf32>
    %add3A_68 = arith.addf %mul3A, %mul3A_67 : vector<1000x48xf32>
    %tanh3A_69 = math.tanh %add3A_68 : vector<1000x48xf32>
    %mul3A_70 = arith.mulf %logistic3A_66, %tanh3A_69 : vector<1000x48xf32>
    %dot_general3A_71 = arith.constant dense<0.000000e+00> : vector<1000x192xf32>
    %dot_general3A_72 = tpu.matmul %add3A_23, %get3A_30, %dot_general3A_71 {dimension_numbers = #tpu.dot_dimension_numbers<[1], [0], [0], [1], [0, 0, 1, 1], [], []>, transpose_lhs_hint = false} : vector<1000x32xf32>, vector<32x192xf32>, vector<1000x192xf32> -> vector<1000x192xf32>
    %dot_general3A_73 = arith.constant dense<0.000000e+00> : vector<1000x192xf32>
    %dot_general3A_74 = tpu.matmul %mul3A_70, %get3A_33, %dot_general3A_73 {dimension_numbers = #tpu.dot_dimension_numbers<[1], [0], [0], [1], [0, 0, 1, 1], [], []>, transpose_lhs_hint = false} : vector<1000x48xf32>, vector<48x192xf32>, vector<1000x192xf32> -> vector<1000x192xf32>
    %add3A_75 = arith.addf %dot_general3A_72, %dot_general3A_74 : vector<1000x192xf32>
    %add3A_76 = vector.broadcast %get3A_36 : vector<1x192xf32> to vector<1000x192xf32>
    %add3A_77 = arith.addf %add3A_75, %add3A_76 : vector<1000x192xf32>
    %slice3A_78 = vector.extract_strided_slice %add3A_77 {offsets = [0, 0], sizes = [1000, 48], strides = [1, 1]} : vector<1000x192xf32> to vector<1000x48xf32>
    %logistic3A_79 = arith.negf %slice3A_78 : vector<1000x48xf32>
    %logistic3A_80 = math.exp %logistic3A_79 : vector<1000x48xf32>
    %logistic3A_81 = arith.constant 1.000000e+00 : f32
    %logistic3A_82 = vector.broadcast %logistic3A_81 : f32 to vector<1000x48xf32>
    %logistic3A_83 = arith.addf %logistic3A_82, %logistic3A_80 : vector<1000x48xf32>
    %logistic3A_84 = arith.divf %logistic3A_82, %logistic3A_83 : vector<1000x48xf32>
    %slice3A_85 = vector.extract_strided_slice %add3A_77 {offsets = [0, 48], sizes = [1000, 48], strides = [1, 1]} : vector<1000x192xf32> to vector<1000x48xf32>
    %logistic3A_86 = arith.negf %slice3A_85 : vector<1000x48xf32>
    %logistic3A_87 = math.exp %logistic3A_86 : vector<1000x48xf32>
    %logistic3A_88 = arith.constant 1.000000e+00 : f32
    %logistic3A_89 = vector.broadcast %logistic3A_88 : f32 to vector<1000x48xf32>
    %logistic3A_90 = arith.addf %logistic3A_89, %logistic3A_87 : vector<1000x48xf32>
    %logistic3A_91 = arith.divf %logistic3A_89, %logistic3A_90 : vector<1000x48xf32>
    %slice3A_92 = vector.extract_strided_slice %add3A_77 {offsets = [0, 96], sizes = [1000, 48], strides = [1, 1]} : vector<1000x192xf32> to vector<1000x48xf32>
    %tanh3A_93 = math.tanh %slice3A_92 : vector<1000x48xf32>
    %slice3A_94 = vector.extract_strided_slice %add3A_77 {offsets = [0, 144], sizes = [1000, 48], strides = [1, 1]} : vector<1000x192xf32> to vector<1000x48xf32>
    %logistic3A_95 = arith.negf %slice3A_94 : vector<1000x48xf32>
    %logistic3A_96 = math.exp %logistic3A_95 : vector<1000x48xf32>
    %logistic3A_97 = arith.constant 1.000000e+00 : f32
    %logistic3A_98 = vector.broadcast %logistic3A_97 : f32 to vector<1000x48xf32>
    %logistic3A_99 = arith.addf %logistic3A_98, %logistic3A_96 : vector<1000x48xf32>
    %logistic3A_100 = arith.divf %logistic3A_98, %logistic3A_99 : vector<1000x48xf32>
    %mul3A_101 = arith.mulf %logistic3A_91, %add3A_68 : vector<1000x48xf32>
    %mul3A_102 = arith.mulf %logistic3A_84, %tanh3A_93 : vector<1000x48xf32>
    %add3A_103 = arith.addf %mul3A_101, %mul3A_102 : vector<1000x48xf32>
    %tanh3A_104 = math.tanh %add3A_103 : vector<1000x48xf32>
    %mul3A_105 = arith.mulf %logistic3A_100, %tanh3A_104 : vector<1000x48xf32>
    %dot_general3A_106 = arith.constant dense<0.000000e+00> : vector<1000x192xf32>
    %dot_general3A_107 = tpu.matmul %add3A_27, %get3A_30, %dot_general3A_106 {dimension_numbers = #tpu.dot_dimension_numbers<[1], [0], [0], [1], [0, 0, 1, 1], [], []>, transpose_lhs_hint = false} : vector<1000x32xf32>, vector<32x192xf32>, vector<1000x192xf32> -> vector<1000x192xf32>
    %dot_general3A_108 = arith.constant dense<0.000000e+00> : vector<1000x192xf32>
    %dot_general3A_109 = tpu.matmul %mul3A_105, %get3A_33, %dot_general3A_108 {dimension_numbers = #tpu.dot_dimension_numbers<[1], [0], [0], [1], [0, 0, 1, 1], [], []>, transpose_lhs_hint = false} : vector<1000x48xf32>, vector<48x192xf32>, vector<1000x192xf32> -> vector<1000x192xf32>
    %add3A_110 = arith.addf %dot_general3A_107, %dot_general3A_109 : vector<1000x192xf32>
    %add3A_111 = vector.broadcast %get3A_36 : vector<1x192xf32> to vector<1000x192xf32>
    %add3A_112 = arith.addf %add3A_110, %add3A_111 : vector<1000x192xf32>
    %slice3A_113 = vector.extract_strided_slice %add3A_112 {offsets = [0, 0], sizes = [1000, 48], strides = [1, 1]} : vector<1000x192xf32> to vector<1000x48xf32>
    %logistic3A_114 = arith.negf %slice3A_113 : vector<1000x48xf32>
    %logistic3A_115 = math.exp %logistic3A_114 : vector<1000x48xf32>
    %logistic3A_116 = arith.constant 1.000000e+00 : f32
    %logistic3A_117 = vector.broadcast %logistic3A_116 : f32 to vector<1000x48xf32>
    %logistic3A_118 = arith.addf %logistic3A_117, %logistic3A_115 : vector<1000x48xf32>
    %logistic3A_119 = arith.divf %logistic3A_117, %logistic3A_118 : vector<1000x48xf32>
    %slice3A_120 = vector.extract_strided_slice %add3A_112 {offsets = [0, 48], sizes = [1000, 48], strides = [1, 1]} : vector<1000x192xf32> to vector<1000x48xf32>
    %logistic3A_121 = arith.negf %slice3A_120 : vector<1000x48xf32>
    %logistic3A_122 = math.exp %logistic3A_121 : vector<1000x48xf32>
    %logistic3A_123 = arith.constant 1.000000e+00 : f32
    %logistic3A_124 = vector.broadcast %logistic3A_123 : f32 to vector<1000x48xf32>
    %logistic3A_125 = arith.addf %logistic3A_124, %logistic3A_122 : vector<1000x48xf32>
    %logistic3A_126 = arith.divf %logistic3A_124, %logistic3A_125 : vector<1000x48xf32>
    %slice3A_127 = vector.extract_strided_slice %add3A_112 {offsets = [0, 96], sizes = [1000, 48], strides = [1, 1]} : vector<1000x192xf32> to vector<1000x48xf32>
    %tanh3A_128 = math.tanh %slice3A_127 : vector<1000x48xf32>
    %slice3A_129 = vector.extract_strided_slice %add3A_112 {offsets = [0, 144], sizes = [1000, 48], strides = [1, 1]} : vector<1000x192xf32> to vector<1000x48xf32>
    %logistic3A_130 = arith.negf %slice3A_129 : vector<1000x48xf32>
    %logistic3A_131 = math.exp %logistic3A_130 : vector<1000x48xf32>
    %logistic3A_132 = arith.constant 1.000000e+00 : f32
    %logistic3A_133 = vector.broadcast %logistic3A_132 : f32 to vector<1000x48xf32>
    %logistic3A_134 = arith.addf %logistic3A_133, %logistic3A_131 : vector<1000x48xf32>
    %logistic3A_135 = arith.divf %logistic3A_133, %logistic3A_134 : vector<1000x48xf32>
    %mul3A_136 = arith.mulf %logistic3A_126, %add3A_103 : vector<1000x48xf32>
    %mul3A_137 = arith.mulf %logistic3A_119, %tanh3A_128 : vector<1000x48xf32>
    %add3A_138 = arith.addf %mul3A_136, %mul3A_137 : vector<1000x48xf32>
    %tanh3A_139 = math.tanh %add3A_138 : vector<1000x48xf32>
    %mul3A_140 = arith.mulf %logistic3A_135, %tanh3A_139 : vector<1000x48xf32>
    %get3A_141 = arith.constant 0 : index
    %get3A_142 = arith.constant 0 : index
    %get3A_143 = vector.load %arg11[%get3A_141, %get3A_142] : memref<32x192xf32, #tpu.memory_space<vmem>>, vector<32x192xf32>
    %get3A_144 = arith.constant 0 : index
    %get3A_145 = arith.constant 0 : index
    %get3A_146 = vector.load %arg12[%get3A_144, %get3A_145] : memref<48x192xf32, #tpu.memory_space<vmem>>, vector<48x192xf32>
    %get3A_147 = arith.constant 0 : index
    %get3A_148 = arith.constant 0 : index
    %get3A_149 = vector.load %arg13[%get3A_147, %get3A_148] : memref<1x192xf32, #tpu.memory_space<vmem>>, vector<1x192xf32>
    %broadcast_in_dim3A_150 = arith.constant 0.000000e+00 : f32
    %broadcast_in_dim3A_151 = vector.broadcast %broadcast_in_dim3A_150 : f32 to vector<1000x48xf32>
    %broadcast_in_dim3A_152 = arith.constant 0.000000e+00 : f32
    %broadcast_in_dim3A_153 = vector.broadcast %broadcast_in_dim3A_152 : f32 to vector<1000x48xf32>
    %dot_general3A_154 = arith.constant dense<0.000000e+00> : vector<1000x192xf32>
    %dot_general3A_155 = tpu.matmul %add3A_27, %get3A_143, %dot_general3A_154 {dimension_numbers = #tpu.dot_dimension_numbers<[1], [0], [0], [1], [0, 0, 1, 1], [], []>, transpose_lhs_hint = false} : vector<1000x32xf32>, vector<32x192xf32>, vector<1000x192xf32> -> vector<1000x192xf32>
    %dot_general3A_156 = arith.constant dense<0.000000e+00> : vector<1000x192xf32>
    %dot_general3A_157 = tpu.matmul %broadcast_in_dim3A_151, %get3A_146, %dot_general3A_156 {dimension_numbers = #tpu.dot_dimension_numbers<[1], [0], [0], [1], [0, 0, 1, 1], [], []>, transpose_lhs_hint = false} : vector<1000x48xf32>, vector<48x192xf32>, vector<1000x192xf32> -> vector<1000x192xf32>
    %add3A_158 = arith.addf %dot_general3A_155, %dot_general3A_157 : vector<1000x192xf32>
    %add3A_159 = vector.broadcast %get3A_149 : vector<1x192xf32> to vector<1000x192xf32>
    %add3A_160 = arith.addf %add3A_158, %add3A_159 : vector<1000x192xf32>
    %slice3A_161 = vector.extract_strided_slice %add3A_160 {offsets = [0, 0], sizes = [1000, 48], strides = [1, 1]} : vector<1000x192xf32> to vector<1000x48xf32>
    %logistic3A_162 = arith.negf %slice3A_161 : vector<1000x48xf32>
    %logistic3A_163 = math.exp %logistic3A_162 : vector<1000x48xf32>
    %logistic3A_164 = arith.constant 1.000000e+00 : f32
    %logistic3A_165 = vector.broadcast %logistic3A_164 : f32 to vector<1000x48xf32>
    %logistic3A_166 = arith.addf %logistic3A_165, %logistic3A_163 : vector<1000x48xf32>
    %logistic3A_167 = arith.divf %logistic3A_165, %logistic3A_166 : vector<1000x48xf32>
    %slice3A_168 = vector.extract_strided_slice %add3A_160 {offsets = [0, 48], sizes = [1000, 48], strides = [1, 1]} : vector<1000x192xf32> to vector<1000x48xf32>
    %logistic3A_169 = arith.negf %slice3A_168 : vector<1000x48xf32>
    %logistic3A_170 = math.exp %logistic3A_169 : vector<1000x48xf32>
    %logistic3A_171 = arith.constant 1.000000e+00 : f32
    %logistic3A_172 = vector.broadcast %logistic3A_171 : f32 to vector<1000x48xf32>
    %logistic3A_173 = arith.addf %logistic3A_172, %logistic3A_170 : vector<1000x48xf32>
    %logistic3A_174 = arith.divf %logistic3A_172, %logistic3A_173 : vector<1000x48xf32>
    %slice3A_175 = vector.extract_strided_slice %add3A_160 {offsets = [0, 96], sizes = [1000, 48], strides = [1, 1]} : vector<1000x192xf32> to vector<1000x48xf32>
    %tanh3A_176 = math.tanh %slice3A_175 : vector<1000x48xf32>
    %slice3A_177 = vector.extract_strided_slice %add3A_160 {offsets = [0, 144], sizes = [1000, 48], strides = [1, 1]} : vector<1000x192xf32> to vector<1000x48xf32>
    %logistic3A_178 = arith.negf %slice3A_177 : vector<1000x48xf32>
    %logistic3A_179 = math.exp %logistic3A_178 : vector<1000x48xf32>
    %logistic3A_180 = arith.constant 1.000000e+00 : f32
    %logistic3A_181 = vector.broadcast %logistic3A_180 : f32 to vector<1000x48xf32>
    %logistic3A_182 = arith.addf %logistic3A_181, %logistic3A_179 : vector<1000x48xf32>
    %logistic3A_183 = arith.divf %logistic3A_181, %logistic3A_182 : vector<1000x48xf32>
    %mul3A_184 = arith.mulf %logistic3A_174, %broadcast_in_dim3A_153 : vector<1000x48xf32>
    %mul3A_185 = arith.mulf %logistic3A_167, %tanh3A_176 : vector<1000x48xf32>
    %add3A_186 = arith.addf %mul3A_184, %mul3A_185 : vector<1000x48xf32>
    %tanh3A_187 = math.tanh %add3A_186 : vector<1000x48xf32>
    %mul3A_188 = arith.mulf %logistic3A_183, %tanh3A_187 : vector<1000x48xf32>
    %dot_general3A_189 = arith.constant dense<0.000000e+00> : vector<1000x192xf32>
    %dot_general3A_190 = tpu.matmul %add3A_23, %get3A_143, %dot_general3A_189 {dimension_numbers = #tpu.dot_dimension_numbers<[1], [0], [0], [1], [0, 0, 1, 1], [], []>, transpose_lhs_hint = false} : vector<1000x32xf32>, vector<32x192xf32>, vector<1000x192xf32> -> vector<1000x192xf32>
    %dot_general3A_191 = arith.constant dense<0.000000e+00> : vector<1000x192xf32>
    %dot_general3A_192 = tpu.matmul %mul3A_188, %get3A_146, %dot_general3A_191 {dimension_numbers = #tpu.dot_dimension_numbers<[1], [0], [0], [1], [0, 0, 1, 1], [], []>, transpose_lhs_hint = false} : vector<1000x48xf32>, vector<48x192xf32>, vector<1000x192xf32> -> vector<1000x192xf32>
    %add3A_193 = arith.addf %dot_general3A_190, %dot_general3A_192 : vector<1000x192xf32>
    %add3A_194 = vector.broadcast %get3A_149 : vector<1x192xf32> to vector<1000x192xf32>
    %add3A_195 = arith.addf %add3A_193, %add3A_194 : vector<1000x192xf32>
    %slice3A_196 = vector.extract_strided_slice %add3A_195 {offsets = [0, 0], sizes = [1000, 48], strides = [1, 1]} : vector<1000x192xf32> to vector<1000x48xf32>
    %logistic3A_197 = arith.negf %slice3A_196 : vector<1000x48xf32>
    %logistic3A_198 = math.exp %logistic3A_197 : vector<1000x48xf32>
    %logistic3A_199 = arith.constant 1.000000e+00 : f32
    %logistic3A_200 = vector.broadcast %logistic3A_199 : f32 to vector<1000x48xf32>
    %logistic3A_201 = arith.addf %logistic3A_200, %logistic3A_198 : vector<1000x48xf32>
    %logistic3A_202 = arith.divf %logistic3A_200, %logistic3A_201 : vector<1000x48xf32>
    %slice3A_203 = vector.extract_strided_slice %add3A_195 {offsets = [0, 48], sizes = [1000, 48], strides = [1, 1]} : vector<1000x192xf32> to vector<1000x48xf32>
    %logistic3A_204 = arith.negf %slice3A_203 : vector<1000x48xf32>
    %logistic3A_205 = math.exp %logistic3A_204 : vector<1000x48xf32>
    %logistic3A_206 = arith.constant 1.000000e+00 : f32
    %logistic3A_207 = vector.broadcast %logistic3A_206 : f32 to vector<1000x48xf32>
    %logistic3A_208 = arith.addf %logistic3A_207, %logistic3A_205 : vector<1000x48xf32>
    %logistic3A_209 = arith.divf %logistic3A_207, %logistic3A_208 : vector<1000x48xf32>
    %slice3A_210 = vector.extract_strided_slice %add3A_195 {offsets = [0, 96], sizes = [1000, 48], strides = [1, 1]} : vector<1000x192xf32> to vector<1000x48xf32>
    %tanh3A_211 = math.tanh %slice3A_210 : vector<1000x48xf32>
    %slice3A_212 = vector.extract_strided_slice %add3A_195 {offsets = [0, 144], sizes = [1000, 48], strides = [1, 1]} : vector<1000x192xf32> to vector<1000x48xf32>
    %logistic3A_213 = arith.negf %slice3A_212 : vector<1000x48xf32>
    %logistic3A_214 = math.exp %logistic3A_213 : vector<1000x48xf32>
    %logistic3A_215 = arith.constant 1.000000e+00 : f32
    %logistic3A_216 = vector.broadcast %logistic3A_215 : f32 to vector<1000x48xf32>
    %logistic3A_217 = arith.addf %logistic3A_216, %logistic3A_214 : vector<1000x48xf32>
    %logistic3A_218 = arith.divf %logistic3A_216, %logistic3A_217 : vector<1000x48xf32>
    %mul3A_219 = arith.mulf %logistic3A_209, %add3A_186 : vector<1000x48xf32>
    %mul3A_220 = arith.mulf %logistic3A_202, %tanh3A_211 : vector<1000x48xf32>
    %add3A_221 = arith.addf %mul3A_219, %mul3A_220 : vector<1000x48xf32>
    %tanh3A_222 = math.tanh %add3A_221 : vector<1000x48xf32>
    %mul3A_223 = arith.mulf %logistic3A_218, %tanh3A_222 : vector<1000x48xf32>
    %dot_general3A_224 = arith.constant dense<0.000000e+00> : vector<1000x192xf32>
    %dot_general3A_225 = tpu.matmul %get3A_1, %get3A_143, %dot_general3A_224 {dimension_numbers = #tpu.dot_dimension_numbers<[1], [0], [0], [1], [0, 0, 1, 1], [], []>, transpose_lhs_hint = false} : vector<1000x32xf32>, vector<32x192xf32>, vector<1000x192xf32> -> vector<1000x192xf32>
    %dot_general3A_226 = arith.constant dense<0.000000e+00> : vector<1000x192xf32>
    %dot_general3A_227 = tpu.matmul %mul3A_223, %get3A_146, %dot_general3A_226 {dimension_numbers = #tpu.dot_dimension_numbers<[1], [0], [0], [1], [0, 0, 1, 1], [], []>, transpose_lhs_hint = false} : vector<1000x48xf32>, vector<48x192xf32>, vector<1000x192xf32> -> vector<1000x192xf32>
    %add3A_228 = arith.addf %dot_general3A_225, %dot_general3A_227 : vector<1000x192xf32>
    %add3A_229 = vector.broadcast %get3A_149 : vector<1x192xf32> to vector<1000x192xf32>
    %add3A_230 = arith.addf %add3A_228, %add3A_229 : vector<1000x192xf32>
    %slice3A_231 = vector.extract_strided_slice %add3A_230 {offsets = [0, 0], sizes = [1000, 48], strides = [1, 1]} : vector<1000x192xf32> to vector<1000x48xf32>
    %logistic3A_232 = arith.negf %slice3A_231 : vector<1000x48xf32>
    %logistic3A_233 = math.exp %logistic3A_232 : vector<1000x48xf32>
    %logistic3A_234 = arith.constant 1.000000e+00 : f32
    %logistic3A_235 = vector.broadcast %logistic3A_234 : f32 to vector<1000x48xf32>
    %logistic3A_236 = arith.addf %logistic3A_235, %logistic3A_233 : vector<1000x48xf32>
    %logistic3A_237 = arith.divf %logistic3A_235, %logistic3A_236 : vector<1000x48xf32>
    %slice3A_238 = vector.extract_strided_slice %add3A_230 {offsets = [0, 48], sizes = [1000, 48], strides = [1, 1]} : vector<1000x192xf32> to vector<1000x48xf32>
    %logistic3A_239 = arith.negf %slice3A_238 : vector<1000x48xf32>
    %logistic3A_240 = math.exp %logistic3A_239 : vector<1000x48xf32>
    %logistic3A_241 = arith.constant 1.000000e+00 : f32
    %logistic3A_242 = vector.broadcast %logistic3A_241 : f32 to vector<1000x48xf32>
    %logistic3A_243 = arith.addf %logistic3A_242, %logistic3A_240 : vector<1000x48xf32>
    %logistic3A_244 = arith.divf %logistic3A_242, %logistic3A_243 : vector<1000x48xf32>
    %slice3A_245 = vector.extract_strided_slice %add3A_230 {offsets = [0, 96], sizes = [1000, 48], strides = [1, 1]} : vector<1000x192xf32> to vector<1000x48xf32>
    %tanh3A_246 = math.tanh %slice3A_245 : vector<1000x48xf32>
    %slice3A_247 = vector.extract_strided_slice %add3A_230 {offsets = [0, 144], sizes = [1000, 48], strides = [1, 1]} : vector<1000x192xf32> to vector<1000x48xf32>
    %logistic3A_248 = arith.negf %slice3A_247 : vector<1000x48xf32>
    %logistic3A_249 = math.exp %logistic3A_248 : vector<1000x48xf32>
    %logistic3A_250 = arith.constant 1.000000e+00 : f32
    %logistic3A_251 = vector.broadcast %logistic3A_250 : f32 to vector<1000x48xf32>
    %logistic3A_252 = arith.addf %logistic3A_251, %logistic3A_249 : vector<1000x48xf32>
    %logistic3A_253 = arith.divf %logistic3A_251, %logistic3A_252 : vector<1000x48xf32>
    %mul3A_254 = arith.mulf %logistic3A_244, %add3A_221 : vector<1000x48xf32>
    %mul3A_255 = arith.mulf %logistic3A_237, %tanh3A_246 : vector<1000x48xf32>
    %add3A_256 = arith.addf %mul3A_254, %mul3A_255 : vector<1000x48xf32>
    %tanh3A_257 = math.tanh %add3A_256 : vector<1000x48xf32>
    %mul3A_258 = arith.mulf %logistic3A_253, %tanh3A_257 : vector<1000x48xf32>
    %get3A_259 = arith.constant 0 : index
    %get3A_260 = arith.constant 0 : index
    %get3A_261 = vector.load %arg14[%get3A_259, %get3A_260] : memref<1x48xf32, #tpu.memory_space<vmem>>, vector<1x48xf32>
    %get3A_262 = arith.constant 0 : index
    %get3A_263 = arith.constant 0 : index
    %get3A_264 = vector.load %arg15[%get3A_262, %get3A_263] : memref<1x48xf32, #tpu.memory_space<vmem>>, vector<1x48xf32>
    %get3A_265 = arith.constant 0 : index
    %get3A_266 = arith.constant 0 : index
    %get3A_267 = vector.load %arg16[%get3A_265, %get3A_266] : memref<1x1xf32, #tpu.memory_space<vmem>>, vector<1x1xf32>
    %get3A_268 = vector.extract %get3A_267[0, 0] : f32 from vector<1x1xf32>
    %mul3A_269 = vector.broadcast %get3A_261 : vector<1x48xf32> to vector<1000x48xf32>
    %mul3A_270 = arith.mulf %mul3A_70, %mul3A_269 : vector<1000x48xf32>
    %reduce_sum3A = arith.constant dense<0.000000e+00> : vector<1000xf32>
    %reduce_sum3A_271 = vector.multi_reduction <add>, %mul3A_270, %reduce_sum3A [1] : vector<1000x48xf32> to vector<1000xf32>
    %broadcast_in_dim3A_272 = vector.shape_cast %reduce_sum3A_271 : vector<1000xf32> to vector<1000x1xf32>
    %mul3A_273 = vector.broadcast %get3A_264 : vector<1x48xf32> to vector<1000x48xf32>
    %mul3A_274 = arith.mulf %mul3A_258, %mul3A_273 : vector<1000x48xf32>
    %reduce_sum3A_275 = arith.constant dense<0.000000e+00> : vector<1000xf32>
    %reduce_sum3A_276 = vector.multi_reduction <add>, %mul3A_274, %reduce_sum3A_275 [1] : vector<1000x48xf32> to vector<1000xf32>
    %broadcast_in_dim3A_277 = vector.shape_cast %reduce_sum3A_276 : vector<1000xf32> to vector<1000x1xf32>
    %add3A_278 = arith.addf %broadcast_in_dim3A_272, %broadcast_in_dim3A_277 : vector<1000x1xf32>
    %add3A_279 = vector.broadcast %get3A_268 : f32 to vector<1000x1xf32>
    %add3A_280 = arith.addf %add3A_278, %add3A_279 : vector<1000x1xf32>
    %mul3A_281 = vector.broadcast %get3A_261 : vector<1x48xf32> to vector<1000x48xf32>
    %mul3A_282 = arith.mulf %mul3A_105, %mul3A_281 : vector<1000x48xf32>
    %reduce_sum3A_283 = arith.constant dense<0.000000e+00> : vector<1000xf32>
    %reduce_sum3A_284 = vector.multi_reduction <add>, %mul3A_282, %reduce_sum3A_283 [1] : vector<1000x48xf32> to vector<1000xf32>
    %broadcast_in_dim3A_285 = vector.shape_cast %reduce_sum3A_284 : vector<1000xf32> to vector<1000x1xf32>
    %mul3A_286 = vector.broadcast %get3A_264 : vector<1x48xf32> to vector<1000x48xf32>
    %mul3A_287 = arith.mulf %mul3A_223, %mul3A_286 : vector<1000x48xf32>
    %reduce_sum3A_288 = arith.constant dense<0.000000e+00> : vector<1000xf32>
    %reduce_sum3A_289 = vector.multi_reduction <add>, %mul3A_287, %reduce_sum3A_288 [1] : vector<1000x48xf32> to vector<1000xf32>
    %broadcast_in_dim3A_290 = vector.shape_cast %reduce_sum3A_289 : vector<1000xf32> to vector<1000x1xf32>
    %add3A_291 = arith.addf %broadcast_in_dim3A_285, %broadcast_in_dim3A_290 : vector<1000x1xf32>
    %add3A_292 = vector.broadcast %get3A_268 : f32 to vector<1000x1xf32>
    %add3A_293 = arith.addf %add3A_291, %add3A_292 : vector<1000x1xf32>
    %mul3A_294 = vector.broadcast %get3A_261 : vector<1x48xf32> to vector<1000x48xf32>
    %mul3A_295 = arith.mulf %mul3A_140, %mul3A_294 : vector<1000x48xf32>
    %reduce_sum3A_296 = arith.constant dense<0.000000e+00> : vector<1000xf32>
    %reduce_sum3A_297 = vector.multi_reduction <add>, %mul3A_295, %reduce_sum3A_296 [1] : vector<1000x48xf32> to vector<1000xf32>
    %broadcast_in_dim3A_298 = vector.shape_cast %reduce_sum3A_297 : vector<1000xf32> to vector<1000x1xf32>
    %mul3A_299 = vector.broadcast %get3A_264 : vector<1x48xf32> to vector<1000x48xf32>
    %mul3A_300 = arith.mulf %mul3A_188, %mul3A_299 : vector<1000x48xf32>
    %reduce_sum3A_301 = arith.constant dense<0.000000e+00> : vector<1000xf32>
    %reduce_sum3A_302 = vector.multi_reduction <add>, %mul3A_300, %reduce_sum3A_301 [1] : vector<1000x48xf32> to vector<1000xf32>
    %broadcast_in_dim3A_303 = vector.shape_cast %reduce_sum3A_302 : vector<1000xf32> to vector<1000x1xf32>
    %add3A_304 = arith.addf %broadcast_in_dim3A_298, %broadcast_in_dim3A_303 : vector<1000x1xf32>
    %add3A_305 = vector.broadcast %get3A_268 : f32 to vector<1000x1xf32>
    %add3A_306 = arith.addf %add3A_304, %add3A_305 : vector<1000x1xf32>
    %concatenate3A = tpu.concatenate %add3A_280, %add3A_293, %add3A_306 in 1 : vector<1000x1xf32>, vector<1000x1xf32>, vector<1000x1xf32> -> vector<1000x3xf32>
    %reduce_max3A = arith.constant dense<0xFF800000> : vector<1000xf32>
    %reduce_max3A_307 = vector.multi_reduction <maximumf>, %concatenate3A, %reduce_max3A [1] : vector<1000x3xf32> to vector<1000xf32>
    %broadcast_in_dim3A_308 = vector.shape_cast %reduce_max3A_307 : vector<1000xf32> to vector<1000x1xf32>
    %sub3A = vector.broadcast %broadcast_in_dim3A_308 : vector<1000x1xf32> to vector<1000x3xf32>
    %sub3A_309 = arith.subf %concatenate3A, %sub3A : vector<1000x3xf32>
    %exp3A = math.exp %sub3A_309 : vector<1000x3xf32>
    %reduce_sum3A_310 = arith.constant dense<0.000000e+00> : vector<1000xf32>
    %reduce_sum3A_311 = vector.multi_reduction <add>, %exp3A, %reduce_sum3A_310 [1] : vector<1000x3xf32> to vector<1000xf32>
    %broadcast_in_dim3A_312 = vector.shape_cast %reduce_sum3A_311 : vector<1000xf32> to vector<1000x1xf32>
    %div3A = vector.broadcast %broadcast_in_dim3A_312 : vector<1000x1xf32> to vector<1000x3xf32>
    %div3A_313 = arith.divf %exp3A, %div3A : vector<1000x3xf32>
    %slice3A_314 = vector.extract_strided_slice %div3A_313 {offsets = [0, 0], sizes = [1000, 1], strides = [1, 1]} : vector<1000x3xf32> to vector<1000x1xf32>
    %mul3A_315 = vector.broadcast %slice3A_314 : vector<1000x1xf32> to vector<1000x32xf32>
    %mul3A_316 = arith.mulf %mul3A_315, %get3A_1 : vector<1000x32xf32>
    %slice3A_317 = vector.extract_strided_slice %div3A_313 {offsets = [0, 1], sizes = [1000, 1], strides = [1, 1]} : vector<1000x3xf32> to vector<1000x1xf32>
    %mul3A_318 = vector.broadcast %slice3A_317 : vector<1000x1xf32> to vector<1000x32xf32>
    %mul3A_319 = arith.mulf %mul3A_318, %add3A_23 : vector<1000x32xf32>
    %add3A_320 = arith.addf %mul3A_316, %mul3A_319 : vector<1000x32xf32>
    %slice3A_321 = vector.extract_strided_slice %div3A_313 {offsets = [0, 2], sizes = [1000, 1], strides = [1, 1]} : vector<1000x3xf32> to vector<1000x1xf32>
    %mul3A_322 = vector.broadcast %slice3A_321 : vector<1000x1xf32> to vector<1000x32xf32>
    %mul3A_323 = arith.mulf %mul3A_322, %add3A_27 : vector<1000x32xf32>
    %add3A_324 = arith.addf %add3A_320, %mul3A_323 : vector<1000x32xf32>
    %get3A_325 = arith.constant 0 : index
    %get3A_326 = arith.constant 0 : index
    %get3A_327 = vector.load %arg17[%get3A_325, %get3A_326] : memref<32x40xf32, #tpu.memory_space<vmem>>, vector<32x40xf32>
    %dot_general3A_328 = arith.constant dense<0.000000e+00> : vector<1000x40xf32>
    %dot_general3A_329 = tpu.matmul %add3A_324, %get3A_327, %dot_general3A_328 {dimension_numbers = #tpu.dot_dimension_numbers<[1], [0], [0], [1], [0, 0, 1, 1], [], []>, transpose_lhs_hint = false} : vector<1000x32xf32>, vector<32x40xf32>, vector<1000x40xf32> -> vector<1000x40xf32>
    %reduce_max3A_330 = arith.constant dense<0xFF800000> : vector<1000xf32>
    %reduce_max3A_331 = vector.multi_reduction <maximumf>, %dot_general3A_329, %reduce_max3A_330 [1] : vector<1000x40xf32> to vector<1000xf32>
    %broadcast_in_dim3A_332 = vector.shape_cast %reduce_max3A_331 : vector<1000xf32> to vector<1000x1xf32>
    %sub3A_333 = vector.broadcast %broadcast_in_dim3A_332 : vector<1000x1xf32> to vector<1000x40xf32>
    %sub3A_334 = arith.subf %dot_general3A_329, %sub3A_333 : vector<1000x40xf32>
    %exp3A_335 = math.exp %sub3A_334 : vector<1000x40xf32>
    %reduce_sum3A_336 = arith.constant dense<0.000000e+00> : vector<1000xf32>
    %reduce_sum3A_337 = vector.multi_reduction <add>, %exp3A_335, %reduce_sum3A_336 [1] : vector<1000x40xf32> to vector<1000xf32>
    %broadcast_in_dim3A_338 = vector.shape_cast %reduce_sum3A_337 : vector<1000xf32> to vector<1000x1xf32>
    %log3A = math.log %broadcast_in_dim3A_338 : vector<1000x1xf32>
    %add3A_339 = arith.addf %log3A, %broadcast_in_dim3A_332 : vector<1000x1xf32>
    %sub3A_340 = vector.broadcast %add3A_339 : vector<1000x1xf32> to vector<1000x40xf32>
    %sub3A_341 = arith.subf %dot_general3A_329, %sub3A_340 : vector<1000x40xf32>
    %swap3A = arith.constant 0 : index
    %swap3A_342 = arith.constant 0 : index
    %swap3A_343 = vector.load %arg18[%swap3A, %swap3A_342] : memref<1000x40xf32, #tpu.memory_space<vmem>>, vector<1000x40xf32>
    tpu.vector_store %arg18[%swap3A, %swap3A_342], %sub3A_341 {strides = array<i32>} : memref<1000x40xf32, #tpu.memory_space<vmem>>, vector<1000x40xf32>,
    return
  }
  func.func @transform_0(%arg0: i32) -> (i32, i32) {
    %c0_i32 = arith.constant 0 : i32
    %c0_i32_0 = arith.constant 0 : i32
    return %arg0, %c0_i32 : i32, i32
  }
  func.func @transform_1(%arg0: i32) -> (i32, i32) {
    %c0_i32 = arith.constant 0 : i32
    %c0_i32_0 = arith.constant 0 : i32
    return %arg0, %c0_i32 : i32, i32
  }
  func.func @transform_2(%arg0: i32) -> (i32, i32) {
    %c0_i32 = arith.constant 0 : i32
    %c0_i32_0 = arith.constant 0 : i32
    return %arg0, %c0_i32 : i32, i32
  }
  func.func @transform_3(%arg0: i32) -> (i32, i32) {
    %c0_i32 = arith.constant 0 : i32
    %c0_i32_0 = arith.constant 0 : i32
    return %arg0, %c0_i32 : i32, i32
  }
  func.func @transform_4(%arg0: i32) -> (i32, i32) {
    %c0_i32 = arith.constant 0 : i32
    %c0_i32_0 = arith.constant 0 : i32
    return %arg0, %c0_i32 : i32, i32
  }
  func.func @transform_5(%arg0: i32) -> (i32, i32) {
    %c0_i32 = arith.constant 0 : i32
    %c0_i32_0 = arith.constant 0 : i32
    %c0_i32_1 = arith.constant 0 : i32
    return %c0_i32, %c0_i32_0 : i32, i32
  }
  func.func @transform_6(%arg0: i32) -> (i32, i32) {
    %c0_i32 = arith.constant 0 : i32
    %c0_i32_0 = arith.constant 0 : i32
    %c0_i32_1 = arith.constant 0 : i32
    return %c0_i32, %c0_i32_0 : i32, i32
  }
  func.func @transform_7(%arg0: i32) -> (i32, i32) {
    %c0_i32 = arith.constant 0 : i32
    %c0_i32_0 = arith.constant 0 : i32
    %c0_i32_1 = arith.constant 0 : i32
    return %c0_i32, %c0_i32_0 : i32, i32
  }
  func.func @transform_8(%arg0: i32) -> (i32, i32) {
    %c0_i32 = arith.constant 0 : i32
    %c0_i32_0 = arith.constant 0 : i32
    %c0_i32_1 = arith.constant 0 : i32
    return %c0_i32, %c0_i32_0 : i32, i32
  }
  func.func @transform_9(%arg0: i32) -> (i32, i32) {
    %c0_i32 = arith.constant 0 : i32
    %c0_i32_0 = arith.constant 0 : i32
    %c0_i32_1 = arith.constant 0 : i32
    return %c0_i32, %c0_i32_0 : i32, i32
  }
  func.func @transform_10(%arg0: i32) -> (i32, i32) {
    %c0_i32 = arith.constant 0 : i32
    %c0_i32_0 = arith.constant 0 : i32
    %c0_i32_1 = arith.constant 0 : i32
    return %c0_i32, %c0_i32_0 : i32, i32
  }
  func.func @transform_11(%arg0: i32) -> (i32, i32) {
    %c0_i32 = arith.constant 0 : i32
    %c0_i32_0 = arith.constant 0 : i32
    %c0_i32_1 = arith.constant 0 : i32
    return %c0_i32, %c0_i32_0 : i32, i32
  }
  func.func @transform_12(%arg0: i32) -> (i32, i32) {
    %c0_i32 = arith.constant 0 : i32
    %c0_i32_0 = arith.constant 0 : i32
    %c0_i32_1 = arith.constant 0 : i32
    return %c0_i32, %c0_i32_0 : i32, i32
  }
  func.func @transform_13(%arg0: i32) -> (i32, i32) {
    %c0_i32 = arith.constant 0 : i32
    %c0_i32_0 = arith.constant 0 : i32
    %c0_i32_1 = arith.constant 0 : i32
    return %c0_i32, %c0_i32_0 : i32, i32
  }
  func.func @transform_14(%arg0: i32) -> (i32, i32) {
    %c0_i32 = arith.constant 0 : i32
    %c0_i32_0 = arith.constant 0 : i32
    %c0_i32_1 = arith.constant 0 : i32
    return %c0_i32, %c0_i32_0 : i32, i32
  }
  func.func @transform_15(%arg0: i32) -> (i32, i32) {
    %c0_i32 = arith.constant 0 : i32
    %c0_i32_0 = arith.constant 0 : i32
    %c0_i32_1 = arith.constant 0 : i32
    return %c0_i32, %c0_i32_0 : i32, i32
  }
  func.func @transform_16(%arg0: i32) -> (i32, i32) {
    %c0_i32 = arith.constant 0 : i32
    %c0_i32_0 = arith.constant 0 : i32
    %c0_i32_1 = arith.constant 0 : i32
    return %c0_i32, %c0_i32_0 : i32, i32
  }
  func.func @transform_17(%arg0: i32) -> (i32, i32) {
    %c0_i32 = arith.constant 0 : i32
    %c0_i32_0 = arith.constant 0 : i32
    return %arg0, %c0_i32 : i32, i32
  }
}

</mosaic_0001>

<sc_bundles>
// kernel: kernel.12.cloned.1.call-start
scs
__scs_entry_jumppad:
0x0: {  	(pc) =	sbr.rel $0x88, $3  }
0x1: {  	(tag) =	ssettag $0x0;
	lr =	simm.s32 $0x1  }
0x2: {  	[smem:$0x3F8C] =	sst lr;
	_ =	strace $0xD0000000  }
0x3: {  	_ = 	snop  }
0x4: {  	_ = 	snop  }
0x5: {  	_ = 	snop  }
0x6: {  	_ = 	snop  }
0x7: {  	_ = 	snop  }
__scs_overlays_trampoline_lowered:
0x8: {  	[smem:$0x3F9B] =	sst s0  }
0x9: {  	[smem:$0x3F9C] =	sst s1  }
0xa: {  	[smem:$0x3F9D] =	sst s2  }
0xb: {  	[smem:$0x3F9E] =	sst s3  }
0xc: {  	[smem:$0x3F9F] =	sst s4  }
0xd: {  	[smem:$0x3FA0] =	sst s5  }
0xe: {  	[smem:$0x3FA1] =	sst s6  }
0xf: {  	[smem:$0x3FA2] =	sst s7  }
0x10: {  	[smem:$0x3FA3] =	sst s8  }
0x11: {  	[smem:$0x3FA4] =	sst s9;
	s0 =	simm.s32 @!p0 $0x0  }
0x12: {  	s1 =	sld [smem:$0x3F8A];
	s0 =	simm.s32 @p0 $0x1  }
0x13: {  	[smem:$0x3FA5] =	sst s0;
	s0 =	simm.s32 @!p1 $0x0  }
0x14: {  	s2 =	sld [smem:$0x3F89];
	s0 =	simm.s32 @p1 $0x1  }
0x15: {  	[smem:$0x3FA6] =	sst s0;
	s0 =	simm.s32 @!p2 $0x0  }
0x16: {  	s3 =	sld [smem:$0x3FDB];
	s0 =	simm.s32 @p2 $0x1  }
0x17: {  	s4 =	simm.s32 $0x1BF5;
	[smem:$0x3FA8] =	sst s0  }
0x18: {  	s0 =	sld [smem:$0x3F8B];
	_ =	swait.ge [sflag:s4], $0x0  }
0x19: {  	s7 =	sld [smem:$0x3F8C]  }
0x1a: {  	s8 =	sadd.s32 $0xFFFFE003, lr  }
0x1b: {  	s9 =	sadd.s32 $0xFFFFFEF7, lr;
	s5 =	simm.s32 $0xFFFFFFFF;
	p2 =	slt.u32 s8, $0xFFFFF086  }
0x1c: {  	p1 =	slt.u32 s9, $0xF7A;
	s5 =	simm.s32 @!p2 $0x0  }
0x1d: {  	s5 =	simm.s32 @p1 $0x1;
	p0 =	seq.s32 s7, s2  }
0x1e: {  	s7 =	smul.u32 @!p0 $0xF7A, s2;
	p2 =	seq.s32 @!p0 s5, $0x0  }
0x1f: {  	s9 =	smul.u32 $0xF7A, s1;
	s8 =	simm.s32 @!p0 $0x1BF5;
	p2 =	por !p2, p0  }
0x20: {  	[sflag:s8] =	ssyncset.s32 @!p0 $0xFFFFF086;
	s6 =	sadd.s32 @!p0 s3, s7;
	s7 =	simm.s32 @!p0 $0x108  }
0x21: {  	s3 =	sadd.s32 s3, s9;
	s6 =	sadd.s32 @!p0 $0x88, s6;
	s7 =	simm.s32 @p2 $0x1082  }
0x22: {  	[simem:s7], [sflag:s8] =	dma.local @!p0 [hbm:s6], $0xF7A  }
0x23: {  	s9 =	sor.u32 $0xD0000000, s2;
	s6 =	simm.s32 $0x108;
	_ =	swait.ge @!p0 [sflag:s8], $0x0  }
0x24: {  	s3 =	sadd.s32 $0x88, s3;
	s6 =	simm.s32 @!p1 $0x1082;
	[sflag:s4] =	ssyncset.s32 $0xFFFFF086  }
0x25: {  	[simem:s6], [sflag:s4] =	dma.local [hbm:s3], $0xF7A  }
0x26: {  	[smem:$0x3F8C] =	sst s1;
	(tag) =	ssettag s2;
	_ =	strace s9  }
0x27: {  	s1 =	sld [smem:$0x3F9C]  }
0x28: {  	s2 =	sld [smem:$0x3F9D]  }
0x29: {  	s4 =	sld [smem:$0x3F9F]  }
0x2a: {  	p0 =	seq.s32 s5, $0x0;
	s5 =	sld [smem:$0x3FA0]  }
0x2b: {  	s6 =	sld [smem:$0x3FA1]  }
0x2c: {  	s7 =	sld [smem:$0x3FA2]  }
0x2d: {  	s3 =	simm.s32 $0x108;
	s8 =	sld [smem:$0x3FA3]  }
0x2e: {  	s3 =	simm.s32 @!p0 $0x1082;
	s9 =	sld [smem:$0x3FA4]  }
0x2f: {  	lr =	sadd.s32 s0, s3;
	s0 =	sld [smem:$0x3F9B]  }
0x30: {  	s3 =	sld [smem:$0x3F9E]  }
0x31: {  	[smem:$0x3FA7] =	sst s10  }
0x32: {  	s10 =	sld [smem:$0x3FA5];
	_ =	sdelay $0x3  }
0x33: {  	p0 =	seq.s32 s10, $0x1;
	s10 =	sld [smem:$0x3FA7];
	_ =	sdelay $0x3  }
0x34: {  	[smem:$0x3FA7] =	sst s10  }
0x35: {  	s10 =	sld [smem:$0x3FA6];
	_ =	sdelay $0x3  }
0x36: {  	p1 =	seq.s32 s10, $0x1;
	s10 =	sld [smem:$0x3FA7];
	_ =	sdelay $0x3  }
0x37: {  	[smem:$0x3FA7] =	sst s10  }
0x38: {  	s10 =	sld [smem:$0x3FA8]  }
0x39: {  	_ = 	snop;
	(pc) =	sbr.ind lr, $3  }
0x3a: {  	_ = 	snop  }
0x3b: {  	_ = 	snop  }
0x3c: {  	p2 =	seq.s32 s10, $0x1;
	s10 =	sld [smem:$0x3FA7]  }
0x3d: {  	_ =	shalt  }
0x3e: {  	_ =	shalt  }
0x3f: {  	_ =	shalt  }
0x40: {  	_ =	shalt  }
0x41: {  	_ =	shalt  }
0x42: {  	_ =	shalt  }
0x43: {  	_ =	shalt  }
0x44: {  	_ =	shalt  }
0x45: {  	_ =	shalt  }
0x46: {  	_ =	shalt  }
0x47: {  	_ =	shalt  }
0x48: {  	_ =	shalt  }
0x49: {  	_ =	shalt  }
0x4a: {  	_ =	shalt  }
0x4b: {  	_ =	shalt  }
0x4c: {  	_ =	shalt  }
0x4d: {  	_ =	shalt  }
0x4e: {  	_ =	shalt  }
0x4f: {  	_ =	shalt  }
0x50: {  	_ =	shalt  }
0x51: {  	_ =	shalt  }
0x52: {  	_ =	shalt  }
0x53: {  	_ =	shalt  }
0x54: {  	_ =	shalt  }
0x55: {  	_ =	shalt  }
0x56: {  	_ =	shalt  }
0x57: {  	_ =	shalt  }
0x58: {  	_ =	shalt  }
0x59: {  	_ =	shalt  }
0x5a: {  	_ =	shalt  }
0x5b: {  	_ =	shalt  }
0x5c: {  	_ =	shalt  }
0x5d: {  	_ =	shalt  }
0x5e: {  	_ =	shalt  }
0x5f: {  	_ =	shalt  }
0x60: {  	_ =	shalt  }
0x61: {  	_ =	shalt  }
0x62: {  	_ =	shalt  }
0x63: {  	_ =	shalt  }
0x64: {  	_ =	shalt  }
0x65: {  	_ =	shalt  }
0x66: {  	_ =	shalt  }
0x67: {  	_ =	shalt  }
0x68: {  	_ =	shalt  }
0x69: {  	_ =	shalt  }
0x6a: {  	_ =	shalt  }
0x6b: {  	_ =	shalt  }
0x6c: {  	_ =	shalt  }
0x6d: {  	_ =	shalt  }
0x6e: {  	_ =	shalt  }
0x6f: {  	_ =	shalt  }
0x70: {  	_ =	shalt  }
0x71: {  	_ =	shalt  }
0x72: {  	_ =	shalt  }
0x73: {  	_ =	shalt  }
0x74: {  	_ =	shalt  }
0x75: {  	_ =	shalt  }
0x76: {  	_ =	shalt  }
0x77: {  	_ =	shalt  }
0x78: {  	_ =	shalt  }
0x79: {  	_ =	shalt  }
0x7a: {  	_ =	shalt  }
0x7b: {  	_ =	shalt  }
0x7c: {  	_ =	shalt  }
0x7d: {  	_ =	shalt  }
0x7e: {  	_ =	shalt  }
0x7f: {  	_ =	shalt  }
0x80: {  	_ =	shalt  }
0x81: {  	_ =	shalt  }
0x82: {  	_ =	shalt  }
0x83: {  	_ =	shalt  }
0x84: {  	_ =	shalt  }
0x85: {  	_ =	shalt  }
0x86: {  	_ =	shalt  }
0x87: {  	_ =	shalt  }
.Lfunc_end0:
.L_simem_size_0:
called_computation.1_lowered:
.L_overlay_start_0:
0x88: {  	s2 =	sld [smem:$0x3FD9]  }
0x89: {  	s3 =	sld [smem:$0x3FFE];
	_ =	sdelay $0x1  }
0x8a: {  	s1 =	srdreg.scid  }
0x8b: {  	s0 =	sand.u32 $0x1, s1  }
0x8c: {  	s17 =	sshll.u32 s0, $0xA;
	s2 =	sadd.s32 s3, s2  }
0x8d: {  	s2 =	sadd.s32 s2, s17  }
0x8e: {  	[smem:$0x3FB3] =	sst s2  }
0x8f: {  	_ = 	snop  }
0x90: {  	s2 =	sld [smem:$0x3FD0];
	(tm) =	ssettm $0x1  }
0x91: {  	s18 =	sld [smem:$0x3FFB];
	_ =	sdelay $0x3  }
0x92: {  	_ =	strace s18  }
0x93: {  	s3 =	sld [smem:$0x3FFC];
	_ =	sdelay $0x3  }
0x94: {  	_ =	strace s3  }
0x95: {  	s3 =	sld [smem:$0x3FFD];
	_ =	sdelay $0x3  }
0x96: {  	_ =	strace s3  }
0x97: {  	_ =	strace $0x8FFFFFFF  }
0x98: {  	s19 =	sld [smem:$0x3FDB];
	_ =	sdelay $0x1  }
0x99: {  	s4 =	simm.s32 $_scs_section_size  }
0x9a: {  	s5 =	simm.s32 $_size__tile_overlayer_lowered;
	s6 =	simm.s32 $_tile_overlayer_lowered  }
0x9b: {  	s22 =	simm.s32 $0x1BFF;
	s21 =	sshll.u32 s6, $0x1;
	s3 =	sadd.s32 s4, s19  }
0x9c: {  	s7 =	simm.s32 $0x0;
	s20 =	sshll.u32 s5, $0x1;
	s5 =	sadd.s32 s21, s3  }
0x9d: {  	[timem:s7], [sflag:s22] =	dma.local [hbm:s5], s20  }
0x9e: {  	_ =	swait.ge [sflag:s22], s20  }
0x9f: {  	s4 =	ssub.s32 $0x0, s20;
	[sflag:s22] =	ssyncset.done $0x0  }
0xa0: {  	[sflag:s22] =	ssyncadd.s32 s4;
	_ =	sdelay $0x1  }
0xa1: {  	s23 =	simm.s32 $0x1B8B  }
0xa2: {  	_ =	swait.ge [sflag:s23], $0x1  }
0xa3: {  	[sflag:s23] =	ssyncset.done $0x0  }
0xa4: {  	s25 =	simm.s32 $0x1B8E;
	s24 =	sld [smem:$0x3FFE];
	[sflag:s23] =	ssyncadd.s32 $0xFFFFFFFF  }
0xa5: {  	s26 =	simm.s32 $execute0_lowered;
	[smem:$0x3FD2] =	sst s25  }
0xa6: {  	s5 =	sshll.u32 s26, $0x1;
	_ =	strace $0x80000049;
	[dreg:$0x1] =	wrdreg $0xFFFFFFFF  }
0xa7: {  	s28 =	simm.s32 $_size_execute0_lowered;
	s3 =	sadd.s32 s3, s5;
	[dreg:$0x0] =	wrdreg $0x0  }
0xa8: {  	s5 =	sshll.u32 s28, $0x1;
	[dreg:$0x2] =	wrdreg s3  }
0xa9: {  	[dreg:$0x3] =	wrdreg s5  }
0xaa: {  	[dreg:$0x4] =	wrdreg $0xC0  }
0xab: {  	_ =	task [dreg:s7], $0x5FFFF  }
0xac: {  	[dreg:$0x1] =	wrdreg $0xFFFFFFFF  }
0xad: {  	[dreg:$0x0] =	wrdreg $0x60  }
0xae: {  	[dreg:$0x2] =	wrdreg s24  }
0xaf: {  	[dreg:$0x3] =	wrdreg s2  }
0xb0: {  	[dreg:$0x4] =	wrdreg $0x10C000  }
0xb1: {  	[dreg:$0x5] =	wrdreg $0x9  }
0xb2: {  	_ =	task.clear_ibuf [dreg:s7], $0x6FFFF;
	_ =	strace $0x90000049  }
0xb3: {  	s29 =	simm.s32 $0x9;
	_ =	strace $0x8000004B  }
0xb4: {  	_ =	swait.ge [sflag:s29], $0x1  }
0xb5: {  	[sflag:s29] =	ssyncadd.s32 $0xFFFFFFFF  }
0xb6: {  	_ =	strace $0x9000004B  }
0xb7: {  	_ =	sfence  }
0xb8: {  	s30 =	sld [smem:$0x0];
	_ =	sdelay $0x2  }
0xb9: {  	s31 =	sshll.u32 s1, $0xD;
	s1 =	sshrl.u32 s1, $0x2  }
0xba: {  	s3 =	sand.u32 $0x4000, s31;
	s1 =	sadd.s32 s1, s30  }
0xbb: {  	s0 =	sor.u32 s3, s0;
	s1 =	sshll.u32 s1, $0x11  }
0xbc: {  	s0 =	sor.u32 s1, s0  }
0xbd: {  	s0 =	sadd.s32 $0x8F2B, s0  }
0xbe: {  	[sflag:s0] =	ssyncadd.remote.s32 $0x1  }
0xbf: {  	_ =	sfence.sel $0xFFFF  }
0xc0: {  	[dreg:$0x0] =	wrdreg $0xFFFFFFFF;
	(pc) =	sbr.abs _section_cstart, $3  }
0xc1: {  	[dreg:$0x1] =	wrdreg $0xFFFFFFFF  }
0xc2: {  	_ =	task.clear_ibuf [dreg:s7], $0x2FFFF;
	_ =	strace $0x9FFFFFFF  }
0xc3: {  	(tm) =	ssettm $0x7FFFFFFF  }
tec
execute0_lowered:
.L_overlay_start_1:
0x0: {  	(tag) =	ssettag $0x1  }
0x1: {  	s0 =	rddreg [dreg:$0x0]  }
0x2: {  	s3 =	rddreg [dreg:$0x1]  }
0x3: {  	s1 =	rddreg [dreg:$0x2];
	s2 =	simm.s32 $0x0  }
0x4: {  	s6 =	srdreg.scid;
	s24 =	stileid.u32;
	s28 =	simm.s32 $0x80  }
0x5: {  	s30 =	simm.s32 $0x400;
	s29 =	simm.s32 $0x580;
	[smem:$0x7FF] =	sst s2  }
0x6: {  	s31 =	simm.s32 $0x20;
	s4 =	sadd.s32 $0x52B400, s0;
	s5 =	sadd.s32 $0x1B2A00, s0  }
0x7: {  	s9 =	sand.u32 $0x1, s6;
	s10 =	smul.u32 $0xA00, s24;
	s6 =	sadd.s32 $0x18B600, s0  }
0x8: {  	s7 =	sadd.s32 $0x19F000, s0;
	s8 =	sadd.s32 $0x521600, s0;
	s12 =	smul.u32 $0x5000, s24  }
0x9: {  	s14 =	sshll.u32 s24, $0x1;
	s26 =	sshll.u32 s24, $0x6;
	_ =	strace $0x8000004A  }
0xa: {  	s11 =	smul.u32 $0xA000, s9;
	s25 =	ssub.s32 $0x2, s9;
	s9 =	sor.u32 s9, s14  }
0xb: {  	s18 =	sor.u32 $0x1C03, s26;
	s14 =	sadd.s32 $0x1B2A04, s0;
	s13 =	sshrl.u32 s25, $0x1  }
0xc: {  	s15 =	sshll.u32 s9, $0x6;
	s20 =	sshll.u32 s9, $0xB;
	[dreg:$0x5] =	wrdreg s18  }
0xd: {  	s10 =	sadd.s32 s10, s11;
	s11 =	ssub.s32 s25, s13;
	s13 =	sadd.s32 s12, s1  }
0xe: {  	s12 =	sshrl.u32 s12, $0x3;
	s17 =	sadd.s32 s6, s15;
	s19 =	sadd.s32 s7, s15  }
0xf: {  	s21 =	sadd.s32 s5, s20;
	s22 =	sadd.s32 s20, s14;
	[dreg:$0x6] =	wrdreg s17  }
0x10: {  	s15 =	simm.s32 $0x2;
	s10 =	sadd.s32 s10, s0;
	[dreg:$0x7] =	wrdreg s19  }
0x11: {  	s16 =	sadd.s32 s3, s12;
	[dreg:$0x8] =	wrdreg s21;
	s17 =	sadd.s32 $0x1B2A0C, s0  }
0x12: {  	[dreg:$0x9] =	wrdreg s22;
	s26 =	smax.u32 s11, $0x1;
	s11 =	sshrl.u32 s13, $0x3  }
0x13: {  	s12 =	simm.s32 $0x480;
	s13 =	simm.s32 $0x5600;
	s21 =	simm.s32 $0x6600  }
0x14: {  	s3 =	simm.s32 $0x7600;
	s19 =	simm.s32 $0x0;
	[dreg:$0x4] =	wrdreg s16  }
.Ltmp0:
0x15: {  	s16 =	sadd.s32 $0x1B2A08, s0;
	[dreg:$0xd] =	wrdreg s26;
	(pc) =	sbr.rel .LBB2_1-.Ltmp0, $4  }
0x16: {  	s24 =	sadd.s32 s20, s17;
	s25 =	sadd.s32 $0x423A00, s10;
	[dreg:$0xe] =	wrdreg s11  }
0x17: {  	s26 =	simm.s32 $0x1;
	s0 =	simm.s32 $0x4600;
	[dreg:$0xb] =	wrdreg s24  }
0x18: {  	s10 =	simm.s32 $0x4;
	s23 =	sadd.s32 s20, s16;
	[dreg:$0xc] =	wrdreg s25  }
0x19: {  	s24 =	simm.s32 $0x3;
	s20 =	simm.s32 $0x500;
	[dreg:$0xa] =	wrdreg s23  }
.LBB2_11:
0x1a: {  	[bflag:$0x0] =	sbarrier.arrive $0xFFFF  }
0x1b: {  	s18 =	rddreg [dreg:$0x5]  }
0x1c: {  	s2 =	rddreg [dreg:$0xc]  }
0x1d: {  	s11 =	rddreg [dreg:$0xe]  }
0x1e: {  	[hbm:s2], [sflag:s18] =	dma.local [spmem:s11], $0xA00  }
0x1f: {  	_ =	swait.ge [sflag:s24], $0xA00  }
0x20: {  	s19 =	rddreg [dreg:$0xf]  }
0x21: {  	s25 =	rddreg [dreg:$0xd];
	s19 =	sadd.s32 $0x1, s19  }
0x22: {  	p0 =	sne.s32 s19, s25  }
.Ltmp1:
0x23: {  	_ = 	snop;
	(pc) =	sbr.rel @!p0 .LBB2_12-.Ltmp1, $3  }
0x24: {  	_ =	sdelay $0x1  }
0x25: {  	[sflag:s24] =	ssyncset.done $0x0  }
0x26: {  	[sflag:s24] =	ssyncadd.s32 $0xFFFFF600  }
.LBB2_1:
0x27: {  	[dreg:$0xf] =	wrdreg s19  }
0x28: {  	s2 =	rddreg [dreg:$0x4]  }
0x29: {  	[spmem:s11], [sflag:s18] =	dma.local [hbm:s2], $0xA00  }
0x2a: {  	_ =	swait.ge [sflag:s24], $0xA00  }
0x2b: {  	[sflag:s24] =	ssyncset.done $0x0  }
0x2c: {  	[sflag:s24] =	ssyncadd.s32 $0xFFFFF600  }
0x2d: {  	[bflag:$0x0] =	sbarrier.arrive $0xFFFF  }
0x2e: {  	s18 =	simm.s32 $0x0;
	s19 =	rddreg [dreg:$0x6]  }
0x2f: {  	[tilespmem:s18], [sflag:$0x1] =	stream.linear.gather [hbm4b:s19+s18], $0x200, $0x38;
	[tilespmem:$0x15C00] =	vst v63  }
0x30: {  	s23 =	simm.s32 $0x200;
	s22 =	rddreg [dreg:$0x7]  }
0x31: {  	[tilespmem:s23], [sflag:$0x1] =	stream.linear.gather [hbm4b:s22+s18], $0x200, $0x38;
	[tilespmem:$0x15C00] =	vst v63  }
0x32: {  	_ =	swait.ge [sflag:s26], $0x200  }
0x33: {  	[sflag:s26] =	ssyncset.done $0x0  }
0x34: {  	[sflag:s26] =	ssyncadd.s32 $0xFFFFFE00  }
0x35: {  	_ =	swait.ge [sflag:s26], $0x200  }
0x36: {  	[sflag:s26] =	ssyncset.done $0x0  }
0x37: {  	s25 =	simm.s32 $0x600;
	[sflag:s26] =	ssyncadd.s32 $0xFFFFFE00  }
0x38: {  	[tilespmem:s25], [sflag:$0x1] =	stream.indirect.gather [hbm4b:s4+s28], $0x20, s18, s28, $0xb8;
	[tilespmem:$0x15C00] =	vst v63  }
0x39: {  	_ = 	snop  }
0x3a: {  	[tilespmem:s30], [sflag:$0x1] =	stream.indirect.gather [hbm4b:s8+s28], $0x1, s23, s28, $0xb8;
	[tilespmem:$0x15C00] =	vst v63  }
0x3b: {  	s11 =	rddreg [dreg:$0x8]  }
0x3c: {  	[tilespmem:s0], [sflag:$0x1] =	stream.strided.gather [hbm4b:s11+s31], $0x1000, s28, s31, $0x38;
	[tilespmem:$0x15C00] =	vst v63  }
0x3d: {  	s18 =	simm.s32 $0x1600  }
0x3e: {  	[tilespmem:s18], [sflag:$0x1] =	stream.indirect.gather [hbm4b:s4+s28], $0x20, s28, s28, $0xb8;
	[tilespmem:$0x15C00] =	vst v63  }
0x3f: {  	s19 =	simm.s32 $0x280  }
0x40: {  	[tilespmem:s12], [sflag:$0x1] =	stream.indirect.gather [hbm4b:s8+s28], $0x1, s19, s28, $0xb8;
	[tilespmem:$0x15C00] =	vst v63  }
0x41: {  	s22 =	rddreg [dreg:$0x9]  }
0x42: {  	[tilespmem:s13], [sflag:$0x1] =	stream.strided.gather [hbm4b:s22+s31], $0x1000, s28, s31, $0x38;
	[tilespmem:$0x15C00] =	vst v63  }
0x43: {  	s25 =	simm.s32 $0x2600;
	s23 =	simm.s32 $0x100  }
0x44: {  	[tilespmem:s25], [sflag:$0x1] =	stream.indirect.gather [hbm4b:s4+s28], $0x20, s23, s28, $0xb8;
	[tilespmem:$0x15C00] =	vst v63  }
0x45: {  	s11 =	simm.s32 $0x300  }
0x46: {  	[tilespmem:s20], [sflag:$0x1] =	stream.indirect.gather [hbm4b:s8+s28], $0x1, s11, s28, $0xb8;
	[tilespmem:$0x15C00] =	vst v63  }
0x47: {  	s18 =	rddreg [dreg:$0xa]  }
0x48: {  	[tilespmem:s21], [sflag:$0x1] =	stream.strided.gather [hbm4b:s18+s31], $0x1000, s28, s31, $0x38;
	[tilespmem:$0x15C00] =	vst v63  }
0x49: {  	s19 =	simm.s32 $0x180;
	s22 =	simm.s32 $0x3600  }
0x4a: {  	[tilespmem:s22], [sflag:$0x1] =	stream.indirect.gather [hbm4b:s4+s28], $0x20, s19, s28, $0xb8;
	[tilespmem:$0x15C00] =	vst v63  }
.Ltmp2:
0x4b: {  	_ = 	snop;
	(pc) =	sbr.rel .LBB2_2-.Ltmp2, $4  }
0x4c: {  	s23 =	simm.s32 $0x380  }
0x4d: {  	[tilespmem:s29], [sflag:$0x1] =	stream.indirect.gather [hbm4b:s8+s28], $0x1, s23, s28, $0xb8;
	[tilespmem:$0x15C00] =	vst v63  }
0x4e: {  	s25 =	rddreg [dreg:$0xb];
	s11 =	simm.s32 $0x0  }
0x4f: {  	[tilespmem:s3], [sflag:$0x1] =	stream.strided.gather [hbm4b:s25+s31], $0x1000, s28, s31, $0x38;
	[tilespmem:$0x15C00] =	vst v63  }
.LBB2_10:
0x50: {  	s11 =	sadd.s32 $0x1, s11  }
0x51: {  	p0 =	sne.s32 s11, $0x14  }
.Ltmp3:
0x52: {  	_ = 	snop;
	(pc) =	sbr.rel @!p0 .LBB2_11-.Ltmp3, $1  }
0x53: {  	_ =	sdelay $0x3  }
.LBB2_2:
0x54: {  	s18 =	sshll.u32 s11, $0x6  }
0x55: {  	s23 =	sor.u32 s9, s18  }
0x56: {  	s18 =	sor.u32 $0x20, s23  }
0x57: {  	p0 =	sgt.u32 s18, $0x4E1  }
0x58: {  	s19 =	sshll.u32 @!p0 s18, $0x6  }
0x59: {  	s25 =	simm.s32 @!p0 $0x0;
	s2 =	simm.s32 @!p0 $0x8600;
	s22 =	sadd.s32 @!p0 s6, s19  }
0x5a: {  	[tilespmem:s2], [sflag:$0x2] =	stream.linear.gather @!p0 [hbm4b:s22+s25], $0x200, $0x38;
	[tilespmem:$0x15C00] =	vst v63  }
0x5b: {  	s19 =	sadd.s32 @!p0 s7, s19;
	s22 =	simm.s32 @!p0 $0x8800  }
0x5c: {  	[tilespmem:s22], [sflag:$0x2] =	stream.linear.gather @!p0 [hbm4b:s19+s25], $0x200, $0x38;
	[tilespmem:$0x15C00] =	vst v63  }
0x5d: {  	s19 =	simm.s32 @!p0 $0x2  }
0x5e: {  	_ =	swait.ge @!p0 [sflag:s19], $0x200  }
0x5f: {  	[sflag:s19] =	ssyncset.done @!p0 $0x0  }
0x60: {  	[sflag:s19] =	ssyncadd.s32 @!p0 $0xFFFFFE00  }
0x61: {  	_ =	swait.ge @!p0 [sflag:s19], $0x200  }
0x62: {  	[sflag:s19] =	ssyncset.done @!p0 $0x0  }
0x63: {  	s25 =	simm.s32 @!p0 $0x8C00;
	[sflag:s19] =	ssyncadd.s32 @!p0 $0xFFFFFE00;
	s19 =	simm.s32 @!p0 $0x80  }
0x64: {  	[tilespmem:s25], [sflag:$0x2] =	stream.indirect.gather @!p0 [hbm4b:s4+s19], $0x20, s2, s19, $0xb8;
	[tilespmem:$0x15C00] =	vst v63  }
0x65: {  	s2 =	simm.s32 @!p0 $0x8A00  }
0x66: {  	[tilespmem:s2], [sflag:$0x2] =	stream.indirect.gather @!p0 [hbm4b:s8+s19], $0x1, s22, s19, $0xb8;
	[tilespmem:$0x15C00] =	vst v63  }
0x67: {  	s2 =	sshll.u32 @!p0 s18, $0xB  }
0x68: {  	s25 =	simm.s32 @!p0 $0xCC00;
	s22 =	simm.s32 @!p0 $0x20;
	s18 =	sadd.s32 @!p0 s5, s2  }
0x69: {  	[tilespmem:s25], [sflag:$0x2] =	stream.strided.gather @!p0 [hbm4b:s18+s22], $0x1000, s19, s22, $0x38;
	[tilespmem:$0x15C00] =	vst v63  }
0x6a: {  	s18 =	simm.s32 @!p0 $0x8680;
	s25 =	simm.s32 @!p0 $0x9C00  }
0x6b: {  	[tilespmem:s25], [sflag:$0x2] =	stream.indirect.gather @!p0 [hbm4b:s4+s19], $0x20, s18, s19, $0xb8;
	[tilespmem:$0x15C00] =	vst v63  }
0x6c: {  	s18 =	simm.s32 @!p0 $0x8880;
	s25 =	simm.s32 @!p0 $0x8A80  }
0x6d: {  	[tilespmem:s25], [sflag:$0x2] =	stream.indirect.gather @!p0 [hbm4b:s8+s19], $0x1, s18, s19, $0xb8;
	[tilespmem:$0x15C00] =	vst v63  }
0x6e: {  	s18 =	sadd.s32 @!p0 s2, s14;
	s25 =	simm.s32 @!p0 $0xDC00  }
0x6f: {  	[tilespmem:s25], [sflag:$0x2] =	stream.strided.gather @!p0 [hbm4b:s18+s22], $0x1000, s19, s22, $0x38;
	[tilespmem:$0x15C00] =	vst v63  }
0x70: {  	s18 =	simm.s32 @!p0 $0x8700;
	s25 =	simm.s32 @!p0 $0xAC00  }
0x71: {  	[tilespmem:s25], [sflag:$0x2] =	stream.indirect.gather @!p0 [hbm4b:s4+s19], $0x20, s18, s19, $0xb8;
	[tilespmem:$0x15C00] =	vst v63  }
0x72: {  	s18 =	simm.s32 @!p0 $0x8900;
	s25 =	simm.s32 @!p0 $0x8B00  }
0x73: {  	[tilespmem:s25], [sflag:$0x2] =	stream.indirect.gather @!p0 [hbm4b:s8+s19], $0x1, s18, s19, $0xb8;
	[tilespmem:$0x15C00] =	vst v63  }
0x74: {  	s18 =	sadd.s32 @!p0 s2, s16;
	s25 =	simm.s32 @!p0 $0xEC00  }
0x75: {  	[tilespmem:s25], [sflag:$0x2] =	stream.strided.gather @!p0 [hbm4b:s18+s22], $0x1000, s19, s22, $0x38;
	[tilespmem:$0x15C00] =	vst v63  }
0x76: {  	s18 =	simm.s32 @!p0 $0x8780;
	s25 =	simm.s32 @!p0 $0xBC00  }
0x77: {  	[tilespmem:s25], [sflag:$0x2] =	stream.indirect.gather @!p0 [hbm4b:s4+s19], $0x20, s18, s19, $0xb8;
	[tilespmem:$0x15C00] =	vst v63  }
0x78: {  	s18 =	simm.s32 @!p0 $0x8980;
	s25 =	simm.s32 @!p0 $0x8B80  }
0x79: {  	[tilespmem:s25], [sflag:$0x2] =	stream.indirect.gather @!p0 [hbm4b:s8+s19], $0x1, s18, s19, $0xb8;
	[tilespmem:$0x15C00] =	vst v63  }
0x7a: {  	s2 =	sadd.s32 @!p0 s2, s17;
	s18 =	simm.s32 @!p0 $0xFC00  }
0x7b: {  	[tilespmem:s18], [sflag:$0x2] =	stream.strided.gather @!p0 [hbm4b:s2+s22], $0x1000, s19, s22, $0x38;
	[tilespmem:$0x15C00] =	vst v63  }
0x7c: {  	_ =	swait.ge [sflag:s26], $0x1000  }
0x7d: {  	[sflag:s26] =	ssyncset.done $0x0  }
0x7e: {  	[sflag:s26] =	ssyncadd.s32 $0xFFFFF000  }
0x7f: {  	_ =	swait.ge [sflag:s26], $0x80  }
0x80: {  	[sflag:s26] =	ssyncset.done $0x0  }
0x81: {  	[sflag:s26] =	ssyncadd.s32 $0xFFFFFF80  }
0x82: {  	_ =	swait.ge [sflag:s26], $0x1000  }
0x83: {  	[sflag:s26] =	ssyncset.done $0x0  }
0x84: {  	[sflag:s26] =	ssyncadd.s32 $0xFFFFF000  }
0x85: {  	_ =	swait.ge [sflag:s26], $0x1000  }
0x86: {  	[sflag:s26] =	ssyncset.done $0x0  }
0x87: {  	[sflag:s26] =	ssyncadd.s32 $0xFFFFF000  }
0x88: {  	_ =	swait.ge [sflag:s26], $0x80  }
0x89: {  	[sflag:s26] =	ssyncset.done $0x0  }
0x8a: {  	[sflag:s26] =	ssyncadd.s32 $0xFFFFFF80  }
0x8b: {  	_ =	swait.ge [sflag:s26], $0x1000  }
0x8c: {  	[sflag:s26] =	ssyncset.done $0x0  }
0x8d: {  	[sflag:s26] =	ssyncadd.s32 $0xFFFFF000  }
0x8e: {  	_ =	swait.ge [sflag:s26], $0x1000  }
0x8f: {  	[sflag:s26] =	ssyncset.done $0x0  }
0x90: {  	[sflag:s26] =	ssyncadd.s32 $0xFFFFF000  }
0x91: {  	_ =	swait.ge [sflag:s26], $0x80  }
0x92: {  	[sflag:s26] =	ssyncset.done $0x0  }
0x93: {  	[sflag:s26] =	ssyncadd.s32 $0xFFFFFF80  }
0x94: {  	_ =	swait.ge [sflag:s26], $0x1000  }
0x95: {  	[sflag:s26] =	ssyncset.done $0x0  }
0x96: {  	[sflag:s26] =	ssyncadd.s32 $0xFFFFF000  }
0x97: {  	_ =	swait.ge [sflag:s26], $0x1000  }
0x98: {  	[sflag:s26] =	ssyncset.done $0x0  }
0x99: {  	[sflag:s26] =	ssyncadd.s32 $0xFFFFF000  }
0x9a: {  	_ =	swait.ge [sflag:s26], $0x80  }
0x9b: {  	[sflag:s26] =	ssyncset.done $0x0  }
0x9c: {  	[sflag:s26] =	ssyncadd.s32 $0xFFFFFF80  }
0x9d: {  	_ =	swait.ge [sflag:s26], $0x1000  }
0x9e: {  	[sflag:s26] =	ssyncset.done $0x0  }
0x9f: {  	s19 =	simm.s32 $0x0;
	[sflag:s26] =	ssyncadd.s32 $0xFFFFF000  }
0xa0: {  	v0 =	vld [tilespmem:s19+$0x600]  }
0xa1: {  	v1 =	vld [tilespmem:s19+$0x610]  }
0xa2: {  	s18 =	sadd.s32 $0x40, s23;
	s22 =	simm.s32 $0x80;
	v2 =	vld [tilespmem:s19+$0x4600]  }
.LBB2_3:
0xa3: {  	p1 =	sne.s32 s22, $0xFF80;
	v3 =	vld [tilespmem:s19+$0x4610];
	_ =	sdelay $0x3  }
.Ltmp4:
0xa4: {  	v2 =	vadd.f32 v0, v2;
	(pc) =	sbr.rel @p1 .LBB2_3-.Ltmp4, $4  }
0xa5: {  	s2 =	sshra.s32 s22, $0x2;
	v3 =	vadd.f32 v1, v3  }
0xa6: {  	v0 =	vld [tilespmem:s2+$0x600];
	v2 =	vmax.f32 v2, $0.0e+00  }
0xa7: {  	v1 =	vld [tilespmem:s2+$0x610];
	[tilespmem:s19+$0x4600] =	vst v2;
	v3 =	vmax.f32 v3, $0.0e+00  }
0xa8: {  	s22 =	sadd.s32 $0x80, s22;
	v2 =	vld [tilespmem:s2+$0x4600];
	[tilespmem:s19+$0x4610] =	vst v3;
	s19 =	smov.u32 s2  }
0xa9: {  	v3 =	vld [tilespmem:s19+$0x4610];
	_ =	sdelay $0x3  }
0xaa: {  	v0 =	vadd.f32 v0, v2  }
0xab: {  	v1 =	vadd.f32 v1, v3  }
0xac: {  	v0 =	vmax.f32 v0, $0.0e+00  }
0xad: {  	[tilespmem:s19+$0x4600] =	vst v0;
	v63 =	vmax.f32 v1, $0.0e+00  }
0xae: {  	[tilespmem:s19+$0x4610] =	vst v63  }
0xaf: {  	[spmem:s1] =	stream.indirect.scatter.add.f32 [tilespmem:s0], [sflag:$0x4], $0x20, s30, s28, $0xb8;
	[tilespmem:$0x15C00] =	vst v63  }
0xb0: {  	_ =	swait.ge [sflag:s10], $0x1000  }
0xb1: {  	[sflag:s10] =	ssyncset.done $0x0  }
0xb2: {  	[sflag:s10] =	ssyncadd.s32 $0xFFFFF000  }
0xb3: {  	[spmem:s1] =	stream.indirect.scatter.add.f32 [tilespmem:s13], [sflag:$0x4], $0x20, s12, s28, $0xb8;
	[tilespmem:$0x15C00] =	vst v63  }
0xb4: {  	_ =	swait.ge [sflag:s10], $0x1000  }
0xb5: {  	[sflag:s10] =	ssyncset.done $0x0  }
0xb6: {  	[sflag:s10] =	ssyncadd.s32 $0xFFFFF000  }
0xb7: {  	[spmem:s1] =	stream.indirect.scatter.add.f32 [tilespmem:s21], [sflag:$0x4], $0x20, s20, s28, $0xb8;
	[tilespmem:$0x15C00] =	vst v63  }
0xb8: {  	_ =	swait.ge [sflag:s10], $0x1000  }
0xb9: {  	p1 =	sgt.u32 s23, $0x4A1;
	[sflag:s10] =	ssyncset.done $0x0  }
.Ltmp5:
0xba: {  	[sflag:s10] =	ssyncadd.s32 $0xFFFFF000;
	(pc) =	sbr.rel @p1 .LBB2_6-.Ltmp5, $4  }
0xbb: {  	[spmem:s1] =	stream.indirect.scatter.add.f32 [tilespmem:s3], [sflag:$0x4], $0x20, s29, s28, $0xb8;
	[tilespmem:$0x15C00] =	vst v63  }
0xbc: {  	_ =	swait.ge [sflag:s10], $0x1000  }
0xbd: {  	[sflag:s10] =	ssyncset.done $0x0  }
0xbe: {  	[sflag:s10] =	ssyncadd.s32 $0xFFFFF000  }
0xbf: {  	s2 =	sshll.u32 s18, $0x6  }
0xc0: {  	s22 =	simm.s32 $0x0;
	s19 =	sadd.s32 s6, s2  }
0xc1: {  	[tilespmem:s22], [sflag:$0x1] =	stream.linear.gather [hbm4b:s19+s22], $0x200, $0x38;
	[tilespmem:$0x15C00] =	vst v63  }
0xc2: {  	s23 =	simm.s32 $0x200;
	s2 =	sadd.s32 s7, s2  }
0xc3: {  	[tilespmem:s23], [sflag:$0x1] =	stream.linear.gather [hbm4b:s2+s22], $0x200, $0x38;
	[tilespmem:$0x15C00] =	vst v63  }
0xc4: {  	_ =	swait.ge [sflag:s26], $0x200  }
0xc5: {  	[sflag:s26] =	ssyncset.done $0x0  }
0xc6: {  	[sflag:s26] =	ssyncadd.s32 $0xFFFFFE00  }
0xc7: {  	_ =	swait.ge [sflag:s26], $0x200  }
0xc8: {  	[sflag:s26] =	ssyncset.done $0x0  }
0xc9: {  	s25 =	simm.s32 $0x600;
	[sflag:s26] =	ssyncadd.s32 $0xFFFFFE00  }
0xca: {  	[tilespmem:s25], [sflag:$0x1] =	stream.indirect.gather [hbm4b:s4+s28], $0x20, s22, s28, $0xb8;
	[tilespmem:$0x15C00] =	vst v63  }
0xcb: {  	s2 =	sshll.u32 s18, $0xB  }
0xcc: {  	[tilespmem:s30], [sflag:$0x1] =	stream.indirect.gather [hbm4b:s8+s28], $0x1, s23, s28, $0xb8;
	[tilespmem:$0x15C00] =	vst v63  }
0xcd: {  	s18 =	sadd.s32 s5, s2  }
0xce: {  	[tilespmem:s0], [sflag:$0x1] =	stream.strided.gather [hbm4b:s18+s31], $0x1000, s28, s31, $0x38;
	[tilespmem:$0x15C00] =	vst v63  }
0xcf: {  	s23 =	simm.s32 $0x1600  }
0xd0: {  	[tilespmem:s23], [sflag:$0x1] =	stream.indirect.gather [hbm4b:s4+s28], $0x20, s28, s28, $0xb8;
	[tilespmem:$0x15C00] =	vst v63  }
0xd1: {  	s25 =	simm.s32 $0x280  }
0xd2: {  	[tilespmem:s12], [sflag:$0x1] =	stream.indirect.gather [hbm4b:s8+s28], $0x1, s25, s28, $0xb8;
	[tilespmem:$0x15C00] =	vst v63  }
0xd3: {  	s19 =	sadd.s32 s2, s14  }
0xd4: {  	[tilespmem:s13], [sflag:$0x1] =	stream.strided.gather [hbm4b:s19+s31], $0x1000, s28, s31, $0x38;
	[tilespmem:$0x15C00] =	vst v63  }
0xd5: {  	s22 =	simm.s32 $0x100;
	s23 =	simm.s32 $0x2600  }
0xd6: {  	[tilespmem:s23], [sflag:$0x1] =	stream.indirect.gather [hbm4b:s4+s28], $0x20, s22, s28, $0xb8;
	[tilespmem:$0x15C00] =	vst v63  }
0xd7: {  	s25 =	simm.s32 $0x300  }
0xd8: {  	[tilespmem:s20], [sflag:$0x1] =	stream.indirect.gather [hbm4b:s8+s28], $0x1, s25, s28, $0xb8;
	[tilespmem:$0x15C00] =	vst v63  }
0xd9: {  	s19 =	sadd.s32 s2, s16  }
0xda: {  	[tilespmem:s21], [sflag:$0x1] =	stream.strided.gather [hbm4b:s19+s31], $0x1000, s28, s31, $0x38;
	[tilespmem:$0x15C00] =	vst v63  }
0xdb: {  	s22 =	simm.s32 $0x180;
	s23 =	simm.s32 $0x3600  }
0xdc: {  	[tilespmem:s23], [sflag:$0x1] =	stream.indirect.gather [hbm4b:s4+s28], $0x20, s22, s28, $0xb8;
	[tilespmem:$0x15C00] =	vst v63  }
.Ltmp6:
0xdd: {  	_ = 	snop;
	(pc) =	sbr.rel .LBB2_7-.Ltmp6, $4  }
0xde: {  	s25 =	simm.s32 $0x380  }
0xdf: {  	[tilespmem:s29], [sflag:$0x1] =	stream.indirect.gather [hbm4b:s8+s28], $0x1, s25, s28, $0xb8;
	[tilespmem:$0x15C00] =	vst v63  }
0xe0: {  	s2 =	sadd.s32 s2, s17  }
0xe1: {  	[tilespmem:s3], [sflag:$0x1] =	stream.strided.gather [hbm4b:s2+s31], $0x1000, s28, s31, $0x38;
	[tilespmem:$0x15C00] =	vst v63  }
.LBB2_6:
.Ltmp7:
0xe2: {  	(pc) =	sbr.rel @p0 .LBB2_10-.Ltmp7, $1  }
0xe3: {  	_ =	sdelay $0x3  }
.LBB2_7:
0xe4: {  	_ =	swait.ge [sflag:s15], $0x1000  }
0xe5: {  	[sflag:s15] =	ssyncset.done $0x0  }
0xe6: {  	[sflag:s15] =	ssyncadd.s32 $0xFFFFF000  }
0xe7: {  	_ =	swait.ge [sflag:s15], $0x80  }
0xe8: {  	[sflag:s15] =	ssyncset.done $0x0  }
0xe9: {  	[sflag:s15] =	ssyncadd.s32 $0xFFFFFF80  }
0xea: {  	_ =	swait.ge [sflag:s15], $0x1000  }
0xeb: {  	[sflag:s15] =	ssyncset.done $0x0  }
0xec: {  	[sflag:s15] =	ssyncadd.s32 $0xFFFFF000  }
0xed: {  	_ =	swait.ge [sflag:s15], $0x1000  }
0xee: {  	[sflag:s15] =	ssyncset.done $0x0  }
0xef: {  	[sflag:s15] =	ssyncadd.s32 $0xFFFFF000  }
0xf0: {  	_ =	swait.ge [sflag:s15], $0x80  }
0xf1: {  	[sflag:s15] =	ssyncset.done $0x0  }
0xf2: {  	[sflag:s15] =	ssyncadd.s32 $0xFFFFFF80  }
0xf3: {  	_ =	swait.ge [sflag:s15], $0x1000  }
0xf4: {  	[sflag:s15] =	ssyncset.done $0x0  }
0xf5: {  	[sflag:s15] =	ssyncadd.s32 $0xFFFFF000  }
0xf6: {  	_ =	swait.ge [sflag:s15], $0x1000  }
0xf7: {  	[sflag:s15] =	ssyncset.done $0x0  }
0xf8: {  	[sflag:s15] =	ssyncadd.s32 $0xFFFFF000  }
0xf9: {  	_ =	swait.ge [sflag:s15], $0x80  }
0xfa: {  	[sflag:s15] =	ssyncset.done $0x0  }
0xfb: {  	[sflag:s15] =	ssyncadd.s32 $0xFFFFFF80  }
0xfc: {  	_ =	swait.ge [sflag:s15], $0x1000  }
0xfd: {  	[sflag:s15] =	ssyncset.done $0x0  }
0xfe: {  	[sflag:s15] =	ssyncadd.s32 $0xFFFFF000  }
0xff: {  	_ =	swait.ge [sflag:s15], $0x1000  }
0x100: {  	[sflag:s15] =	ssyncset.done $0x0  }
0x101: {  	[sflag:s15] =	ssyncadd.s32 $0xFFFFF000  }
0x102: {  	_ =	swait.ge [sflag:s15], $0x80  }
0x103: {  	[sflag:s15] =	ssyncset.done $0x0  }
0x104: {  	[sflag:s15] =	ssyncadd.s32 $0xFFFFFF80  }
0x105: {  	_ =	swait.ge [sflag:s15], $0x1000  }
0x106: {  	[sflag:s15] =	ssyncset.done $0x0  }
0x107: {  	s18 =	simm.s32 $0x0;
	[sflag:s15] =	ssyncadd.s32 $0xFFFFF000  }
0x108: {  	v0 =	vld [tilespmem:s18+$0x8C00]  }
0x109: {  	v1 =	vld [tilespmem:s18+$0x8C10]  }
0x10a: {  	s19 =	simm.s32 $0x80;
	v2 =	vld [tilespmem:s18+$0xCC00]  }
.LBB2_8:
0x10b: {  	p0 =	sne.s32 s19, $0xFF80;
	v3 =	vld [tilespmem:s18+$0xCC10];
	_ =	sdelay $0x3  }
.Ltmp8:
0x10c: {  	v2 =	vadd.f32 v0, v2;
	(pc) =	sbr.rel @p0 .LBB2_8-.Ltmp8, $4  }
0x10d: {  	s2 =	sshra.s32 s19, $0x2;
	v3 =	vadd.f32 v1, v3  }
0x10e: {  	v0 =	vld [tilespmem:s2+$0x8C00];
	v2 =	vmax.f32 v2, $0.0e+00  }
0x10f: {  	v1 =	vld [tilespmem:s2+$0x8C10];
	[tilespmem:s18+$0xCC00] =	vst v2;
	v3 =	vmax.f32 v3, $0.0e+00  }
0x110: {  	s19 =	sadd.s32 $0x80, s19;
	v2 =	vld [tilespmem:s2+$0xCC00];
	[tilespmem:s18+$0xCC10] =	vst v3;
	s18 =	smov.u32 s2  }
0x111: {  	v3 =	vld [tilespmem:s18+$0xCC10];
	_ =	sdelay $0x3  }
0x112: {  	v0 =	vadd.f32 v0, v2  }
0x113: {  	v1 =	vadd.f32 v1, v3  }
0x114: {  	v0 =	vmax.f32 v0, $0.0e+00  }
0x115: {  	[tilespmem:s18+$0xCC00] =	vst v0;
	v63 =	vmax.f32 v1, $0.0e+00  }
0x116: {  	s2 =	simm.s32 $0x8A00;
	s22 =	simm.s32 $0xCC00;
	[tilespmem:s18+$0xCC10] =	vst v63  }
0x117: {  	[spmem:s1] =	stream.indirect.scatter.add.f32 [tilespmem:s22], [sflag:$0x4], $0x20, s2, s28, $0xb8;
	[tilespmem:$0x15C00] =	vst v63  }
0x118: {  	_ =	swait.ge [sflag:s10], $0x1000  }
0x119: {  	[sflag:s10] =	ssyncset.done $0x0  }
0x11a: {  	s23 =	simm.s32 $0x8A80;
	s25 =	simm.s32 $0xDC00;
	[sflag:s10] =	ssyncadd.s32 $0xFFFFF000  }
0x11b: {  	[spmem:s1] =	stream.indirect.scatter.add.f32 [tilespmem:s25], [sflag:$0x4], $0x20, s23, s28, $0xb8;
	[tilespmem:$0x15C00] =	vst v63  }
0x11c: {  	_ =	swait.ge [sflag:s10], $0x1000  }
0x11d: {  	[sflag:s10] =	ssyncset.done $0x0  }
0x11e: {  	s19 =	simm.s32 $0x8B00;
	s22 =	simm.s32 $0xEC00;
	[sflag:s10] =	ssyncadd.s32 $0xFFFFF000  }
0x11f: {  	[spmem:s1] =	stream.indirect.scatter.add.f32 [tilespmem:s22], [sflag:$0x4], $0x20, s19, s28, $0xb8;
	[tilespmem:$0x15C00] =	vst v63  }
0x120: {  	_ =	swait.ge [sflag:s10], $0x1000  }
0x121: {  	s23 =	simm.s32 $0x8B80;
	[sflag:s10] =	ssyncset.done $0x0  }
.Ltmp9:
0x122: {  	s25 =	simm.s32 $0xFC00;
	[sflag:s10] =	ssyncadd.s32 $0xFFFFF000;
	(pc) =	sbr.rel .LBB2_10-.Ltmp9, $4  }
0x123: {  	[spmem:s1] =	stream.indirect.scatter.add.f32 [tilespmem:s25], [sflag:$0x3], $0x20, s23, s28, $0xb8;
	[tilespmem:$0x15C00] =	vst v63  }
0x124: {  	_ =	swait.ge [sflag:s24], $0x1000  }
0x125: {  	[sflag:s24] =	ssyncset.done $0x0  }
0x126: {  	[sflag:s24] =	ssyncadd.s32 $0xFFFFF000  }
.LBB2_12:
0x127: {  	_ =	sfence.sel $0x180000  }
0x128: {  	[bflag:$0x0] =	sbarrier.arrive $0xFFFF  }
0x129: {  	_ =	strace $0x9000004A  }
0x12a: {  	s0 =	stileid.u32;
	[bflag:$0x2] =	sbarrier.arrive $0xFFFF  }
0x12b: {  	p0 =	sne.s32 s0, $0x0;
	s0 =	rddreg [dreg:$0x3]  }
0x12c: {  	s0 =	sadd.s32 @!p0 $0x100000, s0  }
0x12d: {  	[sflag:s0] =	ssyncadd.tile.s32 @!p0 $0x1;
	_ =	shalt  }
.Lfunc_end2:
_tile_overlayer_lowered:
.L_overlay_start_2:
0x12e: {  	(tag) =	ssettag $0x2  }
0x12f: {  	s0 =	rddreg [dreg:$0x0];
	s2 =	stileid.u32  }
0x130: {  	s1 =	rddreg [dreg:$0x1];
	p0 =	sne.s32 s2, $0x0  }
0x131: {  	s3 =	rddreg [dreg:$0x2];
	[bflag:$0x3] =	sbarrier.arrive $0xFFFF;
	s2 =	simm.s32 @!p0 $0x1C03  }
0x132: {  	[timem:s3], [sflag:s2] =	dma.local @!p0 [hbm:s0], s1  }
0x133: {  	s0 =	simm.s32 @!p0 $0x3  }
0x134: {  	_ =	swait.ge @!p0 [sflag:s0], s1  }
0x135: {  	s1 =	ssub.s32 @!p0 $0x0, s1;
	[sflag:s0] =	ssyncset.done @!p0 $0x0  }
0x136: {  	[sflag:s0] =	ssyncadd.s32 @!p0 s1  }
0x137: {  	[bflag:$0x3] =	sbarrier.arrive $0xFFFF  }
0x138: {  	_ =	shalt  }

// kernel: kernel.9.cloned.1.call-start
scs
__scs_entry_jumppad:
0x0: {  	(pc) =	sbr.rel $0x88, $3  }
0x1: {  	(tag) =	ssettag $0x0;
	lr =	simm.s32 $0x1  }
0x2: {  	[smem:$0x3F8C] =	sst lr;
	_ =	strace $0xD0000000  }
0x3: {  	_ = 	snop  }
0x4: {  	_ = 	snop  }
0x5: {  	_ = 	snop  }
0x6: {  	_ = 	snop  }
0x7: {  	_ = 	snop  }
__scs_overlays_trampoline_lowered:
0x8: {  	[smem:$0x3F9B] =	sst s0  }
0x9: {  	[smem:$0x3F9C] =	sst s1  }
0xa: {  	[smem:$0x3F9D] =	sst s2  }
0xb: {  	[smem:$0x3F9E] =	sst s3  }
0xc: {  	[smem:$0x3F9F] =	sst s4  }
0xd: {  	[smem:$0x3FA0] =	sst s5  }
0xe: {  	[smem:$0x3FA1] =	sst s6  }
0xf: {  	[smem:$0x3FA2] =	sst s7  }
0x10: {  	[smem:$0x3FA3] =	sst s8  }
0x11: {  	[smem:$0x3FA4] =	sst s9;
	s0 =	simm.s32 @!p0 $0x0  }
0x12: {  	s1 =	sld [smem:$0x3F8A];
	s0 =	simm.s32 @p0 $0x1  }
0x13: {  	[smem:$0x3FA5] =	sst s0;
	s0 =	simm.s32 @!p1 $0x0  }
0x14: {  	s2 =	sld [smem:$0x3F89];
	s0 =	simm.s32 @p1 $0x1  }
0x15: {  	[smem:$0x3FA6] =	sst s0;
	s0 =	simm.s32 @!p2 $0x0  }
0x16: {  	s3 =	sld [smem:$0x3FDB];
	s0 =	simm.s32 @p2 $0x1  }
0x17: {  	s4 =	simm.s32 $0x1BF5;
	[smem:$0x3FA8] =	sst s0  }
0x18: {  	s0 =	sld [smem:$0x3F8B];
	_ =	swait.ge [sflag:s4], $0x0  }
0x19: {  	s7 =	sld [smem:$0x3F8C]  }
0x1a: {  	s8 =	sadd.s32 $0xFFFFE003, lr  }
0x1b: {  	s9 =	sadd.s32 $0xFFFFFEF7, lr;
	s5 =	simm.s32 $0xFFFFFFFF;
	p2 =	slt.u32 s8, $0xFFFFF086  }
0x1c: {  	p1 =	slt.u32 s9, $0xF7A;
	s5 =	simm.s32 @!p2 $0x0  }
0x1d: {  	s5 =	simm.s32 @p1 $0x1;
	p0 =	seq.s32 s7, s2  }
0x1e: {  	s7 =	smul.u32 @!p0 $0xF7A, s2;
	p2 =	seq.s32 @!p0 s5, $0x0  }
0x1f: {  	s9 =	smul.u32 $0xF7A, s1;
	s8 =	simm.s32 @!p0 $0x1BF5;
	p2 =	por !p2, p0  }
0x20: {  	[sflag:s8] =	ssyncset.s32 @!p0 $0xFFFFF086;
	s6 =	sadd.s32 @!p0 s3, s7;
	s7 =	simm.s32 @!p0 $0x108  }
0x21: {  	s3 =	sadd.s32 s3, s9;
	s6 =	sadd.s32 @!p0 $0x88, s6;
	s7 =	simm.s32 @p2 $0x1082  }
0x22: {  	[simem:s7], [sflag:s8] =	dma.local @!p0 [hbm:s6], $0xF7A  }
0x23: {  	s9 =	sor.u32 $0xD0000000, s2;
	s6 =	simm.s32 $0x108;
	_ =	swait.ge @!p0 [sflag:s8], $0x0  }
0x24: {  	s3 =	sadd.s32 $0x88, s3;
	s6 =	simm.s32 @!p1 $0x1082;
	[sflag:s4] =	ssyncset.s32 $0xFFFFF086  }
0x25: {  	[simem:s6], [sflag:s4] =	dma.local [hbm:s3], $0xF7A  }
0x26: {  	[smem:$0x3F8C] =	sst s1;
	(tag) =	ssettag s2;
	_ =	strace s9  }
0x27: {  	s1 =	sld [smem:$0x3F9C]  }
0x28: {  	s2 =	sld [smem:$0x3F9D]  }
0x29: {  	s4 =	sld [smem:$0x3F9F]  }
0x2a: {  	p0 =	seq.s32 s5, $0x0;
	s5 =	sld [smem:$0x3FA0]  }
0x2b: {  	s6 =	sld [smem:$0x3FA1]  }
0x2c: {  	s7 =	sld [smem:$0x3FA2]  }
0x2d: {  	s3 =	simm.s32 $0x108;
	s8 =	sld [smem:$0x3FA3]  }
0x2e: {  	s3 =	simm.s32 @!p0 $0x1082;
	s9 =	sld [smem:$0x3FA4]  }
0x2f: {  	lr =	sadd.s32 s0, s3;
	s0 =	sld [smem:$0x3F9B]  }
0x30: {  	s3 =	sld [smem:$0x3F9E]  }
0x31: {  	[smem:$0x3FA7] =	sst s10  }
0x32: {  	s10 =	sld [smem:$0x3FA5];
	_ =	sdelay $0x3  }
0x33: {  	p0 =	seq.s32 s10, $0x1;
	s10 =	sld [smem:$0x3FA7];
	_ =	sdelay $0x3  }
0x34: {  	[smem:$0x3FA7] =	sst s10  }
0x35: {  	s10 =	sld [smem:$0x3FA6];
	_ =	sdelay $0x3  }
0x36: {  	p1 =	seq.s32 s10, $0x1;
	s10 =	sld [smem:$0x3FA7];
	_ =	sdelay $0x3  }
0x37: {  	[smem:$0x3FA7] =	sst s10  }
0x38: {  	s10 =	sld [smem:$0x3FA8]  }
0x39: {  	_ = 	snop;
	(pc) =	sbr.ind lr, $3  }
0x3a: {  	_ = 	snop  }
0x3b: {  	_ = 	snop  }
0x3c: {  	p2 =	seq.s32 s10, $0x1;
	s10 =	sld [smem:$0x3FA7]  }
0x3d: {  	_ =	shalt  }
0x3e: {  	_ =	shalt  }
0x3f: {  	_ =	shalt  }
0x40: {  	_ =	shalt  }
0x41: {  	_ =	shalt  }
0x42: {  	_ =	shalt  }
0x43: {  	_ =	shalt  }
0x44: {  	_ =	shalt  }
0x45: {  	_ =	shalt  }
0x46: {  	_ =	shalt  }
0x47: {  	_ =	shalt  }
0x48: {  	_ =	shalt  }
0x49: {  	_ =	shalt  }
0x4a: {  	_ =	shalt  }
0x4b: {  	_ =	shalt  }
0x4c: {  	_ =	shalt  }
0x4d: {  	_ =	shalt  }
0x4e: {  	_ =	shalt  }
0x4f: {  	_ =	shalt  }
0x50: {  	_ =	shalt  }
0x51: {  	_ =	shalt  }
0x52: {  	_ =	shalt  }
0x53: {  	_ =	shalt  }
0x54: {  	_ =	shalt  }
0x55: {  	_ =	shalt  }
0x56: {  	_ =	shalt  }
0x57: {  	_ =	shalt  }
0x58: {  	_ =	shalt  }
0x59: {  	_ =	shalt  }
0x5a: {  	_ =	shalt  }
0x5b: {  	_ =	shalt  }
0x5c: {  	_ =	shalt  }
0x5d: {  	_ =	shalt  }
0x5e: {  	_ =	shalt  }
0x5f: {  	_ =	shalt  }
0x60: {  	_ =	shalt  }
0x61: {  	_ =	shalt  }
0x62: {  	_ =	shalt  }
0x63: {  	_ =	shalt  }
0x64: {  	_ =	shalt  }
0x65: {  	_ =	shalt  }
0x66: {  	_ =	shalt  }
0x67: {  	_ =	shalt  }
0x68: {  	_ =	shalt  }
0x69: {  	_ =	shalt  }
0x6a: {  	_ =	shalt  }
0x6b: {  	_ =	shalt  }
0x6c: {  	_ =	shalt  }
0x6d: {  	_ =	shalt  }
0x6e: {  	_ =	shalt  }
0x6f: {  	_ =	shalt  }
0x70: {  	_ =	shalt  }
0x71: {  	_ =	shalt  }
0x72: {  	_ =	shalt  }
0x73: {  	_ =	shalt  }
0x74: {  	_ =	shalt  }
0x75: {  	_ =	shalt  }
0x76: {  	_ =	shalt  }
0x77: {  	_ =	shalt  }
0x78: {  	_ =	shalt  }
0x79: {  	_ =	shalt  }
0x7a: {  	_ =	shalt  }
0x7b: {  	_ =	shalt  }
0x7c: {  	_ =	shalt  }
0x7d: {  	_ =	shalt  }
0x7e: {  	_ =	shalt  }
0x7f: {  	_ =	shalt  }
0x80: {  	_ =	shalt  }
0x81: {  	_ =	shalt  }
0x82: {  	_ =	shalt  }
0x83: {  	_ =	shalt  }
0x84: {  	_ =	shalt  }
0x85: {  	_ =	shalt  }
0x86: {  	_ =	shalt  }
0x87: {  	_ =	shalt  }
.Lfunc_end0:
.L_simem_size_0:
called_computation_lowered:
.L_overlay_start_0:
0x88: {  	s2 =	sld [smem:$0x3FD9]  }
0x89: {  	s3 =	sld [smem:$0x3FFE];
	_ =	sdelay $0x1  }
0x8a: {  	s1 =	srdreg.scid  }
0x8b: {  	s0 =	sand.u32 $0x1, s1  }
0x8c: {  	s17 =	sshll.u32 s0, $0xA;
	s2 =	sadd.s32 s3, s2  }
0x8d: {  	s2 =	sadd.s32 s2, s17  }
0x8e: {  	[smem:$0x3FB3] =	sst s2  }
0x8f: {  	_ = 	snop  }
0x90: {  	s2 =	sld [smem:$0x3FD0];
	(tm) =	ssettm $0x1  }
0x91: {  	s18 =	sld [smem:$0x3FFB];
	_ =	sdelay $0x3  }
0x92: {  	_ =	strace s18  }
0x93: {  	s3 =	sld [smem:$0x3FFC];
	_ =	sdelay $0x3  }
0x94: {  	_ =	strace s3  }
0x95: {  	s3 =	sld [smem:$0x3FFD];
	_ =	sdelay $0x3  }
0x96: {  	_ =	strace s3  }
0x97: {  	_ =	strace $0x8FFFFFFF  }
0x98: {  	s19 =	sld [smem:$0x3FDB];
	_ =	sdelay $0x1  }
0x99: {  	s4 =	simm.s32 $_scs_section_size  }
0x9a: {  	s5 =	simm.s32 $_size__tile_overlayer_lowered;
	s6 =	simm.s32 $_tile_overlayer_lowered  }
0x9b: {  	s22 =	simm.s32 $0x1BFF;
	s21 =	sshll.u32 s6, $0x1;
	s3 =	sadd.s32 s4, s19  }
0x9c: {  	s7 =	simm.s32 $0x0;
	s20 =	sshll.u32 s5, $0x1;
	s5 =	sadd.s32 s21, s3  }
0x9d: {  	[timem:s7], [sflag:s22] =	dma.local [hbm:s5], s20  }
0x9e: {  	_ =	swait.ge [sflag:s22], s20  }
0x9f: {  	s4 =	ssub.s32 $0x0, s20;
	[sflag:s22] =	ssyncset.done $0x0  }
0xa0: {  	[sflag:s22] =	ssyncadd.s32 s4;
	_ =	sdelay $0x1  }
0xa1: {  	s23 =	simm.s32 $0x1B8B  }
0xa2: {  	_ =	swait.ge [sflag:s23], $0x1  }
0xa3: {  	[sflag:s23] =	ssyncset.done $0x0  }
0xa4: {  	s25 =	simm.s32 $0x1B8E;
	s24 =	sld [smem:$0x3FFE];
	[sflag:s23] =	ssyncadd.s32 $0xFFFFFFFF  }
0xa5: {  	s26 =	simm.s32 $execute0_lowered;
	[smem:$0x3FD2] =	sst s25  }
0xa6: {  	s5 =	sshll.u32 s26, $0x1;
	_ =	strace $0x80000046;
	[dreg:$0x1] =	wrdreg $0xFFFFFFFF  }
0xa7: {  	s28 =	simm.s32 $_size_execute0_lowered;
	s3 =	sadd.s32 s3, s5;
	[dreg:$0x0] =	wrdreg $0x0  }
0xa8: {  	s5 =	sshll.u32 s28, $0x1;
	[dreg:$0x2] =	wrdreg s3  }
0xa9: {  	[dreg:$0x3] =	wrdreg s5  }
0xaa: {  	[dreg:$0x4] =	wrdreg $0xC0  }
0xab: {  	_ =	task [dreg:s7], $0x5FFFF  }
0xac: {  	[dreg:$0x1] =	wrdreg $0xFFFFFFFF  }
0xad: {  	[dreg:$0x0] =	wrdreg $0x60  }
0xae: {  	[dreg:$0x2] =	wrdreg s24  }
0xaf: {  	[dreg:$0x3] =	wrdreg s2  }
0xb0: {  	[dreg:$0x4] =	wrdreg $0x188000  }
0xb1: {  	[dreg:$0x5] =	wrdreg $0x9  }
0xb2: {  	_ =	task.clear_ibuf [dreg:s7], $0x6FFFF;
	_ =	strace $0x90000046  }
0xb3: {  	s29 =	simm.s32 $0x9;
	_ =	strace $0x80000048  }
0xb4: {  	_ =	swait.ge [sflag:s29], $0x1  }
0xb5: {  	[sflag:s29] =	ssyncadd.s32 $0xFFFFFFFF  }
0xb6: {  	_ =	strace $0x90000048  }
0xb7: {  	_ =	sfence  }
0xb8: {  	s30 =	sld [smem:$0x0];
	_ =	sdelay $0x2  }
0xb9: {  	s31 =	sshll.u32 s1, $0xD;
	s1 =	sshrl.u32 s1, $0x2  }
0xba: {  	s3 =	sand.u32 $0x4000, s31;
	s1 =	sadd.s32 s1, s30  }
0xbb: {  	s0 =	sor.u32 s3, s0;
	s1 =	sshll.u32 s1, $0x11  }
0xbc: {  	s0 =	sor.u32 s1, s0  }
0xbd: {  	s0 =	sadd.s32 $0x8F2B, s0  }
0xbe: {  	[sflag:s0] =	ssyncadd.remote.s32 $0x1  }
0xbf: {  	_ =	sfence.sel $0xFFFF  }
0xc0: {  	[dreg:$0x0] =	wrdreg $0xFFFFFFFF;
	(pc) =	sbr.abs _section_cstart, $3  }
0xc1: {  	[dreg:$0x1] =	wrdreg $0xFFFFFFFF  }
0xc2: {  	_ =	task.clear_ibuf [dreg:s7], $0x2FFFF;
	_ =	strace $0x9FFFFFFF  }
0xc3: {  	(tm) =	ssettm $0x7FFFFFFF  }
tec
execute0_lowered:
.L_overlay_start_1:
0x0: {  	(tag) =	ssettag $0x1  }
0x1: {  	s0 =	rddreg [dreg:$0x0]  }
0x2: {  	s2 =	rddreg [dreg:$0x1]  }
0x3: {  	s1 =	rddreg [dreg:$0x2];
	s3 =	simm.s32 $0x0;
	s26 =	srdreg.scid  }
0x4: {  	s16 =	stileid.u32;
	s30 =	simm.s32 $0x200;
	s31 =	simm.s32 $0x1  }
0x5: {  	s29 =	simm.s32 $0x280;
	[smem:$0x7FF] =	sst s3;
	s4 =	sadd.s32 $0x2AA00, s0  }
0x6: {  	s10 =	smul.u32 $0xA00, s16;
	s5 =	sadd.s32 $0x34800, s0;
	s6 =	sadd.s32 $0x53F000, s0  }
0x7: {  	s3 =	sand.u32 $0x1, s26;
	s7 =	sadd.s32 $0x52B400, s0;
	s17 =	sadd.s32 $0x535200, s0  }
0x8: {  	s9 =	sadd.s32 $0x3E600, s0;
	s13 =	sshll.u32 s16, $0x1;
	s14 =	smul.u32 $0x5000, s16  }
0x9: {  	s19 =	sshll.u32 s16, $0x6;
	s24 =	sadd.s32 $0x53F004, s0;
	_ =	strace $0x80000047  }
0xa: {  	s11 =	smul.u32 $0xA000, s3;
	s28 =	ssub.s32 $0x2, s3;
	[dreg:$0x10] =	wrdreg s7  }
0xb: {  	s8 =	sor.u32 s3, s13;
	s16 =	sor.u32 $0x1C03, s19;
	[dreg:$0x11] =	wrdreg s17  }
0xc: {  	s19 =	simm.s32 $0x300;
	s12 =	sshrl.u32 s28, $0x1;
	s13 =	sadd.s32 s14, s1  }
0xd: {  	s18 =	sshrl.u32 s14, $0x3;
	s20 =	sshll.u32 s8, $0x6;
	[dreg:$0x4] =	wrdreg s8  }
0xe: {  	s22 =	sshll.u32 s8, $0xB;
	s8 =	smov.u32 s24;
	s14 =	simm.s32 $0x8400  }
0xf: {  	[dreg:$0x7] =	wrdreg s16;
	s10 =	sadd.s32 s10, s11;
	s11 =	ssub.s32 s28, s12  }
0x10: {  	[dreg:$0x5] =	wrdreg s13;
	s2 =	sadd.s32 s2, s18;
	s21 =	sadd.s32 s7, s20  }
0x11: {  	s7 =	smov.u32 s6;
	s23 =	sadd.s32 s6, s22;
	s18 =	sadd.s32 $0x53F008, s0  }
0x12: {  	s3 =	sadd.s32 s22, s24;
	s24 =	sadd.s32 $0x3E608, s0;
	[dreg:$0x6] =	wrdreg s2  }
0x13: {  	s12 =	simm.s32 $0x20;
	s6 =	simm.s32 $0xB400;
	[dreg:$0x8] =	wrdreg s21  }
0x14: {  	s13 =	simm.s32 $0x4;
	s15 =	sadd.s32 s10, s0;
	[dreg:$0xa] =	wrdreg s23  }
0x15: {  	s2 =	sadd.s32 s17, s20;
	[dreg:$0xb] =	wrdreg s3;
	s25 =	sadd.s32 s22, s18  }
0x16: {  	s21 =	sadd.s32 $0x53F00C, s0;
	s23 =	sadd.s32 $0x3E604, s0;
	s28 =	smax.u32 s11, $0x1  }
0x17: {  	s10 =	simm.s32 $0x3;
	s20 =	simm.s32 $0x9400;
	s11 =	simm.s32 $0x2  }
.Ltmp0:
0x18: {  	s17 =	simm.s32 $0xB400;
	[dreg:$0x9] =	wrdreg s2;
	(pc) =	sbr.rel .LBB2_1-.Ltmp0, $4  }
0x19: {  	[dreg:$0xc] =	wrdreg s25;
	s2 =	sadd.s32 s22, s21;
	s25 =	sadd.s32 $0x3E60C, s0  }
0x1a: {  	s26 =	sadd.s32 $0x176E00, s15;
	[dreg:$0xf] =	wrdreg s28;
	s0 =	simm.s32 $0x80  }
0x1b: {  	s15 =	simm.s32 $0x280;
	s22 =	simm.s32 $0x380;
	[dreg:$0xd] =	wrdreg s2  }
0x1c: {  	[dreg:$0xe] =	wrdreg s26;
	s2 =	simm.s32 $0x0;
	s26 =	simm.s32 $0xA400  }
.LBB2_11:
0x1d: {  	[bflag:$0x0] =	sbarrier.arrive $0xFFFF  }
0x1e: {  	s16 =	rddreg [dreg:$0x7]  }
0x1f: {  	s3 =	rddreg [dreg:$0xe]  }
0x20: {  	s10 =	simm.s32 $0x3;
	s2 =	rddreg [dreg:$0x13]  }
0x21: {  	[hbm:s3], [sflag:s16] =	dma.local [spmem:s2], $0xA00  }
0x22: {  	_ =	swait.ge [sflag:s10], $0xA00  }
0x23: {  	s22 =	rddreg [dreg:$0x12]  }
0x24: {  	s28 =	rddreg [dreg:$0xf];
	s2 =	sadd.s32 $0x1, s22  }
0x25: {  	p0 =	sne.s32 s2, s28  }
.Ltmp1:
0x26: {  	_ = 	snop;
	(pc) =	sbr.rel @!p0 .LBB2_12-.Ltmp1, $3  }
0x27: {  	_ =	sdelay $0x1  }
0x28: {  	s15 =	simm.s32 $0x280;
	s19 =	simm.s32 $0x300;
	[sflag:s10] =	ssyncset.done $0x0  }
0x29: {  	s6 =	simm.s32 $0xB400;
	[sflag:s10] =	ssyncadd.s32 $0xFFFFF600;
	s22 =	simm.s32 $0x380  }
.LBB2_1:
0x2a: {  	[dreg:$0x12] =	wrdreg s2  }
0x2b: {  	s3 =	rddreg [dreg:$0x5]  }
0x2c: {  	s2 =	sshrl.u32 s3, $0x3;
	s3 =	rddreg [dreg:$0x6]  }
0x2d: {  	[dreg:$0x13] =	wrdreg s2  }
0x2e: {  	[spmem:s2], [sflag:s16] =	dma.local [hbm:s3], $0xA00  }
0x2f: {  	_ =	swait.ge [sflag:s10], $0xA00  }
0x30: {  	[sflag:s10] =	ssyncset.done $0x0  }
0x31: {  	[sflag:s10] =	ssyncadd.s32 $0xFFFFF600  }
0x32: {  	[bflag:$0x0] =	sbarrier.arrive $0xFFFF  }
0x33: {  	s3 =	simm.s32 $0x0;
	s2 =	rddreg [dreg:$0x8]  }
0x34: {  	[tilespmem:s3], [sflag:$0x1] =	stream.linear.gather [hbm4b:s2+s3], $0x200, $0x38;
	[tilespmem:$0x1D800] =	vst v63  }
0x35: {  	s16 =	rddreg [dreg:$0x9]  }
0x36: {  	[tilespmem:s30], [sflag:$0x1] =	stream.linear.gather [hbm4b:s16+s3], $0x200, $0x38;
	[tilespmem:$0x1D800] =	vst v63  }
0x37: {  	_ =	swait.ge [sflag:s31], $0x200  }
0x38: {  	[sflag:s31] =	ssyncset.done $0x0  }
0x39: {  	[sflag:s31] =	ssyncadd.s32 $0xFFFFFE00  }
0x3a: {  	_ =	swait.ge [sflag:s31], $0x200  }
0x3b: {  	[sflag:s31] =	ssyncset.done $0x0  }
0x3c: {  	s2 =	simm.s32 $0x400;
	[sflag:s31] =	ssyncadd.s32 $0xFFFFFE00  }
0x3d: {  	[tilespmem:s2], [sflag:$0x1] =	stream.indirect.gather [hbm4b:s4+s0], $0x20, s3, s0, $0xb8;
	[tilespmem:$0x1D800] =	vst v63  }
0x3e: {  	s16 =	simm.s32 $0x4400  }
0x3f: {  	[tilespmem:s16], [sflag:$0x1] =	stream.indirect.gather [hbm4b:s5+s0], $0x20, s30, s0, $0xb8;
	[tilespmem:$0x1D800] =	vst v63  }
0x40: {  	s30 =	rddreg [dreg:$0xa]  }
0x41: {  	[tilespmem:s14], [sflag:$0x1] =	stream.strided.gather [hbm4b:s30+s12], $0x1000, s0, s12, $0x38;
	[tilespmem:$0x1D800] =	vst v63  }
0x42: {  	s2 =	simm.s32 $0x1400  }
0x43: {  	[tilespmem:s2], [sflag:$0x1] =	stream.indirect.gather [hbm4b:s4+s0], $0x20, s0, s0, $0xb8;
	[tilespmem:$0x1D800] =	vst v63  }
0x44: {  	s10 =	simm.s32 $0x5400  }
0x45: {  	[tilespmem:s10], [sflag:$0x1] =	stream.indirect.gather [hbm4b:s5+s0], $0x20, s15, s0, $0xb8;
	[tilespmem:$0x1D800] =	vst v63  }
0x46: {  	s16 =	rddreg [dreg:$0xb]  }
0x47: {  	[tilespmem:s20], [sflag:$0x1] =	stream.strided.gather [hbm4b:s16+s12], $0x1000, s0, s12, $0x38;
	[tilespmem:$0x1D800] =	vst v63  }
0x48: {  	s30 =	simm.s32 $0x100;
	s2 =	simm.s32 $0x2400  }
0x49: {  	[tilespmem:s2], [sflag:$0x1] =	stream.indirect.gather [hbm4b:s4+s0], $0x20, s30, s0, $0xb8;
	[tilespmem:$0x1D800] =	vst v63  }
0x4a: {  	s3 =	simm.s32 $0x6400  }
0x4b: {  	[tilespmem:s3], [sflag:$0x1] =	stream.indirect.gather [hbm4b:s5+s0], $0x20, s19, s0, $0xb8;
	[tilespmem:$0x1D800] =	vst v63  }
0x4c: {  	s10 =	rddreg [dreg:$0xc];
	s2 =	simm.s32 $0xA400  }
0x4d: {  	[tilespmem:s2], [sflag:$0x1] =	stream.strided.gather [hbm4b:s10+s12], $0x1000, s0, s12, $0x38;
	[tilespmem:$0x1D800] =	vst v63  }
0x4e: {  	s15 =	simm.s32 $0x180;
	s16 =	simm.s32 $0x3400  }
0x4f: {  	[tilespmem:s16], [sflag:$0x1] =	stream.indirect.gather [hbm4b:s4+s0], $0x20, s15, s0, $0xb8;
	[tilespmem:$0x1D800] =	vst v63  }
.Ltmp2:
0x50: {  	_ = 	snop;
	(pc) =	sbr.rel .LBB2_2-.Ltmp2, $4  }
0x51: {  	s19 =	simm.s32 $0x7400  }
0x52: {  	[tilespmem:s19], [sflag:$0x1] =	stream.indirect.gather [hbm4b:s5+s0], $0x20, s22, s0, $0xb8;
	[tilespmem:$0x1D800] =	vst v63  }
0x53: {  	s28 =	simm.s32 $0x0;
	s30 =	rddreg [dreg:$0xd]  }
0x54: {  	[tilespmem:s6], [sflag:$0x1] =	stream.strided.gather [hbm4b:s30+s12], $0x1000, s0, s12, $0x38;
	[tilespmem:$0x1D800] =	vst v63  }
.LBB2_10:
0x55: {  	s28 =	sadd.s32 $0x1, s28  }
0x56: {  	p0 =	sne.s32 s28, $0xA  }
.Ltmp3:
0x57: {  	_ = 	snop;
	(pc) =	sbr.rel @!p0 .LBB2_11-.Ltmp3, $1  }
0x58: {  	_ =	sdelay $0x3  }
.LBB2_2:
0x59: {  	s3 =	sshll.u32 s28, $0x6;
	s10 =	rddreg [dreg:$0x4]  }
0x5a: {  	s22 =	sor.u32 s10, s3  }
0x5b: {  	s15 =	sor.u32 $0x20, s22  }
0x5c: {  	p0 =	sgt.u32 s15, $0x270  }
0x5d: {  	s6 =	rddreg [dreg:$0x10];
	s3 =	sshll.u32 @!p0 s15, $0x6;
	s19 =	simm.s32 @!p0 $0x0  }
0x5e: {  	s10 =	simm.s32 @!p0 $0xC400;
	s16 =	sadd.s32 @!p0 s6, s3;
	s6 =	rddreg [dreg:$0x11]  }
0x5f: {  	[tilespmem:s10], [sflag:$0x2] =	stream.linear.gather @!p0 [hbm4b:s16+s19], $0x200, $0x38;
	[tilespmem:$0x1D800] =	vst v63  }
0x60: {  	s3 =	sadd.s32 @!p0 s6, s3;
	s16 =	simm.s32 @!p0 $0xC600  }
0x61: {  	[tilespmem:s16], [sflag:$0x2] =	stream.linear.gather @!p0 [hbm4b:s3+s19], $0x200, $0x38;
	[tilespmem:$0x1D800] =	vst v63  }
0x62: {  	s3 =	simm.s32 @!p0 $0x2  }
0x63: {  	_ =	swait.ge @!p0 [sflag:s3], $0x200  }
0x64: {  	[sflag:s3] =	ssyncset.done @!p0 $0x0  }
0x65: {  	[sflag:s3] =	ssyncadd.s32 @!p0 $0xFFFFFE00  }
0x66: {  	_ =	swait.ge @!p0 [sflag:s3], $0x200  }
0x67: {  	[sflag:s3] =	ssyncset.done @!p0 $0x0  }
0x68: {  	s19 =	simm.s32 @!p0 $0xC800;
	[sflag:s3] =	ssyncadd.s32 @!p0 $0xFFFFFE00;
	s3 =	simm.s32 @!p0 $0x80  }
0x69: {  	[tilespmem:s19], [sflag:$0x2] =	stream.indirect.gather @!p0 [hbm4b:s4+s3], $0x20, s10, s3, $0xb8;
	[tilespmem:$0x1D800] =	vst v63  }
0x6a: {  	s10 =	simm.s32 @!p0 $0x10800  }
0x6b: {  	[tilespmem:s10], [sflag:$0x2] =	stream.indirect.gather @!p0 [hbm4b:s5+s3], $0x20, s16, s3, $0xb8;
	[tilespmem:$0x1D800] =	vst v63  }
0x6c: {  	s10 =	sshll.u32 @!p0 s15, $0xB  }
0x6d: {  	s30 =	simm.s32 @!p0 $0x14800;
	s19 =	simm.s32 @!p0 $0x20;
	s16 =	sadd.s32 @!p0 s7, s10  }
0x6e: {  	[tilespmem:s30], [sflag:$0x2] =	stream.strided.gather @!p0 [hbm4b:s16+s19], $0x1000, s3, s19, $0x38;
	[tilespmem:$0x1D800] =	vst v63  }
0x6f: {  	s16 =	simm.s32 @!p0 $0xC480;
	s30 =	simm.s32 @!p0 $0xD800  }
0x70: {  	[tilespmem:s30], [sflag:$0x2] =	stream.indirect.gather @!p0 [hbm4b:s4+s3], $0x20, s16, s3, $0xb8;
	[tilespmem:$0x1D800] =	vst v63  }
0x71: {  	s16 =	simm.s32 @!p0 $0xC680;
	s30 =	simm.s32 @!p0 $0x11800  }
0x72: {  	[tilespmem:s30], [sflag:$0x2] =	stream.indirect.gather @!p0 [hbm4b:s5+s3], $0x20, s16, s3, $0xb8;
	[tilespmem:$0x1D800] =	vst v63  }
0x73: {  	s16 =	sadd.s32 @!p0 s10, s8;
	s30 =	simm.s32 @!p0 $0x15800  }
0x74: {  	[tilespmem:s30], [sflag:$0x2] =	stream.strided.gather @!p0 [hbm4b:s16+s19], $0x1000, s3, s19, $0x38;
	[tilespmem:$0x1D800] =	vst v63  }
0x75: {  	s16 =	simm.s32 @!p0 $0xC500;
	s30 =	simm.s32 @!p0 $0xE800  }
0x76: {  	[tilespmem:s30], [sflag:$0x2] =	stream.indirect.gather @!p0 [hbm4b:s4+s3], $0x20, s16, s3, $0xb8;
	[tilespmem:$0x1D800] =	vst v63  }
0x77: {  	s16 =	simm.s32 @!p0 $0xC700;
	s30 =	simm.s32 @!p0 $0x12800  }
0x78: {  	[tilespmem:s30], [sflag:$0x2] =	stream.indirect.gather @!p0 [hbm4b:s5+s3], $0x20, s16, s3, $0xb8;
	[tilespmem:$0x1D800] =	vst v63  }
0x79: {  	s16 =	sadd.s32 @!p0 s10, s18;
	s30 =	simm.s32 @!p0 $0x16800  }
0x7a: {  	[tilespmem:s30], [sflag:$0x2] =	stream.strided.gather @!p0 [hbm4b:s16+s19], $0x1000, s3, s19, $0x38;
	[tilespmem:$0x1D800] =	vst v63  }
0x7b: {  	s16 =	simm.s32 @!p0 $0xC580;
	s30 =	simm.s32 @!p0 $0xF800  }
0x7c: {  	[tilespmem:s30], [sflag:$0x2] =	stream.indirect.gather @!p0 [hbm4b:s4+s3], $0x20, s16, s3, $0xb8;
	[tilespmem:$0x1D800] =	vst v63  }
0x7d: {  	s16 =	simm.s32 @!p0 $0xC780;
	s30 =	simm.s32 @!p0 $0x13800  }
0x7e: {  	[tilespmem:s30], [sflag:$0x2] =	stream.indirect.gather @!p0 [hbm4b:s5+s3], $0x20, s16, s3, $0xb8;
	[tilespmem:$0x1D800] =	vst v63  }
0x7f: {  	s10 =	sadd.s32 @!p0 s10, s21;
	s16 =	simm.s32 @!p0 $0x17800  }
0x80: {  	[tilespmem:s16], [sflag:$0x2] =	stream.strided.gather @!p0 [hbm4b:s10+s19], $0x1000, s3, s19, $0x38;
	[tilespmem:$0x1D800] =	vst v63  }
0x81: {  	_ =	swait.ge [sflag:s31], $0x1000  }
0x82: {  	[sflag:s31] =	ssyncset.done $0x0  }
0x83: {  	[sflag:s31] =	ssyncadd.s32 $0xFFFFF000  }
0x84: {  	_ =	swait.ge [sflag:s31], $0x1000  }
0x85: {  	[sflag:s31] =	ssyncset.done $0x0  }
0x86: {  	[sflag:s31] =	ssyncadd.s32 $0xFFFFF000  }
0x87: {  	_ =	swait.ge [sflag:s31], $0x1000  }
0x88: {  	[sflag:s31] =	ssyncset.done $0x0  }
0x89: {  	[sflag:s31] =	ssyncadd.s32 $0xFFFFF000  }
0x8a: {  	_ =	swait.ge [sflag:s31], $0x1000  }
0x8b: {  	[sflag:s31] =	ssyncset.done $0x0  }
0x8c: {  	[sflag:s31] =	ssyncadd.s32 $0xFFFFF000  }
0x8d: {  	_ =	swait.ge [sflag:s31], $0x1000  }
0x8e: {  	[sflag:s31] =	ssyncset.done $0x0  }
0x8f: {  	[sflag:s31] =	ssyncadd.s32 $0xFFFFF000  }
0x90: {  	_ =	swait.ge [sflag:s31], $0x1000  }
0x91: {  	[sflag:s31] =	ssyncset.done $0x0  }
0x92: {  	[sflag:s31] =	ssyncadd.s32 $0xFFFFF000  }
0x93: {  	_ =	swait.ge [sflag:s31], $0x1000  }
0x94: {  	[sflag:s31] =	ssyncset.done $0x0  }
0x95: {  	[sflag:s31] =	ssyncadd.s32 $0xFFFFF000  }
0x96: {  	_ =	swait.ge [sflag:s31], $0x1000  }
0x97: {  	[sflag:s31] =	ssyncset.done $0x0  }
0x98: {  	[sflag:s31] =	ssyncadd.s32 $0xFFFFF000  }
0x99: {  	_ =	swait.ge [sflag:s31], $0x1000  }
0x9a: {  	[sflag:s31] =	ssyncset.done $0x0  }
0x9b: {  	[sflag:s31] =	ssyncadd.s32 $0xFFFFF000  }
0x9c: {  	_ =	swait.ge [sflag:s31], $0x1000  }
0x9d: {  	[sflag:s31] =	ssyncset.done $0x0  }
0x9e: {  	[sflag:s31] =	ssyncadd.s32 $0xFFFFF000  }
0x9f: {  	_ =	swait.ge [sflag:s31], $0x1000  }
0xa0: {  	[sflag:s31] =	ssyncset.done $0x0  }
0xa1: {  	[sflag:s31] =	ssyncadd.s32 $0xFFFFF000  }
0xa2: {  	_ =	swait.ge [sflag:s31], $0x1000  }
0xa3: {  	[sflag:s31] =	ssyncset.done $0x0  }
0xa4: {  	s3 =	simm.s32 $0x0;
	[sflag:s31] =	ssyncadd.s32 $0xFFFFF000  }
0xa5: {  	v0 =	vld [tilespmem:s3+$0x400]  }
0xa6: {  	v1 =	vld [tilespmem:s3+$0x410]  }
0xa7: {  	s19 =	sadd.s32 $0x40, s22;
	s16 =	simm.s32 $0x80;
	v2 =	vld [tilespmem:s3+$0x8400]  }
.LBB2_3:
0xa8: {  	p1 =	sne.s32 s16, $0xFF80;
	v3 =	vld [tilespmem:s3+$0x8410]  }
0xa9: {  	v4 =	vld [tilespmem:s3+$0x4400]  }
0xaa: {  	v5 =	vld [tilespmem:s3+$0x4410];
	_ =	sdelay $0x1  }
0xab: {  	v0 =	vadd.f32 v0, v2  }
0xac: {  	v1 =	vadd.f32 v1, v3  }
.Ltmp4:
0xad: {  	v2 =	vadd.f32 v4, v0;
	(pc) =	sbr.rel @p1 .LBB2_3-.Ltmp4, $4  }
0xae: {  	s10 =	sshra.s32 s16, $0x2;
	v3 =	vadd.f32 v5, v1  }
0xaf: {  	v0 =	vld [tilespmem:s10+$0x400];
	v2 =	vmax.f32 v2, $0.0e+00  }
0xb0: {  	v1 =	vld [tilespmem:s10+$0x410];
	[tilespmem:s3+$0x8400] =	vst v2;
	v3 =	vmax.f32 v3, $0.0e+00  }
0xb1: {  	s16 =	sadd.s32 $0x80, s16;
	v2 =	vld [tilespmem:s10+$0x8400];
	[tilespmem:s3+$0x8410] =	vst v3;
	s3 =	smov.u32 s10  }
0xb2: {  	v3 =	vld [tilespmem:s3+$0x8410]  }
0xb3: {  	v4 =	vld [tilespmem:s3+$0x4400]  }
0xb4: {  	v5 =	vld [tilespmem:s3+$0x4410];
	_ =	sdelay $0x1  }
0xb5: {  	v0 =	vadd.f32 v0, v2  }
0xb6: {  	v1 =	vadd.f32 v1, v3  }
0xb7: {  	v0 =	vadd.f32 v4, v0  }
0xb8: {  	v1 =	vadd.f32 v5, v1  }
0xb9: {  	v0 =	vmax.f32 v0, $0.0e+00  }
0xba: {  	s10 =	sshll.u32 s22, $0xB;
	[tilespmem:s3+$0x8400] =	vst v0;
	v63 =	vmax.f32 v1, $0.0e+00  }
0xbb: {  	s16 =	sadd.s32 s9, s10;
	[tilespmem:s3+$0x8410] =	vst v63  }
0xbc: {  	[hbm4b:s16+s12] =	stream.strided.scatter [tilespmem:s14], [sflag:$0x4], $0x1000, s0, s12, $0x38;
	[tilespmem:$0x1D800] =	vst v63  }
0xbd: {  	_ =	swait.ge [sflag:s13], $0x1000  }
0xbe: {  	[sflag:s13] =	ssyncset.done $0x0  }
0xbf: {  	s30 =	simm.s32 $0x200;
	[sflag:s13] =	ssyncadd.s32 $0xFFFFF000  }
0xc0: {  	[spmem:s1] =	stream.indirect.scatter.add.f32 [tilespmem:s14], [sflag:$0x4], $0x20, s30, s0, $0xb8;
	[tilespmem:$0x1D800] =	vst v63  }
0xc1: {  	_ =	swait.ge [sflag:s13], $0x1000  }
0xc2: {  	[sflag:s13] =	ssyncset.done $0x0  }
0xc3: {  	s6 =	sadd.s32 s10, s23;
	[sflag:s13] =	ssyncadd.s32 $0xFFFFF000  }
0xc4: {  	[hbm4b:s6+s12] =	stream.strided.scatter [tilespmem:s20], [sflag:$0x4], $0x1000, s0, s12, $0x38;
	[tilespmem:$0x1D800] =	vst v63  }
0xc5: {  	_ =	swait.ge [sflag:s13], $0x1000  }
0xc6: {  	[sflag:s13] =	ssyncset.done $0x0  }
0xc7: {  	[sflag:s13] =	ssyncadd.s32 $0xFFFFF000  }
0xc8: {  	[spmem:s1] =	stream.indirect.scatter.add.f32 [tilespmem:s20], [sflag:$0x4], $0x20, s29, s0, $0xb8;
	[tilespmem:$0x1D800] =	vst v63  }
0xc9: {  	_ =	swait.ge [sflag:s13], $0x1000  }
0xca: {  	[sflag:s13] =	ssyncset.done $0x0  }
0xcb: {  	s14 =	sadd.s32 s10, s24;
	[sflag:s13] =	ssyncadd.s32 $0xFFFFF000  }
0xcc: {  	[hbm4b:s14+s12] =	stream.strided.scatter [tilespmem:s2], [sflag:$0x4], $0x1000, s0, s12, $0x38;
	[tilespmem:$0x1D800] =	vst v63  }
0xcd: {  	_ =	swait.ge [sflag:s13], $0x1000  }
0xce: {  	[sflag:s13] =	ssyncset.done $0x0  }
0xcf: {  	s14 =	simm.s32 $0x300;
	[sflag:s13] =	ssyncadd.s32 $0xFFFFF000  }
0xd0: {  	[spmem:s1] =	stream.indirect.scatter.add.f32 [tilespmem:s26], [sflag:$0x4], $0x20, s14, s0, $0xb8;
	[tilespmem:$0x1D800] =	vst v63  }
0xd1: {  	_ =	swait.ge [sflag:s13], $0x1000  }
0xd2: {  	[sflag:s13] =	ssyncset.done $0x0  }
0xd3: {  	s16 =	sadd.s32 s10, s25;
	[sflag:s13] =	ssyncadd.s32 $0xFFFFF000  }
0xd4: {  	[hbm4b:s16+s12] =	stream.strided.scatter [tilespmem:s17], [sflag:$0x4], $0x1000, s0, s12, $0x38;
	[tilespmem:$0x1D800] =	vst v63  }
0xd5: {  	_ =	swait.ge [sflag:s13], $0x1000  }
0xd6: {  	p1 =	sgt.u32 s22, $0x230;
	[sflag:s13] =	ssyncset.done $0x0  }
.Ltmp5:
0xd7: {  	s6 =	simm.s32 $0x380;
	[sflag:s13] =	ssyncadd.s32 $0xFFFFF000;
	(pc) =	sbr.rel @p1 .LBB2_6-.Ltmp5, $4  }
0xd8: {  	[spmem:s1] =	stream.indirect.scatter.add.f32 [tilespmem:s17], [sflag:$0x4], $0x20, s6, s0, $0xb8;
	[tilespmem:$0x1D800] =	vst v63  }
0xd9: {  	_ =	swait.ge [sflag:s13], $0x1000  }
0xda: {  	[sflag:s13] =	ssyncset.done $0x0  }
0xdb: {  	s20 =	simm.s32 $0x8400;
	s2 =	simm.s32 $0x9400;
	[sflag:s13] =	ssyncadd.s32 $0xFFFFF000  }
0xdc: {  	s3 =	sshll.u32 s19, $0x6;
	s10 =	rddreg [dreg:$0x10]  }
0xdd: {  	s16 =	simm.s32 $0x0;
	s22 =	rddreg [dreg:$0x11];
	s10 =	sadd.s32 s10, s3  }
0xde: {  	[tilespmem:s16], [sflag:$0x1] =	stream.linear.gather [hbm4b:s10+s16], $0x200, $0x38;
	[tilespmem:$0x1D800] =	vst v63  }
0xdf: {  	s3 =	sadd.s32 s22, s3  }
0xe0: {  	[tilespmem:s30], [sflag:$0x1] =	stream.linear.gather [hbm4b:s3+s16], $0x200, $0x38;
	[tilespmem:$0x1D800] =	vst v63  }
0xe1: {  	_ =	swait.ge [sflag:s31], $0x200  }
0xe2: {  	[sflag:s31] =	ssyncset.done $0x0  }
0xe3: {  	[sflag:s31] =	ssyncadd.s32 $0xFFFFFE00  }
0xe4: {  	_ =	swait.ge [sflag:s31], $0x200  }
0xe5: {  	[sflag:s31] =	ssyncset.done $0x0  }
0xe6: {  	s10 =	simm.s32 $0x400;
	[sflag:s31] =	ssyncadd.s32 $0xFFFFFE00  }
0xe7: {  	[tilespmem:s10], [sflag:$0x1] =	stream.indirect.gather [hbm4b:s4+s0], $0x20, s16, s0, $0xb8;
	[tilespmem:$0x1D800] =	vst v63  }
0xe8: {  	s3 =	sshll.u32 s19, $0xB;
	s16 =	simm.s32 $0x4400  }
0xe9: {  	[tilespmem:s16], [sflag:$0x1] =	stream.indirect.gather [hbm4b:s5+s0], $0x20, s30, s0, $0xb8;
	[tilespmem:$0x1D800] =	vst v63  }
0xea: {  	s22 =	sadd.s32 s7, s3  }
0xeb: {  	[tilespmem:s20], [sflag:$0x1] =	stream.strided.gather [hbm4b:s22+s12], $0x1000, s0, s12, $0x38;
	[tilespmem:$0x1D800] =	vst v63  }
0xec: {  	s16 =	simm.s32 $0x1400  }
0xed: {  	[tilespmem:s16], [sflag:$0x1] =	stream.indirect.gather [hbm4b:s4+s0], $0x20, s0, s0, $0xb8;
	[tilespmem:$0x1D800] =	vst v63  }
0xee: {  	s19 =	simm.s32 $0x5400  }
0xef: {  	[tilespmem:s19], [sflag:$0x1] =	stream.indirect.gather [hbm4b:s5+s0], $0x20, s29, s0, $0xb8;
	[tilespmem:$0x1D800] =	vst v63  }
0xf0: {  	s20 =	sadd.s32 s3, s8  }
0xf1: {  	[tilespmem:s2], [sflag:$0x1] =	stream.strided.gather [hbm4b:s20+s12], $0x1000, s0, s12, $0x38;
	[tilespmem:$0x1D800] =	vst v63  }
0xf2: {  	s22 =	simm.s32 $0x100;
	s2 =	simm.s32 $0x2400  }
0xf3: {  	[tilespmem:s2], [sflag:$0x1] =	stream.indirect.gather [hbm4b:s4+s0], $0x20, s22, s0, $0xb8;
	[tilespmem:$0x1D800] =	vst v63  }
0xf4: {  	s10 =	simm.s32 $0x6400  }
0xf5: {  	[tilespmem:s10], [sflag:$0x1] =	stream.indirect.gather [hbm4b:s5+s0], $0x20, s14, s0, $0xb8;
	[tilespmem:$0x1D800] =	vst v63  }
0xf6: {  	s16 =	sadd.s32 s3, s18  }
0xf7: {  	[tilespmem:s26], [sflag:$0x1] =	stream.strided.gather [hbm4b:s16+s12], $0x1000, s0, s12, $0x38;
	[tilespmem:$0x1D800] =	vst v63  }
0xf8: {  	s19 =	simm.s32 $0x180;
	s20 =	simm.s32 $0x3400  }
0xf9: {  	[tilespmem:s20], [sflag:$0x1] =	stream.indirect.gather [hbm4b:s4+s0], $0x20, s19, s0, $0xb8;
	[tilespmem:$0x1D800] =	vst v63  }
.Ltmp6:
0xfa: {  	_ = 	snop;
	(pc) =	sbr.rel .LBB2_7-.Ltmp6, $4  }
0xfb: {  	s3 =	sadd.s32 s3, s21;
	s22 =	simm.s32 $0x7400  }
0xfc: {  	[tilespmem:s22], [sflag:$0x1] =	stream.indirect.gather [hbm4b:s5+s0], $0x20, s6, s0, $0xb8;
	[tilespmem:$0x1D800] =	vst v63  }
0xfd: {  	s2 =	simm.s32 $0xA400;
	s14 =	simm.s32 $0x8400;
	s20 =	simm.s32 $0x9400  }
0xfe: {  	[tilespmem:s17], [sflag:$0x1] =	stream.strided.gather [hbm4b:s3+s12], $0x1000, s0, s12, $0x38;
	[tilespmem:$0x1D800] =	vst v63  }
.LBB2_6:
.Ltmp7:
0xff: {  	(pc) =	sbr.rel @p0 .LBB2_10-.Ltmp7, $2  }
0x100: {  	_ =	sdelay $0x2  }
0x101: {  	s14 =	simm.s32 $0x8400;
	s20 =	simm.s32 $0x9400;
	s2 =	simm.s32 $0xA400  }
.LBB2_7:
0x102: {  	_ =	swait.ge [sflag:s11], $0x1000  }
0x103: {  	[sflag:s11] =	ssyncset.done $0x0  }
0x104: {  	[sflag:s11] =	ssyncadd.s32 $0xFFFFF000  }
0x105: {  	_ =	swait.ge [sflag:s11], $0x1000  }
0x106: {  	[sflag:s11] =	ssyncset.done $0x0  }
0x107: {  	[sflag:s11] =	ssyncadd.s32 $0xFFFFF000  }
0x108: {  	_ =	swait.ge [sflag:s11], $0x1000  }
0x109: {  	[sflag:s11] =	ssyncset.done $0x0  }
0x10a: {  	[sflag:s11] =	ssyncadd.s32 $0xFFFFF000  }
0x10b: {  	_ =	swait.ge [sflag:s11], $0x1000  }
0x10c: {  	[sflag:s11] =	ssyncset.done $0x0  }
0x10d: {  	[sflag:s11] =	ssyncadd.s32 $0xFFFFF000  }
0x10e: {  	_ =	swait.ge [sflag:s11], $0x1000  }
0x10f: {  	[sflag:s11] =	ssyncset.done $0x0  }
0x110: {  	[sflag:s11] =	ssyncadd.s32 $0xFFFFF000  }
0x111: {  	_ =	swait.ge [sflag:s11], $0x1000  }
0x112: {  	[sflag:s11] =	ssyncset.done $0x0  }
0x113: {  	[sflag:s11] =	ssyncadd.s32 $0xFFFFF000  }
0x114: {  	_ =	swait.ge [sflag:s11], $0x1000  }
0x115: {  	[sflag:s11] =	ssyncset.done $0x0  }
0x116: {  	[sflag:s11] =	ssyncadd.s32 $0xFFFFF000  }
0x117: {  	_ =	swait.ge [sflag:s11], $0x1000  }
0x118: {  	[sflag:s11] =	ssyncset.done $0x0  }
0x119: {  	[sflag:s11] =	ssyncadd.s32 $0xFFFFF000  }
0x11a: {  	_ =	swait.ge [sflag:s11], $0x1000  }
0x11b: {  	[sflag:s11] =	ssyncset.done $0x0  }
0x11c: {  	[sflag:s11] =	ssyncadd.s32 $0xFFFFF000  }
0x11d: {  	_ =	swait.ge [sflag:s11], $0x1000  }
0x11e: {  	[sflag:s11] =	ssyncset.done $0x0  }
0x11f: {  	[sflag:s11] =	ssyncadd.s32 $0xFFFFF000  }
0x120: {  	_ =	swait.ge [sflag:s11], $0x1000  }
0x121: {  	[sflag:s11] =	ssyncset.done $0x0  }
0x122: {  	[sflag:s11] =	ssyncadd.s32 $0xFFFFF000  }
0x123: {  	_ =	swait.ge [sflag:s11], $0x1000  }
0x124: {  	[sflag:s11] =	ssyncset.done $0x0  }
0x125: {  	s3 =	simm.s32 $0x0;
	[sflag:s11] =	ssyncadd.s32 $0xFFFFF000  }
0x126: {  	v0 =	vld [tilespmem:s3+$0xC800]  }
0x127: {  	v1 =	vld [tilespmem:s3+$0xC810]  }
0x128: {  	s16 =	simm.s32 $0x80;
	v2 =	vld [tilespmem:s3+$0x14800]  }
.LBB2_8:
0x129: {  	p0 =	sne.s32 s16, $0xFF80;
	v3 =	vld [tilespmem:s3+$0x14810]  }
0x12a: {  	v4 =	vld [tilespmem:s3+$0x10800]  }
0x12b: {  	v5 =	vld [tilespmem:s3+$0x10810];
	_ =	sdelay $0x1  }
0x12c: {  	v0 =	vadd.f32 v0, v2  }
0x12d: {  	v1 =	vadd.f32 v1, v3  }
.Ltmp8:
0x12e: {  	v2 =	vadd.f32 v4, v0;
	(pc) =	sbr.rel @p0 .LBB2_8-.Ltmp8, $4  }
0x12f: {  	s10 =	sshra.s32 s16, $0x2;
	v3 =	vadd.f32 v5, v1  }
0x130: {  	v0 =	vld [tilespmem:s10+$0xC800];
	v2 =	vmax.f32 v2, $0.0e+00  }
0x131: {  	v1 =	vld [tilespmem:s10+$0xC810];
	[tilespmem:s3+$0x14800] =	vst v2;
	v3 =	vmax.f32 v3, $0.0e+00  }
0x132: {  	s16 =	sadd.s32 $0x80, s16;
	v2 =	vld [tilespmem:s10+$0x14800];
	[tilespmem:s3+$0x14810] =	vst v3;
	s3 =	smov.u32 s10  }
0x133: {  	v3 =	vld [tilespmem:s3+$0x14810]  }
0x134: {  	v4 =	vld [tilespmem:s3+$0x10800]  }
0x135: {  	v5 =	vld [tilespmem:s3+$0x10810];
	_ =	sdelay $0x1  }
0x136: {  	v0 =	vadd.f32 v0, v2  }
0x137: {  	v1 =	vadd.f32 v1, v3  }
0x138: {  	v0 =	vadd.f32 v4, v0  }
0x139: {  	v1 =	vadd.f32 v5, v1  }
0x13a: {  	v0 =	vmax.f32 v0, $0.0e+00  }
0x13b: {  	s10 =	sshll.u32 s15, $0xB;
	[tilespmem:s3+$0x14800] =	vst v0;
	v63 =	vmax.f32 v1, $0.0e+00  }
0x13c: {  	s6 =	simm.s32 $0x14800;
	s15 =	sadd.s32 s9, s10;
	[tilespmem:s3+$0x14810] =	vst v63  }
0x13d: {  	[hbm4b:s15+s12] =	stream.strided.scatter [tilespmem:s6], [sflag:$0x4], $0x1000, s0, s12, $0x38;
	[tilespmem:$0x1D800] =	vst v63  }
0x13e: {  	_ =	swait.ge [sflag:s13], $0x1000  }
0x13f: {  	[sflag:s13] =	ssyncset.done $0x0  }
0x140: {  	s16 =	simm.s32 $0xC600;
	[sflag:s13] =	ssyncadd.s32 $0xFFFFF000  }
0x141: {  	[spmem:s1] =	stream.indirect.scatter.add.f32 [tilespmem:s6], [sflag:$0x4], $0x20, s16, s0, $0xb8;
	[tilespmem:$0x1D800] =	vst v63  }
0x142: {  	_ =	swait.ge [sflag:s13], $0x1000  }
0x143: {  	[sflag:s13] =	ssyncset.done $0x0  }
0x144: {  	s22 =	simm.s32 $0x15800;
	s19 =	sadd.s32 s10, s23;
	[sflag:s13] =	ssyncadd.s32 $0xFFFFF000  }
0x145: {  	[hbm4b:s19+s12] =	stream.strided.scatter [tilespmem:s22], [sflag:$0x4], $0x1000, s0, s12, $0x38;
	[tilespmem:$0x1D800] =	vst v63  }
0x146: {  	_ =	swait.ge [sflag:s13], $0x1000  }
0x147: {  	[sflag:s13] =	ssyncset.done $0x0  }
0x148: {  	s15 =	simm.s32 $0xC680;
	[sflag:s13] =	ssyncadd.s32 $0xFFFFF000  }
0x149: {  	[spmem:s1] =	stream.indirect.scatter.add.f32 [tilespmem:s22], [sflag:$0x4], $0x20, s15, s0, $0xb8;
	[tilespmem:$0x1D800] =	vst v63  }
0x14a: {  	_ =	swait.ge [sflag:s13], $0x1000  }
0x14b: {  	[sflag:s13] =	ssyncset.done $0x0  }
0x14c: {  	s16 =	sadd.s32 s10, s24;
	s19 =	simm.s32 $0x16800;
	[sflag:s13] =	ssyncadd.s32 $0xFFFFF000  }
0x14d: {  	[hbm4b:s16+s12] =	stream.strided.scatter [tilespmem:s19], [sflag:$0x4], $0x1000, s0, s12, $0x38;
	[tilespmem:$0x1D800] =	vst v63  }
0x14e: {  	_ =	swait.ge [sflag:s13], $0x1000  }
0x14f: {  	[sflag:s13] =	ssyncset.done $0x0  }
0x150: {  	s22 =	simm.s32 $0xC700;
	[sflag:s13] =	ssyncadd.s32 $0xFFFFF000  }
0x151: {  	[spmem:s1] =	stream.indirect.scatter.add.f32 [tilespmem:s19], [sflag:$0x4], $0x20, s22, s0, $0xb8;
	[tilespmem:$0x1D800] =	vst v63  }
0x152: {  	_ =	swait.ge [sflag:s13], $0x1000  }
0x153: {  	[sflag:s13] =	ssyncset.done $0x0  }
0x154: {  	s15 =	sadd.s32 s10, s25;
	s16 =	simm.s32 $0x17800;
	[sflag:s13] =	ssyncadd.s32 $0xFFFFF000  }
0x155: {  	[hbm4b:s15+s12] =	stream.strided.scatter [tilespmem:s16], [sflag:$0x4], $0x1000, s0, s12, $0x38;
	[tilespmem:$0x1D800] =	vst v63  }
0x156: {  	_ =	swait.ge [sflag:s13], $0x1000  }
0x157: {  	s19 =	simm.s32 $0xC780;
	[sflag:s13] =	ssyncset.done $0x0  }
.Ltmp9:
0x158: {  	s22 =	simm.s32 $0x3;
	[sflag:s13] =	ssyncadd.s32 $0xFFFFF000;
	(pc) =	sbr.rel .LBB2_10-.Ltmp9, $4  }
0x159: {  	[spmem:s1] =	stream.indirect.scatter.add.f32 [tilespmem:s16], [sflag:$0x3], $0x20, s19, s0, $0xb8;
	[tilespmem:$0x1D800] =	vst v63  }
0x15a: {  	_ =	swait.ge [sflag:s22], $0x1000  }
0x15b: {  	[sflag:s22] =	ssyncset.done $0x0  }
0x15c: {  	[sflag:s22] =	ssyncadd.s32 $0xFFFFF000  }
.LBB2_12:
0x15d: {  	_ =	sfence.sel $0x180000  }
0x15e: {  	[bflag:$0x0] =	sbarrier.arrive $0xFFFF  }
0x15f: {  	_ =	strace $0x90000047  }
0x160: {  	s0 =	stileid.u32;
	[bflag:$0x2] =	sbarrier.arrive $0xFFFF  }
0x161: {  	p0 =	sne.s32 s0, $0x0;
	s0 =	rddreg [dreg:$0x3]  }
0x162: {  	s0 =	sadd.s32 @!p0 $0x100000, s0  }
0x163: {  	[sflag:s0] =	ssyncadd.tile.s32 @!p0 $0x1;
	_ =	shalt  }
.Lfunc_end2:
_tile_overlayer_lowered:
.L_overlay_start_2:
0x164: {  	(tag) =	ssettag $0x2  }
0x165: {  	s0 =	rddreg [dreg:$0x0];
	s2 =	stileid.u32  }
0x166: {  	s1 =	rddreg [dreg:$0x1];
	p0 =	sne.s32 s2, $0x0  }
0x167: {  	s3 =	rddreg [dreg:$0x2];
	[bflag:$0x3] =	sbarrier.arrive $0xFFFF;
	s2 =	simm.s32 @!p0 $0x1C03  }
0x168: {  	[timem:s3], [sflag:s2] =	dma.local @!p0 [hbm:s0], s1  }
0x169: {  	s0 =	simm.s32 @!p0 $0x3  }
0x16a: {  	_ =	swait.ge @!p0 [sflag:s0], s1  }
0x16b: {  	s1 =	ssub.s32 @!p0 $0x0, s1;
	[sflag:s0] =	ssyncset.done @!p0 $0x0  }
0x16c: {  	[sflag:s0] =	ssyncadd.s32 @!p0 s1  }
0x16d: {  	[bflag:$0x3] =	sbarrier.arrive $0xFFFF  }
0x16e: {  	_ =	shalt  }

</sc_bundles>
